<compile_context>
chip_gen: v7x
topology: tpu7x:2x2x1
jax: 0.10.2.dev20260603
libtpu: 0.0.44.dev20260713+nightly
codegen_flags: <defaults>
</compile_context>

<pallas_src>
import functools

import numpy as np
import jax
import jax.numpy as jnp
from jax import lax
from jax.experimental import pallas as pl
from jax.experimental.pallas import tpu as pltpu
from jax.experimental.pallas import tpu_sc as plsc

N_STAGES = 8


_ROT_A = (13, 15, 26, 6)
_ROT_B = (17, 29, 16, 24)


def _np_threefry(k0, k1, x0, x1):
    M = np.uint64(0xFFFFFFFF)

    def rotl(v, r):
        return ((v << np.uint64(r)) | (v >> np.uint64(32 - r))) & M

    k0 = np.uint64(k0)
    k1 = np.uint64(k1)
    ks2 = (k0 ^ k1 ^ np.uint64(0x1BD11BDA)) & M
    ks = (k0, k1, ks2)
    x0 = (np.uint64(x0) + k0) & M
    x1 = (np.uint64(x1) + k1) & M
    rots = (_ROT_A, _ROT_B)
    for g in range(5):
        for r in rots[g % 2]:
            x0 = (x0 + x1) & M
            x1 = rotl(x1, r)
            x1 ^= x0
        x0 = (x0 + ks[(g + 1) % 3]) & M
        x1 = (x1 + ks[(g + 2) % 3] + np.uint64(g + 1)) & M
    return int(x0), int(x1)


def _fold_key(i):
    return _np_threefry(0, 1234, 0, i)


_KEY_U0 = _fold_key(0)
_KEYS_SYMP = {i: _fold_key(i) for i in range(2, N_STAGES - 1)}
_KEYS_REC = {i: _fold_key(100 + i) for i in range(2, N_STAGES - 1)}

_F32_ONE_BITS = np.uint32(0x3F800000)
_U_LO = np.float32(np.nextafter(np.float32(-1.0), np.float32(0.0)))
_SQRT2 = np.float32(np.sqrt(2.0))



def _rotl(x, r):
    return (x << np.uint32(r)) | (x >> np.uint32(32 - r))


def _cipher_xor(k0, k1, ctr):
    if isinstance(k0, int):
        k0 = jnp.uint32(k0)
    if isinstance(k1, int):
        k1 = jnp.uint32(k1)
    ks2 = k0 ^ k1 ^ jnp.uint32(0x1BD11BDA)
    ks = (k0, k1, ks2)
    x0 = jnp.broadcast_to(k0, ctr.shape).astype(jnp.uint32)
    x1 = ctr + k1
    rots = (_ROT_A, _ROT_B)
    for g in range(5):
        for r in rots[g % 2]:
            x0 = x0 + x1
            x1 = _rotl(x1, r)
            x1 = x1 ^ x0
        x0 = x0 + ks[(g + 1) % 3]
        x1 = x1 + ks[(g + 2) % 3] + jnp.uint32(g + 1)
    return x0 ^ x1


def _bits_to_f01(bits):
    fb = (bits >> jnp.uint32(9)) | _F32_ONE_BITS
    return lax.bitcast_convert_type(fb, jnp.float32) - jnp.float32(1.0)


def _erfinv_f32(x):
    w = -jnp.log((jnp.float32(1.0) - x) * (jnp.float32(1.0) + x))
    w1 = w - jnp.float32(2.5)
    p = jnp.float32(2.81022636e-08)
    for c in (3.43273939e-07, -3.5233877e-06, -4.39150654e-06, 0.00021858087,
              -0.00125372503, -0.00417768164, 0.246640727, 1.50140941):
        p = jnp.float32(c) + p * w1
    w2 = jnp.sqrt(w) - jnp.float32(3.0)
    q = jnp.float32(-0.000200214257)
    for c in (0.000100950558, 0.00134934322, -0.00367342844, 0.00573950773,
              -0.0076224613, 0.00943887047, 1.00167406, 2.83297682):
        q = jnp.float32(c) + q * w2
    return jnp.where(w < jnp.float32(5.0), p, q) * x


def _chain(ist, vals, init_dtype):
    acc = jnp.full(ist.shape, vals[2], init_dtype)
    for i in range(3, N_STAGES - 1):
        acc = jnp.where(ist == i, jnp.asarray(vals[i], init_dtype), acc)
    return acc


def _ctr_for_block(shape, block_elems, blk_off=0):
    blk = pl.program_id(0).astype(jnp.uint32) + jnp.uint32(blk_off)
    row = lax.broadcasted_iota(jnp.uint32, shape, 0)
    col = lax.broadcasted_iota(jnp.uint32, shape, 1)
    return blk * jnp.uint32(block_elems) + row * jnp.uint32(shape[1]) + col


def _tca_body(block_elems, u0_out):
    ctr = _ctr_for_block(u0_out.shape, block_elems)
    u0_out[...] = jnp.maximum(
        jnp.float32(0.0),
        _bits_to_f01(_cipher_xor(_KEY_U0[0], _KEY_U0[1], ctr)))


def _tcb_body(block_elems, blk_off, t_smem, par_ref, cs_ref, ns0_ref,
              tns0_ref, u0_ref, probs_ref, *rest):
    cs1_out, ns_out, tns_out = rest[-3:]
    shape = cs_ref.shape
    t = t_smem[0]
    csf = cs_ref[...].astype(jnp.float32)
    ns0 = ns0_ref[...].astype(jnp.float32)
    tns0 = tns0_ref[...]

    mt = (t >= tns0) & (csf < jnp.float32(N_STAGES - 1))
    cs1 = jnp.where(mt, ns0, csf)
    ist = cs1.astype(jnp.int32)

    symp = u0_ref[...] < probs_ref[...]
    upd = mt & (cs1 >= jnp.float32(2.0)) & (cs1 <= jnp.float32(N_STAGES - 2))

    k0s = _chain(ist, {i: np.uint32(k[0]) for i, k in _KEYS_SYMP.items()},
                 jnp.uint32)
    k1s = _chain(ist, {i: np.uint32(k[1]) for i, k in _KEYS_SYMP.items()},
                 jnp.uint32)
    k0r = _chain(ist, {i: np.uint32(k[0]) for i, k in _KEYS_REC.items()},
                 jnp.uint32)
    k1r = _chain(ist, {i: np.uint32(k[1]) for i, k in _KEYS_REC.items()},
                 jnp.uint32)
    k0 = jnp.where(symp, k0s, k0r)
    k1 = jnp.where(symp, k1s, k1r)

    ctr = _ctr_for_block(shape, block_elems, blk_off)
    f = _bits_to_f01(_cipher_xor(k0, k1, ctr))
    u = f * jnp.float32(2.0) + _U_LO
    u = jnp.maximum(_U_LO, u)
    eps = _SQRT2 * _erfinv_f32(u)

    def chain_par(row_idx):
        acc = jnp.full(shape, par_ref[row_idx, 2])
        for i in range(3, N_STAGES - 1):
            acc = jnp.where(ist == i, par_ref[row_idx, i], acc)
        return acc

    mu = jnp.where(symp, chain_par(0), chain_par(2))
    sig = jnp.where(symp, chain_par(1), chain_par(3))
    samp = jnp.exp(mu + sig * eps)

    cs1_out[...] = cs1
    ns_out[...] = jnp.where(upd & symp, ns0 + jnp.float32(1.0),
                            jnp.where(upd, jnp.float32(0.0), ns0))
    tns_out[...] = jnp.where(upd, tns0 + samp, tns0)


def _tc_a(shape2, *, block_rows, interpret=False):
    nrows, ncols = shape2
    grid = nrows // block_rows
    bspec = pl.BlockSpec((block_rows, ncols), lambda i: (i, 0))
    f32 = jax.ShapeDtypeStruct((nrows, ncols), jnp.float32)
    return pl.pallas_call(
        functools.partial(_tca_body, block_rows * ncols),
        grid=(grid,),
        in_specs=[],
        out_specs=[bspec],
        out_shape=[f32],
        compiler_params=pltpu.CompilerParams(
            dimension_semantics=("arbitrary",)),
        interpret=interpret,
    )()[0]


def _tc_b(cs2, ns02, tns02, u0, probs2, t1, params, *, block_rows,
          blk_off=0, n_blocks=None, donate=None, interpret=False):
    nrows, ncols = cs2.shape
    grid = n_blocks if n_blocks is not None else nrows // block_rows
    bspec = pl.BlockSpec((block_rows, ncols), lambda i: (i + blk_off, 0))
    f32 = jax.ShapeDtypeStruct((nrows, ncols), jnp.float32)
    smem = pl.BlockSpec(memory_space=pltpu.SMEM)
    extra = tuple(donate) if donate else ()
    any_spec = pl.BlockSpec(memory_space=pl.ANY)
    return pl.pallas_call(
        functools.partial(_tcb_body, block_rows * ncols, blk_off),
        grid=(grid,),
        in_specs=[smem, smem, bspec, bspec, bspec, bspec, bspec] +
                 [any_spec] * len(extra),
        out_specs=[bspec, bspec, bspec],
        out_shape=[f32, f32, f32],
        input_output_aliases={7 + i: i for i in range(len(extra))},
        compiler_params=pltpu.CompilerParams(
            dimension_semantics=("arbitrary",)),
        interpret=interpret,
    )(t1, params, cs2, ns02, tns02, u0, probs2, *extra)



def _sc_gather(cs_p, ns0_p, tns0_p, ages_p, table_flat, t16, npad,
               chunk_lo, n_chunks, tail_off, tail_len):
    info = plsc.get_sparse_core_info()
    nw = info.num_cores * info.num_subcores
    chunk = 8192
    tbl_n = table_flat.shape[0]
    mesh = plsc.VectorSubcoreMesh(core_axis_name="c", subcore_axis_name="s")

    @functools.partial(
        pl.kernel, mesh=mesh,
        compiler_params=pltpu.CompilerParams(needs_layout_passes=False),
        out_type=jax.ShapeDtypeStruct((npad,), jnp.float32),
        scratch_types=[
            pltpu.VMEM((tbl_n,), jnp.float32),
            pltpu.VMEM((16,), jnp.float32),
            [pltpu.VMEM((chunk,), jnp.int32) for _ in range(2)],
            [pltpu.VMEM((chunk,), jnp.int32) for _ in range(2)],
            [pltpu.VMEM((chunk,), jnp.float32) for _ in range(2)],
            [pltpu.VMEM((chunk,), jnp.int32) for _ in range(2)],
            [pltpu.VMEM((chunk,), jnp.float32) for _ in range(2)],
            [pltpu.SemaphoreType.DMA for _ in range(2)],
        ],
    )
    def sc_k(cs_hbm, ns0_hbm, tns0_hbm, ages_hbm, tbl_hbm, t_hbm,
             probs_hbm, tbl_v, t_v, cs_v, ns_v, tns_v, ages_v, out_v, sem):
        wid = lax.axis_index("s") * info.num_cores + lax.axis_index("c")
        pltpu.sync_copy(tbl_hbm, tbl_v)
        pltpu.sync_copy(t_hbm, t_v)
        t = t_v[...]
        my = (n_chunks - wid + nw - 1) // nw

        if tail_len:
            @pl.when(wid == nw - 1)
            def _():
                sl = pl.ds(0, tail_len)
                pltpu.sync_copy(cs_hbm.at[pl.ds(tail_off, tail_len)],
                                cs_v[0].at[sl])
                pltpu.sync_copy(ns0_hbm.at[pl.ds(tail_off, tail_len)],
                                ns_v[0].at[sl])
                pltpu.sync_copy(tns0_hbm.at[pl.ds(tail_off, tail_len)],
                                tns_v[0].at[sl])
                pltpu.sync_copy(ages_hbm.at[pl.ds(tail_off, tail_len)],
                                ages_v[0].at[sl])

                def tail_step(vi, _):
                    s2 = pl.ds(vi * 16, 16)
                    c_a = jnp.where(t >= tns_v[0][s2], ns_v[0][s2],
                                    cs_v[0][s2])
                    idx = c_a * 100 + ages_v[0][s2]
                    out_v[0][s2] = plsc.load_gather(tbl_v, [idx])
                    return 0

                lax.fori_loop(0, tail_len // 16, tail_step, 0, unroll=4)
                pltpu.sync_copy(out_v[0].at[sl],
                                probs_hbm.at[pl.ds(tail_off, tail_len)])

        def fire(k, b):
            off = (chunk_lo + wid + k * nw) * chunk
            pltpu.async_copy(cs_hbm.at[pl.ds(off, chunk)], cs_v[b], sem[b])
            pltpu.async_copy(ns0_hbm.at[pl.ds(off, chunk)], ns_v[b], sem[b])
            pltpu.async_copy(tns0_hbm.at[pl.ds(off, chunk)], tns_v[b], sem[b])
            pltpu.async_copy(ages_hbm.at[pl.ds(off, chunk)], ages_v[b], sem[b])

        def drain(b):
            pltpu.make_async_copy(cs_hbm.at[pl.ds(0, chunk)], cs_v[b],
                                  sem[b]).wait()
            pltpu.make_async_copy(ns0_hbm.at[pl.ds(0, chunk)], ns_v[b],
                                  sem[b]).wait()
            pltpu.make_async_copy(tns0_hbm.at[pl.ds(0, chunk)], tns_v[b],
                                  sem[b]).wait()
            pltpu.make_async_copy(ages_hbm.at[pl.ds(0, chunk)], ages_v[b],
                                  sem[b]).wait()

        def compute(k, b):
            def vec_step(vi, _):
                sl = pl.ds(vi * 16, 16)
                c_a = jnp.where(t >= tns_v[b][sl], ns_v[b][sl], cs_v[b][sl])
                idx = c_a * 100 + ages_v[b][sl]
                out_v[b][sl] = plsc.load_gather(tbl_v, [idx])
                return 0

            lax.fori_loop(0, chunk // 16, vec_step, 0, unroll=8)
            off = (chunk_lo + wid + k * nw) * chunk
            pltpu.sync_copy(out_v[b], probs_hbm.at[pl.ds(off, chunk)])

        @pl.when(0 < my)
        def _():
            fire(0, 0)

        def pair(j, _):
            k0 = 2 * j

            @pl.when(k0 + 1 < my)
            def _():
                fire(k0 + 1, 1)

            @pl.when(k0 < my)
            def _():
                drain(0)
                compute(k0, 0)

            @pl.when(k0 + 2 < my)
            def _():
                fire(k0 + 2, 0)

            @pl.when(k0 + 1 < my)
            def _():
                drain(1)
                compute(k0 + 1, 1)

            return 0

        lax.fori_loop(0, (n_chunks + nw - 1) // nw // 2 + 1, pair, 0)

    return sc_k(cs_p, ns0_p, tns0_p, ages_p, table_flat, t16)



def kernel(ages, current_stage, next_stage, time_to_next_stage, new_infected,
           stage_transition_probabilities, dist_mu, dist_sigma, rec_mu,
           rec_sigma, time):
    n = ages.shape[0]
    ncols = 128
    block_rows = 1024
    block_elems = block_rows * ncols
    npad = -(-n // block_elems) * block_elems
    pad = npad - n

    t = jnp.asarray(time, jnp.float32)
    t16 = jnp.broadcast_to(t, (16,))
    t1 = t.reshape(1)
    cs_i = current_stage.astype(jnp.int32)
    ns0_i = jnp.where(new_infected, 2, next_stage.astype(jnp.int32))
    tns0 = jnp.where(new_infected, t, time_to_next_stage)
    table_flat = stage_transition_probabilities.reshape(-1)

    ages_i = ages.astype(jnp.int32)
    shape2 = (npad // ncols, ncols)

    def to2d(x):
        return jnp.pad(x, (0, pad)).reshape(shape2)

    chunk = 8192
    n_blocks = npad // block_elems
    blocks0 = n_blocks // 2
    half = blocks0 * block_elems
    chunks0 = half // chunk
    chunks1 = (n - half) // chunk
    tail_off = half + chunks1 * chunk
    tail_len = n - tail_off

    probs0 = _sc_gather(cs_i, ns0_i, tns0, ages_i, table_flat, t16, npad,
                        0, chunks0, 0, 0)
    probs1 = _sc_gather(cs_i, ns0_i, tns0, ages_i, table_flat, t16, npad,
                        chunks0, chunks1, tail_off, tail_len)

    u0 = _tc_a(shape2, block_rows=block_rows)

    params = jnp.zeros((5, 8), jnp.float32)
    params = params.at[0].set(dist_mu).at[1].set(dist_sigma)
    params = params.at[2].set(rec_mu).at[3].set(rec_sigma)

    cs2, ns02, tns02 = to2d(cs_i), to2d(ns0_i), to2d(tns0)
    outs0 = _tc_b(cs2, ns02, tns02, u0, probs0.reshape(shape2), t1, params,
                  block_rows=block_rows, blk_off=0, n_blocks=blocks0)
    outs1 = _tc_b(cs2, ns02, tns02, u0, probs1.reshape(shape2), t1, params,
                  block_rows=block_rows, blk_off=blocks0,
                  n_blocks=n_blocks - blocks0, donate=outs0)

    return tuple(o.reshape(-1)[:n] for o in outs1)

# --- scband reference (transcript-rebuilt; emitter-appended) ---
"""Pipeline reference for scband-symptoms-updater-44959717655275 (READ-ONLY COPY).

The authoritative reference and input builder live on the scoring server;
editing this copy changes nothing except your own understanding.
"""

import jax, jax.numpy as jnp
import numpy as np

N_STAGES = 8
N_AGENTS = 1000000


def setup_inputs(seed: int = 0) -> dict:
    key = jax.random.key(seed)
    k = jax.random.split(key, 8)
    ages = jax.random.randint(k[0], (N_AGENTS,), 0, 100)
    current_stage = jax.random.randint(k[1], (N_AGENTS,), 0, N_STAGES - 1)
    next_stage = jax.random.randint(k[2], (N_AGENTS,), 0, N_STAGES)
    time_to_next_stage = jax.random.uniform(k[3], (N_AGENTS,), dtype=jnp.float32) * 10.0
    new_infected = jax.random.randint(k[4], (N_AGENTS,), 0, 2).astype(bool)
    # learned / configured parameters (from SymptomsSampler __init__)
    stage_transition_probabilities = jax.random.uniform(k[5], (N_STAGES, 100), dtype=jnp.float32)
    dist_mu = jax.random.normal(k[6], (N_STAGES,), dtype=jnp.float32) * 0.3 + 1.0
    dist_sigma = jnp.abs(jax.random.normal(k[7], (N_STAGES,), dtype=jnp.float32)) * 0.2 + 0.1
    rec_mu = dist_mu * 1.2
    rec_sigma = dist_sigma * 0.8
    return {
        "ages": ages,
        "current_stage": current_stage,
        "next_stage": next_stage,
        "time_to_next_stage": time_to_next_stage,
        "new_infected": new_infected,
        "stage_transition_probabilities": stage_transition_probabilities,
        "dist_mu": dist_mu,
        "dist_sigma": dist_sigma,
        "rec_mu": rec_mu,
        "rec_sigma": rec_sigma,
        "time": 5,
    }


def reference(ages, current_stage, next_stage, time_to_next_stage, new_infected,
              stage_transition_probabilities, dist_mu, dist_sigma, rec_mu, rec_sigma, time):
    n = ages.shape[0]
    t = jnp.float32(time)
    cs = current_stage.astype(jnp.float32)
    ns = next_stage.astype(jnp.float32)
    tns = time_to_next_stage
    # new infections start incubation: next_stage = 2, transition time = now
    ns = jnp.where(new_infected, 2.0, ns)
    tns = jnp.where(new_infected, t, tns)
    # _get_need_to_transition
    mask_transition = (t >= tns) & (cs < (N_STAGES - 1))
    mt = mask_transition.astype(jnp.float32)
    # advance stage for transitioning agents
    cs = cs - (cs - ns) * mt
    # _get_prob_next_symptoms_stage: gather [stage, age]
    probs = stage_transition_probabilities[cs.astype(jnp.int32), ages]
    rkey = jax.random.key(1234)
    mask_symp_stage = jax.random.bernoulli(jax.random.fold_in(rkey, 0), probs)
    mask_recovered_stage = ~mask_symp_stage
    for i in range(2, N_STAGES - 1):
        mask_stage = cs == float(i)
        mask_updating = mask_stage & mask_transition
        # symptomatic progression branch
        mask_symp = (mask_updating & mask_symp_stage).astype(jnp.float32)
        eps1 = jax.random.normal(jax.random.fold_in(rkey, i), (n,), dtype=jnp.float32)
        samp1 = jnp.exp(dist_mu[i] + dist_sigma[i] * eps1)  # LogNormal rsample
        ns = ns + mask_symp
        tns = tns + samp1 * mask_symp
        # recovery branch
        mask_rec = (mask_updating & mask_recovered_stage).astype(jnp.float32)
        eps2 = jax.random.normal(jax.random.fold_in(rkey, 100 + i), (n,), dtype=jnp.float32)
        samp2 = jnp.exp(rec_mu[i] + rec_sigma[i] * eps2)  # LogNormal rsample
        ns = ns - ns * mask_rec
        tns = tns + samp2 * mask_rec
    return cs, ns, tns

if __name__ == "__main__":
    import jax
    _d = setup_inputs()
    print(jax.jit(kernel)(*tuple(_d.values())))

</pallas_src>

<mosaic_0001>
#map = affine_map<(d0, d1) -> (0)>
module attributes {stable_mosaic.version = 14 : i64} {
  func.func @sc_k(%arg0: i32, %arg1: i32, %arg2: memref<1000000xi32, #tpu.memory_space<hbm>>, %arg3: memref<1000000xi32, #tpu.memory_space<hbm>>, %arg4: memref<1000000xf32, #tpu.memory_space<hbm>>, %arg5: memref<1000000xi32, #tpu.memory_space<hbm>>, %arg6: memref<800xf32, #tpu.memory_space<hbm>>, %arg7: memref<16xf32, #tpu.memory_space<hbm>>, %arg8: memref<1048576xf32, #tpu.memory_space<hbm>>, %arg9: memref<800xf32, #tpu.memory_space<vmem>>, %arg10: memref<16xf32, #tpu.memory_space<vmem>>, %arg11: memref<8192xi32, #tpu.memory_space<vmem>>, %arg12: memref<8192xi32, #tpu.memory_space<vmem>>, %arg13: memref<8192xi32, #tpu.memory_space<vmem>>, %arg14: memref<8192xi32, #tpu.memory_space<vmem>>, %arg15: memref<8192xf32, #tpu.memory_space<vmem>>, %arg16: memref<8192xf32, #tpu.memory_space<vmem>>, %arg17: memref<8192xi32, #tpu.memory_space<vmem>>, %arg18: memref<8192xi32, #tpu.memory_space<vmem>>, %arg19: memref<8192xf32, #tpu.memory_space<vmem>>, %arg20: memref<8192xf32, #tpu.memory_space<vmem>>, %arg21: memref<!tpu.dma_semaphore, #tpu.memory_space<semaphore_mem>>, %arg22: memref<!tpu.dma_semaphore, #tpu.memory_space<semaphore_mem>>) attributes {dimension_semantics = [#tpu.dimension_semantics<core_parallel>, #tpu.dimension_semantics<subcore_parallel>], iteration_bounds = array<i64: 2, 16>, scalar_prefetch = 0 : i64, scratch_operands = 14 : i64, tpu.core_type = #tpu.core_type<sc_vector_subcore>, window_params = [{transform_indices = #map}, {transform_indices = #map}, {transform_indices = #map}, {transform_indices = #map}, {transform_indices = #map}, {transform_indices = #map}, {transform_indices = #map}]} {
    %mul3A = arith.constant 2 : i32
    %mul3A_0 = arith.muli %arg1, %mul3A : i32
    %add3A = arith.addi %mul3A_0, %arg0 : i32
    "tpu.region"() ({
      %run_scoped3A = tpu.sem_alloc : memref<!tpu.dma_semaphore, #tpu.memory_space<semaphore_mem>>
      tpu.enqueue_dma source(%arg6 : memref<800xf32, #tpu.memory_space<hbm>>) target(%arg9 : memref<800xf32, #tpu.memory_space<vmem>>) target_semaphore(%run_scoped3A : memref<!tpu.dma_semaphore, #tpu.memory_space<semaphore_mem>>)
      tpu.wait_dma2 semaphore(%run_scoped3A : memref<!tpu.dma_semaphore, #tpu.memory_space<semaphore_mem>>) src(%arg6 : memref<800xf32, #tpu.memory_space<hbm>>) dst(%arg9 : memref<800xf32, #tpu.memory_space<vmem>>)
      tpu.yield
    }) : () -> ()
    "tpu.region"() ({
      %run_scoped3A = tpu.sem_alloc : memref<!tpu.dma_semaphore, #tpu.memory_space<semaphore_mem>>
      tpu.enqueue_dma source(%arg7 : memref<16xf32, #tpu.memory_space<hbm>>) target(%arg10 : memref<16xf32, #tpu.memory_space<vmem>>) target_semaphore(%run_scoped3A : memref<!tpu.dma_semaphore, #tpu.memory_space<semaphore_mem>>)
      tpu.wait_dma2 semaphore(%run_scoped3A : memref<!tpu.dma_semaphore, #tpu.memory_space<semaphore_mem>>) src(%arg7 : memref<16xf32, #tpu.memory_space<hbm>>) dst(%arg10 : memref<16xf32, #tpu.memory_space<vmem>>)
      tpu.yield
    }) : () -> ()
    %get3A = arith.constant 0 : index
    %get3A_1 = tpu.vector_load %arg10[%get3A] {strides = array<i32>} : memref<16xf32, #tpu.memory_space<vmem>>, vector<16xf32>,
    %sub3A = arith.constant 64 : i32
    %sub3A_2 = arith.subi %sub3A, %add3A : i32
    %add3A_3 = arith.constant 32 : i32
    %add3A_4 = arith.addi %sub3A_2, %add3A_3 : i32
    %sub3A_5 = arith.constant 1 : i32
    %sub3A_6 = arith.subi %add3A_4, %sub3A_5 : i32
    %jit3A = arith.constant 32 : i32
    %div3A = arith.divsi %sub3A_6, %jit3A : i32
    %sign3A = arith.constant 0 : i32
    %sign3A_7 = arith.cmpi sgt, %sub3A_6, %sign3A : i32
    %sign3A_8 = arith.extui %sign3A_7 : i1 to i32
    %sign3A_9 = arith.constant 0 : i32
    %sign3A_10 = arith.cmpi slt, %sub3A_6, %sign3A_9 : i32
    %sign3A_11 = arith.extui %sign3A_10 : i1 to i32
    %sign3A_12 = arith.subi %sign3A_8, %sign3A_11 : i32
    %sign3A_13 = arith.constant 0 : i32
    %sign3A_14 = arith.cmpi sgt, %jit3A, %sign3A_13 : i32
    %sign3A_15 = arith.extui %sign3A_14 : i1 to i32
    %sign3A_16 = arith.constant 0 : i32
    %sign3A_17 = arith.cmpi slt, %jit3A, %sign3A_16 : i32
    %sign3A_18 = arith.extui %sign3A_17 : i1 to i32
    %sign3A_19 = arith.subi %sign3A_15, %sign3A_18 : i32
    %ne3A = arith.cmpi ne, %sign3A_12, %sign3A_19 : i32
    %rem3A = arith.remsi %sub3A_6, %jit3A : i32
    %ne3A_20 = arith.constant 0 : i32
    %ne3A_21 = arith.cmpi ne, %rem3A, %ne3A_20 : i32
    %and3A = arith.andi %ne3A, %ne3A_21 : i1
    %sub3A_22 = arith.constant 1 : i32
    %sub3A_23 = arith.subi %div3A, %sub3A_22 : i32
    %select_n3A = arith.select %and3A, %sub3A_23, %div3A : i32
    %gt3A = arith.constant 0 : i32
    %gt3A_24 = arith.cmpi sgt, %select_n3A, %gt3A : i32
    %convert_element_type3A = arith.extui %gt3A_24 : i1 to i32
    %cond3A = arith.constant 0 : i32
    %cond3A_25 = arith.cmpi ne, %convert_element_type3A, %cond3A : i32
    scf.if %cond3A_25 {
      %add3A_32 = arith.constant 0 : i32
      %add3A_33 = arith.addi %add3A_32, %add3A : i32
      %add3A_34 = arith.constant 0 : i32
      %add3A_35 = arith.addi %add3A_33, %add3A_34 : i32
      %mul3A_36 = arith.constant 8192 : i32
      %mul3A_37 = arith.muli %add3A_35, %mul3A_36 : i32
      %dma_start3A = tpu.memref_slice %arg2[%mul3A_37] : memref<1000000xi32, #tpu.memory_space<hbm>> -> memref<8192xi32, #tpu.memory_space<hbm>>
      %dma_start3A_38 = tpu.memref_slice %arg2[%mul3A_37] : memref<1000000xi32, #tpu.memory_space<hbm>> -> memref<8192xi32, #tpu.memory_space<hbm>>
      tpu.enqueue_dma source(%dma_start3A_38 : memref<8192xi32, #tpu.memory_space<hbm>>) target(%arg11 : memref<8192xi32, #tpu.memory_space<vmem>>) target_semaphore(%arg21 : memref<!tpu.dma_semaphore, #tpu.memory_space<semaphore_mem>>)
      %dma_start3A_39 = tpu.memref_slice %arg3[%mul3A_37] : memref<1000000xi32, #tpu.memory_space<hbm>> -> memref<8192xi32, #tpu.memory_space<hbm>>
      %dma_start3A_40 = tpu.memref_slice %arg3[%mul3A_37] : memref<1000000xi32, #tpu.memory_space<hbm>> -> memref<8192xi32, #tpu.memory_space<hbm>>
      tpu.enqueue_dma source(%dma_start3A_40 : memref<8192xi32, #tpu.memory_space<hbm>>) target(%arg13 : memref<8192xi32, #tpu.memory_space<vmem>>) target_semaphore(%arg21 : memref<!tpu.dma_semaphore, #tpu.memory_space<semaphore_mem>>)
      %dma_start3A_41 = tpu.memref_slice %arg4[%mul3A_37] : memref<1000000xf32, #tpu.memory_space<hbm>> -> memref<8192xf32, #tpu.memory_space<hbm>>
      %dma_start3A_42 = tpu.memref_slice %arg4[%mul3A_37] : memref<1000000xf32, #tpu.memory_space<hbm>> -> memref<8192xf32, #tpu.memory_space<hbm>>
      tpu.enqueue_dma source(%dma_start3A_42 : memref<8192xf32, #tpu.memory_space<hbm>>) target(%arg15 : memref<8192xf32, #tpu.memory_space<vmem>>) target_semaphore(%arg21 : memref<!tpu.dma_semaphore, #tpu.memory_space<semaphore_mem>>)
      %dma_start3A_43 = tpu.memref_slice %arg5[%mul3A_37] : memref<1000000xi32, #tpu.memory_space<hbm>> -> memref<8192xi32, #tpu.memory_space<hbm>>
      %dma_start3A_44 = tpu.memref_slice %arg5[%mul3A_37] : memref<1000000xi32, #tpu.memory_space<hbm>> -> memref<8192xi32, #tpu.memory_space<hbm>>
      tpu.enqueue_dma source(%dma_start3A_44 : memref<8192xi32, #tpu.memory_space<hbm>>) target(%arg17 : memref<8192xi32, #tpu.memory_space<vmem>>) target_semaphore(%arg21 : memref<!tpu.dma_semaphore, #tpu.memory_space<semaphore_mem>>)
    } else {
    }
    %scan3A = arith.constant 0 : i32
    %scan3A_26 = arith.constant 0 : i32
    %scan3A_27 = arith.constant 2 : i32
    %scan3A_28 = arith.addi %scan3A_26, %scan3A_27 : i32
    %scan3A_29 = arith.constant 1 : i32
    %scan3A_30 = scf.for %scan3A_32 = %scan3A_26 to %scan3A_28 step %scan3A_29 iter_args(%scan3A_33 = %scan3A) -> (i32)  : i32 {
      %mul3A_34 = arith.constant 2 : i32
      %mul3A_35 = arith.muli %mul3A_34, %scan3A_32 : i32
      %add3A_36 = arith.constant 1 : i32
      %add3A_37 = arith.addi %mul3A_35, %add3A_36 : i32
      %lt3A = arith.cmpi slt, %add3A_37, %select_n3A : i32
      %convert_element_type3A_38 = arith.extui %lt3A : i1 to i32
      %cond3A_39 = arith.constant 0 : i32
      %cond3A_40 = arith.cmpi ne, %convert_element_type3A_38, %cond3A_39 : i32
      scf.if %cond3A_40 {
        %add3A_58 = arith.constant 1 : i32
        %add3A_59 = arith.addi %mul3A_35, %add3A_58 : i32
        %add3A_60 = arith.constant 0 : i32
        %add3A_61 = arith.addi %add3A_60, %add3A : i32
        %mul3A_62 = arith.constant 32 : i32
        %mul3A_63 = arith.muli %add3A_59, %mul3A_62 : i32
        %add3A_64 = arith.addi %add3A_61, %mul3A_63 : i32
        %mul3A_65 = arith.constant 8192 : i32
        %mul3A_66 = arith.muli %add3A_64, %mul3A_65 : i32
        %dma_start3A = tpu.memref_slice %arg2[%mul3A_66] : memref<1000000xi32, #tpu.memory_space<hbm>> -> memref<8192xi32, #tpu.memory_space<hbm>>
        %dma_start3A_67 = tpu.memref_slice %arg2[%mul3A_66] : memref<1000000xi32, #tpu.memory_space<hbm>> -> memref<8192xi32, #tpu.memory_space<hbm>>
        tpu.enqueue_dma source(%dma_start3A_67 : memref<8192xi32, #tpu.memory_space<hbm>>) target(%arg12 : memref<8192xi32, #tpu.memory_space<vmem>>) target_semaphore(%arg22 : memref<!tpu.dma_semaphore, #tpu.memory_space<semaphore_mem>>)
        %dma_start3A_68 = tpu.memref_slice %arg3[%mul3A_66] : memref<1000000xi32, #tpu.memory_space<hbm>> -> memref<8192xi32, #tpu.memory_space<hbm>>
        %dma_start3A_69 = tpu.memref_slice %arg3[%mul3A_66] : memref<1000000xi32, #tpu.memory_space<hbm>> -> memref<8192xi32, #tpu.memory_space<hbm>>
        tpu.enqueue_dma source(%dma_start3A_69 : memref<8192xi32, #tpu.memory_space<hbm>>) target(%arg14 : memref<8192xi32, #tpu.memory_space<vmem>>) target_semaphore(%arg22 : memref<!tpu.dma_semaphore, #tpu.memory_space<semaphore_mem>>)
        %dma_start3A_70 = tpu.memref_slice %arg4[%mul3A_66] : memref<1000000xf32, #tpu.memory_space<hbm>> -> memref<8192xf32, #tpu.memory_space<hbm>>
        %dma_start3A_71 = tpu.memref_slice %arg4[%mul3A_66] : memref<1000000xf32, #tpu.memory_space<hbm>> -> memref<8192xf32, #tpu.memory_space<hbm>>
        tpu.enqueue_dma source(%dma_start3A_71 : memref<8192xf32, #tpu.memory_space<hbm>>) target(%arg16 : memref<8192xf32, #tpu.memory_space<vmem>>) target_semaphore(%arg22 : memref<!tpu.dma_semaphore, #tpu.memory_space<semaphore_mem>>)
        %dma_start3A_72 = tpu.memref_slice %arg5[%mul3A_66] : memref<1000000xi32, #tpu.memory_space<hbm>> -> memref<8192xi32, #tpu.memory_space<hbm>>
        %dma_start3A_73 = tpu.memref_slice %arg5[%mul3A_66] : memref<1000000xi32, #tpu.memory_space<hbm>> -> memref<8192xi32, #tpu.memory_space<hbm>>
        tpu.enqueue_dma source(%dma_start3A_73 : memref<8192xi32, #tpu.memory_space<hbm>>) target(%arg18 : memref<8192xi32, #tpu.memory_space<vmem>>) target_semaphore(%arg22 : memref<!tpu.dma_semaphore, #tpu.memory_space<semaphore_mem>>)
      } else {
      }
      %lt3A_41 = arith.cmpi slt, %mul3A_35, %select_n3A : i32
      %convert_element_type3A_42 = arith.extui %lt3A_41 : i1 to i32
      %cond3A_43 = arith.constant 0 : i32
      %cond3A_44 = arith.cmpi ne, %convert_element_type3A_42, %cond3A_43 : i32
      scf.if %cond3A_44 {
        %dma_wait3A = arith.constant 0 : i32
        %dma_wait3A_58 = tpu.memref_slice %arg2[%dma_wait3A] : memref<1000000xi32, #tpu.memory_space<hbm>> -> memref<8192xi32, #tpu.memory_space<hbm>>
        %dma_wait3A_59 = arith.constant 0 : i32
        %dma_wait3A_60 = tpu.memref_slice %arg2[%dma_wait3A_59] : memref<1000000xi32, #tpu.memory_space<hbm>> -> memref<8192xi32, #tpu.memory_space<hbm>>
        tpu.wait_dma2 semaphore(%arg21 : memref<!tpu.dma_semaphore, #tpu.memory_space<semaphore_mem>>) src(%dma_wait3A_60 : memref<8192xi32, #tpu.memory_space<hbm>>) dst(%arg11 : memref<8192xi32, #tpu.memory_space<vmem>>)
        %dma_wait3A_61 = arith.constant 0 : i32
        %dma_wait3A_62 = tpu.memref_slice %arg3[%dma_wait3A_61] : memref<1000000xi32, #tpu.memory_space<hbm>> -> memref<8192xi32, #tpu.memory_space<hbm>>
        %dma_wait3A_63 = arith.constant 0 : i32
        %dma_wait3A_64 = tpu.memref_slice %arg3[%dma_wait3A_63] : memref<1000000xi32, #tpu.memory_space<hbm>> -> memref<8192xi32, #tpu.memory_space<hbm>>
        tpu.wait_dma2 semaphore(%arg21 : memref<!tpu.dma_semaphore, #tpu.memory_space<semaphore_mem>>) src(%dma_wait3A_64 : memref<8192xi32, #tpu.memory_space<hbm>>) dst(%arg13 : memref<8192xi32, #tpu.memory_space<vmem>>)
        %dma_wait3A_65 = arith.constant 0 : i32
        %dma_wait3A_66 = tpu.memref_slice %arg4[%dma_wait3A_65] : memref<1000000xf32, #tpu.memory_space<hbm>> -> memref<8192xf32, #tpu.memory_space<hbm>>
        %dma_wait3A_67 = arith.constant 0 : i32
        %dma_wait3A_68 = tpu.memref_slice %arg4[%dma_wait3A_67] : memref<1000000xf32, #tpu.memory_space<hbm>> -> memref<8192xf32, #tpu.memory_space<hbm>>
        tpu.wait_dma2 semaphore(%arg21 : memref<!tpu.dma_semaphore, #tpu.memory_space<semaphore_mem>>) src(%dma_wait3A_68 : memref<8192xf32, #tpu.memory_space<hbm>>) dst(%arg15 : memref<8192xf32, #tpu.memory_space<vmem>>)
        %dma_wait3A_69 = arith.constant 0 : i32
        %dma_wait3A_70 = tpu.memref_slice %arg5[%dma_wait3A_69] : memref<1000000xi32, #tpu.memory_space<hbm>> -> memref<8192xi32, #tpu.memory_space<hbm>>
        %dma_wait3A_71 = arith.constant 0 : i32
        %dma_wait3A_72 = tpu.memref_slice %arg5[%dma_wait3A_71] : memref<1000000xi32, #tpu.memory_space<hbm>> -> memref<8192xi32, #tpu.memory_space<hbm>>
        tpu.wait_dma2 semaphore(%arg21 : memref<!tpu.dma_semaphore, #tpu.memory_space<semaphore_mem>>) src(%dma_wait3A_72 : memref<8192xi32, #tpu.memory_space<hbm>>) dst(%arg17 : memref<8192xi32, #tpu.memory_space<vmem>>)
        %scan3A_73 = arith.constant 0 : i32
        %scan3A_74 = arith.constant 0 : i32
        %scan3A_75 = arith.constant 512 : i32
        %scan3A_76 = arith.addi %scan3A_74, %scan3A_75 : i32
        %scan3A_77 = arith.constant 8 : i32
        %scan3A_78 = scf.for %scan3A_87 = %scan3A_74 to %scan3A_76 step %scan3A_77 iter_args(%scan3A_88 = %scan3A_73) -> (i32)  : i32 {
          %mul3A_89 = arith.constant 16 : i32
          %mul3A_90 = arith.muli %scan3A_87, %mul3A_89 : i32
          %get3A_91 = arith.index_cast %mul3A_90 : i32 to index
          %get3A_92 = tpu.vector_load %arg15[%get3A_91] {strides = array<i32>} : memref<8192xf32, #tpu.memory_space<vmem>>, vector<16xf32>,
          %ge3A = arith.cmpf oge, %get3A_1, %get3A_92 : vector<16xf32>
          %get3A_93 = arith.index_cast %mul3A_90 : i32 to index
          %get3A_94 = tpu.vector_load %arg13[%get3A_93] {strides = array<i32>} : memref<8192xi32, #tpu.memory_space<vmem>>, vector<16xi32>,
          %get3A_95 = arith.index_cast %mul3A_90 : i32 to index
          %get3A_96 = tpu.vector_load %arg11[%get3A_95] {strides = array<i32>} : memref<8192xi32, #tpu.memory_space<vmem>>, vector<16xi32>,
          %select_n3A_97 = arith.select %ge3A, %get3A_94, %get3A_96 : vector<16xi1>, vector<16xi32>
          %mul3A_98 = arith.constant 100 : i32
          %mul3A_99 = vector.broadcast %mul3A_98 : i32 to vector<16xi32>
          %mul3A_100 = arith.muli %select_n3A_97, %mul3A_99 : vector<16xi32>
          %get3A_101 = arith.index_cast %mul3A_90 : i32 to index
          %get3A_102 = tpu.vector_load %arg17[%get3A_101] {strides = array<i32>} : memref<8192xi32, #tpu.memory_space<vmem>>, vector<16xi32>,
          %add3A_103 = arith.addi %mul3A_100, %get3A_102 : vector<16xi32>
          %gather3A = tpu.vector_load_idx %arg9[%add3A_103] : memref<800xf32, #tpu.memory_space<vmem>>[vector<16xi32>], vector<16xf32>,
          %swap3A = arith.index_cast %mul3A_90 : i32 to index
          %swap3A_104 = tpu.vector_load %arg19[%swap3A] {strides = array<i32>} : memref<8192xf32, #tpu.memory_space<vmem>>, vector<16xf32>,
          tpu.vector_store %arg19[%swap3A], %gather3A {strides = array<i32>} : memref<8192xf32, #tpu.memory_space<vmem>>, vector<16xf32>,
          %scan3A_105 = arith.constant 0 : i32
          %scan3A_106 = arith.constant 1 : i32
          %scan3A_107 = arith.addi %scan3A_87, %scan3A_106 : i32
          %mul3A_108 = arith.constant 16 : i32
          %mul3A_109 = arith.muli %scan3A_107, %mul3A_108 : i32
          %get3A_110 = arith.index_cast %mul3A_109 : i32 to index
          %get3A_111 = tpu.vector_load %arg15[%get3A_110] {strides = array<i32>} : memref<8192xf32, #tpu.memory_space<vmem>>, vector<16xf32>,
          %ge3A_112 = arith.cmpf oge, %get3A_1, %get3A_111 : vector<16xf32>
          %get3A_113 = arith.index_cast %mul3A_109 : i32 to index
          %get3A_114 = tpu.vector_load %arg13[%get3A_113] {strides = array<i32>} : memref<8192xi32, #tpu.memory_space<vmem>>, vector<16xi32>,
          %get3A_115 = arith.index_cast %mul3A_109 : i32 to index
          %get3A_116 = tpu.vector_load %arg11[%get3A_115] {strides = array<i32>} : memref<8192xi32, #tpu.memory_space<vmem>>, vector<16xi32>,
          %select_n3A_117 = arith.select %ge3A_112, %get3A_114, %get3A_116 : vector<16xi1>, vector<16xi32>
          %mul3A_118 = arith.constant 100 : i32
          %mul3A_119 = vector.broadcast %mul3A_118 : i32 to vector<16xi32>
          %mul3A_120 = arith.muli %select_n3A_117, %mul3A_119 : vector<16xi32>
          %get3A_121 = arith.index_cast %mul3A_109 : i32 to index
          %get3A_122 = tpu.vector_load %arg17[%get3A_121] {strides = array<i32>} : memref<8192xi32, #tpu.memory_space<vmem>>, vector<16xi32>,
          %add3A_123 = arith.addi %mul3A_120, %get3A_122 : vector<16xi32>
          %gather3A_124 = tpu.vector_load_idx %arg9[%add3A_123] : memref<800xf32, #tpu.memory_space<vmem>>[vector<16xi32>], vector<16xf32>,
          %swap3A_125 = arith.index_cast %mul3A_109 : i32 to index
          %swap3A_126 = tpu.vector_load %arg19[%swap3A_125] {strides = array<i32>} : memref<8192xf32, #tpu.memory_space<vmem>>, vector<16xf32>,
          tpu.vector_store %arg19[%swap3A_125], %gather3A_124 {strides = array<i32>} : memref<8192xf32, #tpu.memory_space<vmem>>, vector<16xf32>,
          %scan3A_127 = arith.constant 0 : i32
          %scan3A_128 = arith.constant 2 : i32
          %scan3A_129 = arith.addi %scan3A_87, %scan3A_128 : i32
          %mul3A_130 = arith.constant 16 : i32
          %mul3A_131 = arith.muli %scan3A_129, %mul3A_130 : i32
          %get3A_132 = arith.index_cast %mul3A_131 : i32 to index
          %get3A_133 = tpu.vector_load %arg15[%get3A_132] {strides = array<i32>} : memref<8192xf32, #tpu.memory_space<vmem>>, vector<16xf32>,
          %ge3A_134 = arith.cmpf oge, %get3A_1, %get3A_133 : vector<16xf32>
          %get3A_135 = arith.index_cast %mul3A_131 : i32 to index
          %get3A_136 = tpu.vector_load %arg13[%get3A_135] {strides = array<i32>} : memref<8192xi32, #tpu.memory_space<vmem>>, vector<16xi32>,
          %get3A_137 = arith.index_cast %mul3A_131 : i32 to index
          %get3A_138 = tpu.vector_load %arg11[%get3A_137] {strides = array<i32>} : memref<8192xi32, #tpu.memory_space<vmem>>, vector<16xi32>,
          %select_n3A_139 = arith.select %ge3A_134, %get3A_136, %get3A_138 : vector<16xi1>, vector<16xi32>
          %mul3A_140 = arith.constant 100 : i32
          %mul3A_141 = vector.broadcast %mul3A_140 : i32 to vector<16xi32>
          %mul3A_142 = arith.muli %select_n3A_139, %mul3A_141 : vector<16xi32>
          %get3A_143 = arith.index_cast %mul3A_131 : i32 to index
          %get3A_144 = tpu.vector_load %arg17[%get3A_143] {strides = array<i32>} : memref<8192xi32, #tpu.memory_space<vmem>>, vector<16xi32>,
          %add3A_145 = arith.addi %mul3A_142, %get3A_144 : vector<16xi32>
          %gather3A_146 = tpu.vector_load_idx %arg9[%add3A_145] : memref<800xf32, #tpu.memory_space<vmem>>[vector<16xi32>], vector<16xf32>,
          %swap3A_147 = arith.index_cast %mul3A_131 : i32 to index
          %swap3A_148 = tpu.vector_load %arg19[%swap3A_147] {strides = array<i32>} : memref<8192xf32, #tpu.memory_space<vmem>>, vector<16xf32>,
          tpu.vector_store %arg19[%swap3A_147], %gather3A_146 {strides = array<i32>} : memref<8192xf32, #tpu.memory_space<vmem>>, vector<16xf32>,
          %scan3A_149 = arith.constant 0 : i32
          %scan3A_150 = arith.constant 3 : i32
          %scan3A_151 = arith.addi %scan3A_87, %scan3A_150 : i32
          %mul3A_152 = arith.constant 16 : i32
          %mul3A_153 = arith.muli %scan3A_151, %mul3A_152 : i32
          %get3A_154 = arith.index_cast %mul3A_153 : i32 to index
          %get3A_155 = tpu.vector_load %arg15[%get3A_154] {strides = array<i32>} : memref<8192xf32, #tpu.memory_space<vmem>>, vector<16xf32>,
          %ge3A_156 = arith.cmpf oge, %get3A_1, %get3A_155 : vector<16xf32>
          %get3A_157 = arith.index_cast %mul3A_153 : i32 to index
          %get3A_158 = tpu.vector_load %arg13[%get3A_157] {strides = array<i32>} : memref<8192xi32, #tpu.memory_space<vmem>>, vector<16xi32>,
          %get3A_159 = arith.index_cast %mul3A_153 : i32 to index
          %get3A_160 = tpu.vector_load %arg11[%get3A_159] {strides = array<i32>} : memref<8192xi32, #tpu.memory_space<vmem>>, vector<16xi32>,
          %select_n3A_161 = arith.select %ge3A_156, %get3A_158, %get3A_160 : vector<16xi1>, vector<16xi32>
          %mul3A_162 = arith.constant 100 : i32
          %mul3A_163 = vector.broadcast %mul3A_162 : i32 to vector<16xi32>
          %mul3A_164 = arith.muli %select_n3A_161, %mul3A_163 : vector<16xi32>
          %get3A_165 = arith.index_cast %mul3A_153 : i32 to index
          %get3A_166 = tpu.vector_load %arg17[%get3A_165] {strides = array<i32>} : memref<8192xi32, #tpu.memory_space<vmem>>, vector<16xi32>,
          %add3A_167 = arith.addi %mul3A_164, %get3A_166 : vector<16xi32>
          %gather3A_168 = tpu.vector_load_idx %arg9[%add3A_167] : memref<800xf32, #tpu.memory_space<vmem>>[vector<16xi32>], vector<16xf32>,
          %swap3A_169 = arith.index_cast %mul3A_153 : i32 to index
          %swap3A_170 = tpu.vector_load %arg19[%swap3A_169] {strides = array<i32>} : memref<8192xf32, #tpu.memory_space<vmem>>, vector<16xf32>,
          tpu.vector_store %arg19[%swap3A_169], %gather3A_168 {strides = array<i32>} : memref<8192xf32, #tpu.memory_space<vmem>>, vector<16xf32>,
          %scan3A_171 = arith.constant 0 : i32
          %scan3A_172 = arith.constant 4 : i32
          %scan3A_173 = arith.addi %scan3A_87, %scan3A_172 : i32
          %mul3A_174 = arith.constant 16 : i32
          %mul3A_175 = arith.muli %scan3A_173, %mul3A_174 : i32
          %get3A_176 = arith.index_cast %mul3A_175 : i32 to index
          %get3A_177 = tpu.vector_load %arg15[%get3A_176] {strides = array<i32>} : memref<8192xf32, #tpu.memory_space<vmem>>, vector<16xf32>,
          %ge3A_178 = arith.cmpf oge, %get3A_1, %get3A_177 : vector<16xf32>
          %get3A_179 = arith.index_cast %mul3A_175 : i32 to index
          %get3A_180 = tpu.vector_load %arg13[%get3A_179] {strides = array<i32>} : memref<8192xi32, #tpu.memory_space<vmem>>, vector<16xi32>,
          %get3A_181 = arith.index_cast %mul3A_175 : i32 to index
          %get3A_182 = tpu.vector_load %arg11[%get3A_181] {strides = array<i32>} : memref<8192xi32, #tpu.memory_space<vmem>>, vector<16xi32>,
          %select_n3A_183 = arith.select %ge3A_178, %get3A_180, %get3A_182 : vector<16xi1>, vector<16xi32>
          %mul3A_184 = arith.constant 100 : i32
          %mul3A_185 = vector.broadcast %mul3A_184 : i32 to vector<16xi32>
          %mul3A_186 = arith.muli %select_n3A_183, %mul3A_185 : vector<16xi32>
          %get3A_187 = arith.index_cast %mul3A_175 : i32 to index
          %get3A_188 = tpu.vector_load %arg17[%get3A_187] {strides = array<i32>} : memref<8192xi32, #tpu.memory_space<vmem>>, vector<16xi32>,
          %add3A_189 = arith.addi %mul3A_186, %get3A_188 : vector<16xi32>
          %gather3A_190 = tpu.vector_load_idx %arg9[%add3A_189] : memref<800xf32, #tpu.memory_space<vmem>>[vector<16xi32>], vector<16xf32>,
          %swap3A_191 = arith.index_cast %mul3A_175 : i32 to index
          %swap3A_192 = tpu.vector_load %arg19[%swap3A_191] {strides = array<i32>} : memref<8192xf32, #tpu.memory_space<vmem>>, vector<16xf32>,
          tpu.vector_store %arg19[%swap3A_191], %gather3A_190 {strides = array<i32>} : memref<8192xf32, #tpu.memory_space<vmem>>, vector<16xf32>,
          %scan3A_193 = arith.constant 0 : i32
          %scan3A_194 = arith.constant 5 : i32
          %scan3A_195 = arith.addi %scan3A_87, %scan3A_194 : i32
          %mul3A_196 = arith.constant 16 : i32
          %mul3A_197 = arith.muli %scan3A_195, %mul3A_196 : i32
          %get3A_198 = arith.index_cast %mul3A_197 : i32 to index
          %get3A_199 = tpu.vector_load %arg15[%get3A_198] {strides = array<i32>} : memref<8192xf32, #tpu.memory_space<vmem>>, vector<16xf32>,
          %ge3A_200 = arith.cmpf oge, %get3A_1, %get3A_199 : vector<16xf32>
          %get3A_201 = arith.index_cast %mul3A_197 : i32 to index
          %get3A_202 = tpu.vector_load %arg13[%get3A_201] {strides = array<i32>} : memref<8192xi32, #tpu.memory_space<vmem>>, vector<16xi32>,
          %get3A_203 = arith.index_cast %mul3A_197 : i32 to index
          %get3A_204 = tpu.vector_load %arg11[%get3A_203] {strides = array<i32>} : memref<8192xi32, #tpu.memory_space<vmem>>, vector<16xi32>,
          %select_n3A_205 = arith.select %ge3A_200, %get3A_202, %get3A_204 : vector<16xi1>, vector<16xi32>
          %mul3A_206 = arith.constant 100 : i32
          %mul3A_207 = vector.broadcast %mul3A_206 : i32 to vector<16xi32>
          %mul3A_208 = arith.muli %select_n3A_205, %mul3A_207 : vector<16xi32>
          %get3A_209 = arith.index_cast %mul3A_197 : i32 to index
          %get3A_210 = tpu.vector_load %arg17[%get3A_209] {strides = array<i32>} : memref<8192xi32, #tpu.memory_space<vmem>>, vector<16xi32>,
          %add3A_211 = arith.addi %mul3A_208, %get3A_210 : vector<16xi32>
          %gather3A_212 = tpu.vector_load_idx %arg9[%add3A_211] : memref<800xf32, #tpu.memory_space<vmem>>[vector<16xi32>], vector<16xf32>,
          %swap3A_213 = arith.index_cast %mul3A_197 : i32 to index
          %swap3A_214 = tpu.vector_load %arg19[%swap3A_213] {strides = array<i32>} : memref<8192xf32, #tpu.memory_space<vmem>>, vector<16xf32>,
          tpu.vector_store %arg19[%swap3A_213], %gather3A_212 {strides = array<i32>} : memref<8192xf32, #tpu.memory_space<vmem>>, vector<16xf32>,
          %scan3A_215 = arith.constant 0 : i32
          %scan3A_216 = arith.constant 6 : i32
          %scan3A_217 = arith.addi %scan3A_87, %scan3A_216 : i32
          %mul3A_218 = arith.constant 16 : i32
          %mul3A_219 = arith.muli %scan3A_217, %mul3A_218 : i32
          %get3A_220 = arith.index_cast %mul3A_219 : i32 to index
          %get3A_221 = tpu.vector_load %arg15[%get3A_220] {strides = array<i32>} : memref<8192xf32, #tpu.memory_space<vmem>>, vector<16xf32>,
          %ge3A_222 = arith.cmpf oge, %get3A_1, %get3A_221 : vector<16xf32>
          %get3A_223 = arith.index_cast %mul3A_219 : i32 to index
          %get3A_224 = tpu.vector_load %arg13[%get3A_223] {strides = array<i32>} : memref<8192xi32, #tpu.memory_space<vmem>>, vector<16xi32>,
          %get3A_225 = arith.index_cast %mul3A_219 : i32 to index
          %get3A_226 = tpu.vector_load %arg11[%get3A_225] {strides = array<i32>} : memref<8192xi32, #tpu.memory_space<vmem>>, vector<16xi32>,
          %select_n3A_227 = arith.select %ge3A_222, %get3A_224, %get3A_226 : vector<16xi1>, vector<16xi32>
          %mul3A_228 = arith.constant 100 : i32
          %mul3A_229 = vector.broadcast %mul3A_228 : i32 to vector<16xi32>
          %mul3A_230 = arith.muli %select_n3A_227, %mul3A_229 : vector<16xi32>
          %get3A_231 = arith.index_cast %mul3A_219 : i32 to index
          %get3A_232 = tpu.vector_load %arg17[%get3A_231] {strides = array<i32>} : memref<8192xi32, #tpu.memory_space<vmem>>, vector<16xi32>,
          %add3A_233 = arith.addi %mul3A_230, %get3A_232 : vector<16xi32>
          %gather3A_234 = tpu.vector_load_idx %arg9[%add3A_233] : memref<800xf32, #tpu.memory_space<vmem>>[vector<16xi32>], vector<16xf32>,
          %swap3A_235 = arith.index_cast %mul3A_219 : i32 to index
          %swap3A_236 = tpu.vector_load %arg19[%swap3A_235] {strides = array<i32>} : memref<8192xf32, #tpu.memory_space<vmem>>, vector<16xf32>,
          tpu.vector_store %arg19[%swap3A_235], %gather3A_234 {strides = array<i32>} : memref<8192xf32, #tpu.memory_space<vmem>>, vector<16xf32>,
          %scan3A_237 = arith.constant 0 : i32
          %scan3A_238 = arith.constant 7 : i32
          %scan3A_239 = arith.addi %scan3A_87, %scan3A_238 : i32
          %mul3A_240 = arith.constant 16 : i32
          %mul3A_241 = arith.muli %scan3A_239, %mul3A_240 : i32
          %get3A_242 = arith.index_cast %mul3A_241 : i32 to index
          %get3A_243 = tpu.vector_load %arg15[%get3A_242] {strides = array<i32>} : memref<8192xf32, #tpu.memory_space<vmem>>, vector<16xf32>,
          %ge3A_244 = arith.cmpf oge, %get3A_1, %get3A_243 : vector<16xf32>
          %get3A_245 = arith.index_cast %mul3A_241 : i32 to index
          %get3A_246 = tpu.vector_load %arg13[%get3A_245] {strides = array<i32>} : memref<8192xi32, #tpu.memory_space<vmem>>, vector<16xi32>,
          %get3A_247 = arith.index_cast %mul3A_241 : i32 to index
          %get3A_248 = tpu.vector_load %arg11[%get3A_247] {strides = array<i32>} : memref<8192xi32, #tpu.memory_space<vmem>>, vector<16xi32>,
          %select_n3A_249 = arith.select %ge3A_244, %get3A_246, %get3A_248 : vector<16xi1>, vector<16xi32>
          %mul3A_250 = arith.constant 100 : i32
          %mul3A_251 = vector.broadcast %mul3A_250 : i32 to vector<16xi32>
          %mul3A_252 = arith.muli %select_n3A_249, %mul3A_251 : vector<16xi32>
          %get3A_253 = arith.index_cast %mul3A_241 : i32 to index
          %get3A_254 = tpu.vector_load %arg17[%get3A_253] {strides = array<i32>} : memref<8192xi32, #tpu.memory_space<vmem>>, vector<16xi32>,
          %add3A_255 = arith.addi %mul3A_252, %get3A_254 : vector<16xi32>
          %gather3A_256 = tpu.vector_load_idx %arg9[%add3A_255] : memref<800xf32, #tpu.memory_space<vmem>>[vector<16xi32>], vector<16xf32>,
          %swap3A_257 = arith.index_cast %mul3A_241 : i32 to index
          %swap3A_258 = tpu.vector_load %arg19[%swap3A_257] {strides = array<i32>} : memref<8192xf32, #tpu.memory_space<vmem>>, vector<16xf32>,
          tpu.vector_store %arg19[%swap3A_257], %gather3A_256 {strides = array<i32>} : memref<8192xf32, #tpu.memory_space<vmem>>, vector<16xf32>,
          %scan3A_259 = arith.constant 0 : i32
          scf.yield %scan3A_259 : i32
        }
        %scan3A_79 = arith.constant 512 : i32
        %add3A_80 = arith.constant 0 : i32
        %add3A_81 = arith.addi %add3A_80, %add3A : i32
        %mul3A_82 = arith.constant 32 : i32
        %mul3A_83 = arith.muli %mul3A_35, %mul3A_82 : i32
        %add3A_84 = arith.addi %add3A_81, %mul3A_83 : i32
        %mul3A_85 = arith.constant 8192 : i32
        %mul3A_86 = arith.muli %add3A_84, %mul3A_85 : i32
        "tpu.region"() ({
          %run_scoped3A = tpu.sem_alloc : memref<!tpu.dma_semaphore, #tpu.memory_space<semaphore_mem>>
          %dma_start3A = tpu.memref_slice %arg8[%mul3A_86] : memref<1048576xf32, #tpu.memory_space<hbm>> -> memref<8192xf32, #tpu.memory_space<hbm>>
          %dma_start3A_87 = tpu.memref_slice %arg8[%mul3A_86] : memref<1048576xf32, #tpu.memory_space<hbm>> -> memref<8192xf32, #tpu.memory_space<hbm>>
          tpu.enqueue_dma source(%arg19 : memref<8192xf32, #tpu.memory_space<vmem>>) target(%dma_start3A_87 : memref<8192xf32, #tpu.memory_space<hbm>>) target_semaphore(%run_scoped3A : memref<!tpu.dma_semaphore, #tpu.memory_space<semaphore_mem>>)
          %dma_wait3A_88 = tpu.memref_slice %arg8[%mul3A_86] : memref<1048576xf32, #tpu.memory_space<hbm>> -> memref<8192xf32, #tpu.memory_space<hbm>>
          %dma_wait3A_89 = tpu.memref_slice %arg8[%mul3A_86] : memref<1048576xf32, #tpu.memory_space<hbm>> -> memref<8192xf32, #tpu.memory_space<hbm>>
          tpu.wait_dma2 semaphore(%run_scoped3A : memref<!tpu.dma_semaphore, #tpu.memory_space<semaphore_mem>>) src(%arg19 : memref<8192xf32, #tpu.memory_space<vmem>>) dst(%dma_wait3A_89 : memref<8192xf32, #tpu.memory_space<hbm>>)
          tpu.yield
        }) : () -> ()
      } else {
      }
      %add3A_45 = arith.constant 2 : i32
      %add3A_46 = arith.addi %mul3A_35, %add3A_45 : i32
      %lt3A_47 = arith.cmpi slt, %add3A_46, %select_n3A : i32
      %convert_element_type3A_48 = arith.extui %lt3A_47 : i1 to i32
      %cond3A_49 = arith.constant 0 : i32
      %cond3A_50 = arith.cmpi ne, %convert_element_type3A_48, %cond3A_49 : i32
      scf.if %cond3A_50 {
        %add3A_58 = arith.constant 2 : i32
        %add3A_59 = arith.addi %mul3A_35, %add3A_58 : i32
        %add3A_60 = arith.constant 0 : i32
        %add3A_61 = arith.addi %add3A_60, %add3A : i32
        %mul3A_62 = arith.constant 32 : i32
        %mul3A_63 = arith.muli %add3A_59, %mul3A_62 : i32
        %add3A_64 = arith.addi %add3A_61, %mul3A_63 : i32
        %mul3A_65 = arith.constant 8192 : i32
        %mul3A_66 = arith.muli %add3A_64, %mul3A_65 : i32
        %dma_start3A = tpu.memref_slice %arg2[%mul3A_66] : memref<1000000xi32, #tpu.memory_space<hbm>> -> memref<8192xi32, #tpu.memory_space<hbm>>
        %dma_start3A_67 = tpu.memref_slice %arg2[%mul3A_66] : memref<1000000xi32, #tpu.memory_space<hbm>> -> memref<8192xi32, #tpu.memory_space<hbm>>
        tpu.enqueue_dma source(%dma_start3A_67 : memref<8192xi32, #tpu.memory_space<hbm>>) target(%arg11 : memref<8192xi32, #tpu.memory_space<vmem>>) target_semaphore(%arg21 : memref<!tpu.dma_semaphore, #tpu.memory_space<semaphore_mem>>)
        %dma_start3A_68 = tpu.memref_slice %arg3[%mul3A_66] : memref<1000000xi32, #tpu.memory_space<hbm>> -> memref<8192xi32, #tpu.memory_space<hbm>>
        %dma_start3A_69 = tpu.memref_slice %arg3[%mul3A_66] : memref<1000000xi32, #tpu.memory_space<hbm>> -> memref<8192xi32, #tpu.memory_space<hbm>>
        tpu.enqueue_dma source(%dma_start3A_69 : memref<8192xi32, #tpu.memory_space<hbm>>) target(%arg13 : memref<8192xi32, #tpu.memory_space<vmem>>) target_semaphore(%arg21 : memref<!tpu.dma_semaphore, #tpu.memory_space<semaphore_mem>>)
        %dma_start3A_70 = tpu.memref_slice %arg4[%mul3A_66] : memref<1000000xf32, #tpu.memory_space<hbm>> -> memref<8192xf32, #tpu.memory_space<hbm>>
        %dma_start3A_71 = tpu.memref_slice %arg4[%mul3A_66] : memref<1000000xf32, #tpu.memory_space<hbm>> -> memref<8192xf32, #tpu.memory_space<hbm>>
        tpu.enqueue_dma source(%dma_start3A_71 : memref<8192xf32, #tpu.memory_space<hbm>>) target(%arg15 : memref<8192xf32, #tpu.memory_space<vmem>>) target_semaphore(%arg21 : memref<!tpu.dma_semaphore, #tpu.memory_space<semaphore_mem>>)
        %dma_start3A_72 = tpu.memref_slice %arg5[%mul3A_66] : memref<1000000xi32, #tpu.memory_space<hbm>> -> memref<8192xi32, #tpu.memory_space<hbm>>
        %dma_start3A_73 = tpu.memref_slice %arg5[%mul3A_66] : memref<1000000xi32, #tpu.memory_space<hbm>> -> memref<8192xi32, #tpu.memory_space<hbm>>
        tpu.enqueue_dma source(%dma_start3A_73 : memref<8192xi32, #tpu.memory_space<hbm>>) target(%arg17 : memref<8192xi32, #tpu.memory_space<vmem>>) target_semaphore(%arg21 : memref<!tpu.dma_semaphore, #tpu.memory_space<semaphore_mem>>)
      } else {
      }
      %add3A_51 = arith.constant 1 : i32
      %add3A_52 = arith.addi %mul3A_35, %add3A_51 : i32
      %lt3A_53 = arith.cmpi slt, %add3A_52, %select_n3A : i32
      %convert_element_type3A_54 = arith.extui %lt3A_53 : i1 to i32
      %cond3A_55 = arith.constant 0 : i32
      %cond3A_56 = arith.cmpi ne, %convert_element_type3A_54, %cond3A_55 : i32
      scf.if %cond3A_56 {
        %dma_wait3A = arith.constant 0 : i32
        %dma_wait3A_58 = tpu.memref_slice %arg2[%dma_wait3A] : memref<1000000xi32, #tpu.memory_space<hbm>> -> memref<8192xi32, #tpu.memory_space<hbm>>
        %dma_wait3A_59 = arith.constant 0 : i32
        %dma_wait3A_60 = tpu.memref_slice %arg2[%dma_wait3A_59] : memref<1000000xi32, #tpu.memory_space<hbm>> -> memref<8192xi32, #tpu.memory_space<hbm>>
        tpu.wait_dma2 semaphore(%arg22 : memref<!tpu.dma_semaphore, #tpu.memory_space<semaphore_mem>>) src(%dma_wait3A_60 : memref<8192xi32, #tpu.memory_space<hbm>>) dst(%arg12 : memref<8192xi32, #tpu.memory_space<vmem>>)
        %dma_wait3A_61 = arith.constant 0 : i32
        %dma_wait3A_62 = tpu.memref_slice %arg3[%dma_wait3A_61] : memref<1000000xi32, #tpu.memory_space<hbm>> -> memref<8192xi32, #tpu.memory_space<hbm>>
        %dma_wait3A_63 = arith.constant 0 : i32
        %dma_wait3A_64 = tpu.memref_slice %arg3[%dma_wait3A_63] : memref<1000000xi32, #tpu.memory_space<hbm>> -> memref<8192xi32, #tpu.memory_space<hbm>>
        tpu.wait_dma2 semaphore(%arg22 : memref<!tpu.dma_semaphore, #tpu.memory_space<semaphore_mem>>) src(%dma_wait3A_64 : memref<8192xi32, #tpu.memory_space<hbm>>) dst(%arg14 : memref<8192xi32, #tpu.memory_space<vmem>>)
        %dma_wait3A_65 = arith.constant 0 : i32
        %dma_wait3A_66 = tpu.memref_slice %arg4[%dma_wait3A_65] : memref<1000000xf32, #tpu.memory_space<hbm>> -> memref<8192xf32, #tpu.memory_space<hbm>>
        %dma_wait3A_67 = arith.constant 0 : i32
        %dma_wait3A_68 = tpu.memref_slice %arg4[%dma_wait3A_67] : memref<1000000xf32, #tpu.memory_space<hbm>> -> memref<8192xf32, #tpu.memory_space<hbm>>
        tpu.wait_dma2 semaphore(%arg22 : memref<!tpu.dma_semaphore, #tpu.memory_space<semaphore_mem>>) src(%dma_wait3A_68 : memref<8192xf32, #tpu.memory_space<hbm>>) dst(%arg16 : memref<8192xf32, #tpu.memory_space<vmem>>)
        %dma_wait3A_69 = arith.constant 0 : i32
        %dma_wait3A_70 = tpu.memref_slice %arg5[%dma_wait3A_69] : memref<1000000xi32, #tpu.memory_space<hbm>> -> memref<8192xi32, #tpu.memory_space<hbm>>
        %dma_wait3A_71 = arith.constant 0 : i32
        %dma_wait3A_72 = tpu.memref_slice %arg5[%dma_wait3A_71] : memref<1000000xi32, #tpu.memory_space<hbm>> -> memref<8192xi32, #tpu.memory_space<hbm>>
        tpu.wait_dma2 semaphore(%arg22 : memref<!tpu.dma_semaphore, #tpu.memory_space<semaphore_mem>>) src(%dma_wait3A_72 : memref<8192xi32, #tpu.memory_space<hbm>>) dst(%arg18 : memref<8192xi32, #tpu.memory_space<vmem>>)
        %add3A_73 = arith.constant 1 : i32
        %add3A_74 = arith.addi %mul3A_35, %add3A_73 : i32
        %scan3A_75 = arith.constant 0 : i32
        %scan3A_76 = arith.constant 0 : i32
        %scan3A_77 = arith.constant 512 : i32
        %scan3A_78 = arith.addi %scan3A_76, %scan3A_77 : i32
        %scan3A_79 = arith.constant 8 : i32
        %scan3A_80 = scf.for %scan3A_89 = %scan3A_76 to %scan3A_78 step %scan3A_79 iter_args(%scan3A_90 = %scan3A_75) -> (i32)  : i32 {
          %mul3A_91 = arith.constant 16 : i32
          %mul3A_92 = arith.muli %scan3A_89, %mul3A_91 : i32
          %get3A_93 = arith.index_cast %mul3A_92 : i32 to index
          %get3A_94 = tpu.vector_load %arg16[%get3A_93] {strides = array<i32>} : memref<8192xf32, #tpu.memory_space<vmem>>, vector<16xf32>,
          %ge3A = arith.cmpf oge, %get3A_1, %get3A_94 : vector<16xf32>
          %get3A_95 = arith.index_cast %mul3A_92 : i32 to index
          %get3A_96 = tpu.vector_load %arg14[%get3A_95] {strides = array<i32>} : memref<8192xi32, #tpu.memory_space<vmem>>, vector<16xi32>,
          %get3A_97 = arith.index_cast %mul3A_92 : i32 to index
          %get3A_98 = tpu.vector_load %arg12[%get3A_97] {strides = array<i32>} : memref<8192xi32, #tpu.memory_space<vmem>>, vector<16xi32>,
          %select_n3A_99 = arith.select %ge3A, %get3A_96, %get3A_98 : vector<16xi1>, vector<16xi32>
          %mul3A_100 = arith.constant 100 : i32
          %mul3A_101 = vector.broadcast %mul3A_100 : i32 to vector<16xi32>
          %mul3A_102 = arith.muli %select_n3A_99, %mul3A_101 : vector<16xi32>
          %get3A_103 = arith.index_cast %mul3A_92 : i32 to index
          %get3A_104 = tpu.vector_load %arg18[%get3A_103] {strides = array<i32>} : memref<8192xi32, #tpu.memory_space<vmem>>, vector<16xi32>,
          %add3A_105 = arith.addi %mul3A_102, %get3A_104 : vector<16xi32>
          %gather3A = tpu.vector_load_idx %arg9[%add3A_105] : memref<800xf32, #tpu.memory_space<vmem>>[vector<16xi32>], vector<16xf32>,
          %swap3A = arith.index_cast %mul3A_92 : i32 to index
          %swap3A_106 = tpu.vector_load %arg20[%swap3A] {strides = array<i32>} : memref<8192xf32, #tpu.memory_space<vmem>>, vector<16xf32>,
          tpu.vector_store %arg20[%swap3A], %gather3A {strides = array<i32>} : memref<8192xf32, #tpu.memory_space<vmem>>, vector<16xf32>,
          %scan3A_107 = arith.constant 0 : i32
          %scan3A_108 = arith.constant 1 : i32
          %scan3A_109 = arith.addi %scan3A_89, %scan3A_108 : i32
          %mul3A_110 = arith.constant 16 : i32
          %mul3A_111 = arith.muli %scan3A_109, %mul3A_110 : i32
          %get3A_112 = arith.index_cast %mul3A_111 : i32 to index
          %get3A_113 = tpu.vector_load %arg16[%get3A_112] {strides = array<i32>} : memref<8192xf32, #tpu.memory_space<vmem>>, vector<16xf32>,
          %ge3A_114 = arith.cmpf oge, %get3A_1, %get3A_113 : vector<16xf32>
          %get3A_115 = arith.index_cast %mul3A_111 : i32 to index
          %get3A_116 = tpu.vector_load %arg14[%get3A_115] {strides = array<i32>} : memref<8192xi32, #tpu.memory_space<vmem>>, vector<16xi32>,
          %get3A_117 = arith.index_cast %mul3A_111 : i32 to index
          %get3A_118 = tpu.vector_load %arg12[%get3A_117] {strides = array<i32>} : memref<8192xi32, #tpu.memory_space<vmem>>, vector<16xi32>,
          %select_n3A_119 = arith.select %ge3A_114, %get3A_116, %get3A_118 : vector<16xi1>, vector<16xi32>
          %mul3A_120 = arith.constant 100 : i32
          %mul3A_121 = vector.broadcast %mul3A_120 : i32 to vector<16xi32>
          %mul3A_122 = arith.muli %select_n3A_119, %mul3A_121 : vector<16xi32>
          %get3A_123 = arith.index_cast %mul3A_111 : i32 to index
          %get3A_124 = tpu.vector_load %arg18[%get3A_123] {strides = array<i32>} : memref<8192xi32, #tpu.memory_space<vmem>>, vector<16xi32>,
          %add3A_125 = arith.addi %mul3A_122, %get3A_124 : vector<16xi32>
          %gather3A_126 = tpu.vector_load_idx %arg9[%add3A_125] : memref<800xf32, #tpu.memory_space<vmem>>[vector<16xi32>], vector<16xf32>,
          %swap3A_127 = arith.index_cast %mul3A_111 : i32 to index
          %swap3A_128 = tpu.vector_load %arg20[%swap3A_127] {strides = array<i32>} : memref<8192xf32, #tpu.memory_space<vmem>>, vector<16xf32>,
          tpu.vector_store %arg20[%swap3A_127], %gather3A_126 {strides = array<i32>} : memref<8192xf32, #tpu.memory_space<vmem>>, vector<16xf32>,
          %scan3A_129 = arith.constant 0 : i32
          %scan3A_130 = arith.constant 2 : i32
          %scan3A_131 = arith.addi %scan3A_89, %scan3A_130 : i32
          %mul3A_132 = arith.constant 16 : i32
          %mul3A_133 = arith.muli %scan3A_131, %mul3A_132 : i32
          %get3A_134 = arith.index_cast %mul3A_133 : i32 to index
          %get3A_135 = tpu.vector_load %arg16[%get3A_134] {strides = array<i32>} : memref<8192xf32, #tpu.memory_space<vmem>>, vector<16xf32>,
          %ge3A_136 = arith.cmpf oge, %get3A_1, %get3A_135 : vector<16xf32>
          %get3A_137 = arith.index_cast %mul3A_133 : i32 to index
          %get3A_138 = tpu.vector_load %arg14[%get3A_137] {strides = array<i32>} : memref<8192xi32, #tpu.memory_space<vmem>>, vector<16xi32>,
          %get3A_139 = arith.index_cast %mul3A_133 : i32 to index
          %get3A_140 = tpu.vector_load %arg12[%get3A_139] {strides = array<i32>} : memref<8192xi32, #tpu.memory_space<vmem>>, vector<16xi32>,
          %select_n3A_141 = arith.select %ge3A_136, %get3A_138, %get3A_140 : vector<16xi1>, vector<16xi32>
          %mul3A_142 = arith.constant 100 : i32
          %mul3A_143 = vector.broadcast %mul3A_142 : i32 to vector<16xi32>
          %mul3A_144 = arith.muli %select_n3A_141, %mul3A_143 : vector<16xi32>
          %get3A_145 = arith.index_cast %mul3A_133 : i32 to index
          %get3A_146 = tpu.vector_load %arg18[%get3A_145] {strides = array<i32>} : memref<8192xi32, #tpu.memory_space<vmem>>, vector<16xi32>,
          %add3A_147 = arith.addi %mul3A_144, %get3A_146 : vector<16xi32>
          %gather3A_148 = tpu.vector_load_idx %arg9[%add3A_147] : memref<800xf32, #tpu.memory_space<vmem>>[vector<16xi32>], vector<16xf32>,
          %swap3A_149 = arith.index_cast %mul3A_133 : i32 to index
          %swap3A_150 = tpu.vector_load %arg20[%swap3A_149] {strides = array<i32>} : memref<8192xf32, #tpu.memory_space<vmem>>, vector<16xf32>,
          tpu.vector_store %arg20[%swap3A_149], %gather3A_148 {strides = array<i32>} : memref<8192xf32, #tpu.memory_space<vmem>>, vector<16xf32>,
          %scan3A_151 = arith.constant 0 : i32
          %scan3A_152 = arith.constant 3 : i32
          %scan3A_153 = arith.addi %scan3A_89, %scan3A_152 : i32
          %mul3A_154 = arith.constant 16 : i32
          %mul3A_155 = arith.muli %scan3A_153, %mul3A_154 : i32
          %get3A_156 = arith.index_cast %mul3A_155 : i32 to index
          %get3A_157 = tpu.vector_load %arg16[%get3A_156] {strides = array<i32>} : memref<8192xf32, #tpu.memory_space<vmem>>, vector<16xf32>,
          %ge3A_158 = arith.cmpf oge, %get3A_1, %get3A_157 : vector<16xf32>
          %get3A_159 = arith.index_cast %mul3A_155 : i32 to index
          %get3A_160 = tpu.vector_load %arg14[%get3A_159] {strides = array<i32>} : memref<8192xi32, #tpu.memory_space<vmem>>, vector<16xi32>,
          %get3A_161 = arith.index_cast %mul3A_155 : i32 to index
          %get3A_162 = tpu.vector_load %arg12[%get3A_161] {strides = array<i32>} : memref<8192xi32, #tpu.memory_space<vmem>>, vector<16xi32>,
          %select_n3A_163 = arith.select %ge3A_158, %get3A_160, %get3A_162 : vector<16xi1>, vector<16xi32>
          %mul3A_164 = arith.constant 100 : i32
          %mul3A_165 = vector.broadcast %mul3A_164 : i32 to vector<16xi32>
          %mul3A_166 = arith.muli %select_n3A_163, %mul3A_165 : vector<16xi32>
          %get3A_167 = arith.index_cast %mul3A_155 : i32 to index
          %get3A_168 = tpu.vector_load %arg18[%get3A_167] {strides = array<i32>} : memref<8192xi32, #tpu.memory_space<vmem>>, vector<16xi32>,
          %add3A_169 = arith.addi %mul3A_166, %get3A_168 : vector<16xi32>
          %gather3A_170 = tpu.vector_load_idx %arg9[%add3A_169] : memref<800xf32, #tpu.memory_space<vmem>>[vector<16xi32>], vector<16xf32>,
          %swap3A_171 = arith.index_cast %mul3A_155 : i32 to index
          %swap3A_172 = tpu.vector_load %arg20[%swap3A_171] {strides = array<i32>} : memref<8192xf32, #tpu.memory_space<vmem>>, vector<16xf32>,
          tpu.vector_store %arg20[%swap3A_171], %gather3A_170 {strides = array<i32>} : memref<8192xf32, #tpu.memory_space<vmem>>, vector<16xf32>,
          %scan3A_173 = arith.constant 0 : i32
          %scan3A_174 = arith.constant 4 : i32
          %scan3A_175 = arith.addi %scan3A_89, %scan3A_174 : i32
          %mul3A_176 = arith.constant 16 : i32
          %mul3A_177 = arith.muli %scan3A_175, %mul3A_176 : i32
          %get3A_178 = arith.index_cast %mul3A_177 : i32 to index
          %get3A_179 = tpu.vector_load %arg16[%get3A_178] {strides = array<i32>} : memref<8192xf32, #tpu.memory_space<vmem>>, vector<16xf32>,
          %ge3A_180 = arith.cmpf oge, %get3A_1, %get3A_179 : vector<16xf32>
          %get3A_181 = arith.index_cast %mul3A_177 : i32 to index
          %get3A_182 = tpu.vector_load %arg14[%get3A_181] {strides = array<i32>} : memref<8192xi32, #tpu.memory_space<vmem>>, vector<16xi32>,
          %get3A_183 = arith.index_cast %mul3A_177 : i32 to index
          %get3A_184 = tpu.vector_load %arg12[%get3A_183] {strides = array<i32>} : memref<8192xi32, #tpu.memory_space<vmem>>, vector<16xi32>,
          %select_n3A_185 = arith.select %ge3A_180, %get3A_182, %get3A_184 : vector<16xi1>, vector<16xi32>
          %mul3A_186 = arith.constant 100 : i32
          %mul3A_187 = vector.broadcast %mul3A_186 : i32 to vector<16xi32>
          %mul3A_188 = arith.muli %select_n3A_185, %mul3A_187 : vector<16xi32>
          %get3A_189 = arith.index_cast %mul3A_177 : i32 to index
          %get3A_190 = tpu.vector_load %arg18[%get3A_189] {strides = array<i32>} : memref<8192xi32, #tpu.memory_space<vmem>>, vector<16xi32>,
          %add3A_191 = arith.addi %mul3A_188, %get3A_190 : vector<16xi32>
          %gather3A_192 = tpu.vector_load_idx %arg9[%add3A_191] : memref<800xf32, #tpu.memory_space<vmem>>[vector<16xi32>], vector<16xf32>,
          %swap3A_193 = arith.index_cast %mul3A_177 : i32 to index
          %swap3A_194 = tpu.vector_load %arg20[%swap3A_193] {strides = array<i32>} : memref<8192xf32, #tpu.memory_space<vmem>>, vector<16xf32>,
          tpu.vector_store %arg20[%swap3A_193], %gather3A_192 {strides = array<i32>} : memref<8192xf32, #tpu.memory_space<vmem>>, vector<16xf32>,
          %scan3A_195 = arith.constant 0 : i32
          %scan3A_196 = arith.constant 5 : i32
          %scan3A_197 = arith.addi %scan3A_89, %scan3A_196 : i32
          %mul3A_198 = arith.constant 16 : i32
          %mul3A_199 = arith.muli %scan3A_197, %mul3A_198 : i32
          %get3A_200 = arith.index_cast %mul3A_199 : i32 to index
          %get3A_201 = tpu.vector_load %arg16[%get3A_200] {strides = array<i32>} : memref<8192xf32, #tpu.memory_space<vmem>>, vector<16xf32>,
          %ge3A_202 = arith.cmpf oge, %get3A_1, %get3A_201 : vector<16xf32>
          %get3A_203 = arith.index_cast %mul3A_199 : i32 to index
          %get3A_204 = tpu.vector_load %arg14[%get3A_203] {strides = array<i32>} : memref<8192xi32, #tpu.memory_space<vmem>>, vector<16xi32>,
          %get3A_205 = arith.index_cast %mul3A_199 : i32 to index
          %get3A_206 = tpu.vector_load %arg12[%get3A_205] {strides = array<i32>} : memref<8192xi32, #tpu.memory_space<vmem>>, vector<16xi32>,
          %select_n3A_207 = arith.select %ge3A_202, %get3A_204, %get3A_206 : vector<16xi1>, vector<16xi32>
          %mul3A_208 = arith.constant 100 : i32
          %mul3A_209 = vector.broadcast %mul3A_208 : i32 to vector<16xi32>
          %mul3A_210 = arith.muli %select_n3A_207, %mul3A_209 : vector<16xi32>
          %get3A_211 = arith.index_cast %mul3A_199 : i32 to index
          %get3A_212 = tpu.vector_load %arg18[%get3A_211] {strides = array<i32>} : memref<8192xi32, #tpu.memory_space<vmem>>, vector<16xi32>,
          %add3A_213 = arith.addi %mul3A_210, %get3A_212 : vector<16xi32>
          %gather3A_214 = tpu.vector_load_idx %arg9[%add3A_213] : memref<800xf32, #tpu.memory_space<vmem>>[vector<16xi32>], vector<16xf32>,
          %swap3A_215 = arith.index_cast %mul3A_199 : i32 to index
          %swap3A_216 = tpu.vector_load %arg20[%swap3A_215] {strides = array<i32>} : memref<8192xf32, #tpu.memory_space<vmem>>, vector<16xf32>,
          tpu.vector_store %arg20[%swap3A_215], %gather3A_214 {strides = array<i32>} : memref<8192xf32, #tpu.memory_space<vmem>>, vector<16xf32>,
          %scan3A_217 = arith.constant 0 : i32
          %scan3A_218 = arith.constant 6 : i32
          %scan3A_219 = arith.addi %scan3A_89, %scan3A_218 : i32
          %mul3A_220 = arith.constant 16 : i32
          %mul3A_221 = arith.muli %scan3A_219, %mul3A_220 : i32
          %get3A_222 = arith.index_cast %mul3A_221 : i32 to index
          %get3A_223 = tpu.vector_load %arg16[%get3A_222] {strides = array<i32>} : memref<8192xf32, #tpu.memory_space<vmem>>, vector<16xf32>,
          %ge3A_224 = arith.cmpf oge, %get3A_1, %get3A_223 : vector<16xf32>
          %get3A_225 = arith.index_cast %mul3A_221 : i32 to index
          %get3A_226 = tpu.vector_load %arg14[%get3A_225] {strides = array<i32>} : memref<8192xi32, #tpu.memory_space<vmem>>, vector<16xi32>,
          %get3A_227 = arith.index_cast %mul3A_221 : i32 to index
          %get3A_228 = tpu.vector_load %arg12[%get3A_227] {strides = array<i32>} : memref<8192xi32, #tpu.memory_space<vmem>>, vector<16xi32>,
          %select_n3A_229 = arith.select %ge3A_224, %get3A_226, %get3A_228 : vector<16xi1>, vector<16xi32>
          %mul3A_230 = arith.constant 100 : i32
          %mul3A_231 = vector.broadcast %mul3A_230 : i32 to vector<16xi32>
          %mul3A_232 = arith.muli %select_n3A_229, %mul3A_231 : vector<16xi32>
          %get3A_233 = arith.index_cast %mul3A_221 : i32 to index
          %get3A_234 = tpu.vector_load %arg18[%get3A_233] {strides = array<i32>} : memref<8192xi32, #tpu.memory_space<vmem>>, vector<16xi32>,
          %add3A_235 = arith.addi %mul3A_232, %get3A_234 : vector<16xi32>
          %gather3A_236 = tpu.vector_load_idx %arg9[%add3A_235] : memref<800xf32, #tpu.memory_space<vmem>>[vector<16xi32>], vector<16xf32>,
          %swap3A_237 = arith.index_cast %mul3A_221 : i32 to index
          %swap3A_238 = tpu.vector_load %arg20[%swap3A_237] {strides = array<i32>} : memref<8192xf32, #tpu.memory_space<vmem>>, vector<16xf32>,
          tpu.vector_store %arg20[%swap3A_237], %gather3A_236 {strides = array<i32>} : memref<8192xf32, #tpu.memory_space<vmem>>, vector<16xf32>,
          %scan3A_239 = arith.constant 0 : i32
          %scan3A_240 = arith.constant 7 : i32
          %scan3A_241 = arith.addi %scan3A_89, %scan3A_240 : i32
          %mul3A_242 = arith.constant 16 : i32
          %mul3A_243 = arith.muli %scan3A_241, %mul3A_242 : i32
          %get3A_244 = arith.index_cast %mul3A_243 : i32 to index
          %get3A_245 = tpu.vector_load %arg16[%get3A_244] {strides = array<i32>} : memref<8192xf32, #tpu.memory_space<vmem>>, vector<16xf32>,
          %ge3A_246 = arith.cmpf oge, %get3A_1, %get3A_245 : vector<16xf32>
          %get3A_247 = arith.index_cast %mul3A_243 : i32 to index
          %get3A_248 = tpu.vector_load %arg14[%get3A_247] {strides = array<i32>} : memref<8192xi32, #tpu.memory_space<vmem>>, vector<16xi32>,
          %get3A_249 = arith.index_cast %mul3A_243 : i32 to index
          %get3A_250 = tpu.vector_load %arg12[%get3A_249] {strides = array<i32>} : memref<8192xi32, #tpu.memory_space<vmem>>, vector<16xi32>,
          %select_n3A_251 = arith.select %ge3A_246, %get3A_248, %get3A_250 : vector<16xi1>, vector<16xi32>
          %mul3A_252 = arith.constant 100 : i32
          %mul3A_253 = vector.broadcast %mul3A_252 : i32 to vector<16xi32>
          %mul3A_254 = arith.muli %select_n3A_251, %mul3A_253 : vector<16xi32>
          %get3A_255 = arith.index_cast %mul3A_243 : i32 to index
          %get3A_256 = tpu.vector_load %arg18[%get3A_255] {strides = array<i32>} : memref<8192xi32, #tpu.memory_space<vmem>>, vector<16xi32>,
          %add3A_257 = arith.addi %mul3A_254, %get3A_256 : vector<16xi32>
          %gather3A_258 = tpu.vector_load_idx %arg9[%add3A_257] : memref<800xf32, #tpu.memory_space<vmem>>[vector<16xi32>], vector<16xf32>,
          %swap3A_259 = arith.index_cast %mul3A_243 : i32 to index
          %swap3A_260 = tpu.vector_load %arg20[%swap3A_259] {strides = array<i32>} : memref<8192xf32, #tpu.memory_space<vmem>>, vector<16xf32>,
          tpu.vector_store %arg20[%swap3A_259], %gather3A_258 {strides = array<i32>} : memref<8192xf32, #tpu.memory_space<vmem>>, vector<16xf32>,
          %scan3A_261 = arith.constant 0 : i32
          scf.yield %scan3A_261 : i32
        }
        %scan3A_81 = arith.constant 512 : i32
        %add3A_82 = arith.constant 0 : i32
        %add3A_83 = arith.addi %add3A_82, %add3A : i32
        %mul3A_84 = arith.constant 32 : i32
        %mul3A_85 = arith.muli %add3A_74, %mul3A_84 : i32
        %add3A_86 = arith.addi %add3A_83, %mul3A_85 : i32
        %mul3A_87 = arith.constant 8192 : i32
        %mul3A_88 = arith.muli %add3A_86, %mul3A_87 : i32
        "tpu.region"() ({
          %run_scoped3A = tpu.sem_alloc : memref<!tpu.dma_semaphore, #tpu.memory_space<semaphore_mem>>
          %dma_start3A = tpu.memref_slice %arg8[%mul3A_88] : memref<1048576xf32, #tpu.memory_space<hbm>> -> memref<8192xf32, #tpu.memory_space<hbm>>
          %dma_start3A_89 = tpu.memref_slice %arg8[%mul3A_88] : memref<1048576xf32, #tpu.memory_space<hbm>> -> memref<8192xf32, #tpu.memory_space<hbm>>
          tpu.enqueue_dma source(%arg20 : memref<8192xf32, #tpu.memory_space<vmem>>) target(%dma_start3A_89 : memref<8192xf32, #tpu.memory_space<hbm>>) target_semaphore(%run_scoped3A : memref<!tpu.dma_semaphore, #tpu.memory_space<semaphore_mem>>)
          %dma_wait3A_90 = tpu.memref_slice %arg8[%mul3A_88] : memref<1048576xf32, #tpu.memory_space<hbm>> -> memref<8192xf32, #tpu.memory_space<hbm>>
          %dma_wait3A_91 = tpu.memref_slice %arg8[%mul3A_88] : memref<1048576xf32, #tpu.memory_space<hbm>> -> memref<8192xf32, #tpu.memory_space<hbm>>
          tpu.wait_dma2 semaphore(%run_scoped3A : memref<!tpu.dma_semaphore, #tpu.memory_space<semaphore_mem>>) src(%arg20 : memref<8192xf32, #tpu.memory_space<vmem>>) dst(%dma_wait3A_91 : memref<8192xf32, #tpu.memory_space<hbm>>)
          tpu.yield
        }) : () -> ()
      } else {
      }
      %scan3A_57 = arith.constant 0 : i32
      scf.yield %scan3A_57 : i32
    }
    %scan3A_31 = arith.constant 2 : i32
    return
  }
}

#map = affine_map<(d0, d1) -> (0)>
module attributes {stable_mosaic.version = 14 : i64} {
  func.func @sc_k(%arg0: i32, %arg1: i32, %arg2: memref<1000000xi32, #tpu.memory_space<hbm>>, %arg3: memref<1000000xi32, #tpu.memory_space<hbm>>, %arg4: memref<1000000xf32, #tpu.memory_space<hbm>>, %arg5: memref<1000000xi32, #tpu.memory_space<hbm>>, %arg6: memref<800xf32, #tpu.memory_space<hbm>>, %arg7: memref<16xf32, #tpu.memory_space<hbm>>, %arg8: memref<1048576xf32, #tpu.memory_space<hbm>>, %arg9: memref<800xf32, #tpu.memory_space<vmem>>, %arg10: memref<16xf32, #tpu.memory_space<vmem>>, %arg11: memref<8192xi32, #tpu.memory_space<vmem>>, %arg12: memref<8192xi32, #tpu.memory_space<vmem>>, %arg13: memref<8192xi32, #tpu.memory_space<vmem>>, %arg14: memref<8192xi32, #tpu.memory_space<vmem>>, %arg15: memref<8192xf32, #tpu.memory_space<vmem>>, %arg16: memref<8192xf32, #tpu.memory_space<vmem>>, %arg17: memref<8192xi32, #tpu.memory_space<vmem>>, %arg18: memref<8192xi32, #tpu.memory_space<vmem>>, %arg19: memref<8192xf32, #tpu.memory_space<vmem>>, %arg20: memref<8192xf32, #tpu.memory_space<vmem>>, %arg21: memref<!tpu.dma_semaphore, #tpu.memory_space<semaphore_mem>>, %arg22: memref<!tpu.dma_semaphore, #tpu.memory_space<semaphore_mem>>) attributes {dimension_semantics = [#tpu.dimension_semantics<core_parallel>, #tpu.dimension_semantics<subcore_parallel>], iteration_bounds = array<i64: 2, 16>, scalar_prefetch = 0 : i64, scratch_operands = 14 : i64, tpu.core_type = #tpu.core_type<sc_vector_subcore>, window_params = [{transform_indices = #map}, {transform_indices = #map}, {transform_indices = #map}, {transform_indices = #map}, {transform_indices = #map}, {transform_indices = #map}, {transform_indices = #map}]} {
    %mul3A = arith.constant 2 : i32
    %mul3A_0 = arith.muli %arg1, %mul3A : i32
    %add3A = arith.addi %mul3A_0, %arg0 : i32
    "tpu.region"() ({
      %run_scoped3A = tpu.sem_alloc : memref<!tpu.dma_semaphore, #tpu.memory_space<semaphore_mem>>
      tpu.enqueue_dma source(%arg6 : memref<800xf32, #tpu.memory_space<hbm>>) target(%arg9 : memref<800xf32, #tpu.memory_space<vmem>>) target_semaphore(%run_scoped3A : memref<!tpu.dma_semaphore, #tpu.memory_space<semaphore_mem>>)
      tpu.wait_dma2 semaphore(%run_scoped3A : memref<!tpu.dma_semaphore, #tpu.memory_space<semaphore_mem>>) src(%arg6 : memref<800xf32, #tpu.memory_space<hbm>>) dst(%arg9 : memref<800xf32, #tpu.memory_space<vmem>>)
      tpu.yield
    }) : () -> ()
    "tpu.region"() ({
      %run_scoped3A = tpu.sem_alloc : memref<!tpu.dma_semaphore, #tpu.memory_space<semaphore_mem>>
      tpu.enqueue_dma source(%arg7 : memref<16xf32, #tpu.memory_space<hbm>>) target(%arg10 : memref<16xf32, #tpu.memory_space<vmem>>) target_semaphore(%run_scoped3A : memref<!tpu.dma_semaphore, #tpu.memory_space<semaphore_mem>>)
      tpu.wait_dma2 semaphore(%run_scoped3A : memref<!tpu.dma_semaphore, #tpu.memory_space<semaphore_mem>>) src(%arg7 : memref<16xf32, #tpu.memory_space<hbm>>) dst(%arg10 : memref<16xf32, #tpu.memory_space<vmem>>)
      tpu.yield
    }) : () -> ()
    %get3A = arith.constant 0 : index
    %get3A_1 = tpu.vector_load %arg10[%get3A] {strides = array<i32>} : memref<16xf32, #tpu.memory_space<vmem>>, vector<16xf32>,
    %sub3A = arith.constant 58 : i32
    %sub3A_2 = arith.subi %sub3A, %add3A : i32
    %add3A_3 = arith.constant 32 : i32
    %add3A_4 = arith.addi %sub3A_2, %add3A_3 : i32
    %sub3A_5 = arith.constant 1 : i32
    %sub3A_6 = arith.subi %add3A_4, %sub3A_5 : i32
    %jit3A = arith.constant 32 : i32
    %div3A = arith.divsi %sub3A_6, %jit3A : i32
    %sign3A = arith.constant 0 : i32
    %sign3A_7 = arith.cmpi sgt, %sub3A_6, %sign3A : i32
    %sign3A_8 = arith.extui %sign3A_7 : i1 to i32
    %sign3A_9 = arith.constant 0 : i32
    %sign3A_10 = arith.cmpi slt, %sub3A_6, %sign3A_9 : i32
    %sign3A_11 = arith.extui %sign3A_10 : i1 to i32
    %sign3A_12 = arith.subi %sign3A_8, %sign3A_11 : i32
    %sign3A_13 = arith.constant 0 : i32
    %sign3A_14 = arith.cmpi sgt, %jit3A, %sign3A_13 : i32
    %sign3A_15 = arith.extui %sign3A_14 : i1 to i32
    %sign3A_16 = arith.constant 0 : i32
    %sign3A_17 = arith.cmpi slt, %jit3A, %sign3A_16 : i32
    %sign3A_18 = arith.extui %sign3A_17 : i1 to i32
    %sign3A_19 = arith.subi %sign3A_15, %sign3A_18 : i32
    %ne3A = arith.cmpi ne, %sign3A_12, %sign3A_19 : i32
    %rem3A = arith.remsi %sub3A_6, %jit3A : i32
    %ne3A_20 = arith.constant 0 : i32
    %ne3A_21 = arith.cmpi ne, %rem3A, %ne3A_20 : i32
    %and3A = arith.andi %ne3A, %ne3A_21 : i1
    %sub3A_22 = arith.constant 1 : i32
    %sub3A_23 = arith.subi %div3A, %sub3A_22 : i32
    %select_n3A = arith.select %and3A, %sub3A_23, %div3A : i32
    %eq3A = arith.constant 31 : i32
    %eq3A_24 = arith.cmpi eq, %add3A, %eq3A : i32
    %convert_element_type3A = arith.extui %eq3A_24 : i1 to i32
    %cond3A = arith.constant 0 : i32
    %cond3A_25 = arith.cmpi ne, %convert_element_type3A, %cond3A : i32
    scf.if %cond3A_25 {
      "tpu.region"() ({
        %run_scoped3A = tpu.sem_alloc : memref<!tpu.dma_semaphore, #tpu.memory_space<semaphore_mem>>
        %dma_start3A = arith.constant 0 : i32
        %dma_start3A_43 = tpu.memref_slice %arg11[%dma_start3A] : memref<8192xi32, #tpu.memory_space<vmem>> -> memref<576xi32, #tpu.memory_space<vmem>>
        %dma_start3A_44 = arith.constant 999424 : i32
        %dma_start3A_45 = tpu.memref_slice %arg2[%dma_start3A_44] : memref<1000000xi32, #tpu.memory_space<hbm>> -> memref<576xi32, #tpu.memory_space<hbm>>
        %dma_start3A_46 = arith.constant 0 : i32
        %dma_start3A_47 = tpu.memref_slice %arg11[%dma_start3A_46] : memref<8192xi32, #tpu.memory_space<vmem>> -> memref<576xi32, #tpu.memory_space<vmem>>
        %dma_start3A_48 = arith.constant 999424 : i32
        %dma_start3A_49 = tpu.memref_slice %arg2[%dma_start3A_48] : memref<1000000xi32, #tpu.memory_space<hbm>> -> memref<576xi32, #tpu.memory_space<hbm>>
        tpu.enqueue_dma source(%dma_start3A_49 : memref<576xi32, #tpu.memory_space<hbm>>) target(%dma_start3A_47 : memref<576xi32, #tpu.memory_space<vmem>>) target_semaphore(%run_scoped3A : memref<!tpu.dma_semaphore, #tpu.memory_space<semaphore_mem>>)
        %dma_wait3A = arith.constant 0 : i32
        %dma_wait3A_50 = tpu.memref_slice %arg11[%dma_wait3A] : memref<8192xi32, #tpu.memory_space<vmem>> -> memref<576xi32, #tpu.memory_space<vmem>>
        %dma_wait3A_51 = arith.constant 999424 : i32
        %dma_wait3A_52 = tpu.memref_slice %arg2[%dma_wait3A_51] : memref<1000000xi32, #tpu.memory_space<hbm>> -> memref<576xi32, #tpu.memory_space<hbm>>
        %dma_wait3A_53 = arith.constant 0 : i32
        %dma_wait3A_54 = tpu.memref_slice %arg11[%dma_wait3A_53] : memref<8192xi32, #tpu.memory_space<vmem>> -> memref<576xi32, #tpu.memory_space<vmem>>
        %dma_wait3A_55 = arith.constant 999424 : i32
        %dma_wait3A_56 = tpu.memref_slice %arg2[%dma_wait3A_55] : memref<1000000xi32, #tpu.memory_space<hbm>> -> memref<576xi32, #tpu.memory_space<hbm>>
        tpu.wait_dma2 semaphore(%run_scoped3A : memref<!tpu.dma_semaphore, #tpu.memory_space<semaphore_mem>>) src(%dma_wait3A_56 : memref<576xi32, #tpu.memory_space<hbm>>) dst(%dma_wait3A_54 : memref<576xi32, #tpu.memory_space<vmem>>)
        tpu.yield
      }) : () -> ()
      "tpu.region"() ({
        %run_scoped3A = tpu.sem_alloc : memref<!tpu.dma_semaphore, #tpu.memory_space<semaphore_mem>>
        %dma_start3A = arith.constant 0 : i32
        %dma_start3A_43 = tpu.memref_slice %arg13[%dma_start3A] : memref<8192xi32, #tpu.memory_space<vmem>> -> memref<576xi32, #tpu.memory_space<vmem>>
        %dma_start3A_44 = arith.constant 999424 : i32
        %dma_start3A_45 = tpu.memref_slice %arg3[%dma_start3A_44] : memref<1000000xi32, #tpu.memory_space<hbm>> -> memref<576xi32, #tpu.memory_space<hbm>>
        %dma_start3A_46 = arith.constant 0 : i32
        %dma_start3A_47 = tpu.memref_slice %arg13[%dma_start3A_46] : memref<8192xi32, #tpu.memory_space<vmem>> -> memref<576xi32, #tpu.memory_space<vmem>>
        %dma_start3A_48 = arith.constant 999424 : i32
        %dma_start3A_49 = tpu.memref_slice %arg3[%dma_start3A_48] : memref<1000000xi32, #tpu.memory_space<hbm>> -> memref<576xi32, #tpu.memory_space<hbm>>
        tpu.enqueue_dma source(%dma_start3A_49 : memref<576xi32, #tpu.memory_space<hbm>>) target(%dma_start3A_47 : memref<576xi32, #tpu.memory_space<vmem>>) target_semaphore(%run_scoped3A : memref<!tpu.dma_semaphore, #tpu.memory_space<semaphore_mem>>)
        %dma_wait3A = arith.constant 0 : i32
        %dma_wait3A_50 = tpu.memref_slice %arg13[%dma_wait3A] : memref<8192xi32, #tpu.memory_space<vmem>> -> memref<576xi32, #tpu.memory_space<vmem>>
        %dma_wait3A_51 = arith.constant 999424 : i32
        %dma_wait3A_52 = tpu.memref_slice %arg3[%dma_wait3A_51] : memref<1000000xi32, #tpu.memory_space<hbm>> -> memref<576xi32, #tpu.memory_space<hbm>>
        %dma_wait3A_53 = arith.constant 0 : i32
        %dma_wait3A_54 = tpu.memref_slice %arg13[%dma_wait3A_53] : memref<8192xi32, #tpu.memory_space<vmem>> -> memref<576xi32, #tpu.memory_space<vmem>>
        %dma_wait3A_55 = arith.constant 999424 : i32
        %dma_wait3A_56 = tpu.memref_slice %arg3[%dma_wait3A_55] : memref<1000000xi32, #tpu.memory_space<hbm>> -> memref<576xi32, #tpu.memory_space<hbm>>
        tpu.wait_dma2 semaphore(%run_scoped3A : memref<!tpu.dma_semaphore, #tpu.memory_space<semaphore_mem>>) src(%dma_wait3A_56 : memref<576xi32, #tpu.memory_space<hbm>>) dst(%dma_wait3A_54 : memref<576xi32, #tpu.memory_space<vmem>>)
        tpu.yield
      }) : () -> ()
      "tpu.region"() ({
        %run_scoped3A = tpu.sem_alloc : memref<!tpu.dma_semaphore, #tpu.memory_space<semaphore_mem>>
        %dma_start3A = arith.constant 0 : i32
        %dma_start3A_43 = tpu.memref_slice %arg15[%dma_start3A] : memref<8192xf32, #tpu.memory_space<vmem>> -> memref<576xf32, #tpu.memory_space<vmem>>
        %dma_start3A_44 = arith.constant 999424 : i32
        %dma_start3A_45 = tpu.memref_slice %arg4[%dma_start3A_44] : memref<1000000xf32, #tpu.memory_space<hbm>> -> memref<576xf32, #tpu.memory_space<hbm>>
        %dma_start3A_46 = arith.constant 0 : i32
        %dma_start3A_47 = tpu.memref_slice %arg15[%dma_start3A_46] : memref<8192xf32, #tpu.memory_space<vmem>> -> memref<576xf32, #tpu.memory_space<vmem>>
        %dma_start3A_48 = arith.constant 999424 : i32
        %dma_start3A_49 = tpu.memref_slice %arg4[%dma_start3A_48] : memref<1000000xf32, #tpu.memory_space<hbm>> -> memref<576xf32, #tpu.memory_space<hbm>>
        tpu.enqueue_dma source(%dma_start3A_49 : memref<576xf32, #tpu.memory_space<hbm>>) target(%dma_start3A_47 : memref<576xf32, #tpu.memory_space<vmem>>) target_semaphore(%run_scoped3A : memref<!tpu.dma_semaphore, #tpu.memory_space<semaphore_mem>>)
        %dma_wait3A = arith.constant 0 : i32
        %dma_wait3A_50 = tpu.memref_slice %arg15[%dma_wait3A] : memref<8192xf32, #tpu.memory_space<vmem>> -> memref<576xf32, #tpu.memory_space<vmem>>
        %dma_wait3A_51 = arith.constant 999424 : i32
        %dma_wait3A_52 = tpu.memref_slice %arg4[%dma_wait3A_51] : memref<1000000xf32, #tpu.memory_space<hbm>> -> memref<576xf32, #tpu.memory_space<hbm>>
        %dma_wait3A_53 = arith.constant 0 : i32
        %dma_wait3A_54 = tpu.memref_slice %arg15[%dma_wait3A_53] : memref<8192xf32, #tpu.memory_space<vmem>> -> memref<576xf32, #tpu.memory_space<vmem>>
        %dma_wait3A_55 = arith.constant 999424 : i32
        %dma_wait3A_56 = tpu.memref_slice %arg4[%dma_wait3A_55] : memref<1000000xf32, #tpu.memory_space<hbm>> -> memref<576xf32, #tpu.memory_space<hbm>>
        tpu.wait_dma2 semaphore(%run_scoped3A : memref<!tpu.dma_semaphore, #tpu.memory_space<semaphore_mem>>) src(%dma_wait3A_56 : memref<576xf32, #tpu.memory_space<hbm>>) dst(%dma_wait3A_54 : memref<576xf32, #tpu.memory_space<vmem>>)
        tpu.yield
      }) : () -> ()
      "tpu.region"() ({
        %run_scoped3A = tpu.sem_alloc : memref<!tpu.dma_semaphore, #tpu.memory_space<semaphore_mem>>
        %dma_start3A = arith.constant 0 : i32
        %dma_start3A_43 = tpu.memref_slice %arg17[%dma_start3A] : memref<8192xi32, #tpu.memory_space<vmem>> -> memref<576xi32, #tpu.memory_space<vmem>>
        %dma_start3A_44 = arith.constant 999424 : i32
        %dma_start3A_45 = tpu.memref_slice %arg5[%dma_start3A_44] : memref<1000000xi32, #tpu.memory_space<hbm>> -> memref<576xi32, #tpu.memory_space<hbm>>
        %dma_start3A_46 = arith.constant 0 : i32
        %dma_start3A_47 = tpu.memref_slice %arg17[%dma_start3A_46] : memref<8192xi32, #tpu.memory_space<vmem>> -> memref<576xi32, #tpu.memory_space<vmem>>
        %dma_start3A_48 = arith.constant 999424 : i32
        %dma_start3A_49 = tpu.memref_slice %arg5[%dma_start3A_48] : memref<1000000xi32, #tpu.memory_space<hbm>> -> memref<576xi32, #tpu.memory_space<hbm>>
        tpu.enqueue_dma source(%dma_start3A_49 : memref<576xi32, #tpu.memory_space<hbm>>) target(%dma_start3A_47 : memref<576xi32, #tpu.memory_space<vmem>>) target_semaphore(%run_scoped3A : memref<!tpu.dma_semaphore, #tpu.memory_space<semaphore_mem>>)
        %dma_wait3A = arith.constant 0 : i32
        %dma_wait3A_50 = tpu.memref_slice %arg17[%dma_wait3A] : memref<8192xi32, #tpu.memory_space<vmem>> -> memref<576xi32, #tpu.memory_space<vmem>>
        %dma_wait3A_51 = arith.constant 999424 : i32
        %dma_wait3A_52 = tpu.memref_slice %arg5[%dma_wait3A_51] : memref<1000000xi32, #tpu.memory_space<hbm>> -> memref<576xi32, #tpu.memory_space<hbm>>
        %dma_wait3A_53 = arith.constant 0 : i32
        %dma_wait3A_54 = tpu.memref_slice %arg17[%dma_wait3A_53] : memref<8192xi32, #tpu.memory_space<vmem>> -> memref<576xi32, #tpu.memory_space<vmem>>
        %dma_wait3A_55 = arith.constant 999424 : i32
        %dma_wait3A_56 = tpu.memref_slice %arg5[%dma_wait3A_55] : memref<1000000xi32, #tpu.memory_space<hbm>> -> memref<576xi32, #tpu.memory_space<hbm>>
        tpu.wait_dma2 semaphore(%run_scoped3A : memref<!tpu.dma_semaphore, #tpu.memory_space<semaphore_mem>>) src(%dma_wait3A_56 : memref<576xi32, #tpu.memory_space<hbm>>) dst(%dma_wait3A_54 : memref<576xi32, #tpu.memory_space<vmem>>)
        tpu.yield
      }) : () -> ()
      %scan3A_36 = arith.constant 0 : i32
      %scan3A_37 = arith.constant 0 : i32
      %scan3A_38 = arith.constant 36 : i32
      %scan3A_39 = arith.addi %scan3A_37, %scan3A_38 : i32
      %scan3A_40 = arith.constant 4 : i32
      %scan3A_41 = scf.for %scan3A_43 = %scan3A_37 to %scan3A_39 step %scan3A_40 iter_args(%scan3A_44 = %scan3A_36) -> (i32)  : i32 {
        %mul3A_45 = arith.constant 16 : i32
        %mul3A_46 = arith.muli %scan3A_43, %mul3A_45 : i32
        %get3A_47 = arith.index_cast %mul3A_46 : i32 to index
        %get3A_48 = tpu.vector_load %arg15[%get3A_47] {strides = array<i32>} : memref<8192xf32, #tpu.memory_space<vmem>>, vector<16xf32>,
        %ge3A = arith.cmpf oge, %get3A_1, %get3A_48 : vector<16xf32>
        %get3A_49 = arith.index_cast %mul3A_46 : i32 to index
        %get3A_50 = tpu.vector_load %arg13[%get3A_49] {strides = array<i32>} : memref<8192xi32, #tpu.memory_space<vmem>>, vector<16xi32>,
        %get3A_51 = arith.index_cast %mul3A_46 : i32 to index
        %get3A_52 = tpu.vector_load %arg11[%get3A_51] {strides = array<i32>} : memref<8192xi32, #tpu.memory_space<vmem>>, vector<16xi32>,
        %select_n3A_53 = arith.select %ge3A, %get3A_50, %get3A_52 : vector<16xi1>, vector<16xi32>
        %mul3A_54 = arith.constant 100 : i32
        %mul3A_55 = vector.broadcast %mul3A_54 : i32 to vector<16xi32>
        %mul3A_56 = arith.muli %select_n3A_53, %mul3A_55 : vector<16xi32>
        %get3A_57 = arith.index_cast %mul3A_46 : i32 to index
        %get3A_58 = tpu.vector_load %arg17[%get3A_57] {strides = array<i32>} : memref<8192xi32, #tpu.memory_space<vmem>>, vector<16xi32>,
        %add3A_59 = arith.addi %mul3A_56, %get3A_58 : vector<16xi32>
        %gather3A = tpu.vector_load_idx %arg9[%add3A_59] : memref<800xf32, #tpu.memory_space<vmem>>[vector<16xi32>], vector<16xf32>,
        %swap3A = arith.index_cast %mul3A_46 : i32 to index
        %swap3A_60 = tpu.vector_load %arg19[%swap3A] {strides = array<i32>} : memref<8192xf32, #tpu.memory_space<vmem>>, vector<16xf32>,
        tpu.vector_store %arg19[%swap3A], %gather3A {strides = array<i32>} : memref<8192xf32, #tpu.memory_space<vmem>>, vector<16xf32>,
        %scan3A_61 = arith.constant 0 : i32
        %scan3A_62 = arith.constant 1 : i32
        %scan3A_63 = arith.addi %scan3A_43, %scan3A_62 : i32
        %mul3A_64 = arith.constant 16 : i32
        %mul3A_65 = arith.muli %scan3A_63, %mul3A_64 : i32
        %get3A_66 = arith.index_cast %mul3A_65 : i32 to index
        %get3A_67 = tpu.vector_load %arg15[%get3A_66] {strides = array<i32>} : memref<8192xf32, #tpu.memory_space<vmem>>, vector<16xf32>,
        %ge3A_68 = arith.cmpf oge, %get3A_1, %get3A_67 : vector<16xf32>
        %get3A_69 = arith.index_cast %mul3A_65 : i32 to index
        %get3A_70 = tpu.vector_load %arg13[%get3A_69] {strides = array<i32>} : memref<8192xi32, #tpu.memory_space<vmem>>, vector<16xi32>,
        %get3A_71 = arith.index_cast %mul3A_65 : i32 to index
        %get3A_72 = tpu.vector_load %arg11[%get3A_71] {strides = array<i32>} : memref<8192xi32, #tpu.memory_space<vmem>>, vector<16xi32>,
        %select_n3A_73 = arith.select %ge3A_68, %get3A_70, %get3A_72 : vector<16xi1>, vector<16xi32>
        %mul3A_74 = arith.constant 100 : i32
        %mul3A_75 = vector.broadcast %mul3A_74 : i32 to vector<16xi32>
        %mul3A_76 = arith.muli %select_n3A_73, %mul3A_75 : vector<16xi32>
        %get3A_77 = arith.index_cast %mul3A_65 : i32 to index
        %get3A_78 = tpu.vector_load %arg17[%get3A_77] {strides = array<i32>} : memref<8192xi32, #tpu.memory_space<vmem>>, vector<16xi32>,
        %add3A_79 = arith.addi %mul3A_76, %get3A_78 : vector<16xi32>
        %gather3A_80 = tpu.vector_load_idx %arg9[%add3A_79] : memref<800xf32, #tpu.memory_space<vmem>>[vector<16xi32>], vector<16xf32>,
        %swap3A_81 = arith.index_cast %mul3A_65 : i32 to index
        %swap3A_82 = tpu.vector_load %arg19[%swap3A_81] {strides = array<i32>} : memref<8192xf32, #tpu.memory_space<vmem>>, vector<16xf32>,
        tpu.vector_store %arg19[%swap3A_81], %gather3A_80 {strides = array<i32>} : memref<8192xf32, #tpu.memory_space<vmem>>, vector<16xf32>,
        %scan3A_83 = arith.constant 0 : i32
        %scan3A_84 = arith.constant 2 : i32
        %scan3A_85 = arith.addi %scan3A_43, %scan3A_84 : i32
        %mul3A_86 = arith.constant 16 : i32
        %mul3A_87 = arith.muli %scan3A_85, %mul3A_86 : i32
        %get3A_88 = arith.index_cast %mul3A_87 : i32 to index
        %get3A_89 = tpu.vector_load %arg15[%get3A_88] {strides = array<i32>} : memref<8192xf32, #tpu.memory_space<vmem>>, vector<16xf32>,
        %ge3A_90 = arith.cmpf oge, %get3A_1, %get3A_89 : vector<16xf32>
        %get3A_91 = arith.index_cast %mul3A_87 : i32 to index
        %get3A_92 = tpu.vector_load %arg13[%get3A_91] {strides = array<i32>} : memref<8192xi32, #tpu.memory_space<vmem>>, vector<16xi32>,
        %get3A_93 = arith.index_cast %mul3A_87 : i32 to index
        %get3A_94 = tpu.vector_load %arg11[%get3A_93] {strides = array<i32>} : memref<8192xi32, #tpu.memory_space<vmem>>, vector<16xi32>,
        %select_n3A_95 = arith.select %ge3A_90, %get3A_92, %get3A_94 : vector<16xi1>, vector<16xi32>
        %mul3A_96 = arith.constant 100 : i32
        %mul3A_97 = vector.broadcast %mul3A_96 : i32 to vector<16xi32>
        %mul3A_98 = arith.muli %select_n3A_95, %mul3A_97 : vector<16xi32>
        %get3A_99 = arith.index_cast %mul3A_87 : i32 to index
        %get3A_100 = tpu.vector_load %arg17[%get3A_99] {strides = array<i32>} : memref<8192xi32, #tpu.memory_space<vmem>>, vector<16xi32>,
        %add3A_101 = arith.addi %mul3A_98, %get3A_100 : vector<16xi32>
        %gather3A_102 = tpu.vector_load_idx %arg9[%add3A_101] : memref<800xf32, #tpu.memory_space<vmem>>[vector<16xi32>], vector<16xf32>,
        %swap3A_103 = arith.index_cast %mul3A_87 : i32 to index
        %swap3A_104 = tpu.vector_load %arg19[%swap3A_103] {strides = array<i32>} : memref<8192xf32, #tpu.memory_space<vmem>>, vector<16xf32>,
        tpu.vector_store %arg19[%swap3A_103], %gather3A_102 {strides = array<i32>} : memref<8192xf32, #tpu.memory_space<vmem>>, vector<16xf32>,
        %scan3A_105 = arith.constant 0 : i32
        %scan3A_106 = arith.constant 3 : i32
        %scan3A_107 = arith.addi %scan3A_43, %scan3A_106 : i32
        %mul3A_108 = arith.constant 16 : i32
        %mul3A_109 = arith.muli %scan3A_107, %mul3A_108 : i32
        %get3A_110 = arith.index_cast %mul3A_109 : i32 to index
        %get3A_111 = tpu.vector_load %arg15[%get3A_110] {strides = array<i32>} : memref<8192xf32, #tpu.memory_space<vmem>>, vector<16xf32>,
        %ge3A_112 = arith.cmpf oge, %get3A_1, %get3A_111 : vector<16xf32>
        %get3A_113 = arith.index_cast %mul3A_109 : i32 to index
        %get3A_114 = tpu.vector_load %arg13[%get3A_113] {strides = array<i32>} : memref<8192xi32, #tpu.memory_space<vmem>>, vector<16xi32>,
        %get3A_115 = arith.index_cast %mul3A_109 : i32 to index
        %get3A_116 = tpu.vector_load %arg11[%get3A_115] {strides = array<i32>} : memref<8192xi32, #tpu.memory_space<vmem>>, vector<16xi32>,
        %select_n3A_117 = arith.select %ge3A_112, %get3A_114, %get3A_116 : vector<16xi1>, vector<16xi32>
        %mul3A_118 = arith.constant 100 : i32
        %mul3A_119 = vector.broadcast %mul3A_118 : i32 to vector<16xi32>
        %mul3A_120 = arith.muli %select_n3A_117, %mul3A_119 : vector<16xi32>
        %get3A_121 = arith.index_cast %mul3A_109 : i32 to index
        %get3A_122 = tpu.vector_load %arg17[%get3A_121] {strides = array<i32>} : memref<8192xi32, #tpu.memory_space<vmem>>, vector<16xi32>,
        %add3A_123 = arith.addi %mul3A_120, %get3A_122 : vector<16xi32>
        %gather3A_124 = tpu.vector_load_idx %arg9[%add3A_123] : memref<800xf32, #tpu.memory_space<vmem>>[vector<16xi32>], vector<16xf32>,
        %swap3A_125 = arith.index_cast %mul3A_109 : i32 to index
        %swap3A_126 = tpu.vector_load %arg19[%swap3A_125] {strides = array<i32>} : memref<8192xf32, #tpu.memory_space<vmem>>, vector<16xf32>,
        tpu.vector_store %arg19[%swap3A_125], %gather3A_124 {strides = array<i32>} : memref<8192xf32, #tpu.memory_space<vmem>>, vector<16xf32>,
        %scan3A_127 = arith.constant 0 : i32
        scf.yield %scan3A_127 : i32
      }
      %scan3A_42 = arith.constant 36 : i32
      "tpu.region"() ({
        %run_scoped3A = tpu.sem_alloc : memref<!tpu.dma_semaphore, #tpu.memory_space<semaphore_mem>>
        %dma_start3A = arith.constant 0 : i32
        %dma_start3A_43 = tpu.memref_slice %arg19[%dma_start3A] : memref<8192xf32, #tpu.memory_space<vmem>> -> memref<576xf32, #tpu.memory_space<vmem>>
        %dma_start3A_44 = arith.constant 999424 : i32
        %dma_start3A_45 = tpu.memref_slice %arg8[%dma_start3A_44] : memref<1048576xf32, #tpu.memory_space<hbm>> -> memref<576xf32, #tpu.memory_space<hbm>>
        %dma_start3A_46 = arith.constant 999424 : i32
        %dma_start3A_47 = tpu.memref_slice %arg8[%dma_start3A_46] : memref<1048576xf32, #tpu.memory_space<hbm>> -> memref<576xf32, #tpu.memory_space<hbm>>
        %dma_start3A_48 = arith.constant 0 : i32
        %dma_start3A_49 = tpu.memref_slice %arg19[%dma_start3A_48] : memref<8192xf32, #tpu.memory_space<vmem>> -> memref<576xf32, #tpu.memory_space<vmem>>
        tpu.enqueue_dma source(%dma_start3A_49 : memref<576xf32, #tpu.memory_space<vmem>>) target(%dma_start3A_47 : memref<576xf32, #tpu.memory_space<hbm>>) target_semaphore(%run_scoped3A : memref<!tpu.dma_semaphore, #tpu.memory_space<semaphore_mem>>)
        %dma_wait3A = arith.constant 0 : i32
        %dma_wait3A_50 = tpu.memref_slice %arg19[%dma_wait3A] : memref<8192xf32, #tpu.memory_space<vmem>> -> memref<576xf32, #tpu.memory_space<vmem>>
        %dma_wait3A_51 = arith.constant 999424 : i32
        %dma_wait3A_52 = tpu.memref_slice %arg8[%dma_wait3A_51] : memref<1048576xf32, #tpu.memory_space<hbm>> -> memref<576xf32, #tpu.memory_space<hbm>>
        %dma_wait3A_53 = arith.constant 999424 : i32
        %dma_wait3A_54 = tpu.memref_slice %arg8[%dma_wait3A_53] : memref<1048576xf32, #tpu.memory_space<hbm>> -> memref<576xf32, #tpu.memory_space<hbm>>
        %dma_wait3A_55 = arith.constant 0 : i32
        %dma_wait3A_56 = tpu.memref_slice %arg19[%dma_wait3A_55] : memref<8192xf32, #tpu.memory_space<vmem>> -> memref<576xf32, #tpu.memory_space<vmem>>
        tpu.wait_dma2 semaphore(%run_scoped3A : memref<!tpu.dma_semaphore, #tpu.memory_space<semaphore_mem>>) src(%dma_wait3A_56 : memref<576xf32, #tpu.memory_space<vmem>>) dst(%dma_wait3A_54 : memref<576xf32, #tpu.memory_space<hbm>>)
        tpu.yield
      }) : () -> ()
    } else {
    }
    %gt3A = arith.constant 0 : i32
    %gt3A_26 = arith.cmpi sgt, %select_n3A, %gt3A : i32
    %convert_element_type3A_27 = arith.extui %gt3A_26 : i1 to i32
    %cond3A_28 = arith.constant 0 : i32
    %cond3A_29 = arith.cmpi ne, %convert_element_type3A_27, %cond3A_28 : i32
    scf.if %cond3A_29 {
      %add3A_36 = arith.constant 64 : i32
      %add3A_37 = arith.addi %add3A_36, %add3A : i32
      %add3A_38 = arith.constant 0 : i32
      %add3A_39 = arith.addi %add3A_37, %add3A_38 : i32
      %mul3A_40 = arith.constant 8192 : i32
      %mul3A_41 = arith.muli %add3A_39, %mul3A_40 : i32
      %dma_start3A = tpu.memref_slice %arg2[%mul3A_41] : memref<1000000xi32, #tpu.memory_space<hbm>> -> memref<8192xi32, #tpu.memory_space<hbm>>
      %dma_start3A_42 = tpu.memref_slice %arg2[%mul3A_41] : memref<1000000xi32, #tpu.memory_space<hbm>> -> memref<8192xi32, #tpu.memory_space<hbm>>
      tpu.enqueue_dma source(%dma_start3A_42 : memref<8192xi32, #tpu.memory_space<hbm>>) target(%arg11 : memref<8192xi32, #tpu.memory_space<vmem>>) target_semaphore(%arg21 : memref<!tpu.dma_semaphore, #tpu.memory_space<semaphore_mem>>)
      %dma_start3A_43 = tpu.memref_slice %arg3[%mul3A_41] : memref<1000000xi32, #tpu.memory_space<hbm>> -> memref<8192xi32, #tpu.memory_space<hbm>>
      %dma_start3A_44 = tpu.memref_slice %arg3[%mul3A_41] : memref<1000000xi32, #tpu.memory_space<hbm>> -> memref<8192xi32, #tpu.memory_space<hbm>>
      tpu.enqueue_dma source(%dma_start3A_44 : memref<8192xi32, #tpu.memory_space<hbm>>) target(%arg13 : memref<8192xi32, #tpu.memory_space<vmem>>) target_semaphore(%arg21 : memref<!tpu.dma_semaphore, #tpu.memory_space<semaphore_mem>>)
      %dma_start3A_45 = tpu.memref_slice %arg4[%mul3A_41] : memref<1000000xf32, #tpu.memory_space<hbm>> -> memref<8192xf32, #tpu.memory_space<hbm>>
      %dma_start3A_46 = tpu.memref_slice %arg4[%mul3A_41] : memref<1000000xf32, #tpu.memory_space<hbm>> -> memref<8192xf32, #tpu.memory_space<hbm>>
      tpu.enqueue_dma source(%dma_start3A_46 : memref<8192xf32, #tpu.memory_space<hbm>>) target(%arg15 : memref<8192xf32, #tpu.memory_space<vmem>>) target_semaphore(%arg21 : memref<!tpu.dma_semaphore, #tpu.memory_space<semaphore_mem>>)
      %dma_start3A_47 = tpu.memref_slice %arg5[%mul3A_41] : memref<1000000xi32, #tpu.memory_space<hbm>> -> memref<8192xi32, #tpu.memory_space<hbm>>
      %dma_start3A_48 = tpu.memref_slice %arg5[%mul3A_41] : memref<1000000xi32, #tpu.memory_space<hbm>> -> memref<8192xi32, #tpu.memory_space<hbm>>
      tpu.enqueue_dma source(%dma_start3A_48 : memref<8192xi32, #tpu.memory_space<hbm>>) target(%arg17 : memref<8192xi32, #tpu.memory_space<vmem>>) target_semaphore(%arg21 : memref<!tpu.dma_semaphore, #tpu.memory_space<semaphore_mem>>)
    } else {
    }
    %scan3A = arith.constant 0 : i32
    %scan3A_30 = arith.constant 0 : i32
    %scan3A_31 = arith.constant 2 : i32
    %scan3A_32 = arith.addi %scan3A_30, %scan3A_31 : i32
    %scan3A_33 = arith.constant 1 : i32
    %scan3A_34 = scf.for %scan3A_36 = %scan3A_30 to %scan3A_32 step %scan3A_33 iter_args(%scan3A_37 = %scan3A) -> (i32)  : i32 {
      %mul3A_38 = arith.constant 2 : i32
      %mul3A_39 = arith.muli %mul3A_38, %scan3A_36 : i32
      %add3A_40 = arith.constant 1 : i32
      %add3A_41 = arith.addi %mul3A_39, %add3A_40 : i32
      %lt3A = arith.cmpi slt, %add3A_41, %select_n3A : i32
      %convert_element_type3A_42 = arith.extui %lt3A : i1 to i32
      %cond3A_43 = arith.constant 0 : i32
      %cond3A_44 = arith.cmpi ne, %convert_element_type3A_42, %cond3A_43 : i32
      scf.if %cond3A_44 {
        %add3A_62 = arith.constant 1 : i32
        %add3A_63 = arith.addi %mul3A_39, %add3A_62 : i32
        %add3A_64 = arith.constant 64 : i32
        %add3A_65 = arith.addi %add3A_64, %add3A : i32
        %mul3A_66 = arith.constant 32 : i32
        %mul3A_67 = arith.muli %add3A_63, %mul3A_66 : i32
        %add3A_68 = arith.addi %add3A_65, %mul3A_67 : i32
        %mul3A_69 = arith.constant 8192 : i32
        %mul3A_70 = arith.muli %add3A_68, %mul3A_69 : i32
        %dma_start3A = tpu.memref_slice %arg2[%mul3A_70] : memref<1000000xi32, #tpu.memory_space<hbm>> -> memref<8192xi32, #tpu.memory_space<hbm>>
        %dma_start3A_71 = tpu.memref_slice %arg2[%mul3A_70] : memref<1000000xi32, #tpu.memory_space<hbm>> -> memref<8192xi32, #tpu.memory_space<hbm>>
        tpu.enqueue_dma source(%dma_start3A_71 : memref<8192xi32, #tpu.memory_space<hbm>>) target(%arg12 : memref<8192xi32, #tpu.memory_space<vmem>>) target_semaphore(%arg22 : memref<!tpu.dma_semaphore, #tpu.memory_space<semaphore_mem>>)
        %dma_start3A_72 = tpu.memref_slice %arg3[%mul3A_70] : memref<1000000xi32, #tpu.memory_space<hbm>> -> memref<8192xi32, #tpu.memory_space<hbm>>
        %dma_start3A_73 = tpu.memref_slice %arg3[%mul3A_70] : memref<1000000xi32, #tpu.memory_space<hbm>> -> memref<8192xi32, #tpu.memory_space<hbm>>
        tpu.enqueue_dma source(%dma_start3A_73 : memref<8192xi32, #tpu.memory_space<hbm>>) target(%arg14 : memref<8192xi32, #tpu.memory_space<vmem>>) target_semaphore(%arg22 : memref<!tpu.dma_semaphore, #tpu.memory_space<semaphore_mem>>)
        %dma_start3A_74 = tpu.memref_slice %arg4[%mul3A_70] : memref<1000000xf32, #tpu.memory_space<hbm>> -> memref<8192xf32, #tpu.memory_space<hbm>>
        %dma_start3A_75 = tpu.memref_slice %arg4[%mul3A_70] : memref<1000000xf32, #tpu.memory_space<hbm>> -> memref<8192xf32, #tpu.memory_space<hbm>>
        tpu.enqueue_dma source(%dma_start3A_75 : memref<8192xf32, #tpu.memory_space<hbm>>) target(%arg16 : memref<8192xf32, #tpu.memory_space<vmem>>) target_semaphore(%arg22 : memref<!tpu.dma_semaphore, #tpu.memory_space<semaphore_mem>>)
        %dma_start3A_76 = tpu.memref_slice %arg5[%mul3A_70] : memref<1000000xi32, #tpu.memory_space<hbm>> -> memref<8192xi32, #tpu.memory_space<hbm>>
        %dma_start3A_77 = tpu.memref_slice %arg5[%mul3A_70] : memref<1000000xi32, #tpu.memory_space<hbm>> -> memref<8192xi32, #tpu.memory_space<hbm>>
        tpu.enqueue_dma source(%dma_start3A_77 : memref<8192xi32, #tpu.memory_space<hbm>>) target(%arg18 : memref<8192xi32, #tpu.memory_space<vmem>>) target_semaphore(%arg22 : memref<!tpu.dma_semaphore, #tpu.memory_space<semaphore_mem>>)
      } else {
      }
      %lt3A_45 = arith.cmpi slt, %mul3A_39, %select_n3A : i32
      %convert_element_type3A_46 = arith.extui %lt3A_45 : i1 to i32
      %cond3A_47 = arith.constant 0 : i32
      %cond3A_48 = arith.cmpi ne, %convert_element_type3A_46, %cond3A_47 : i32
      scf.if %cond3A_48 {
        %dma_wait3A = arith.constant 0 : i32
        %dma_wait3A_62 = tpu.memref_slice %arg2[%dma_wait3A] : memref<1000000xi32, #tpu.memory_space<hbm>> -> memref<8192xi32, #tpu.memory_space<hbm>>
        %dma_wait3A_63 = arith.constant 0 : i32
        %dma_wait3A_64 = tpu.memref_slice %arg2[%dma_wait3A_63] : memref<1000000xi32, #tpu.memory_space<hbm>> -> memref<8192xi32, #tpu.memory_space<hbm>>
        tpu.wait_dma2 semaphore(%arg21 : memref<!tpu.dma_semaphore, #tpu.memory_space<semaphore_mem>>) src(%dma_wait3A_64 : memref<8192xi32, #tpu.memory_space<hbm>>) dst(%arg11 : memref<8192xi32, #tpu.memory_space<vmem>>)
        %dma_wait3A_65 = arith.constant 0 : i32
        %dma_wait3A_66 = tpu.memref_slice %arg3[%dma_wait3A_65] : memref<1000000xi32, #tpu.memory_space<hbm>> -> memref<8192xi32, #tpu.memory_space<hbm>>
        %dma_wait3A_67 = arith.constant 0 : i32
        %dma_wait3A_68 = tpu.memref_slice %arg3[%dma_wait3A_67] : memref<1000000xi32, #tpu.memory_space<hbm>> -> memref<8192xi32, #tpu.memory_space<hbm>>
        tpu.wait_dma2 semaphore(%arg21 : memref<!tpu.dma_semaphore, #tpu.memory_space<semaphore_mem>>) src(%dma_wait3A_68 : memref<8192xi32, #tpu.memory_space<hbm>>) dst(%arg13 : memref<8192xi32, #tpu.memory_space<vmem>>)
        %dma_wait3A_69 = arith.constant 0 : i32
        %dma_wait3A_70 = tpu.memref_slice %arg4[%dma_wait3A_69] : memref<1000000xf32, #tpu.memory_space<hbm>> -> memref<8192xf32, #tpu.memory_space<hbm>>
        %dma_wait3A_71 = arith.constant 0 : i32
        %dma_wait3A_72 = tpu.memref_slice %arg4[%dma_wait3A_71] : memref<1000000xf32, #tpu.memory_space<hbm>> -> memref<8192xf32, #tpu.memory_space<hbm>>
        tpu.wait_dma2 semaphore(%arg21 : memref<!tpu.dma_semaphore, #tpu.memory_space<semaphore_mem>>) src(%dma_wait3A_72 : memref<8192xf32, #tpu.memory_space<hbm>>) dst(%arg15 : memref<8192xf32, #tpu.memory_space<vmem>>)
        %dma_wait3A_73 = arith.constant 0 : i32
        %dma_wait3A_74 = tpu.memref_slice %arg5[%dma_wait3A_73] : memref<1000000xi32, #tpu.memory_space<hbm>> -> memref<8192xi32, #tpu.memory_space<hbm>>
        %dma_wait3A_75 = arith.constant 0 : i32
        %dma_wait3A_76 = tpu.memref_slice %arg5[%dma_wait3A_75] : memref<1000000xi32, #tpu.memory_space<hbm>> -> memref<8192xi32, #tpu.memory_space<hbm>>
        tpu.wait_dma2 semaphore(%arg21 : memref<!tpu.dma_semaphore, #tpu.memory_space<semaphore_mem>>) src(%dma_wait3A_76 : memref<8192xi32, #tpu.memory_space<hbm>>) dst(%arg17 : memref<8192xi32, #tpu.memory_space<vmem>>)
        %scan3A_77 = arith.constant 0 : i32
        %scan3A_78 = arith.constant 0 : i32
        %scan3A_79 = arith.constant 512 : i32
        %scan3A_80 = arith.addi %scan3A_78, %scan3A_79 : i32
        %scan3A_81 = arith.constant 8 : i32
        %scan3A_82 = scf.for %scan3A_91 = %scan3A_78 to %scan3A_80 step %scan3A_81 iter_args(%scan3A_92 = %scan3A_77) -> (i32)  : i32 {
          %mul3A_93 = arith.constant 16 : i32
          %mul3A_94 = arith.muli %scan3A_91, %mul3A_93 : i32
          %get3A_95 = arith.index_cast %mul3A_94 : i32 to index
          %get3A_96 = tpu.vector_load %arg15[%get3A_95] {strides = array<i32>} : memref<8192xf32, #tpu.memory_space<vmem>>, vector<16xf32>,
          %ge3A = arith.cmpf oge, %get3A_1, %get3A_96 : vector<16xf32>
          %get3A_97 = arith.index_cast %mul3A_94 : i32 to index
          %get3A_98 = tpu.vector_load %arg13[%get3A_97] {strides = array<i32>} : memref<8192xi32, #tpu.memory_space<vmem>>, vector<16xi32>,
          %get3A_99 = arith.index_cast %mul3A_94 : i32 to index
          %get3A_100 = tpu.vector_load %arg11[%get3A_99] {strides = array<i32>} : memref<8192xi32, #tpu.memory_space<vmem>>, vector<16xi32>,
          %select_n3A_101 = arith.select %ge3A, %get3A_98, %get3A_100 : vector<16xi1>, vector<16xi32>
          %mul3A_102 = arith.constant 100 : i32
          %mul3A_103 = vector.broadcast %mul3A_102 : i32 to vector<16xi32>
          %mul3A_104 = arith.muli %select_n3A_101, %mul3A_103 : vector<16xi32>
          %get3A_105 = arith.index_cast %mul3A_94 : i32 to index
          %get3A_106 = tpu.vector_load %arg17[%get3A_105] {strides = array<i32>} : memref<8192xi32, #tpu.memory_space<vmem>>, vector<16xi32>,
          %add3A_107 = arith.addi %mul3A_104, %get3A_106 : vector<16xi32>
          %gather3A = tpu.vector_load_idx %arg9[%add3A_107] : memref<800xf32, #tpu.memory_space<vmem>>[vector<16xi32>], vector<16xf32>,
          %swap3A = arith.index_cast %mul3A_94 : i32 to index
          %swap3A_108 = tpu.vector_load %arg19[%swap3A] {strides = array<i32>} : memref<8192xf32, #tpu.memory_space<vmem>>, vector<16xf32>,
          tpu.vector_store %arg19[%swap3A], %gather3A {strides = array<i32>} : memref<8192xf32, #tpu.memory_space<vmem>>, vector<16xf32>,
          %scan3A_109 = arith.constant 0 : i32
          %scan3A_110 = arith.constant 1 : i32
          %scan3A_111 = arith.addi %scan3A_91, %scan3A_110 : i32
          %mul3A_112 = arith.constant 16 : i32
          %mul3A_113 = arith.muli %scan3A_111, %mul3A_112 : i32
          %get3A_114 = arith.index_cast %mul3A_113 : i32 to index
          %get3A_115 = tpu.vector_load %arg15[%get3A_114] {strides = array<i32>} : memref<8192xf32, #tpu.memory_space<vmem>>, vector<16xf32>,
          %ge3A_116 = arith.cmpf oge, %get3A_1, %get3A_115 : vector<16xf32>
          %get3A_117 = arith.index_cast %mul3A_113 : i32 to index
          %get3A_118 = tpu.vector_load %arg13[%get3A_117] {strides = array<i32>} : memref<8192xi32, #tpu.memory_space<vmem>>, vector<16xi32>,
          %get3A_119 = arith.index_cast %mul3A_113 : i32 to index
          %get3A_120 = tpu.vector_load %arg11[%get3A_119] {strides = array<i32>} : memref<8192xi32, #tpu.memory_space<vmem>>, vector<16xi32>,
          %select_n3A_121 = arith.select %ge3A_116, %get3A_118, %get3A_120 : vector<16xi1>, vector<16xi32>
          %mul3A_122 = arith.constant 100 : i32
          %mul3A_123 = vector.broadcast %mul3A_122 : i32 to vector<16xi32>
          %mul3A_124 = arith.muli %select_n3A_121, %mul3A_123 : vector<16xi32>
          %get3A_125 = arith.index_cast %mul3A_113 : i32 to index
          %get3A_126 = tpu.vector_load %arg17[%get3A_125] {strides = array<i32>} : memref<8192xi32, #tpu.memory_space<vmem>>, vector<16xi32>,
          %add3A_127 = arith.addi %mul3A_124, %get3A_126 : vector<16xi32>
          %gather3A_128 = tpu.vector_load_idx %arg9[%add3A_127] : memref<800xf32, #tpu.memory_space<vmem>>[vector<16xi32>], vector<16xf32>,
          %swap3A_129 = arith.index_cast %mul3A_113 : i32 to index
          %swap3A_130 = tpu.vector_load %arg19[%swap3A_129] {strides = array<i32>} : memref<8192xf32, #tpu.memory_space<vmem>>, vector<16xf32>,
          tpu.vector_store %arg19[%swap3A_129], %gather3A_128 {strides = array<i32>} : memref<8192xf32, #tpu.memory_space<vmem>>, vector<16xf32>,
          %scan3A_131 = arith.constant 0 : i32
          %scan3A_132 = arith.constant 2 : i32
          %scan3A_133 = arith.addi %scan3A_91, %scan3A_132 : i32
          %mul3A_134 = arith.constant 16 : i32
          %mul3A_135 = arith.muli %scan3A_133, %mul3A_134 : i32
          %get3A_136 = arith.index_cast %mul3A_135 : i32 to index
          %get3A_137 = tpu.vector_load %arg15[%get3A_136] {strides = array<i32>} : memref<8192xf32, #tpu.memory_space<vmem>>, vector<16xf32>,
          %ge3A_138 = arith.cmpf oge, %get3A_1, %get3A_137 : vector<16xf32>
          %get3A_139 = arith.index_cast %mul3A_135 : i32 to index
          %get3A_140 = tpu.vector_load %arg13[%get3A_139] {strides = array<i32>} : memref<8192xi32, #tpu.memory_space<vmem>>, vector<16xi32>,
          %get3A_141 = arith.index_cast %mul3A_135 : i32 to index
          %get3A_142 = tpu.vector_load %arg11[%get3A_141] {strides = array<i32>} : memref<8192xi32, #tpu.memory_space<vmem>>, vector<16xi32>,
          %select_n3A_143 = arith.select %ge3A_138, %get3A_140, %get3A_142 : vector<16xi1>, vector<16xi32>
          %mul3A_144 = arith.constant 100 : i32
          %mul3A_145 = vector.broadcast %mul3A_144 : i32 to vector<16xi32>
          %mul3A_146 = arith.muli %select_n3A_143, %mul3A_145 : vector<16xi32>
          %get3A_147 = arith.index_cast %mul3A_135 : i32 to index
          %get3A_148 = tpu.vector_load %arg17[%get3A_147] {strides = array<i32>} : memref<8192xi32, #tpu.memory_space<vmem>>, vector<16xi32>,
          %add3A_149 = arith.addi %mul3A_146, %get3A_148 : vector<16xi32>
          %gather3A_150 = tpu.vector_load_idx %arg9[%add3A_149] : memref<800xf32, #tpu.memory_space<vmem>>[vector<16xi32>], vector<16xf32>,
          %swap3A_151 = arith.index_cast %mul3A_135 : i32 to index
          %swap3A_152 = tpu.vector_load %arg19[%swap3A_151] {strides = array<i32>} : memref<8192xf32, #tpu.memory_space<vmem>>, vector<16xf32>,
          tpu.vector_store %arg19[%swap3A_151], %gather3A_150 {strides = array<i32>} : memref<8192xf32, #tpu.memory_space<vmem>>, vector<16xf32>,
          %scan3A_153 = arith.constant 0 : i32
          %scan3A_154 = arith.constant 3 : i32
          %scan3A_155 = arith.addi %scan3A_91, %scan3A_154 : i32
          %mul3A_156 = arith.constant 16 : i32
          %mul3A_157 = arith.muli %scan3A_155, %mul3A_156 : i32
          %get3A_158 = arith.index_cast %mul3A_157 : i32 to index
          %get3A_159 = tpu.vector_load %arg15[%get3A_158] {strides = array<i32>} : memref<8192xf32, #tpu.memory_space<vmem>>, vector<16xf32>,
          %ge3A_160 = arith.cmpf oge, %get3A_1, %get3A_159 : vector<16xf32>
          %get3A_161 = arith.index_cast %mul3A_157 : i32 to index
          %get3A_162 = tpu.vector_load %arg13[%get3A_161] {strides = array<i32>} : memref<8192xi32, #tpu.memory_space<vmem>>, vector<16xi32>,
          %get3A_163 = arith.index_cast %mul3A_157 : i32 to index
          %get3A_164 = tpu.vector_load %arg11[%get3A_163] {strides = array<i32>} : memref<8192xi32, #tpu.memory_space<vmem>>, vector<16xi32>,
          %select_n3A_165 = arith.select %ge3A_160, %get3A_162, %get3A_164 : vector<16xi1>, vector<16xi32>
          %mul3A_166 = arith.constant 100 : i32
          %mul3A_167 = vector.broadcast %mul3A_166 : i32 to vector<16xi32>
          %mul3A_168 = arith.muli %select_n3A_165, %mul3A_167 : vector<16xi32>
          %get3A_169 = arith.index_cast %mul3A_157 : i32 to index
          %get3A_170 = tpu.vector_load %arg17[%get3A_169] {strides = array<i32>} : memref<8192xi32, #tpu.memory_space<vmem>>, vector<16xi32>,
          %add3A_171 = arith.addi %mul3A_168, %get3A_170 : vector<16xi32>
          %gather3A_172 = tpu.vector_load_idx %arg9[%add3A_171] : memref<800xf32, #tpu.memory_space<vmem>>[vector<16xi32>], vector<16xf32>,
          %swap3A_173 = arith.index_cast %mul3A_157 : i32 to index
          %swap3A_174 = tpu.vector_load %arg19[%swap3A_173] {strides = array<i32>} : memref<8192xf32, #tpu.memory_space<vmem>>, vector<16xf32>,
          tpu.vector_store %arg19[%swap3A_173], %gather3A_172 {strides = array<i32>} : memref<8192xf32, #tpu.memory_space<vmem>>, vector<16xf32>,
          %scan3A_175 = arith.constant 0 : i32
          %scan3A_176 = arith.constant 4 : i32
          %scan3A_177 = arith.addi %scan3A_91, %scan3A_176 : i32
          %mul3A_178 = arith.constant 16 : i32
          %mul3A_179 = arith.muli %scan3A_177, %mul3A_178 : i32
          %get3A_180 = arith.index_cast %mul3A_179 : i32 to index
          %get3A_181 = tpu.vector_load %arg15[%get3A_180] {strides = array<i32>} : memref<8192xf32, #tpu.memory_space<vmem>>, vector<16xf32>,
          %ge3A_182 = arith.cmpf oge, %get3A_1, %get3A_181 : vector<16xf32>
          %get3A_183 = arith.index_cast %mul3A_179 : i32 to index
          %get3A_184 = tpu.vector_load %arg13[%get3A_183] {strides = array<i32>} : memref<8192xi32, #tpu.memory_space<vmem>>, vector<16xi32>,
          %get3A_185 = arith.index_cast %mul3A_179 : i32 to index
          %get3A_186 = tpu.vector_load %arg11[%get3A_185] {strides = array<i32>} : memref<8192xi32, #tpu.memory_space<vmem>>, vector<16xi32>,
          %select_n3A_187 = arith.select %ge3A_182, %get3A_184, %get3A_186 : vector<16xi1>, vector<16xi32>
          %mul3A_188 = arith.constant 100 : i32
          %mul3A_189 = vector.broadcast %mul3A_188 : i32 to vector<16xi32>
          %mul3A_190 = arith.muli %select_n3A_187, %mul3A_189 : vector<16xi32>
          %get3A_191 = arith.index_cast %mul3A_179 : i32 to index
          %get3A_192 = tpu.vector_load %arg17[%get3A_191] {strides = array<i32>} : memref<8192xi32, #tpu.memory_space<vmem>>, vector<16xi32>,
          %add3A_193 = arith.addi %mul3A_190, %get3A_192 : vector<16xi32>
          %gather3A_194 = tpu.vector_load_idx %arg9[%add3A_193] : memref<800xf32, #tpu.memory_space<vmem>>[vector<16xi32>], vector<16xf32>,
          %swap3A_195 = arith.index_cast %mul3A_179 : i32 to index
          %swap3A_196 = tpu.vector_load %arg19[%swap3A_195] {strides = array<i32>} : memref<8192xf32, #tpu.memory_space<vmem>>, vector<16xf32>,
          tpu.vector_store %arg19[%swap3A_195], %gather3A_194 {strides = array<i32>} : memref<8192xf32, #tpu.memory_space<vmem>>, vector<16xf32>,
          %scan3A_197 = arith.constant 0 : i32
          %scan3A_198 = arith.constant 5 : i32
          %scan3A_199 = arith.addi %scan3A_91, %scan3A_198 : i32
          %mul3A_200 = arith.constant 16 : i32
          %mul3A_201 = arith.muli %scan3A_199, %mul3A_200 : i32
          %get3A_202 = arith.index_cast %mul3A_201 : i32 to index
          %get3A_203 = tpu.vector_load %arg15[%get3A_202] {strides = array<i32>} : memref<8192xf32, #tpu.memory_space<vmem>>, vector<16xf32>,
          %ge3A_204 = arith.cmpf oge, %get3A_1, %get3A_203 : vector<16xf32>
          %get3A_205 = arith.index_cast %mul3A_201 : i32 to index
          %get3A_206 = tpu.vector_load %arg13[%get3A_205] {strides = array<i32>} : memref<8192xi32, #tpu.memory_space<vmem>>, vector<16xi32>,
          %get3A_207 = arith.index_cast %mul3A_201 : i32 to index
          %get3A_208 = tpu.vector_load %arg11[%get3A_207] {strides = array<i32>} : memref<8192xi32, #tpu.memory_space<vmem>>, vector<16xi32>,
          %select_n3A_209 = arith.select %ge3A_204, %get3A_206, %get3A_208 : vector<16xi1>, vector<16xi32>
          %mul3A_210 = arith.constant 100 : i32
          %mul3A_211 = vector.broadcast %mul3A_210 : i32 to vector<16xi32>
          %mul3A_212 = arith.muli %select_n3A_209, %mul3A_211 : vector<16xi32>
          %get3A_213 = arith.index_cast %mul3A_201 : i32 to index
          %get3A_214 = tpu.vector_load %arg17[%get3A_213] {strides = array<i32>} : memref<8192xi32, #tpu.memory_space<vmem>>, vector<16xi32>,
          %add3A_215 = arith.addi %mul3A_212, %get3A_214 : vector<16xi32>
          %gather3A_216 = tpu.vector_load_idx %arg9[%add3A_215] : memref<800xf32, #tpu.memory_space<vmem>>[vector<16xi32>], vector<16xf32>,
          %swap3A_217 = arith.index_cast %mul3A_201 : i32 to index
          %swap3A_218 = tpu.vector_load %arg19[%swap3A_217] {strides = array<i32>} : memref<8192xf32, #tpu.memory_space<vmem>>, vector<16xf32>,
          tpu.vector_store %arg19[%swap3A_217], %gather3A_216 {strides = array<i32>} : memref<8192xf32, #tpu.memory_space<vmem>>, vector<16xf32>,
          %scan3A_219 = arith.constant 0 : i32
          %scan3A_220 = arith.constant 6 : i32
          %scan3A_221 = arith.addi %scan3A_91, %scan3A_220 : i32
          %mul3A_222 = arith.constant 16 : i32
          %mul3A_223 = arith.muli %scan3A_221, %mul3A_222 : i32
          %get3A_224 = arith.index_cast %mul3A_223 : i32 to index
          %get3A_225 = tpu.vector_load %arg15[%get3A_224] {strides = array<i32>} : memref<8192xf32, #tpu.memory_space<vmem>>, vector<16xf32>,
          %ge3A_226 = arith.cmpf oge, %get3A_1, %get3A_225 : vector<16xf32>
          %get3A_227 = arith.index_cast %mul3A_223 : i32 to index
          %get3A_228 = tpu.vector_load %arg13[%get3A_227] {strides = array<i32>} : memref<8192xi32, #tpu.memory_space<vmem>>, vector<16xi32>,
          %get3A_229 = arith.index_cast %mul3A_223 : i32 to index
          %get3A_230 = tpu.vector_load %arg11[%get3A_229] {strides = array<i32>} : memref<8192xi32, #tpu.memory_space<vmem>>, vector<16xi32>,
          %select_n3A_231 = arith.select %ge3A_226, %get3A_228, %get3A_230 : vector<16xi1>, vector<16xi32>
          %mul3A_232 = arith.constant 100 : i32
          %mul3A_233 = vector.broadcast %mul3A_232 : i32 to vector<16xi32>
          %mul3A_234 = arith.muli %select_n3A_231, %mul3A_233 : vector<16xi32>
          %get3A_235 = arith.index_cast %mul3A_223 : i32 to index
          %get3A_236 = tpu.vector_load %arg17[%get3A_235] {strides = array<i32>} : memref<8192xi32, #tpu.memory_space<vmem>>, vector<16xi32>,
          %add3A_237 = arith.addi %mul3A_234, %get3A_236 : vector<16xi32>
          %gather3A_238 = tpu.vector_load_idx %arg9[%add3A_237] : memref<800xf32, #tpu.memory_space<vmem>>[vector<16xi32>], vector<16xf32>,
          %swap3A_239 = arith.index_cast %mul3A_223 : i32 to index
          %swap3A_240 = tpu.vector_load %arg19[%swap3A_239] {strides = array<i32>} : memref<8192xf32, #tpu.memory_space<vmem>>, vector<16xf32>,
          tpu.vector_store %arg19[%swap3A_239], %gather3A_238 {strides = array<i32>} : memref<8192xf32, #tpu.memory_space<vmem>>, vector<16xf32>,
          %scan3A_241 = arith.constant 0 : i32
          %scan3A_242 = arith.constant 7 : i32
          %scan3A_243 = arith.addi %scan3A_91, %scan3A_242 : i32
          %mul3A_244 = arith.constant 16 : i32
          %mul3A_245 = arith.muli %scan3A_243, %mul3A_244 : i32
          %get3A_246 = arith.index_cast %mul3A_245 : i32 to index
          %get3A_247 = tpu.vector_load %arg15[%get3A_246] {strides = array<i32>} : memref<8192xf32, #tpu.memory_space<vmem>>, vector<16xf32>,
          %ge3A_248 = arith.cmpf oge, %get3A_1, %get3A_247 : vector<16xf32>
          %get3A_249 = arith.index_cast %mul3A_245 : i32 to index
          %get3A_250 = tpu.vector_load %arg13[%get3A_249] {strides = array<i32>} : memref<8192xi32, #tpu.memory_space<vmem>>, vector<16xi32>,
          %get3A_251 = arith.index_cast %mul3A_245 : i32 to index
          %get3A_252 = tpu.vector_load %arg11[%get3A_251] {strides = array<i32>} : memref<8192xi32, #tpu.memory_space<vmem>>, vector<16xi32>,
          %select_n3A_253 = arith.select %ge3A_248, %get3A_250, %get3A_252 : vector<16xi1>, vector<16xi32>
          %mul3A_254 = arith.constant 100 : i32
          %mul3A_255 = vector.broadcast %mul3A_254 : i32 to vector<16xi32>
          %mul3A_256 = arith.muli %select_n3A_253, %mul3A_255 : vector<16xi32>
          %get3A_257 = arith.index_cast %mul3A_245 : i32 to index
          %get3A_258 = tpu.vector_load %arg17[%get3A_257] {strides = array<i32>} : memref<8192xi32, #tpu.memory_space<vmem>>, vector<16xi32>,
          %add3A_259 = arith.addi %mul3A_256, %get3A_258 : vector<16xi32>
          %gather3A_260 = tpu.vector_load_idx %arg9[%add3A_259] : memref<800xf32, #tpu.memory_space<vmem>>[vector<16xi32>], vector<16xf32>,
          %swap3A_261 = arith.index_cast %mul3A_245 : i32 to index
          %swap3A_262 = tpu.vector_load %arg19[%swap3A_261] {strides = array<i32>} : memref<8192xf32, #tpu.memory_space<vmem>>, vector<16xf32>,
          tpu.vector_store %arg19[%swap3A_261], %gather3A_260 {strides = array<i32>} : memref<8192xf32, #tpu.memory_space<vmem>>, vector<16xf32>,
          %scan3A_263 = arith.constant 0 : i32
          scf.yield %scan3A_263 : i32
        }
        %scan3A_83 = arith.constant 512 : i32
        %add3A_84 = arith.constant 64 : i32
        %add3A_85 = arith.addi %add3A_84, %add3A : i32
        %mul3A_86 = arith.constant 32 : i32
        %mul3A_87 = arith.muli %mul3A_39, %mul3A_86 : i32
        %add3A_88 = arith.addi %add3A_85, %mul3A_87 : i32
        %mul3A_89 = arith.constant 8192 : i32
        %mul3A_90 = arith.muli %add3A_88, %mul3A_89 : i32
        "tpu.region"() ({
          %run_scoped3A = tpu.sem_alloc : memref<!tpu.dma_semaphore, #tpu.memory_space<semaphore_mem>>
          %dma_start3A = tpu.memref_slice %arg8[%mul3A_90] : memref<1048576xf32, #tpu.memory_space<hbm>> -> memref<8192xf32, #tpu.memory_space<hbm>>
          %dma_start3A_91 = tpu.memref_slice %arg8[%mul3A_90] : memref<1048576xf32, #tpu.memory_space<hbm>> -> memref<8192xf32, #tpu.memory_space<hbm>>
          tpu.enqueue_dma source(%arg19 : memref<8192xf32, #tpu.memory_space<vmem>>) target(%dma_start3A_91 : memref<8192xf32, #tpu.memory_space<hbm>>) target_semaphore(%run_scoped3A : memref<!tpu.dma_semaphore, #tpu.memory_space<semaphore_mem>>)
          %dma_wait3A_92 = tpu.memref_slice %arg8[%mul3A_90] : memref<1048576xf32, #tpu.memory_space<hbm>> -> memref<8192xf32, #tpu.memory_space<hbm>>
          %dma_wait3A_93 = tpu.memref_slice %arg8[%mul3A_90] : memref<1048576xf32, #tpu.memory_space<hbm>> -> memref<8192xf32, #tpu.memory_space<hbm>>
          tpu.wait_dma2 semaphore(%run_scoped3A : memref<!tpu.dma_semaphore, #tpu.memory_space<semaphore_mem>>) src(%arg19 : memref<8192xf32, #tpu.memory_space<vmem>>) dst(%dma_wait3A_93 : memref<8192xf32, #tpu.memory_space<hbm>>)
          tpu.yield
        }) : () -> ()
      } else {
      }
      %add3A_49 = arith.constant 2 : i32
      %add3A_50 = arith.addi %mul3A_39, %add3A_49 : i32
      %lt3A_51 = arith.cmpi slt, %add3A_50, %select_n3A : i32
      %convert_element_type3A_52 = arith.extui %lt3A_51 : i1 to i32
      %cond3A_53 = arith.constant 0 : i32
      %cond3A_54 = arith.cmpi ne, %convert_element_type3A_52, %cond3A_53 : i32
      scf.if %cond3A_54 {
        %add3A_62 = arith.constant 2 : i32
        %add3A_63 = arith.addi %mul3A_39, %add3A_62 : i32
        %add3A_64 = arith.constant 64 : i32
        %add3A_65 = arith.addi %add3A_64, %add3A : i32
        %mul3A_66 = arith.constant 32 : i32
        %mul3A_67 = arith.muli %add3A_63, %mul3A_66 : i32
        %add3A_68 = arith.addi %add3A_65, %mul3A_67 : i32
        %mul3A_69 = arith.constant 8192 : i32
        %mul3A_70 = arith.muli %add3A_68, %mul3A_69 : i32
        %dma_start3A = tpu.memref_slice %arg2[%mul3A_70] : memref<1000000xi32, #tpu.memory_space<hbm>> -> memref<8192xi32, #tpu.memory_space<hbm>>
        %dma_start3A_71 = tpu.memref_slice %arg2[%mul3A_70] : memref<1000000xi32, #tpu.memory_space<hbm>> -> memref<8192xi32, #tpu.memory_space<hbm>>
        tpu.enqueue_dma source(%dma_start3A_71 : memref<8192xi32, #tpu.memory_space<hbm>>) target(%arg11 : memref<8192xi32, #tpu.memory_space<vmem>>) target_semaphore(%arg21 : memref<!tpu.dma_semaphore, #tpu.memory_space<semaphore_mem>>)
        %dma_start3A_72 = tpu.memref_slice %arg3[%mul3A_70] : memref<1000000xi32, #tpu.memory_space<hbm>> -> memref<8192xi32, #tpu.memory_space<hbm>>
        %dma_start3A_73 = tpu.memref_slice %arg3[%mul3A_70] : memref<1000000xi32, #tpu.memory_space<hbm>> -> memref<8192xi32, #tpu.memory_space<hbm>>
        tpu.enqueue_dma source(%dma_start3A_73 : memref<8192xi32, #tpu.memory_space<hbm>>) target(%arg13 : memref<8192xi32, #tpu.memory_space<vmem>>) target_semaphore(%arg21 : memref<!tpu.dma_semaphore, #tpu.memory_space<semaphore_mem>>)
        %dma_start3A_74 = tpu.memref_slice %arg4[%mul3A_70] : memref<1000000xf32, #tpu.memory_space<hbm>> -> memref<8192xf32, #tpu.memory_space<hbm>>
        %dma_start3A_75 = tpu.memref_slice %arg4[%mul3A_70] : memref<1000000xf32, #tpu.memory_space<hbm>> -> memref<8192xf32, #tpu.memory_space<hbm>>
        tpu.enqueue_dma source(%dma_start3A_75 : memref<8192xf32, #tpu.memory_space<hbm>>) target(%arg15 : memref<8192xf32, #tpu.memory_space<vmem>>) target_semaphore(%arg21 : memref<!tpu.dma_semaphore, #tpu.memory_space<semaphore_mem>>)
        %dma_start3A_76 = tpu.memref_slice %arg5[%mul3A_70] : memref<1000000xi32, #tpu.memory_space<hbm>> -> memref<8192xi32, #tpu.memory_space<hbm>>
        %dma_start3A_77 = tpu.memref_slice %arg5[%mul3A_70] : memref<1000000xi32, #tpu.memory_space<hbm>> -> memref<8192xi32, #tpu.memory_space<hbm>>
        tpu.enqueue_dma source(%dma_start3A_77 : memref<8192xi32, #tpu.memory_space<hbm>>) target(%arg17 : memref<8192xi32, #tpu.memory_space<vmem>>) target_semaphore(%arg21 : memref<!tpu.dma_semaphore, #tpu.memory_space<semaphore_mem>>)
      } else {
      }
      %add3A_55 = arith.constant 1 : i32
      %add3A_56 = arith.addi %mul3A_39, %add3A_55 : i32
      %lt3A_57 = arith.cmpi slt, %add3A_56, %select_n3A : i32
      %convert_element_type3A_58 = arith.extui %lt3A_57 : i1 to i32
      %cond3A_59 = arith.constant 0 : i32
      %cond3A_60 = arith.cmpi ne, %convert_element_type3A_58, %cond3A_59 : i32
      scf.if %cond3A_60 {
        %dma_wait3A = arith.constant 0 : i32
        %dma_wait3A_62 = tpu.memref_slice %arg2[%dma_wait3A] : memref<1000000xi32, #tpu.memory_space<hbm>> -> memref<8192xi32, #tpu.memory_space<hbm>>
        %dma_wait3A_63 = arith.constant 0 : i32
        %dma_wait3A_64 = tpu.memref_slice %arg2[%dma_wait3A_63] : memref<1000000xi32, #tpu.memory_space<hbm>> -> memref<8192xi32, #tpu.memory_space<hbm>>
        tpu.wait_dma2 semaphore(%arg22 : memref<!tpu.dma_semaphore, #tpu.memory_space<semaphore_mem>>) src(%dma_wait3A_64 : memref<8192xi32, #tpu.memory_space<hbm>>) dst(%arg12 : memref<8192xi32, #tpu.memory_space<vmem>>)
        %dma_wait3A_65 = arith.constant 0 : i32
        %dma_wait3A_66 = tpu.memref_slice %arg3[%dma_wait3A_65] : memref<1000000xi32, #tpu.memory_space<hbm>> -> memref<8192xi32, #tpu.memory_space<hbm>>
        %dma_wait3A_67 = arith.constant 0 : i32
        %dma_wait3A_68 = tpu.memref_slice %arg3[%dma_wait3A_67] : memref<1000000xi32, #tpu.memory_space<hbm>> -> memref<8192xi32, #tpu.memory_space<hbm>>
        tpu.wait_dma2 semaphore(%arg22 : memref<!tpu.dma_semaphore, #tpu.memory_space<semaphore_mem>>) src(%dma_wait3A_68 : memref<8192xi32, #tpu.memory_space<hbm>>) dst(%arg14 : memref<8192xi32, #tpu.memory_space<vmem>>)
        %dma_wait3A_69 = arith.constant 0 : i32
        %dma_wait3A_70 = tpu.memref_slice %arg4[%dma_wait3A_69] : memref<1000000xf32, #tpu.memory_space<hbm>> -> memref<8192xf32, #tpu.memory_space<hbm>>
        %dma_wait3A_71 = arith.constant 0 : i32
        %dma_wait3A_72 = tpu.memref_slice %arg4[%dma_wait3A_71] : memref<1000000xf32, #tpu.memory_space<hbm>> -> memref<8192xf32, #tpu.memory_space<hbm>>
        tpu.wait_dma2 semaphore(%arg22 : memref<!tpu.dma_semaphore, #tpu.memory_space<semaphore_mem>>) src(%dma_wait3A_72 : memref<8192xf32, #tpu.memory_space<hbm>>) dst(%arg16 : memref<8192xf32, #tpu.memory_space<vmem>>)
        %dma_wait3A_73 = arith.constant 0 : i32
        %dma_wait3A_74 = tpu.memref_slice %arg5[%dma_wait3A_73] : memref<1000000xi32, #tpu.memory_space<hbm>> -> memref<8192xi32, #tpu.memory_space<hbm>>
        %dma_wait3A_75 = arith.constant 0 : i32
        %dma_wait3A_76 = tpu.memref_slice %arg5[%dma_wait3A_75] : memref<1000000xi32, #tpu.memory_space<hbm>> -> memref<8192xi32, #tpu.memory_space<hbm>>
        tpu.wait_dma2 semaphore(%arg22 : memref<!tpu.dma_semaphore, #tpu.memory_space<semaphore_mem>>) src(%dma_wait3A_76 : memref<8192xi32, #tpu.memory_space<hbm>>) dst(%arg18 : memref<8192xi32, #tpu.memory_space<vmem>>)
        %add3A_77 = arith.constant 1 : i32
        %add3A_78 = arith.addi %mul3A_39, %add3A_77 : i32
        %scan3A_79 = arith.constant 0 : i32
        %scan3A_80 = arith.constant 0 : i32
        %scan3A_81 = arith.constant 512 : i32
        %scan3A_82 = arith.addi %scan3A_80, %scan3A_81 : i32
        %scan3A_83 = arith.constant 8 : i32
        %scan3A_84 = scf.for %scan3A_93 = %scan3A_80 to %scan3A_82 step %scan3A_83 iter_args(%scan3A_94 = %scan3A_79) -> (i32)  : i32 {
          %mul3A_95 = arith.constant 16 : i32
          %mul3A_96 = arith.muli %scan3A_93, %mul3A_95 : i32
          %get3A_97 = arith.index_cast %mul3A_96 : i32 to index
          %get3A_98 = tpu.vector_load %arg16[%get3A_97] {strides = array<i32>} : memref<8192xf32, #tpu.memory_space<vmem>>, vector<16xf32>,
          %ge3A = arith.cmpf oge, %get3A_1, %get3A_98 : vector<16xf32>
          %get3A_99 = arith.index_cast %mul3A_96 : i32 to index
          %get3A_100 = tpu.vector_load %arg14[%get3A_99] {strides = array<i32>} : memref<8192xi32, #tpu.memory_space<vmem>>, vector<16xi32>,
          %get3A_101 = arith.index_cast %mul3A_96 : i32 to index
          %get3A_102 = tpu.vector_load %arg12[%get3A_101] {strides = array<i32>} : memref<8192xi32, #tpu.memory_space<vmem>>, vector<16xi32>,
          %select_n3A_103 = arith.select %ge3A, %get3A_100, %get3A_102 : vector<16xi1>, vector<16xi32>
          %mul3A_104 = arith.constant 100 : i32
          %mul3A_105 = vector.broadcast %mul3A_104 : i32 to vector<16xi32>
          %mul3A_106 = arith.muli %select_n3A_103, %mul3A_105 : vector<16xi32>
          %get3A_107 = arith.index_cast %mul3A_96 : i32 to index
          %get3A_108 = tpu.vector_load %arg18[%get3A_107] {strides = array<i32>} : memref<8192xi32, #tpu.memory_space<vmem>>, vector<16xi32>,
          %add3A_109 = arith.addi %mul3A_106, %get3A_108 : vector<16xi32>
          %gather3A = tpu.vector_load_idx %arg9[%add3A_109] : memref<800xf32, #tpu.memory_space<vmem>>[vector<16xi32>], vector<16xf32>,
          %swap3A = arith.index_cast %mul3A_96 : i32 to index
          %swap3A_110 = tpu.vector_load %arg20[%swap3A] {strides = array<i32>} : memref<8192xf32, #tpu.memory_space<vmem>>, vector<16xf32>,
          tpu.vector_store %arg20[%swap3A], %gather3A {strides = array<i32>} : memref<8192xf32, #tpu.memory_space<vmem>>, vector<16xf32>,
          %scan3A_111 = arith.constant 0 : i32
          %scan3A_112 = arith.constant 1 : i32
          %scan3A_113 = arith.addi %scan3A_93, %scan3A_112 : i32
          %mul3A_114 = arith.constant 16 : i32
          %mul3A_115 = arith.muli %scan3A_113, %mul3A_114 : i32
          %get3A_116 = arith.index_cast %mul3A_115 : i32 to index
          %get3A_117 = tpu.vector_load %arg16[%get3A_116] {strides = array<i32>} : memref<8192xf32, #tpu.memory_space<vmem>>, vector<16xf32>,
          %ge3A_118 = arith.cmpf oge, %get3A_1, %get3A_117 : vector<16xf32>
          %get3A_119 = arith.index_cast %mul3A_115 : i32 to index
          %get3A_120 = tpu.vector_load %arg14[%get3A_119] {strides = array<i32>} : memref<8192xi32, #tpu.memory_space<vmem>>, vector<16xi32>,
          %get3A_121 = arith.index_cast %mul3A_115 : i32 to index
          %get3A_122 = tpu.vector_load %arg12[%get3A_121] {strides = array<i32>} : memref<8192xi32, #tpu.memory_space<vmem>>, vector<16xi32>,
          %select_n3A_123 = arith.select %ge3A_118, %get3A_120, %get3A_122 : vector<16xi1>, vector<16xi32>
          %mul3A_124 = arith.constant 100 : i32
          %mul3A_125 = vector.broadcast %mul3A_124 : i32 to vector<16xi32>
          %mul3A_126 = arith.muli %select_n3A_123, %mul3A_125 : vector<16xi32>
          %get3A_127 = arith.index_cast %mul3A_115 : i32 to index
          %get3A_128 = tpu.vector_load %arg18[%get3A_127] {strides = array<i32>} : memref<8192xi32, #tpu.memory_space<vmem>>, vector<16xi32>,
          %add3A_129 = arith.addi %mul3A_126, %get3A_128 : vector<16xi32>
          %gather3A_130 = tpu.vector_load_idx %arg9[%add3A_129] : memref<800xf32, #tpu.memory_space<vmem>>[vector<16xi32>], vector<16xf32>,
          %swap3A_131 = arith.index_cast %mul3A_115 : i32 to index
          %swap3A_132 = tpu.vector_load %arg20[%swap3A_131] {strides = array<i32>} : memref<8192xf32, #tpu.memory_space<vmem>>, vector<16xf32>,
          tpu.vector_store %arg20[%swap3A_131], %gather3A_130 {strides = array<i32>} : memref<8192xf32, #tpu.memory_space<vmem>>, vector<16xf32>,
          %scan3A_133 = arith.constant 0 : i32
          %scan3A_134 = arith.constant 2 : i32
          %scan3A_135 = arith.addi %scan3A_93, %scan3A_134 : i32
          %mul3A_136 = arith.constant 16 : i32
          %mul3A_137 = arith.muli %scan3A_135, %mul3A_136 : i32
          %get3A_138 = arith.index_cast %mul3A_137 : i32 to index
          %get3A_139 = tpu.vector_load %arg16[%get3A_138] {strides = array<i32>} : memref<8192xf32, #tpu.memory_space<vmem>>, vector<16xf32>,
          %ge3A_140 = arith.cmpf oge, %get3A_1, %get3A_139 : vector<16xf32>
          %get3A_141 = arith.index_cast %mul3A_137 : i32 to index
          %get3A_142 = tpu.vector_load %arg14[%get3A_141] {strides = array<i32>} : memref<8192xi32, #tpu.memory_space<vmem>>, vector<16xi32>,
          %get3A_143 = arith.index_cast %mul3A_137 : i32 to index
          %get3A_144 = tpu.vector_load %arg12[%get3A_143] {strides = array<i32>} : memref<8192xi32, #tpu.memory_space<vmem>>, vector<16xi32>,
          %select_n3A_145 = arith.select %ge3A_140, %get3A_142, %get3A_144 : vector<16xi1>, vector<16xi32>
          %mul3A_146 = arith.constant 100 : i32
          %mul3A_147 = vector.broadcast %mul3A_146 : i32 to vector<16xi32>
          %mul3A_148 = arith.muli %select_n3A_145, %mul3A_147 : vector<16xi32>
          %get3A_149 = arith.index_cast %mul3A_137 : i32 to index
          %get3A_150 = tpu.vector_load %arg18[%get3A_149] {strides = array<i32>} : memref<8192xi32, #tpu.memory_space<vmem>>, vector<16xi32>,
          %add3A_151 = arith.addi %mul3A_148, %get3A_150 : vector<16xi32>
          %gather3A_152 = tpu.vector_load_idx %arg9[%add3A_151] : memref<800xf32, #tpu.memory_space<vmem>>[vector<16xi32>], vector<16xf32>,
          %swap3A_153 = arith.index_cast %mul3A_137 : i32 to index
          %swap3A_154 = tpu.vector_load %arg20[%swap3A_153] {strides = array<i32>} : memref<8192xf32, #tpu.memory_space<vmem>>, vector<16xf32>,
          tpu.vector_store %arg20[%swap3A_153], %gather3A_152 {strides = array<i32>} : memref<8192xf32, #tpu.memory_space<vmem>>, vector<16xf32>,
          %scan3A_155 = arith.constant 0 : i32
          %scan3A_156 = arith.constant 3 : i32
          %scan3A_157 = arith.addi %scan3A_93, %scan3A_156 : i32
          %mul3A_158 = arith.constant 16 : i32
          %mul3A_159 = arith.muli %scan3A_157, %mul3A_158 : i32
          %get3A_160 = arith.index_cast %mul3A_159 : i32 to index
          %get3A_161 = tpu.vector_load %arg16[%get3A_160] {strides = array<i32>} : memref<8192xf32, #tpu.memory_space<vmem>>, vector<16xf32>,
          %ge3A_162 = arith.cmpf oge, %get3A_1, %get3A_161 : vector<16xf32>
          %get3A_163 = arith.index_cast %mul3A_159 : i32 to index
          %get3A_164 = tpu.vector_load %arg14[%get3A_163] {strides = array<i32>} : memref<8192xi32, #tpu.memory_space<vmem>>, vector<16xi32>,
          %get3A_165 = arith.index_cast %mul3A_159 : i32 to index
          %get3A_166 = tpu.vector_load %arg12[%get3A_165] {strides = array<i32>} : memref<8192xi32, #tpu.memory_space<vmem>>, vector<16xi32>,
          %select_n3A_167 = arith.select %ge3A_162, %get3A_164, %get3A_166 : vector<16xi1>, vector<16xi32>
          %mul3A_168 = arith.constant 100 : i32
          %mul3A_169 = vector.broadcast %mul3A_168 : i32 to vector<16xi32>
          %mul3A_170 = arith.muli %select_n3A_167, %mul3A_169 : vector<16xi32>
          %get3A_171 = arith.index_cast %mul3A_159 : i32 to index
          %get3A_172 = tpu.vector_load %arg18[%get3A_171] {strides = array<i32>} : memref<8192xi32, #tpu.memory_space<vmem>>, vector<16xi32>,
          %add3A_173 = arith.addi %mul3A_170, %get3A_172 : vector<16xi32>
          %gather3A_174 = tpu.vector_load_idx %arg9[%add3A_173] : memref<800xf32, #tpu.memory_space<vmem>>[vector<16xi32>], vector<16xf32>,
          %swap3A_175 = arith.index_cast %mul3A_159 : i32 to index
          %swap3A_176 = tpu.vector_load %arg20[%swap3A_175] {strides = array<i32>} : memref<8192xf32, #tpu.memory_space<vmem>>, vector<16xf32>,
          tpu.vector_store %arg20[%swap3A_175], %gather3A_174 {strides = array<i32>} : memref<8192xf32, #tpu.memory_space<vmem>>, vector<16xf32>,
          %scan3A_177 = arith.constant 0 : i32
          %scan3A_178 = arith.constant 4 : i32
          %scan3A_179 = arith.addi %scan3A_93, %scan3A_178 : i32
          %mul3A_180 = arith.constant 16 : i32
          %mul3A_181 = arith.muli %scan3A_179, %mul3A_180 : i32
          %get3A_182 = arith.index_cast %mul3A_181 : i32 to index
          %get3A_183 = tpu.vector_load %arg16[%get3A_182] {strides = array<i32>} : memref<8192xf32, #tpu.memory_space<vmem>>, vector<16xf32>,
          %ge3A_184 = arith.cmpf oge, %get3A_1, %get3A_183 : vector<16xf32>
          %get3A_185 = arith.index_cast %mul3A_181 : i32 to index
          %get3A_186 = tpu.vector_load %arg14[%get3A_185] {strides = array<i32>} : memref<8192xi32, #tpu.memory_space<vmem>>, vector<16xi32>,
          %get3A_187 = arith.index_cast %mul3A_181 : i32 to index
          %get3A_188 = tpu.vector_load %arg12[%get3A_187] {strides = array<i32>} : memref<8192xi32, #tpu.memory_space<vmem>>, vector<16xi32>,
          %select_n3A_189 = arith.select %ge3A_184, %get3A_186, %get3A_188 : vector<16xi1>, vector<16xi32>
          %mul3A_190 = arith.constant 100 : i32
          %mul3A_191 = vector.broadcast %mul3A_190 : i32 to vector<16xi32>
          %mul3A_192 = arith.muli %select_n3A_189, %mul3A_191 : vector<16xi32>
          %get3A_193 = arith.index_cast %mul3A_181 : i32 to index
          %get3A_194 = tpu.vector_load %arg18[%get3A_193] {strides = array<i32>} : memref<8192xi32, #tpu.memory_space<vmem>>, vector<16xi32>,
          %add3A_195 = arith.addi %mul3A_192, %get3A_194 : vector<16xi32>
          %gather3A_196 = tpu.vector_load_idx %arg9[%add3A_195] : memref<800xf32, #tpu.memory_space<vmem>>[vector<16xi32>], vector<16xf32>,
          %swap3A_197 = arith.index_cast %mul3A_181 : i32 to index
          %swap3A_198 = tpu.vector_load %arg20[%swap3A_197] {strides = array<i32>} : memref<8192xf32, #tpu.memory_space<vmem>>, vector<16xf32>,
          tpu.vector_store %arg20[%swap3A_197], %gather3A_196 {strides = array<i32>} : memref<8192xf32, #tpu.memory_space<vmem>>, vector<16xf32>,
          %scan3A_199 = arith.constant 0 : i32
          %scan3A_200 = arith.constant 5 : i32
          %scan3A_201 = arith.addi %scan3A_93, %scan3A_200 : i32
          %mul3A_202 = arith.constant 16 : i32
          %mul3A_203 = arith.muli %scan3A_201, %mul3A_202 : i32
          %get3A_204 = arith.index_cast %mul3A_203 : i32 to index
          %get3A_205 = tpu.vector_load %arg16[%get3A_204] {strides = array<i32>} : memref<8192xf32, #tpu.memory_space<vmem>>, vector<16xf32>,
          %ge3A_206 = arith.cmpf oge, %get3A_1, %get3A_205 : vector<16xf32>
          %get3A_207 = arith.index_cast %mul3A_203 : i32 to index
          %get3A_208 = tpu.vector_load %arg14[%get3A_207] {strides = array<i32>} : memref<8192xi32, #tpu.memory_space<vmem>>, vector<16xi32>,
          %get3A_209 = arith.index_cast %mul3A_203 : i32 to index
          %get3A_210 = tpu.vector_load %arg12[%get3A_209] {strides = array<i32>} : memref<8192xi32, #tpu.memory_space<vmem>>, vector<16xi32>,
          %select_n3A_211 = arith.select %ge3A_206, %get3A_208, %get3A_210 : vector<16xi1>, vector<16xi32>
          %mul3A_212 = arith.constant 100 : i32
          %mul3A_213 = vector.broadcast %mul3A_212 : i32 to vector<16xi32>
          %mul3A_214 = arith.muli %select_n3A_211, %mul3A_213 : vector<16xi32>
          %get3A_215 = arith.index_cast %mul3A_203 : i32 to index
          %get3A_216 = tpu.vector_load %arg18[%get3A_215] {strides = array<i32>} : memref<8192xi32, #tpu.memory_space<vmem>>, vector<16xi32>,
          %add3A_217 = arith.addi %mul3A_214, %get3A_216 : vector<16xi32>
          %gather3A_218 = tpu.vector_load_idx %arg9[%add3A_217] : memref<800xf32, #tpu.memory_space<vmem>>[vector<16xi32>], vector<16xf32>,
          %swap3A_219 = arith.index_cast %mul3A_203 : i32 to index
          %swap3A_220 = tpu.vector_load %arg20[%swap3A_219] {strides = array<i32>} : memref<8192xf32, #tpu.memory_space<vmem>>, vector<16xf32>,
          tpu.vector_store %arg20[%swap3A_219], %gather3A_218 {strides = array<i32>} : memref<8192xf32, #tpu.memory_space<vmem>>, vector<16xf32>,
          %scan3A_221 = arith.constant 0 : i32
          %scan3A_222 = arith.constant 6 : i32
          %scan3A_223 = arith.addi %scan3A_93, %scan3A_222 : i32
          %mul3A_224 = arith.constant 16 : i32
          %mul3A_225 = arith.muli %scan3A_223, %mul3A_224 : i32
          %get3A_226 = arith.index_cast %mul3A_225 : i32 to index
          %get3A_227 = tpu.vector_load %arg16[%get3A_226] {strides = array<i32>} : memref<8192xf32, #tpu.memory_space<vmem>>, vector<16xf32>,
          %ge3A_228 = arith.cmpf oge, %get3A_1, %get3A_227 : vector<16xf32>
          %get3A_229 = arith.index_cast %mul3A_225 : i32 to index
          %get3A_230 = tpu.vector_load %arg14[%get3A_229] {strides = array<i32>} : memref<8192xi32, #tpu.memory_space<vmem>>, vector<16xi32>,
          %get3A_231 = arith.index_cast %mul3A_225 : i32 to index
          %get3A_232 = tpu.vector_load %arg12[%get3A_231] {strides = array<i32>} : memref<8192xi32, #tpu.memory_space<vmem>>, vector<16xi32>,
          %select_n3A_233 = arith.select %ge3A_228, %get3A_230, %get3A_232 : vector<16xi1>, vector<16xi32>
          %mul3A_234 = arith.constant 100 : i32
          %mul3A_235 = vector.broadcast %mul3A_234 : i32 to vector<16xi32>
          %mul3A_236 = arith.muli %select_n3A_233, %mul3A_235 : vector<16xi32>
          %get3A_237 = arith.index_cast %mul3A_225 : i32 to index
          %get3A_238 = tpu.vector_load %arg18[%get3A_237] {strides = array<i32>} : memref<8192xi32, #tpu.memory_space<vmem>>, vector<16xi32>,
          %add3A_239 = arith.addi %mul3A_236, %get3A_238 : vector<16xi32>
          %gather3A_240 = tpu.vector_load_idx %arg9[%add3A_239] : memref<800xf32, #tpu.memory_space<vmem>>[vector<16xi32>], vector<16xf32>,
          %swap3A_241 = arith.index_cast %mul3A_225 : i32 to index
          %swap3A_242 = tpu.vector_load %arg20[%swap3A_241] {strides = array<i32>} : memref<8192xf32, #tpu.memory_space<vmem>>, vector<16xf32>,
          tpu.vector_store %arg20[%swap3A_241], %gather3A_240 {strides = array<i32>} : memref<8192xf32, #tpu.memory_space<vmem>>, vector<16xf32>,
          %scan3A_243 = arith.constant 0 : i32
          %scan3A_244 = arith.constant 7 : i32
          %scan3A_245 = arith.addi %scan3A_93, %scan3A_244 : i32
          %mul3A_246 = arith.constant 16 : i32
          %mul3A_247 = arith.muli %scan3A_245, %mul3A_246 : i32
          %get3A_248 = arith.index_cast %mul3A_247 : i32 to index
          %get3A_249 = tpu.vector_load %arg16[%get3A_248] {strides = array<i32>} : memref<8192xf32, #tpu.memory_space<vmem>>, vector<16xf32>,
          %ge3A_250 = arith.cmpf oge, %get3A_1, %get3A_249 : vector<16xf32>
          %get3A_251 = arith.index_cast %mul3A_247 : i32 to index
          %get3A_252 = tpu.vector_load %arg14[%get3A_251] {strides = array<i32>} : memref<8192xi32, #tpu.memory_space<vmem>>, vector<16xi32>,
          %get3A_253 = arith.index_cast %mul3A_247 : i32 to index
          %get3A_254 = tpu.vector_load %arg12[%get3A_253] {strides = array<i32>} : memref<8192xi32, #tpu.memory_space<vmem>>, vector<16xi32>,
          %select_n3A_255 = arith.select %ge3A_250, %get3A_252, %get3A_254 : vector<16xi1>, vector<16xi32>
          %mul3A_256 = arith.constant 100 : i32
          %mul3A_257 = vector.broadcast %mul3A_256 : i32 to vector<16xi32>
          %mul3A_258 = arith.muli %select_n3A_255, %mul3A_257 : vector<16xi32>
          %get3A_259 = arith.index_cast %mul3A_247 : i32 to index
          %get3A_260 = tpu.vector_load %arg18[%get3A_259] {strides = array<i32>} : memref<8192xi32, #tpu.memory_space<vmem>>, vector<16xi32>,
          %add3A_261 = arith.addi %mul3A_258, %get3A_260 : vector<16xi32>
          %gather3A_262 = tpu.vector_load_idx %arg9[%add3A_261] : memref<800xf32, #tpu.memory_space<vmem>>[vector<16xi32>], vector<16xf32>,
          %swap3A_263 = arith.index_cast %mul3A_247 : i32 to index
          %swap3A_264 = tpu.vector_load %arg20[%swap3A_263] {strides = array<i32>} : memref<8192xf32, #tpu.memory_space<vmem>>, vector<16xf32>,
          tpu.vector_store %arg20[%swap3A_263], %gather3A_262 {strides = array<i32>} : memref<8192xf32, #tpu.memory_space<vmem>>, vector<16xf32>,
          %scan3A_265 = arith.constant 0 : i32
          scf.yield %scan3A_265 : i32
        }
        %scan3A_85 = arith.constant 512 : i32
        %add3A_86 = arith.constant 64 : i32
        %add3A_87 = arith.addi %add3A_86, %add3A : i32
        %mul3A_88 = arith.constant 32 : i32
        %mul3A_89 = arith.muli %add3A_78, %mul3A_88 : i32
        %add3A_90 = arith.addi %add3A_87, %mul3A_89 : i32
        %mul3A_91 = arith.constant 8192 : i32
        %mul3A_92 = arith.muli %add3A_90, %mul3A_91 : i32
        "tpu.region"() ({
          %run_scoped3A = tpu.sem_alloc : memref<!tpu.dma_semaphore, #tpu.memory_space<semaphore_mem>>
          %dma_start3A = tpu.memref_slice %arg8[%mul3A_92] : memref<1048576xf32, #tpu.memory_space<hbm>> -> memref<8192xf32, #tpu.memory_space<hbm>>
          %dma_start3A_93 = tpu.memref_slice %arg8[%mul3A_92] : memref<1048576xf32, #tpu.memory_space<hbm>> -> memref<8192xf32, #tpu.memory_space<hbm>>
          tpu.enqueue_dma source(%arg20 : memref<8192xf32, #tpu.memory_space<vmem>>) target(%dma_start3A_93 : memref<8192xf32, #tpu.memory_space<hbm>>) target_semaphore(%run_scoped3A : memref<!tpu.dma_semaphore, #tpu.memory_space<semaphore_mem>>)
          %dma_wait3A_94 = tpu.memref_slice %arg8[%mul3A_92] : memref<1048576xf32, #tpu.memory_space<hbm>> -> memref<8192xf32, #tpu.memory_space<hbm>>
          %dma_wait3A_95 = tpu.memref_slice %arg8[%mul3A_92] : memref<1048576xf32, #tpu.memory_space<hbm>> -> memref<8192xf32, #tpu.memory_space<hbm>>
          tpu.wait_dma2 semaphore(%run_scoped3A : memref<!tpu.dma_semaphore, #tpu.memory_space<semaphore_mem>>) src(%arg20 : memref<8192xf32, #tpu.memory_space<vmem>>) dst(%dma_wait3A_95 : memref<8192xf32, #tpu.memory_space<hbm>>)
          tpu.yield
        }) : () -> ()
      } else {
      }
      %scan3A_61 = arith.constant 0 : i32
      scf.yield %scan3A_61 : i32
    }
    %scan3A_35 = arith.constant 2 : i32
    return
  }
}

module attributes {stable_mosaic.version = 14 : i64} {
  func.func @_tca_body(%arg0: i32, %arg1: memref<1024x128xf32, #tpu.memory_space<vmem>>) attributes {dimension_semantics = [#tpu.dimension_semantics<arbitrary>], iteration_bounds = array<i64: 8>, scalar_prefetch = 0 : i64, scratch_operands = 0 : i64, tpu.core_type = #tpu.core_type<tc>, window_params = [{transform_indices = @transform_0, window_bounds = array<i64: 1024, 128>}]} {
    %add3A = arith.constant 0 : i32
    %add3A_0 = arith.addi %arg0, %add3A : i32
    %iota3A = tpu.iota {dimensions = array<i32: 0>} : vector<1024x128xi32>
    %iota3A_1 = tpu.iota {dimensions = array<i32: 1>} : vector<1024x128xi32>
    %mul3A = arith.constant 131072 : i32
    %mul3A_2 = arith.muli %add3A_0, %mul3A : i32
    %mul3A_3 = arith.constant 128 : i32
    %mul3A_4 = vector.broadcast %mul3A_3 : i32 to vector<1024x128xi32>
    %mul3A_5 = arith.muli %iota3A, %mul3A_4 : vector<1024x128xi32>
    %add3A_6 = vector.broadcast %mul3A_2 : i32 to vector<1024x128xi32>
    %add3A_7 = arith.addi %add3A_6, %mul3A_5 : vector<1024x128xi32>
    %add3A_8 = arith.addi %add3A_7, %iota3A_1 : vector<1024x128xi32>
    %xor3A = arith.constant 1264997412 : i32
    %xor3A_9 = arith.constant -1776851121 : i32
    %xor3A_10 = arith.xori %xor3A, %xor3A_9 : i32
    %xor3A_11 = arith.constant 466688986 : i32
    %xor3A_12 = arith.xori %xor3A_10, %xor3A_11 : i32
    %broadcast_in_dim3A = arith.constant 1264997412 : i32
    %broadcast_in_dim3A_13 = vector.broadcast %broadcast_in_dim3A : i32 to vector<1024x128xi32>
    %add3A_14 = arith.constant -1776851121 : i32
    %add3A_15 = vector.broadcast %add3A_14 : i32 to vector<1024x128xi32>
    %add3A_16 = arith.addi %add3A_8, %add3A_15 : vector<1024x128xi32>
    %add3A_17 = arith.addi %broadcast_in_dim3A_13, %add3A_16 : vector<1024x128xi32>
    %shift_left3A = arith.constant 13 : i32
    %shift_left3A_18 = vector.broadcast %shift_left3A : i32 to vector<1024x128xi32>
    %shift_left3A_19 = arith.shli %add3A_16, %shift_left3A_18 : vector<1024x128xi32>
    %shift_right_logical3A = arith.constant 19 : i32
    %shift_right_logical3A_20 = vector.broadcast %shift_right_logical3A : i32 to vector<1024x128xi32>
    %shift_right_logical3A_21 = arith.shrui %add3A_16, %shift_right_logical3A_20 : vector<1024x128xi32>
    %or3A = arith.ori %shift_left3A_19, %shift_right_logical3A_21 : vector<1024x128xi32>
    %xor3A_22 = arith.xori %or3A, %add3A_17 : vector<1024x128xi32>
    %add3A_23 = arith.addi %add3A_17, %xor3A_22 : vector<1024x128xi32>
    %shift_left3A_24 = arith.constant 15 : i32
    %shift_left3A_25 = vector.broadcast %shift_left3A_24 : i32 to vector<1024x128xi32>
    %shift_left3A_26 = arith.shli %xor3A_22, %shift_left3A_25 : vector<1024x128xi32>
    %shift_right_logical3A_27 = arith.constant 17 : i32
    %shift_right_logical3A_28 = vector.broadcast %shift_right_logical3A_27 : i32 to vector<1024x128xi32>
    %shift_right_logical3A_29 = arith.shrui %xor3A_22, %shift_right_logical3A_28 : vector<1024x128xi32>
    %or3A_30 = arith.ori %shift_left3A_26, %shift_right_logical3A_29 : vector<1024x128xi32>
    %xor3A_31 = arith.xori %or3A_30, %add3A_23 : vector<1024x128xi32>
    %add3A_32 = arith.addi %add3A_23, %xor3A_31 : vector<1024x128xi32>
    %shift_left3A_33 = arith.constant 26 : i32
    %shift_left3A_34 = vector.broadcast %shift_left3A_33 : i32 to vector<1024x128xi32>
    %shift_left3A_35 = arith.shli %xor3A_31, %shift_left3A_34 : vector<1024x128xi32>
    %shift_right_logical3A_36 = arith.constant 6 : i32
    %shift_right_logical3A_37 = vector.broadcast %shift_right_logical3A_36 : i32 to vector<1024x128xi32>
    %shift_right_logical3A_38 = arith.shrui %xor3A_31, %shift_right_logical3A_37 : vector<1024x128xi32>
    %or3A_39 = arith.ori %shift_left3A_35, %shift_right_logical3A_38 : vector<1024x128xi32>
    %xor3A_40 = arith.xori %or3A_39, %add3A_32 : vector<1024x128xi32>
    %add3A_41 = arith.addi %add3A_32, %xor3A_40 : vector<1024x128xi32>
    %shift_left3A_42 = arith.constant 6 : i32
    %shift_left3A_43 = vector.broadcast %shift_left3A_42 : i32 to vector<1024x128xi32>
    %shift_left3A_44 = arith.shli %xor3A_40, %shift_left3A_43 : vector<1024x128xi32>
    %shift_right_logical3A_45 = arith.constant 26 : i32
    %shift_right_logical3A_46 = vector.broadcast %shift_right_logical3A_45 : i32 to vector<1024x128xi32>
    %shift_right_logical3A_47 = arith.shrui %xor3A_40, %shift_right_logical3A_46 : vector<1024x128xi32>
    %or3A_48 = arith.ori %shift_left3A_44, %shift_right_logical3A_47 : vector<1024x128xi32>
    %xor3A_49 = arith.xori %or3A_48, %add3A_41 : vector<1024x128xi32>
    %add3A_50 = arith.constant -1776851121 : i32
    %add3A_51 = vector.broadcast %add3A_50 : i32 to vector<1024x128xi32>
    %add3A_52 = arith.addi %add3A_41, %add3A_51 : vector<1024x128xi32>
    %add3A_53 = vector.broadcast %xor3A_12 : i32 to vector<1024x128xi32>
    %add3A_54 = arith.addi %xor3A_49, %add3A_53 : vector<1024x128xi32>
    %add3A_55 = arith.constant 1 : i32
    %add3A_56 = vector.broadcast %add3A_55 : i32 to vector<1024x128xi32>
    %add3A_57 = arith.addi %add3A_54, %add3A_56 : vector<1024x128xi32>
    %add3A_58 = arith.addi %add3A_52, %add3A_57 : vector<1024x128xi32>
    %shift_left3A_59 = arith.constant 17 : i32
    %shift_left3A_60 = vector.broadcast %shift_left3A_59 : i32 to vector<1024x128xi32>
    %shift_left3A_61 = arith.shli %add3A_57, %shift_left3A_60 : vector<1024x128xi32>
    %shift_right_logical3A_62 = arith.constant 15 : i32
    %shift_right_logical3A_63 = vector.broadcast %shift_right_logical3A_62 : i32 to vector<1024x128xi32>
    %shift_right_logical3A_64 = arith.shrui %add3A_57, %shift_right_logical3A_63 : vector<1024x128xi32>
    %or3A_65 = arith.ori %shift_left3A_61, %shift_right_logical3A_64 : vector<1024x128xi32>
    %xor3A_66 = arith.xori %or3A_65, %add3A_58 : vector<1024x128xi32>
    %add3A_67 = arith.addi %add3A_58, %xor3A_66 : vector<1024x128xi32>
    %shift_left3A_68 = arith.constant 29 : i32
    %shift_left3A_69 = vector.broadcast %shift_left3A_68 : i32 to vector<1024x128xi32>
    %shift_left3A_70 = arith.shli %xor3A_66, %shift_left3A_69 : vector<1024x128xi32>
    %shift_right_logical3A_71 = arith.constant 3 : i32
    %shift_right_logical3A_72 = vector.broadcast %shift_right_logical3A_71 : i32 to vector<1024x128xi32>
    %shift_right_logical3A_73 = arith.shrui %xor3A_66, %shift_right_logical3A_72 : vector<1024x128xi32>
    %or3A_74 = arith.ori %shift_left3A_70, %shift_right_logical3A_73 : vector<1024x128xi32>
    %xor3A_75 = arith.xori %or3A_74, %add3A_67 : vector<1024x128xi32>
    %add3A_76 = arith.addi %add3A_67, %xor3A_75 : vector<1024x128xi32>
    %shift_left3A_77 = arith.constant 16 : i32
    %shift_left3A_78 = vector.broadcast %shift_left3A_77 : i32 to vector<1024x128xi32>
    %shift_left3A_79 = arith.shli %xor3A_75, %shift_left3A_78 : vector<1024x128xi32>
    %shift_right_logical3A_80 = arith.constant 16 : i32
    %shift_right_logical3A_81 = vector.broadcast %shift_right_logical3A_80 : i32 to vector<1024x128xi32>
    %shift_right_logical3A_82 = arith.shrui %xor3A_75, %shift_right_logical3A_81 : vector<1024x128xi32>
    %or3A_83 = arith.ori %shift_left3A_79, %shift_right_logical3A_82 : vector<1024x128xi32>
    %xor3A_84 = arith.xori %or3A_83, %add3A_76 : vector<1024x128xi32>
    %add3A_85 = arith.addi %add3A_76, %xor3A_84 : vector<1024x128xi32>
    %shift_left3A_86 = arith.constant 24 : i32
    %shift_left3A_87 = vector.broadcast %shift_left3A_86 : i32 to vector<1024x128xi32>
    %shift_left3A_88 = arith.shli %xor3A_84, %shift_left3A_87 : vector<1024x128xi32>
    %shift_right_logical3A_89 = arith.constant 8 : i32
    %shift_right_logical3A_90 = vector.broadcast %shift_right_logical3A_89 : i32 to vector<1024x128xi32>
    %shift_right_logical3A_91 = arith.shrui %xor3A_84, %shift_right_logical3A_90 : vector<1024x128xi32>
    %or3A_92 = arith.ori %shift_left3A_88, %shift_right_logical3A_91 : vector<1024x128xi32>
    %xor3A_93 = arith.xori %or3A_92, %add3A_85 : vector<1024x128xi32>
    %add3A_94 = vector.broadcast %xor3A_12 : i32 to vector<1024x128xi32>
    %add3A_95 = arith.addi %add3A_85, %add3A_94 : vector<1024x128xi32>
    %add3A_96 = arith.constant 1264997412 : i32
    %add3A_97 = vector.broadcast %add3A_96 : i32 to vector<1024x128xi32>
    %add3A_98 = arith.addi %xor3A_93, %add3A_97 : vector<1024x128xi32>
    %add3A_99 = arith.constant 2 : i32
    %add3A_100 = vector.broadcast %add3A_99 : i32 to vector<1024x128xi32>
    %add3A_101 = arith.addi %add3A_98, %add3A_100 : vector<1024x128xi32>
    %add3A_102 = arith.addi %add3A_95, %add3A_101 : vector<1024x128xi32>
    %shift_left3A_103 = arith.constant 13 : i32
    %shift_left3A_104 = vector.broadcast %shift_left3A_103 : i32 to vector<1024x128xi32>
    %shift_left3A_105 = arith.shli %add3A_101, %shift_left3A_104 : vector<1024x128xi32>
    %shift_right_logical3A_106 = arith.constant 19 : i32
    %shift_right_logical3A_107 = vector.broadcast %shift_right_logical3A_106 : i32 to vector<1024x128xi32>
    %shift_right_logical3A_108 = arith.shrui %add3A_101, %shift_right_logical3A_107 : vector<1024x128xi32>
    %or3A_109 = arith.ori %shift_left3A_105, %shift_right_logical3A_108 : vector<1024x128xi32>
    %xor3A_110 = arith.xori %or3A_109, %add3A_102 : vector<1024x128xi32>
    %add3A_111 = arith.addi %add3A_102, %xor3A_110 : vector<1024x128xi32>
    %shift_left3A_112 = arith.constant 15 : i32
    %shift_left3A_113 = vector.broadcast %shift_left3A_112 : i32 to vector<1024x128xi32>
    %shift_left3A_114 = arith.shli %xor3A_110, %shift_left3A_113 : vector<1024x128xi32>
    %shift_right_logical3A_115 = arith.constant 17 : i32
    %shift_right_logical3A_116 = vector.broadcast %shift_right_logical3A_115 : i32 to vector<1024x128xi32>
    %shift_right_logical3A_117 = arith.shrui %xor3A_110, %shift_right_logical3A_116 : vector<1024x128xi32>
    %or3A_118 = arith.ori %shift_left3A_114, %shift_right_logical3A_117 : vector<1024x128xi32>
    %xor3A_119 = arith.xori %or3A_118, %add3A_111 : vector<1024x128xi32>
    %add3A_120 = arith.addi %add3A_111, %xor3A_119 : vector<1024x128xi32>
    %shift_left3A_121 = arith.constant 26 : i32
    %shift_left3A_122 = vector.broadcast %shift_left3A_121 : i32 to vector<1024x128xi32>
    %shift_left3A_123 = arith.shli %xor3A_119, %shift_left3A_122 : vector<1024x128xi32>
    %shift_right_logical3A_124 = arith.constant 6 : i32
    %shift_right_logical3A_125 = vector.broadcast %shift_right_logical3A_124 : i32 to vector<1024x128xi32>
    %shift_right_logical3A_126 = arith.shrui %xor3A_119, %shift_right_logical3A_125 : vector<1024x128xi32>
    %or3A_127 = arith.ori %shift_left3A_123, %shift_right_logical3A_126 : vector<1024x128xi32>
    %xor3A_128 = arith.xori %or3A_127, %add3A_120 : vector<1024x128xi32>
    %add3A_129 = arith.addi %add3A_120, %xor3A_128 : vector<1024x128xi32>
    %shift_left3A_130 = arith.constant 6 : i32
    %shift_left3A_131 = vector.broadcast %shift_left3A_130 : i32 to vector<1024x128xi32>
    %shift_left3A_132 = arith.shli %xor3A_128, %shift_left3A_131 : vector<1024x128xi32>
    %shift_right_logical3A_133 = arith.constant 26 : i32
    %shift_right_logical3A_134 = vector.broadcast %shift_right_logical3A_133 : i32 to vector<1024x128xi32>
    %shift_right_logical3A_135 = arith.shrui %xor3A_128, %shift_right_logical3A_134 : vector<1024x128xi32>
    %or3A_136 = arith.ori %shift_left3A_132, %shift_right_logical3A_135 : vector<1024x128xi32>
    %xor3A_137 = arith.xori %or3A_136, %add3A_129 : vector<1024x128xi32>
    %add3A_138 = arith.constant 1264997412 : i32
    %add3A_139 = vector.broadcast %add3A_138 : i32 to vector<1024x128xi32>
    %add3A_140 = arith.addi %add3A_129, %add3A_139 : vector<1024x128xi32>
    %add3A_141 = arith.constant -1776851121 : i32
    %add3A_142 = vector.broadcast %add3A_141 : i32 to vector<1024x128xi32>
    %add3A_143 = arith.addi %xor3A_137, %add3A_142 : vector<1024x128xi32>
    %add3A_144 = arith.constant 3 : i32
    %add3A_145 = vector.broadcast %add3A_144 : i32 to vector<1024x128xi32>
    %add3A_146 = arith.addi %add3A_143, %add3A_145 : vector<1024x128xi32>
    %add3A_147 = arith.addi %add3A_140, %add3A_146 : vector<1024x128xi32>
    %shift_left3A_148 = arith.constant 17 : i32
    %shift_left3A_149 = vector.broadcast %shift_left3A_148 : i32 to vector<1024x128xi32>
    %shift_left3A_150 = arith.shli %add3A_146, %shift_left3A_149 : vector<1024x128xi32>
    %shift_right_logical3A_151 = arith.constant 15 : i32
    %shift_right_logical3A_152 = vector.broadcast %shift_right_logical3A_151 : i32 to vector<1024x128xi32>
    %shift_right_logical3A_153 = arith.shrui %add3A_146, %shift_right_logical3A_152 : vector<1024x128xi32>
    %or3A_154 = arith.ori %shift_left3A_150, %shift_right_logical3A_153 : vector<1024x128xi32>
    %xor3A_155 = arith.xori %or3A_154, %add3A_147 : vector<1024x128xi32>
    %add3A_156 = arith.addi %add3A_147, %xor3A_155 : vector<1024x128xi32>
    %shift_left3A_157 = arith.constant 29 : i32
    %shift_left3A_158 = vector.broadcast %shift_left3A_157 : i32 to vector<1024x128xi32>
    %shift_left3A_159 = arith.shli %xor3A_155, %shift_left3A_158 : vector<1024x128xi32>
    %shift_right_logical3A_160 = arith.constant 3 : i32
    %shift_right_logical3A_161 = vector.broadcast %shift_right_logical3A_160 : i32 to vector<1024x128xi32>
    %shift_right_logical3A_162 = arith.shrui %xor3A_155, %shift_right_logical3A_161 : vector<1024x128xi32>
    %or3A_163 = arith.ori %shift_left3A_159, %shift_right_logical3A_162 : vector<1024x128xi32>
    %xor3A_164 = arith.xori %or3A_163, %add3A_156 : vector<1024x128xi32>
    %add3A_165 = arith.addi %add3A_156, %xor3A_164 : vector<1024x128xi32>
    %shift_left3A_166 = arith.constant 16 : i32
    %shift_left3A_167 = vector.broadcast %shift_left3A_166 : i32 to vector<1024x128xi32>
    %shift_left3A_168 = arith.shli %xor3A_164, %shift_left3A_167 : vector<1024x128xi32>
    %shift_right_logical3A_169 = arith.constant 16 : i32
    %shift_right_logical3A_170 = vector.broadcast %shift_right_logical3A_169 : i32 to vector<1024x128xi32>
    %shift_right_logical3A_171 = arith.shrui %xor3A_164, %shift_right_logical3A_170 : vector<1024x128xi32>
    %or3A_172 = arith.ori %shift_left3A_168, %shift_right_logical3A_171 : vector<1024x128xi32>
    %xor3A_173 = arith.xori %or3A_172, %add3A_165 : vector<1024x128xi32>
    %add3A_174 = arith.addi %add3A_165, %xor3A_173 : vector<1024x128xi32>
    %shift_left3A_175 = arith.constant 24 : i32
    %shift_left3A_176 = vector.broadcast %shift_left3A_175 : i32 to vector<1024x128xi32>
    %shift_left3A_177 = arith.shli %xor3A_173, %shift_left3A_176 : vector<1024x128xi32>
    %shift_right_logical3A_178 = arith.constant 8 : i32
    %shift_right_logical3A_179 = vector.broadcast %shift_right_logical3A_178 : i32 to vector<1024x128xi32>
    %shift_right_logical3A_180 = arith.shrui %xor3A_173, %shift_right_logical3A_179 : vector<1024x128xi32>
    %or3A_181 = arith.ori %shift_left3A_177, %shift_right_logical3A_180 : vector<1024x128xi32>
    %xor3A_182 = arith.xori %or3A_181, %add3A_174 : vector<1024x128xi32>
    %add3A_183 = arith.constant -1776851121 : i32
    %add3A_184 = vector.broadcast %add3A_183 : i32 to vector<1024x128xi32>
    %add3A_185 = arith.addi %add3A_174, %add3A_184 : vector<1024x128xi32>
    %add3A_186 = vector.broadcast %xor3A_12 : i32 to vector<1024x128xi32>
    %add3A_187 = arith.addi %xor3A_182, %add3A_186 : vector<1024x128xi32>
    %add3A_188 = arith.constant 4 : i32
    %add3A_189 = vector.broadcast %add3A_188 : i32 to vector<1024x128xi32>
    %add3A_190 = arith.addi %add3A_187, %add3A_189 : vector<1024x128xi32>
    %add3A_191 = arith.addi %add3A_185, %add3A_190 : vector<1024x128xi32>
    %shift_left3A_192 = arith.constant 13 : i32
    %shift_left3A_193 = vector.broadcast %shift_left3A_192 : i32 to vector<1024x128xi32>
    %shift_left3A_194 = arith.shli %add3A_190, %shift_left3A_193 : vector<1024x128xi32>
    %shift_right_logical3A_195 = arith.constant 19 : i32
    %shift_right_logical3A_196 = vector.broadcast %shift_right_logical3A_195 : i32 to vector<1024x128xi32>
    %shift_right_logical3A_197 = arith.shrui %add3A_190, %shift_right_logical3A_196 : vector<1024x128xi32>
    %or3A_198 = arith.ori %shift_left3A_194, %shift_right_logical3A_197 : vector<1024x128xi32>
    %xor3A_199 = arith.xori %or3A_198, %add3A_191 : vector<1024x128xi32>
    %add3A_200 = arith.addi %add3A_191, %xor3A_199 : vector<1024x128xi32>
    %shift_left3A_201 = arith.constant 15 : i32
    %shift_left3A_202 = vector.broadcast %shift_left3A_201 : i32 to vector<1024x128xi32>
    %shift_left3A_203 = arith.shli %xor3A_199, %shift_left3A_202 : vector<1024x128xi32>
    %shift_right_logical3A_204 = arith.constant 17 : i32
    %shift_right_logical3A_205 = vector.broadcast %shift_right_logical3A_204 : i32 to vector<1024x128xi32>
    %shift_right_logical3A_206 = arith.shrui %xor3A_199, %shift_right_logical3A_205 : vector<1024x128xi32>
    %or3A_207 = arith.ori %shift_left3A_203, %shift_right_logical3A_206 : vector<1024x128xi32>
    %xor3A_208 = arith.xori %or3A_207, %add3A_200 : vector<1024x128xi32>
    %add3A_209 = arith.addi %add3A_200, %xor3A_208 : vector<1024x128xi32>
    %shift_left3A_210 = arith.constant 26 : i32
    %shift_left3A_211 = vector.broadcast %shift_left3A_210 : i32 to vector<1024x128xi32>
    %shift_left3A_212 = arith.shli %xor3A_208, %shift_left3A_211 : vector<1024x128xi32>
    %shift_right_logical3A_213 = arith.constant 6 : i32
    %shift_right_logical3A_214 = vector.broadcast %shift_right_logical3A_213 : i32 to vector<1024x128xi32>
    %shift_right_logical3A_215 = arith.shrui %xor3A_208, %shift_right_logical3A_214 : vector<1024x128xi32>
    %or3A_216 = arith.ori %shift_left3A_212, %shift_right_logical3A_215 : vector<1024x128xi32>
    %xor3A_217 = arith.xori %or3A_216, %add3A_209 : vector<1024x128xi32>
    %add3A_218 = arith.addi %add3A_209, %xor3A_217 : vector<1024x128xi32>
    %shift_left3A_219 = arith.constant 6 : i32
    %shift_left3A_220 = vector.broadcast %shift_left3A_219 : i32 to vector<1024x128xi32>
    %shift_left3A_221 = arith.shli %xor3A_217, %shift_left3A_220 : vector<1024x128xi32>
    %shift_right_logical3A_222 = arith.constant 26 : i32
    %shift_right_logical3A_223 = vector.broadcast %shift_right_logical3A_222 : i32 to vector<1024x128xi32>
    %shift_right_logical3A_224 = arith.shrui %xor3A_217, %shift_right_logical3A_223 : vector<1024x128xi32>
    %or3A_225 = arith.ori %shift_left3A_221, %shift_right_logical3A_224 : vector<1024x128xi32>
    %xor3A_226 = arith.xori %or3A_225, %add3A_218 : vector<1024x128xi32>
    %add3A_227 = vector.broadcast %xor3A_12 : i32 to vector<1024x128xi32>
    %add3A_228 = arith.addi %add3A_218, %add3A_227 : vector<1024x128xi32>
    %add3A_229 = arith.constant 1264997412 : i32
    %add3A_230 = vector.broadcast %add3A_229 : i32 to vector<1024x128xi32>
    %add3A_231 = arith.addi %xor3A_226, %add3A_230 : vector<1024x128xi32>
    %add3A_232 = arith.constant 5 : i32
    %add3A_233 = vector.broadcast %add3A_232 : i32 to vector<1024x128xi32>
    %add3A_234 = arith.addi %add3A_231, %add3A_233 : vector<1024x128xi32>
    %xor3A_235 = arith.xori %add3A_228, %add3A_234 : vector<1024x128xi32>
    %shift_right_logical3A_236 = arith.constant 9 : i32
    %shift_right_logical3A_237 = vector.broadcast %shift_right_logical3A_236 : i32 to vector<1024x128xi32>
    %shift_right_logical3A_238 = arith.shrui %xor3A_235, %shift_right_logical3A_237 : vector<1024x128xi32>
    %or3A_239 = arith.constant 1065353216 : i32
    %or3A_240 = vector.broadcast %or3A_239 : i32 to vector<1024x128xi32>
    %or3A_241 = arith.ori %shift_right_logical3A_238, %or3A_240 : vector<1024x128xi32>
    %bitcast_convert_type3A = tpu.bitcast %or3A_241 : vector<1024x128xi32> -> vector<1024x128xf32>
    %sub3A = arith.constant 1.000000e+00 : f32
    %sub3A_242 = vector.broadcast %sub3A : f32 to vector<1024x128xf32>
    %sub3A_243 = arith.subf %bitcast_convert_type3A, %sub3A_242 : vector<1024x128xf32>
    %max3A = arith.constant 0.000000e+00 : f32
    %max3A_244 = vector.broadcast %max3A : f32 to vector<1024x128xf32>
    %max3A_245 = arith.maximumf %max3A_244, %sub3A_243 : vector<1024x128xf32>
    %swap3A = arith.constant 0 : index
    %swap3A_246 = arith.constant 0 : index
    %swap3A_247 = vector.load %arg1[%swap3A, %swap3A_246] : memref<1024x128xf32, #tpu.memory_space<vmem>>, vector<1024x128xf32>
    tpu.vector_store %arg1[%swap3A, %swap3A_246], %max3A_245 {strides = array<i32>} : memref<1024x128xf32, #tpu.memory_space<vmem>>, vector<1024x128xf32>,
    return
  }
  func.func @transform_0(%arg0: i32) -> (i32, i32) {
    %c0_i32 = arith.constant 0 : i32
    %c0_i32_0 = arith.constant 0 : i32
    return %arg0, %c0_i32 : i32, i32
  }
}

module attributes {stable_mosaic.version = 14 : i64} {
  func.func @_tcb_body(%arg0: i32, %arg1: memref<1xf32, #tpu.memory_space<smem>>, %arg2: memref<5x8xf32, #tpu.memory_space<smem>>, %arg3: memref<1024x128xi32, #tpu.memory_space<vmem>>, %arg4: memref<1024x128xi32, #tpu.memory_space<vmem>>, %arg5: memref<1024x128xf32, #tpu.memory_space<vmem>>, %arg6: memref<1024x128xf32, #tpu.memory_space<vmem>>, %arg7: memref<1024x128xf32, #tpu.memory_space<vmem>>, %arg8: memref<1024x128xf32, #tpu.memory_space<vmem>>, %arg9: memref<1024x128xf32, #tpu.memory_space<vmem>>, %arg10: memref<1024x128xf32, #tpu.memory_space<vmem>>) attributes {dimension_semantics = [#tpu.dimension_semantics<arbitrary>], iteration_bounds = array<i64: 4>, scalar_prefetch = 0 : i64, scratch_operands = 0 : i64, tpu.core_type = #tpu.core_type<tc>, window_params = [{transform_indices = @transform_0, window_bounds = array<i64: 1>}, {transform_indices = @transform_1, window_bounds = array<i64: 5, 8>}, {transform_indices = @transform_2, window_bounds = array<i64: 1024, 128>}, {transform_indices = @transform_3, window_bounds = array<i64: 1024, 128>}, {transform_indices = @transform_4, window_bounds = array<i64: 1024, 128>}, {transform_indices = @transform_5, window_bounds = array<i64: 1024, 128>}, {transform_indices = @transform_6, window_bounds = array<i64: 1024, 128>}, {transform_indices = @transform_7, window_bounds = array<i64: 1024, 128>}, {transform_indices = @transform_8, window_bounds = array<i64: 1024, 128>}, {transform_indices = @transform_9, window_bounds = array<i64: 1024, 128>}]} {
    %get3A = arith.constant 0 : index
    %get3A_0 = memref.load %arg1[%get3A] : memref<1xf32, #tpu.memory_space<smem>>
    %get3A_1 = arith.constant 0 : index
    %get3A_2 = arith.constant 0 : index
    %get3A_3 = vector.load %arg3[%get3A_1, %get3A_2] : memref<1024x128xi32, #tpu.memory_space<vmem>>, vector<1024x128xi32>
    %convert_element_type3A = arith.sitofp %get3A_3 : vector<1024x128xi32> to vector<1024x128xf32>
    %get3A_4 = arith.constant 0 : index
    %get3A_5 = arith.constant 0 : index
    %get3A_6 = vector.load %arg4[%get3A_4, %get3A_5] : memref<1024x128xi32, #tpu.memory_space<vmem>>, vector<1024x128xi32>
    %convert_element_type3A_7 = arith.sitofp %get3A_6 : vector<1024x128xi32> to vector<1024x128xf32>
    %get3A_8 = arith.constant 0 : index
    %get3A_9 = arith.constant 0 : index
    %get3A_10 = vector.load %arg5[%get3A_8, %get3A_9] : memref<1024x128xf32, #tpu.memory_space<vmem>>, vector<1024x128xf32>
    %ge3A = vector.broadcast %get3A_0 : f32 to vector<1024x128xf32>
    %ge3A_11 = arith.cmpf oge, %ge3A, %get3A_10 : vector<1024x128xf32>
    %lt3A = arith.constant 7.000000e+00 : f32
    %lt3A_12 = vector.broadcast %lt3A : f32 to vector<1024x128xf32>
    %lt3A_13 = arith.cmpf olt, %convert_element_type3A, %lt3A_12 : vector<1024x128xf32>
    %and3A = arith.andi %ge3A_11, %lt3A_13 : vector<1024x128xi1>
    %select_n3A = arith.select %and3A, %convert_element_type3A_7, %convert_element_type3A : vector<1024x128xi1>, vector<1024x128xf32>
    %convert_element_type3A_14 = arith.fptosi %select_n3A : vector<1024x128xf32> to vector<1024x128xi32>
    %get3A_15 = arith.constant 0 : index
    %get3A_16 = arith.constant 0 : index
    %get3A_17 = vector.load %arg6[%get3A_15, %get3A_16] : memref<1024x128xf32, #tpu.memory_space<vmem>>, vector<1024x128xf32>
    %get3A_18 = arith.constant 0 : index
    %get3A_19 = arith.constant 0 : index
    %get3A_20 = vector.load %arg7[%get3A_18, %get3A_19] : memref<1024x128xf32, #tpu.memory_space<vmem>>, vector<1024x128xf32>
    %lt3A_21 = arith.cmpf olt, %get3A_17, %get3A_20 : vector<1024x128xf32>
    %ge3A_22 = arith.constant 2.000000e+00 : f32
    %ge3A_23 = vector.broadcast %ge3A_22 : f32 to vector<1024x128xf32>
    %ge3A_24 = arith.cmpf oge, %select_n3A, %ge3A_23 : vector<1024x128xf32>
    %and3A_25 = arith.andi %and3A, %ge3A_24 : vector<1024x128xi1>
    %le3A = arith.constant 6.000000e+00 : f32
    %le3A_26 = vector.broadcast %le3A : f32 to vector<1024x128xf32>
    %le3A_27 = arith.cmpf ole, %select_n3A, %le3A_26 : vector<1024x128xf32>
    %and3A_28 = arith.andi %and3A_25, %le3A_27 : vector<1024x128xi1>
    %broadcast_in_dim3A = arith.constant 2113592192 : i32
    %broadcast_in_dim3A_29 = vector.broadcast %broadcast_in_dim3A : i32 to vector<1024x128xi32>
    %eq3A = arith.constant 3 : i32
    %eq3A_30 = vector.broadcast %eq3A : i32 to vector<1024x128xi32>
    %eq3A_31 = arith.cmpi eq, %convert_element_type3A_14, %eq3A_30 : vector<1024x128xi32>
    %jit3A = arith.constant -782949785 : i32
    %broadcast_in_dim3A_32 = vector.broadcast %jit3A : i32 to vector<1024x128xi32>
    %select_n3A_33 = arith.select %eq3A_31, %broadcast_in_dim3A_32, %broadcast_in_dim3A_29 : vector<1024x128xi1>, vector<1024x128xi32>
    %eq3A_34 = arith.constant 4 : i32
    %eq3A_35 = vector.broadcast %eq3A_34 : i32 to vector<1024x128xi32>
    %eq3A_36 = arith.cmpi eq, %convert_element_type3A_14, %eq3A_35 : vector<1024x128xi32>
    %jit3A_37 = arith.constant 781066781 : i32
    %broadcast_in_dim3A_38 = vector.broadcast %jit3A_37 : i32 to vector<1024x128xi32>
    %select_n3A_39 = arith.select %eq3A_36, %broadcast_in_dim3A_38, %select_n3A_33 : vector<1024x128xi1>, vector<1024x128xi32>
    %eq3A_40 = arith.constant 5 : i32
    %eq3A_41 = vector.broadcast %eq3A_40 : i32 to vector<1024x128xi32>
    %eq3A_42 = arith.cmpi eq, %convert_element_type3A_14, %eq3A_41 : vector<1024x128xi32>
    %jit3A_43 = arith.constant -395188729 : i32
    %broadcast_in_dim3A_44 = vector.broadcast %jit3A_43 : i32 to vector<1024x128xi32>
    %select_n3A_45 = arith.select %eq3A_42, %broadcast_in_dim3A_44, %select_n3A_39 : vector<1024x128xi1>, vector<1024x128xi32>
    %eq3A_46 = arith.constant 6 : i32
    %eq3A_47 = vector.broadcast %eq3A_46 : i32 to vector<1024x128xi32>
    %eq3A_48 = arith.cmpi eq, %convert_element_type3A_14, %eq3A_47 : vector<1024x128xi32>
    %jit3A_49 = arith.constant -1800213266 : i32
    %broadcast_in_dim3A_50 = vector.broadcast %jit3A_49 : i32 to vector<1024x128xi32>
    %select_n3A_51 = arith.select %eq3A_48, %broadcast_in_dim3A_50, %select_n3A_45 : vector<1024x128xi1>, vector<1024x128xi32>
    %broadcast_in_dim3A_52 = arith.constant 603280156 : i32
    %broadcast_in_dim3A_53 = vector.broadcast %broadcast_in_dim3A_52 : i32 to vector<1024x128xi32>
    %eq3A_54 = arith.constant 3 : i32
    %eq3A_55 = vector.broadcast %eq3A_54 : i32 to vector<1024x128xi32>
    %eq3A_56 = arith.cmpi eq, %convert_element_type3A_14, %eq3A_55 : vector<1024x128xi32>
    %jit3A_57 = arith.constant 140093922 : i32
    %broadcast_in_dim3A_58 = vector.broadcast %jit3A_57 : i32 to vector<1024x128xi32>
    %select_n3A_59 = arith.select %eq3A_56, %broadcast_in_dim3A_58, %broadcast_in_dim3A_53 : vector<1024x128xi1>, vector<1024x128xi32>
    %eq3A_60 = arith.constant 4 : i32
    %eq3A_61 = vector.broadcast %eq3A_60 : i32 to vector<1024x128xi32>
    %eq3A_62 = arith.cmpi eq, %convert_element_type3A_14, %eq3A_61 : vector<1024x128xi32>
    %jit3A_63 = arith.constant 179802120 : i32
    %broadcast_in_dim3A_64 = vector.broadcast %jit3A_63 : i32 to vector<1024x128xi32>
    %select_n3A_65 = arith.select %eq3A_62, %broadcast_in_dim3A_64, %select_n3A_59 : vector<1024x128xi1>, vector<1024x128xi32>
    %eq3A_66 = arith.constant 5 : i32
    %eq3A_67 = vector.broadcast %eq3A_66 : i32 to vector<1024x128xi32>
    %eq3A_68 = arith.cmpi eq, %convert_element_type3A_14, %eq3A_67 : vector<1024x128xi32>
    %jit3A_69 = arith.constant 1232842604 : i32
    %broadcast_in_dim3A_70 = vector.broadcast %jit3A_69 : i32 to vector<1024x128xi32>
    %select_n3A_71 = arith.select %eq3A_68, %broadcast_in_dim3A_70, %select_n3A_65 : vector<1024x128xi1>, vector<1024x128xi32>
    %eq3A_72 = arith.constant 6 : i32
    %eq3A_73 = vector.broadcast %eq3A_72 : i32 to vector<1024x128xi32>
    %eq3A_74 = arith.cmpi eq, %convert_element_type3A_14, %eq3A_73 : vector<1024x128xi32>
    %jit3A_75 = arith.constant 1378856810 : i32
    %broadcast_in_dim3A_76 = vector.broadcast %jit3A_75 : i32 to vector<1024x128xi32>
    %select_n3A_77 = arith.select %eq3A_74, %broadcast_in_dim3A_76, %select_n3A_71 : vector<1024x128xi1>, vector<1024x128xi32>
    %broadcast_in_dim3A_78 = arith.constant -2080865739 : i32
    %broadcast_in_dim3A_79 = vector.broadcast %broadcast_in_dim3A_78 : i32 to vector<1024x128xi32>
    %eq3A_80 = arith.constant 3 : i32
    %eq3A_81 = vector.broadcast %eq3A_80 : i32 to vector<1024x128xi32>
    %eq3A_82 = arith.cmpi eq, %convert_element_type3A_14, %eq3A_81 : vector<1024x128xi32>
    %jit3A_83 = arith.constant -1220381076 : i32
    %broadcast_in_dim3A_84 = vector.broadcast %jit3A_83 : i32 to vector<1024x128xi32>
    %select_n3A_85 = arith.select %eq3A_82, %broadcast_in_dim3A_84, %broadcast_in_dim3A_79 : vector<1024x128xi1>, vector<1024x128xi32>
    %eq3A_86 = arith.constant 4 : i32
    %eq3A_87 = vector.broadcast %eq3A_86 : i32 to vector<1024x128xi32>
    %eq3A_88 = arith.cmpi eq, %convert_element_type3A_14, %eq3A_87 : vector<1024x128xi32>
    %jit3A_89 = arith.constant -1771320252 : i32
    %broadcast_in_dim3A_90 = vector.broadcast %jit3A_89 : i32 to vector<1024x128xi32>
    %select_n3A_91 = arith.select %eq3A_88, %broadcast_in_dim3A_90, %select_n3A_85 : vector<1024x128xi1>, vector<1024x128xi32>
    %eq3A_92 = arith.constant 5 : i32
    %eq3A_93 = vector.broadcast %eq3A_92 : i32 to vector<1024x128xi32>
    %eq3A_94 = arith.cmpi eq, %convert_element_type3A_14, %eq3A_93 : vector<1024x128xi32>
    %jit3A_95 = arith.constant -192512173 : i32
    %broadcast_in_dim3A_96 = vector.broadcast %jit3A_95 : i32 to vector<1024x128xi32>
    %select_n3A_97 = arith.select %eq3A_94, %broadcast_in_dim3A_96, %select_n3A_91 : vector<1024x128xi1>, vector<1024x128xi32>
    %eq3A_98 = arith.constant 6 : i32
    %eq3A_99 = vector.broadcast %eq3A_98 : i32 to vector<1024x128xi32>
    %eq3A_100 = arith.cmpi eq, %convert_element_type3A_14, %eq3A_99 : vector<1024x128xi32>
    %jit3A_101 = arith.constant 488061749 : i32
    %broadcast_in_dim3A_102 = vector.broadcast %jit3A_101 : i32 to vector<1024x128xi32>
    %select_n3A_103 = arith.select %eq3A_100, %broadcast_in_dim3A_102, %select_n3A_97 : vector<1024x128xi1>, vector<1024x128xi32>
    %broadcast_in_dim3A_104 = arith.constant -1349606942 : i32
    %broadcast_in_dim3A_105 = vector.broadcast %broadcast_in_dim3A_104 : i32 to vector<1024x128xi32>
    %eq3A_106 = arith.constant 3 : i32
    %eq3A_107 = vector.broadcast %eq3A_106 : i32 to vector<1024x128xi32>
    %eq3A_108 = arith.cmpi eq, %convert_element_type3A_14, %eq3A_107 : vector<1024x128xi32>
    %jit3A_109 = arith.constant 978807310 : i32
    %broadcast_in_dim3A_110 = vector.broadcast %jit3A_109 : i32 to vector<1024x128xi32>
    %select_n3A_111 = arith.select %eq3A_108, %broadcast_in_dim3A_110, %broadcast_in_dim3A_105 : vector<1024x128xi1>, vector<1024x128xi32>
    %eq3A_112 = arith.constant 4 : i32
    %eq3A_113 = vector.broadcast %eq3A_112 : i32 to vector<1024x128xi32>
    %eq3A_114 = arith.cmpi eq, %convert_element_type3A_14, %eq3A_113 : vector<1024x128xi32>
    %jit3A_115 = arith.constant -297176697 : i32
    %broadcast_in_dim3A_116 = vector.broadcast %jit3A_115 : i32 to vector<1024x128xi32>
    %select_n3A_117 = arith.select %eq3A_114, %broadcast_in_dim3A_116, %select_n3A_111 : vector<1024x128xi1>, vector<1024x128xi32>
    %eq3A_118 = arith.constant 5 : i32
    %eq3A_119 = vector.broadcast %eq3A_118 : i32 to vector<1024x128xi32>
    %eq3A_120 = arith.cmpi eq, %convert_element_type3A_14, %eq3A_119 : vector<1024x128xi32>
    %jit3A_121 = arith.constant 2124228911 : i32
    %broadcast_in_dim3A_122 = vector.broadcast %jit3A_121 : i32 to vector<1024x128xi32>
    %select_n3A_123 = arith.select %eq3A_120, %broadcast_in_dim3A_122, %select_n3A_117 : vector<1024x128xi1>, vector<1024x128xi32>
    %eq3A_124 = arith.constant 6 : i32
    %eq3A_125 = vector.broadcast %eq3A_124 : i32 to vector<1024x128xi32>
    %eq3A_126 = arith.cmpi eq, %convert_element_type3A_14, %eq3A_125 : vector<1024x128xi32>
    %jit3A_127 = arith.constant -232084919 : i32
    %broadcast_in_dim3A_128 = vector.broadcast %jit3A_127 : i32 to vector<1024x128xi32>
    %select_n3A_129 = arith.select %eq3A_126, %broadcast_in_dim3A_128, %select_n3A_123 : vector<1024x128xi1>, vector<1024x128xi32>
    %select_n3A_130 = arith.select %lt3A_21, %select_n3A_51, %select_n3A_103 : vector<1024x128xi1>, vector<1024x128xi32>
    %select_n3A_131 = arith.select %lt3A_21, %select_n3A_77, %select_n3A_129 : vector<1024x128xi1>, vector<1024x128xi32>
    %add3A = arith.constant 0 : i32
    %add3A_132 = arith.addi %arg0, %add3A : i32
    %iota3A = tpu.iota {dimensions = array<i32: 0>} : vector<1024x128xi32>
    %iota3A_133 = tpu.iota {dimensions = array<i32: 1>} : vector<1024x128xi32>
    %mul3A = arith.constant 131072 : i32
    %mul3A_134 = arith.muli %add3A_132, %mul3A : i32
    %mul3A_135 = arith.constant 128 : i32
    %mul3A_136 = vector.broadcast %mul3A_135 : i32 to vector<1024x128xi32>
    %mul3A_137 = arith.muli %iota3A, %mul3A_136 : vector<1024x128xi32>
    %add3A_138 = vector.broadcast %mul3A_134 : i32 to vector<1024x128xi32>
    %add3A_139 = arith.addi %add3A_138, %mul3A_137 : vector<1024x128xi32>
    %add3A_140 = arith.addi %add3A_139, %iota3A_133 : vector<1024x128xi32>
    %xor3A = arith.xori %select_n3A_130, %select_n3A_131 : vector<1024x128xi32>
    %xor3A_141 = arith.constant 466688986 : i32
    %xor3A_142 = vector.broadcast %xor3A_141 : i32 to vector<1024x128xi32>
    %xor3A_143 = arith.xori %xor3A, %xor3A_142 : vector<1024x128xi32>
    %add3A_144 = arith.addi %add3A_140, %select_n3A_131 : vector<1024x128xi32>
    %add3A_145 = arith.addi %select_n3A_130, %add3A_144 : vector<1024x128xi32>
    %shift_left3A = arith.constant 13 : i32
    %shift_left3A_146 = vector.broadcast %shift_left3A : i32 to vector<1024x128xi32>
    %shift_left3A_147 = arith.shli %add3A_144, %shift_left3A_146 : vector<1024x128xi32>
    %shift_right_logical3A = arith.constant 19 : i32
    %shift_right_logical3A_148 = vector.broadcast %shift_right_logical3A : i32 to vector<1024x128xi32>
    %shift_right_logical3A_149 = arith.shrui %add3A_144, %shift_right_logical3A_148 : vector<1024x128xi32>
    %or3A = arith.ori %shift_left3A_147, %shift_right_logical3A_149 : vector<1024x128xi32>
    %xor3A_150 = arith.xori %or3A, %add3A_145 : vector<1024x128xi32>
    %add3A_151 = arith.addi %add3A_145, %xor3A_150 : vector<1024x128xi32>
    %shift_left3A_152 = arith.constant 15 : i32
    %shift_left3A_153 = vector.broadcast %shift_left3A_152 : i32 to vector<1024x128xi32>
    %shift_left3A_154 = arith.shli %xor3A_150, %shift_left3A_153 : vector<1024x128xi32>
    %shift_right_logical3A_155 = arith.constant 17 : i32
    %shift_right_logical3A_156 = vector.broadcast %shift_right_logical3A_155 : i32 to vector<1024x128xi32>
    %shift_right_logical3A_157 = arith.shrui %xor3A_150, %shift_right_logical3A_156 : vector<1024x128xi32>
    %or3A_158 = arith.ori %shift_left3A_154, %shift_right_logical3A_157 : vector<1024x128xi32>
    %xor3A_159 = arith.xori %or3A_158, %add3A_151 : vector<1024x128xi32>
    %add3A_160 = arith.addi %add3A_151, %xor3A_159 : vector<1024x128xi32>
    %shift_left3A_161 = arith.constant 26 : i32
    %shift_left3A_162 = vector.broadcast %shift_left3A_161 : i32 to vector<1024x128xi32>
    %shift_left3A_163 = arith.shli %xor3A_159, %shift_left3A_162 : vector<1024x128xi32>
    %shift_right_logical3A_164 = arith.constant 6 : i32
    %shift_right_logical3A_165 = vector.broadcast %shift_right_logical3A_164 : i32 to vector<1024x128xi32>
    %shift_right_logical3A_166 = arith.shrui %xor3A_159, %shift_right_logical3A_165 : vector<1024x128xi32>
    %or3A_167 = arith.ori %shift_left3A_163, %shift_right_logical3A_166 : vector<1024x128xi32>
    %xor3A_168 = arith.xori %or3A_167, %add3A_160 : vector<1024x128xi32>
    %add3A_169 = arith.addi %add3A_160, %xor3A_168 : vector<1024x128xi32>
    %shift_left3A_170 = arith.constant 6 : i32
    %shift_left3A_171 = vector.broadcast %shift_left3A_170 : i32 to vector<1024x128xi32>
    %shift_left3A_172 = arith.shli %xor3A_168, %shift_left3A_171 : vector<1024x128xi32>
    %shift_right_logical3A_173 = arith.constant 26 : i32
    %shift_right_logical3A_174 = vector.broadcast %shift_right_logical3A_173 : i32 to vector<1024x128xi32>
    %shift_right_logical3A_175 = arith.shrui %xor3A_168, %shift_right_logical3A_174 : vector<1024x128xi32>
    %or3A_176 = arith.ori %shift_left3A_172, %shift_right_logical3A_175 : vector<1024x128xi32>
    %xor3A_177 = arith.xori %or3A_176, %add3A_169 : vector<1024x128xi32>
    %add3A_178 = arith.addi %add3A_169, %select_n3A_131 : vector<1024x128xi32>
    %add3A_179 = arith.addi %xor3A_177, %xor3A_143 : vector<1024x128xi32>
    %add3A_180 = arith.constant 1 : i32
    %add3A_181 = vector.broadcast %add3A_180 : i32 to vector<1024x128xi32>
    %add3A_182 = arith.addi %add3A_179, %add3A_181 : vector<1024x128xi32>
    %add3A_183 = arith.addi %add3A_178, %add3A_182 : vector<1024x128xi32>
    %shift_left3A_184 = arith.constant 17 : i32
    %shift_left3A_185 = vector.broadcast %shift_left3A_184 : i32 to vector<1024x128xi32>
    %shift_left3A_186 = arith.shli %add3A_182, %shift_left3A_185 : vector<1024x128xi32>
    %shift_right_logical3A_187 = arith.constant 15 : i32
    %shift_right_logical3A_188 = vector.broadcast %shift_right_logical3A_187 : i32 to vector<1024x128xi32>
    %shift_right_logical3A_189 = arith.shrui %add3A_182, %shift_right_logical3A_188 : vector<1024x128xi32>
    %or3A_190 = arith.ori %shift_left3A_186, %shift_right_logical3A_189 : vector<1024x128xi32>
    %xor3A_191 = arith.xori %or3A_190, %add3A_183 : vector<1024x128xi32>
    %add3A_192 = arith.addi %add3A_183, %xor3A_191 : vector<1024x128xi32>
    %shift_left3A_193 = arith.constant 29 : i32
    %shift_left3A_194 = vector.broadcast %shift_left3A_193 : i32 to vector<1024x128xi32>
    %shift_left3A_195 = arith.shli %xor3A_191, %shift_left3A_194 : vector<1024x128xi32>
    %shift_right_logical3A_196 = arith.constant 3 : i32
    %shift_right_logical3A_197 = vector.broadcast %shift_right_logical3A_196 : i32 to vector<1024x128xi32>
    %shift_right_logical3A_198 = arith.shrui %xor3A_191, %shift_right_logical3A_197 : vector<1024x128xi32>
    %or3A_199 = arith.ori %shift_left3A_195, %shift_right_logical3A_198 : vector<1024x128xi32>
    %xor3A_200 = arith.xori %or3A_199, %add3A_192 : vector<1024x128xi32>
    %add3A_201 = arith.addi %add3A_192, %xor3A_200 : vector<1024x128xi32>
    %shift_left3A_202 = arith.constant 16 : i32
    %shift_left3A_203 = vector.broadcast %shift_left3A_202 : i32 to vector<1024x128xi32>
    %shift_left3A_204 = arith.shli %xor3A_200, %shift_left3A_203 : vector<1024x128xi32>
    %shift_right_logical3A_205 = arith.constant 16 : i32
    %shift_right_logical3A_206 = vector.broadcast %shift_right_logical3A_205 : i32 to vector<1024x128xi32>
    %shift_right_logical3A_207 = arith.shrui %xor3A_200, %shift_right_logical3A_206 : vector<1024x128xi32>
    %or3A_208 = arith.ori %shift_left3A_204, %shift_right_logical3A_207 : vector<1024x128xi32>
    %xor3A_209 = arith.xori %or3A_208, %add3A_201 : vector<1024x128xi32>
    %add3A_210 = arith.addi %add3A_201, %xor3A_209 : vector<1024x128xi32>
    %shift_left3A_211 = arith.constant 24 : i32
    %shift_left3A_212 = vector.broadcast %shift_left3A_211 : i32 to vector<1024x128xi32>
    %shift_left3A_213 = arith.shli %xor3A_209, %shift_left3A_212 : vector<1024x128xi32>
    %shift_right_logical3A_214 = arith.constant 8 : i32
    %shift_right_logical3A_215 = vector.broadcast %shift_right_logical3A_214 : i32 to vector<1024x128xi32>
    %shift_right_logical3A_216 = arith.shrui %xor3A_209, %shift_right_logical3A_215 : vector<1024x128xi32>
    %or3A_217 = arith.ori %shift_left3A_213, %shift_right_logical3A_216 : vector<1024x128xi32>
    %xor3A_218 = arith.xori %or3A_217, %add3A_210 : vector<1024x128xi32>
    %add3A_219 = arith.addi %add3A_210, %xor3A_143 : vector<1024x128xi32>
    %add3A_220 = arith.addi %xor3A_218, %select_n3A_130 : vector<1024x128xi32>
    %add3A_221 = arith.constant 2 : i32
    %add3A_222 = vector.broadcast %add3A_221 : i32 to vector<1024x128xi32>
    %add3A_223 = arith.addi %add3A_220, %add3A_222 : vector<1024x128xi32>
    %add3A_224 = arith.addi %add3A_219, %add3A_223 : vector<1024x128xi32>
    %shift_left3A_225 = arith.constant 13 : i32
    %shift_left3A_226 = vector.broadcast %shift_left3A_225 : i32 to vector<1024x128xi32>
    %shift_left3A_227 = arith.shli %add3A_223, %shift_left3A_226 : vector<1024x128xi32>
    %shift_right_logical3A_228 = arith.constant 19 : i32
    %shift_right_logical3A_229 = vector.broadcast %shift_right_logical3A_228 : i32 to vector<1024x128xi32>
    %shift_right_logical3A_230 = arith.shrui %add3A_223, %shift_right_logical3A_229 : vector<1024x128xi32>
    %or3A_231 = arith.ori %shift_left3A_227, %shift_right_logical3A_230 : vector<1024x128xi32>
    %xor3A_232 = arith.xori %or3A_231, %add3A_224 : vector<1024x128xi32>
    %add3A_233 = arith.addi %add3A_224, %xor3A_232 : vector<1024x128xi32>
    %shift_left3A_234 = arith.constant 15 : i32
    %shift_left3A_235 = vector.broadcast %shift_left3A_234 : i32 to vector<1024x128xi32>
    %shift_left3A_236 = arith.shli %xor3A_232, %shift_left3A_235 : vector<1024x128xi32>
    %shift_right_logical3A_237 = arith.constant 17 : i32
    %shift_right_logical3A_238 = vector.broadcast %shift_right_logical3A_237 : i32 to vector<1024x128xi32>
    %shift_right_logical3A_239 = arith.shrui %xor3A_232, %shift_right_logical3A_238 : vector<1024x128xi32>
    %or3A_240 = arith.ori %shift_left3A_236, %shift_right_logical3A_239 : vector<1024x128xi32>
    %xor3A_241 = arith.xori %or3A_240, %add3A_233 : vector<1024x128xi32>
    %add3A_242 = arith.addi %add3A_233, %xor3A_241 : vector<1024x128xi32>
    %shift_left3A_243 = arith.constant 26 : i32
    %shift_left3A_244 = vector.broadcast %shift_left3A_243 : i32 to vector<1024x128xi32>
    %shift_left3A_245 = arith.shli %xor3A_241, %shift_left3A_244 : vector<1024x128xi32>
    %shift_right_logical3A_246 = arith.constant 6 : i32
    %shift_right_logical3A_247 = vector.broadcast %shift_right_logical3A_246 : i32 to vector<1024x128xi32>
    %shift_right_logical3A_248 = arith.shrui %xor3A_241, %shift_right_logical3A_247 : vector<1024x128xi32>
    %or3A_249 = arith.ori %shift_left3A_245, %shift_right_logical3A_248 : vector<1024x128xi32>
    %xor3A_250 = arith.xori %or3A_249, %add3A_242 : vector<1024x128xi32>
    %add3A_251 = arith.addi %add3A_242, %xor3A_250 : vector<1024x128xi32>
    %shift_left3A_252 = arith.constant 6 : i32
    %shift_left3A_253 = vector.broadcast %shift_left3A_252 : i32 to vector<1024x128xi32>
    %shift_left3A_254 = arith.shli %xor3A_250, %shift_left3A_253 : vector<1024x128xi32>
    %shift_right_logical3A_255 = arith.constant 26 : i32
    %shift_right_logical3A_256 = vector.broadcast %shift_right_logical3A_255 : i32 to vector<1024x128xi32>
    %shift_right_logical3A_257 = arith.shrui %xor3A_250, %shift_right_logical3A_256 : vector<1024x128xi32>
    %or3A_258 = arith.ori %shift_left3A_254, %shift_right_logical3A_257 : vector<1024x128xi32>
    %xor3A_259 = arith.xori %or3A_258, %add3A_251 : vector<1024x128xi32>
    %add3A_260 = arith.addi %add3A_251, %select_n3A_130 : vector<1024x128xi32>
    %add3A_261 = arith.addi %xor3A_259, %select_n3A_131 : vector<1024x128xi32>
    %add3A_262 = arith.constant 3 : i32
    %add3A_263 = vector.broadcast %add3A_262 : i32 to vector<1024x128xi32>
    %add3A_264 = arith.addi %add3A_261, %add3A_263 : vector<1024x128xi32>
    %add3A_265 = arith.addi %add3A_260, %add3A_264 : vector<1024x128xi32>
    %shift_left3A_266 = arith.constant 17 : i32
    %shift_left3A_267 = vector.broadcast %shift_left3A_266 : i32 to vector<1024x128xi32>
    %shift_left3A_268 = arith.shli %add3A_264, %shift_left3A_267 : vector<1024x128xi32>
    %shift_right_logical3A_269 = arith.constant 15 : i32
    %shift_right_logical3A_270 = vector.broadcast %shift_right_logical3A_269 : i32 to vector<1024x128xi32>
    %shift_right_logical3A_271 = arith.shrui %add3A_264, %shift_right_logical3A_270 : vector<1024x128xi32>
    %or3A_272 = arith.ori %shift_left3A_268, %shift_right_logical3A_271 : vector<1024x128xi32>
    %xor3A_273 = arith.xori %or3A_272, %add3A_265 : vector<1024x128xi32>
    %add3A_274 = arith.addi %add3A_265, %xor3A_273 : vector<1024x128xi32>
    %shift_left3A_275 = arith.constant 29 : i32
    %shift_left3A_276 = vector.broadcast %shift_left3A_275 : i32 to vector<1024x128xi32>
    %shift_left3A_277 = arith.shli %xor3A_273, %shift_left3A_276 : vector<1024x128xi32>
    %shift_right_logical3A_278 = arith.constant 3 : i32
    %shift_right_logical3A_279 = vector.broadcast %shift_right_logical3A_278 : i32 to vector<1024x128xi32>
    %shift_right_logical3A_280 = arith.shrui %xor3A_273, %shift_right_logical3A_279 : vector<1024x128xi32>
    %or3A_281 = arith.ori %shift_left3A_277, %shift_right_logical3A_280 : vector<1024x128xi32>
    %xor3A_282 = arith.xori %or3A_281, %add3A_274 : vector<1024x128xi32>
    %add3A_283 = arith.addi %add3A_274, %xor3A_282 : vector<1024x128xi32>
    %shift_left3A_284 = arith.constant 16 : i32
    %shift_left3A_285 = vector.broadcast %shift_left3A_284 : i32 to vector<1024x128xi32>
    %shift_left3A_286 = arith.shli %xor3A_282, %shift_left3A_285 : vector<1024x128xi32>
    %shift_right_logical3A_287 = arith.constant 16 : i32
    %shift_right_logical3A_288 = vector.broadcast %shift_right_logical3A_287 : i32 to vector<1024x128xi32>
    %shift_right_logical3A_289 = arith.shrui %xor3A_282, %shift_right_logical3A_288 : vector<1024x128xi32>
    %or3A_290 = arith.ori %shift_left3A_286, %shift_right_logical3A_289 : vector<1024x128xi32>
    %xor3A_291 = arith.xori %or3A_290, %add3A_283 : vector<1024x128xi32>
    %add3A_292 = arith.addi %add3A_283, %xor3A_291 : vector<1024x128xi32>
    %shift_left3A_293 = arith.constant 24 : i32
    %shift_left3A_294 = vector.broadcast %shift_left3A_293 : i32 to vector<1024x128xi32>
    %shift_left3A_295 = arith.shli %xor3A_291, %shift_left3A_294 : vector<1024x128xi32>
    %shift_right_logical3A_296 = arith.constant 8 : i32
    %shift_right_logical3A_297 = vector.broadcast %shift_right_logical3A_296 : i32 to vector<1024x128xi32>
    %shift_right_logical3A_298 = arith.shrui %xor3A_291, %shift_right_logical3A_297 : vector<1024x128xi32>
    %or3A_299 = arith.ori %shift_left3A_295, %shift_right_logical3A_298 : vector<1024x128xi32>
    %xor3A_300 = arith.xori %or3A_299, %add3A_292 : vector<1024x128xi32>
    %add3A_301 = arith.addi %add3A_292, %select_n3A_131 : vector<1024x128xi32>
    %add3A_302 = arith.addi %xor3A_300, %xor3A_143 : vector<1024x128xi32>
    %add3A_303 = arith.constant 4 : i32
    %add3A_304 = vector.broadcast %add3A_303 : i32 to vector<1024x128xi32>
    %add3A_305 = arith.addi %add3A_302, %add3A_304 : vector<1024x128xi32>
    %add3A_306 = arith.addi %add3A_301, %add3A_305 : vector<1024x128xi32>
    %shift_left3A_307 = arith.constant 13 : i32
    %shift_left3A_308 = vector.broadcast %shift_left3A_307 : i32 to vector<1024x128xi32>
    %shift_left3A_309 = arith.shli %add3A_305, %shift_left3A_308 : vector<1024x128xi32>
    %shift_right_logical3A_310 = arith.constant 19 : i32
    %shift_right_logical3A_311 = vector.broadcast %shift_right_logical3A_310 : i32 to vector<1024x128xi32>
    %shift_right_logical3A_312 = arith.shrui %add3A_305, %shift_right_logical3A_311 : vector<1024x128xi32>
    %or3A_313 = arith.ori %shift_left3A_309, %shift_right_logical3A_312 : vector<1024x128xi32>
    %xor3A_314 = arith.xori %or3A_313, %add3A_306 : vector<1024x128xi32>
    %add3A_315 = arith.addi %add3A_306, %xor3A_314 : vector<1024x128xi32>
    %shift_left3A_316 = arith.constant 15 : i32
    %shift_left3A_317 = vector.broadcast %shift_left3A_316 : i32 to vector<1024x128xi32>
    %shift_left3A_318 = arith.shli %xor3A_314, %shift_left3A_317 : vector<1024x128xi32>
    %shift_right_logical3A_319 = arith.constant 17 : i32
    %shift_right_logical3A_320 = vector.broadcast %shift_right_logical3A_319 : i32 to vector<1024x128xi32>
    %shift_right_logical3A_321 = arith.shrui %xor3A_314, %shift_right_logical3A_320 : vector<1024x128xi32>
    %or3A_322 = arith.ori %shift_left3A_318, %shift_right_logical3A_321 : vector<1024x128xi32>
    %xor3A_323 = arith.xori %or3A_322, %add3A_315 : vector<1024x128xi32>
    %add3A_324 = arith.addi %add3A_315, %xor3A_323 : vector<1024x128xi32>
    %shift_left3A_325 = arith.constant 26 : i32
    %shift_left3A_326 = vector.broadcast %shift_left3A_325 : i32 to vector<1024x128xi32>
    %shift_left3A_327 = arith.shli %xor3A_323, %shift_left3A_326 : vector<1024x128xi32>
    %shift_right_logical3A_328 = arith.constant 6 : i32
    %shift_right_logical3A_329 = vector.broadcast %shift_right_logical3A_328 : i32 to vector<1024x128xi32>
    %shift_right_logical3A_330 = arith.shrui %xor3A_323, %shift_right_logical3A_329 : vector<1024x128xi32>
    %or3A_331 = arith.ori %shift_left3A_327, %shift_right_logical3A_330 : vector<1024x128xi32>
    %xor3A_332 = arith.xori %or3A_331, %add3A_324 : vector<1024x128xi32>
    %add3A_333 = arith.addi %add3A_324, %xor3A_332 : vector<1024x128xi32>
    %shift_left3A_334 = arith.constant 6 : i32
    %shift_left3A_335 = vector.broadcast %shift_left3A_334 : i32 to vector<1024x128xi32>
    %shift_left3A_336 = arith.shli %xor3A_332, %shift_left3A_335 : vector<1024x128xi32>
    %shift_right_logical3A_337 = arith.constant 26 : i32
    %shift_right_logical3A_338 = vector.broadcast %shift_right_logical3A_337 : i32 to vector<1024x128xi32>
    %shift_right_logical3A_339 = arith.shrui %xor3A_332, %shift_right_logical3A_338 : vector<1024x128xi32>
    %or3A_340 = arith.ori %shift_left3A_336, %shift_right_logical3A_339 : vector<1024x128xi32>
    %xor3A_341 = arith.xori %or3A_340, %add3A_333 : vector<1024x128xi32>
    %add3A_342 = arith.addi %add3A_333, %xor3A_143 : vector<1024x128xi32>
    %add3A_343 = arith.addi %xor3A_341, %select_n3A_130 : vector<1024x128xi32>
    %add3A_344 = arith.constant 5 : i32
    %add3A_345 = vector.broadcast %add3A_344 : i32 to vector<1024x128xi32>
    %add3A_346 = arith.addi %add3A_343, %add3A_345 : vector<1024x128xi32>
    %xor3A_347 = arith.xori %add3A_342, %add3A_346 : vector<1024x128xi32>
    %shift_right_logical3A_348 = arith.constant 9 : i32
    %shift_right_logical3A_349 = vector.broadcast %shift_right_logical3A_348 : i32 to vector<1024x128xi32>
    %shift_right_logical3A_350 = arith.shrui %xor3A_347, %shift_right_logical3A_349 : vector<1024x128xi32>
    %or3A_351 = arith.constant 1065353216 : i32
    %or3A_352 = vector.broadcast %or3A_351 : i32 to vector<1024x128xi32>
    %or3A_353 = arith.ori %shift_right_logical3A_350, %or3A_352 : vector<1024x128xi32>
    %bitcast_convert_type3A = tpu.bitcast %or3A_353 : vector<1024x128xi32> -> vector<1024x128xf32>
    %sub3A = arith.constant 1.000000e+00 : f32
    %sub3A_354 = vector.broadcast %sub3A : f32 to vector<1024x128xf32>
    %sub3A_355 = arith.subf %bitcast_convert_type3A, %sub3A_354 : vector<1024x128xf32>
    %mul3A_356 = arith.constant 2.000000e+00 : f32
    %mul3A_357 = vector.broadcast %mul3A_356 : f32 to vector<1024x128xf32>
    %mul3A_358 = arith.mulf %sub3A_355, %mul3A_357 : vector<1024x128xf32>
    %add3A_359 = arith.constant -0.99999994 : f32
    %add3A_360 = vector.broadcast %add3A_359 : f32 to vector<1024x128xf32>
    %add3A_361 = arith.addf %mul3A_358, %add3A_360 : vector<1024x128xf32>
    %max3A = arith.constant -0.99999994 : f32
    %max3A_362 = vector.broadcast %max3A : f32 to vector<1024x128xf32>
    %max3A_363 = arith.maximumf %max3A_362, %add3A_361 : vector<1024x128xf32>
    %sub3A_364 = arith.constant 1.000000e+00 : f32
    %sub3A_365 = vector.broadcast %sub3A_364 : f32 to vector<1024x128xf32>
    %sub3A_366 = arith.subf %sub3A_365, %max3A_363 : vector<1024x128xf32>
    %add3A_367 = arith.constant 1.000000e+00 : f32
    %add3A_368 = vector.broadcast %add3A_367 : f32 to vector<1024x128xf32>
    %add3A_369 = arith.addf %add3A_368, %max3A_363 : vector<1024x128xf32>
    %mul3A_370 = arith.mulf %sub3A_366, %add3A_369 : vector<1024x128xf32>
    %log3A = math.log %mul3A_370 : vector<1024x128xf32>
    %neg3A = arith.constant 0.000000e+00 : f32
    %neg3A_371 = vector.broadcast %neg3A : f32 to vector<1024x128xf32>
    %neg3A_372 = arith.subf %neg3A_371, %log3A : vector<1024x128xf32>
    %sub3A_373 = arith.constant 2.500000e+00 : f32
    %sub3A_374 = vector.broadcast %sub3A_373 : f32 to vector<1024x128xf32>
    %sub3A_375 = arith.subf %neg3A_372, %sub3A_374 : vector<1024x128xf32>
    %mul3A_376 = arith.constant 2.81022636E-8 : f32
    %mul3A_377 = vector.broadcast %mul3A_376 : f32 to vector<1024x128xf32>
    %mul3A_378 = arith.mulf %mul3A_377, %sub3A_375 : vector<1024x128xf32>
    %add3A_379 = arith.constant 3.43273939E-7 : f32
    %add3A_380 = vector.broadcast %add3A_379 : f32 to vector<1024x128xf32>
    %add3A_381 = arith.addf %add3A_380, %mul3A_378 : vector<1024x128xf32>
    %mul3A_382 = arith.mulf %add3A_381, %sub3A_375 : vector<1024x128xf32>
    %add3A_383 = arith.constant -3.5233877E-6 : f32
    %add3A_384 = vector.broadcast %add3A_383 : f32 to vector<1024x128xf32>
    %add3A_385 = arith.addf %add3A_384, %mul3A_382 : vector<1024x128xf32>
    %mul3A_386 = arith.mulf %add3A_385, %sub3A_375 : vector<1024x128xf32>
    %add3A_387 = arith.constant -4.39150654E-6 : f32
    %add3A_388 = vector.broadcast %add3A_387 : f32 to vector<1024x128xf32>
    %add3A_389 = arith.addf %add3A_388, %mul3A_386 : vector<1024x128xf32>
    %mul3A_390 = arith.mulf %add3A_389, %sub3A_375 : vector<1024x128xf32>
    %add3A_391 = arith.constant 2.1858087E-4 : f32
    %add3A_392 = vector.broadcast %add3A_391 : f32 to vector<1024x128xf32>
    %add3A_393 = arith.addf %add3A_392, %mul3A_390 : vector<1024x128xf32>
    %mul3A_394 = arith.mulf %add3A_393, %sub3A_375 : vector<1024x128xf32>
    %add3A_395 = arith.constant -0.00125372503 : f32
    %add3A_396 = vector.broadcast %add3A_395 : f32 to vector<1024x128xf32>
    %add3A_397 = arith.addf %add3A_396, %mul3A_394 : vector<1024x128xf32>
    %mul3A_398 = arith.mulf %add3A_397, %sub3A_375 : vector<1024x128xf32>
    %add3A_399 = arith.constant -0.00417768164 : f32
    %add3A_400 = vector.broadcast %add3A_399 : f32 to vector<1024x128xf32>
    %add3A_401 = arith.addf %add3A_400, %mul3A_398 : vector<1024x128xf32>
    %mul3A_402 = arith.mulf %add3A_401, %sub3A_375 : vector<1024x128xf32>
    %add3A_403 = arith.constant 0.246640727 : f32
    %add3A_404 = vector.broadcast %add3A_403 : f32 to vector<1024x128xf32>
    %add3A_405 = arith.addf %add3A_404, %mul3A_402 : vector<1024x128xf32>
    %mul3A_406 = arith.mulf %add3A_405, %sub3A_375 : vector<1024x128xf32>
    %add3A_407 = arith.constant 1.50140941 : f32
    %add3A_408 = vector.broadcast %add3A_407 : f32 to vector<1024x128xf32>
    %add3A_409 = arith.addf %add3A_408, %mul3A_406 : vector<1024x128xf32>
    %sqrt3A = math.sqrt %neg3A_372 : vector<1024x128xf32>
    %sub3A_410 = arith.constant 3.000000e+00 : f32
    %sub3A_411 = vector.broadcast %sub3A_410 : f32 to vector<1024x128xf32>
    %sub3A_412 = arith.subf %sqrt3A, %sub3A_411 : vector<1024x128xf32>
    %mul3A_413 = arith.constant -2.00214257E-4 : f32
    %mul3A_414 = vector.broadcast %mul3A_413 : f32 to vector<1024x128xf32>
    %mul3A_415 = arith.mulf %mul3A_414, %sub3A_412 : vector<1024x128xf32>
    %add3A_416 = arith.constant 1.00950558E-4 : f32
    %add3A_417 = vector.broadcast %add3A_416 : f32 to vector<1024x128xf32>
    %add3A_418 = arith.addf %add3A_417, %mul3A_415 : vector<1024x128xf32>
    %mul3A_419 = arith.mulf %add3A_418, %sub3A_412 : vector<1024x128xf32>
    %add3A_420 = arith.constant 0.00134934322 : f32
    %add3A_421 = vector.broadcast %add3A_420 : f32 to vector<1024x128xf32>
    %add3A_422 = arith.addf %add3A_421, %mul3A_419 : vector<1024x128xf32>
    %mul3A_423 = arith.mulf %add3A_422, %sub3A_412 : vector<1024x128xf32>
    %add3A_424 = arith.constant -0.00367342844 : f32
    %add3A_425 = vector.broadcast %add3A_424 : f32 to vector<1024x128xf32>
    %add3A_426 = arith.addf %add3A_425, %mul3A_423 : vector<1024x128xf32>
    %mul3A_427 = arith.mulf %add3A_426, %sub3A_412 : vector<1024x128xf32>
    %add3A_428 = arith.constant 0.00573950773 : f32
    %add3A_429 = vector.broadcast %add3A_428 : f32 to vector<1024x128xf32>
    %add3A_430 = arith.addf %add3A_429, %mul3A_427 : vector<1024x128xf32>
    %mul3A_431 = arith.mulf %add3A_430, %sub3A_412 : vector<1024x128xf32>
    %add3A_432 = arith.constant -0.0076224613 : f32
    %add3A_433 = vector.broadcast %add3A_432 : f32 to vector<1024x128xf32>
    %add3A_434 = arith.addf %add3A_433, %mul3A_431 : vector<1024x128xf32>
    %mul3A_435 = arith.mulf %add3A_434, %sub3A_412 : vector<1024x128xf32>
    %add3A_436 = arith.constant 0.00943887047 : f32
    %add3A_437 = vector.broadcast %add3A_436 : f32 to vector<1024x128xf32>
    %add3A_438 = arith.addf %add3A_437, %mul3A_435 : vector<1024x128xf32>
    %mul3A_439 = arith.mulf %add3A_438, %sub3A_412 : vector<1024x128xf32>
    %add3A_440 = arith.constant 1.00167406 : f32
    %add3A_441 = vector.broadcast %add3A_440 : f32 to vector<1024x128xf32>
    %add3A_442 = arith.addf %add3A_441, %mul3A_439 : vector<1024x128xf32>
    %mul3A_443 = arith.mulf %add3A_442, %sub3A_412 : vector<1024x128xf32>
    %add3A_444 = arith.constant 2.83297682 : f32
    %add3A_445 = vector.broadcast %add3A_444 : f32 to vector<1024x128xf32>
    %add3A_446 = arith.addf %add3A_445, %mul3A_443 : vector<1024x128xf32>
    %lt3A_447 = arith.constant 5.000000e+00 : f32
    %lt3A_448 = vector.broadcast %lt3A_447 : f32 to vector<1024x128xf32>
    %lt3A_449 = arith.cmpf olt, %neg3A_372, %lt3A_448 : vector<1024x128xf32>
    %select_n3A_450 = arith.select %lt3A_449, %add3A_409, %add3A_446 : vector<1024x128xi1>, vector<1024x128xf32>
    %mul3A_451 = arith.mulf %select_n3A_450, %max3A_363 : vector<1024x128xf32>
    %mul3A_452 = arith.constant 1.41421354 : f32
    %mul3A_453 = vector.broadcast %mul3A_452 : f32 to vector<1024x128xf32>
    %mul3A_454 = arith.mulf %mul3A_453, %mul3A_451 : vector<1024x128xf32>
    %get3A_455 = arith.constant 0 : index
    %get3A_456 = arith.constant 2 : index
    %get3A_457 = memref.load %arg2[%get3A_455, %get3A_456] : memref<5x8xf32, #tpu.memory_space<smem>>
    %broadcast_in_dim3A_458 = vector.broadcast %get3A_457 : f32 to vector<1024x128xf32>
    %eq3A_459 = arith.constant 3 : i32
    %eq3A_460 = vector.broadcast %eq3A_459 : i32 to vector<1024x128xi32>
    %eq3A_461 = arith.cmpi eq, %convert_element_type3A_14, %eq3A_460 : vector<1024x128xi32>
    %get3A_462 = arith.constant 0 : index
    %get3A_463 = arith.constant 3 : index
    %get3A_464 = memref.load %arg2[%get3A_462, %get3A_463] : memref<5x8xf32, #tpu.memory_space<smem>>
    %broadcast_in_dim3A_465 = vector.broadcast %get3A_464 : f32 to vector<1024x128xf32>
    %select_n3A_466 = arith.select %eq3A_461, %broadcast_in_dim3A_465, %broadcast_in_dim3A_458 : vector<1024x128xi1>, vector<1024x128xf32>
    %eq3A_467 = arith.constant 4 : i32
    %eq3A_468 = vector.broadcast %eq3A_467 : i32 to vector<1024x128xi32>
    %eq3A_469 = arith.cmpi eq, %convert_element_type3A_14, %eq3A_468 : vector<1024x128xi32>
    %get3A_470 = arith.constant 0 : index
    %get3A_471 = arith.constant 4 : index
    %get3A_472 = memref.load %arg2[%get3A_470, %get3A_471] : memref<5x8xf32, #tpu.memory_space<smem>>
    %broadcast_in_dim3A_473 = vector.broadcast %get3A_472 : f32 to vector<1024x128xf32>
    %select_n3A_474 = arith.select %eq3A_469, %broadcast_in_dim3A_473, %select_n3A_466 : vector<1024x128xi1>, vector<1024x128xf32>
    %eq3A_475 = arith.constant 5 : i32
    %eq3A_476 = vector.broadcast %eq3A_475 : i32 to vector<1024x128xi32>
    %eq3A_477 = arith.cmpi eq, %convert_element_type3A_14, %eq3A_476 : vector<1024x128xi32>
    %get3A_478 = arith.constant 0 : index
    %get3A_479 = arith.constant 5 : index
    %get3A_480 = memref.load %arg2[%get3A_478, %get3A_479] : memref<5x8xf32, #tpu.memory_space<smem>>
    %broadcast_in_dim3A_481 = vector.broadcast %get3A_480 : f32 to vector<1024x128xf32>
    %select_n3A_482 = arith.select %eq3A_477, %broadcast_in_dim3A_481, %select_n3A_474 : vector<1024x128xi1>, vector<1024x128xf32>
    %eq3A_483 = arith.constant 6 : i32
    %eq3A_484 = vector.broadcast %eq3A_483 : i32 to vector<1024x128xi32>
    %eq3A_485 = arith.cmpi eq, %convert_element_type3A_14, %eq3A_484 : vector<1024x128xi32>
    %get3A_486 = arith.constant 0 : index
    %get3A_487 = arith.constant 6 : index
    %get3A_488 = memref.load %arg2[%get3A_486, %get3A_487] : memref<5x8xf32, #tpu.memory_space<smem>>
    %broadcast_in_dim3A_489 = vector.broadcast %get3A_488 : f32 to vector<1024x128xf32>
    %select_n3A_490 = arith.select %eq3A_485, %broadcast_in_dim3A_489, %select_n3A_482 : vector<1024x128xi1>, vector<1024x128xf32>
    %get3A_491 = arith.constant 2 : index
    %get3A_492 = arith.constant 2 : index
    %get3A_493 = memref.load %arg2[%get3A_491, %get3A_492] : memref<5x8xf32, #tpu.memory_space<smem>>
    %broadcast_in_dim3A_494 = vector.broadcast %get3A_493 : f32 to vector<1024x128xf32>
    %eq3A_495 = arith.constant 3 : i32
    %eq3A_496 = vector.broadcast %eq3A_495 : i32 to vector<1024x128xi32>
    %eq3A_497 = arith.cmpi eq, %convert_element_type3A_14, %eq3A_496 : vector<1024x128xi32>
    %get3A_498 = arith.constant 2 : index
    %get3A_499 = arith.constant 3 : index
    %get3A_500 = memref.load %arg2[%get3A_498, %get3A_499] : memref<5x8xf32, #tpu.memory_space<smem>>
    %broadcast_in_dim3A_501 = vector.broadcast %get3A_500 : f32 to vector<1024x128xf32>
    %select_n3A_502 = arith.select %eq3A_497, %broadcast_in_dim3A_501, %broadcast_in_dim3A_494 : vector<1024x128xi1>, vector<1024x128xf32>
    %eq3A_503 = arith.constant 4 : i32
    %eq3A_504 = vector.broadcast %eq3A_503 : i32 to vector<1024x128xi32>
    %eq3A_505 = arith.cmpi eq, %convert_element_type3A_14, %eq3A_504 : vector<1024x128xi32>
    %get3A_506 = arith.constant 2 : index
    %get3A_507 = arith.constant 4 : index
    %get3A_508 = memref.load %arg2[%get3A_506, %get3A_507] : memref<5x8xf32, #tpu.memory_space<smem>>
    %broadcast_in_dim3A_509 = vector.broadcast %get3A_508 : f32 to vector<1024x128xf32>
    %select_n3A_510 = arith.select %eq3A_505, %broadcast_in_dim3A_509, %select_n3A_502 : vector<1024x128xi1>, vector<1024x128xf32>
    %eq3A_511 = arith.constant 5 : i32
    %eq3A_512 = vector.broadcast %eq3A_511 : i32 to vector<1024x128xi32>
    %eq3A_513 = arith.cmpi eq, %convert_element_type3A_14, %eq3A_512 : vector<1024x128xi32>
    %get3A_514 = arith.constant 2 : index
    %get3A_515 = arith.constant 5 : index
    %get3A_516 = memref.load %arg2[%get3A_514, %get3A_515] : memref<5x8xf32, #tpu.memory_space<smem>>
    %broadcast_in_dim3A_517 = vector.broadcast %get3A_516 : f32 to vector<1024x128xf32>
    %select_n3A_518 = arith.select %eq3A_513, %broadcast_in_dim3A_517, %select_n3A_510 : vector<1024x128xi1>, vector<1024x128xf32>
    %eq3A_519 = arith.constant 6 : i32
    %eq3A_520 = vector.broadcast %eq3A_519 : i32 to vector<1024x128xi32>
    %eq3A_521 = arith.cmpi eq, %convert_element_type3A_14, %eq3A_520 : vector<1024x128xi32>
    %get3A_522 = arith.constant 2 : index
    %get3A_523 = arith.constant 6 : index
    %get3A_524 = memref.load %arg2[%get3A_522, %get3A_523] : memref<5x8xf32, #tpu.memory_space<smem>>
    %broadcast_in_dim3A_525 = vector.broadcast %get3A_524 : f32 to vector<1024x128xf32>
    %select_n3A_526 = arith.select %eq3A_521, %broadcast_in_dim3A_525, %select_n3A_518 : vector<1024x128xi1>, vector<1024x128xf32>
    %select_n3A_527 = arith.select %lt3A_21, %select_n3A_490, %select_n3A_526 : vector<1024x128xi1>, vector<1024x128xf32>
    %get3A_528 = arith.constant 1 : index
    %get3A_529 = arith.constant 2 : index
    %get3A_530 = memref.load %arg2[%get3A_528, %get3A_529] : memref<5x8xf32, #tpu.memory_space<smem>>
    %broadcast_in_dim3A_531 = vector.broadcast %get3A_530 : f32 to vector<1024x128xf32>
    %eq3A_532 = arith.constant 3 : i32
    %eq3A_533 = vector.broadcast %eq3A_532 : i32 to vector<1024x128xi32>
    %eq3A_534 = arith.cmpi eq, %convert_element_type3A_14, %eq3A_533 : vector<1024x128xi32>
    %get3A_535 = arith.constant 1 : index
    %get3A_536 = arith.constant 3 : index
    %get3A_537 = memref.load %arg2[%get3A_535, %get3A_536] : memref<5x8xf32, #tpu.memory_space<smem>>
    %broadcast_in_dim3A_538 = vector.broadcast %get3A_537 : f32 to vector<1024x128xf32>
    %select_n3A_539 = arith.select %eq3A_534, %broadcast_in_dim3A_538, %broadcast_in_dim3A_531 : vector<1024x128xi1>, vector<1024x128xf32>
    %eq3A_540 = arith.constant 4 : i32
    %eq3A_541 = vector.broadcast %eq3A_540 : i32 to vector<1024x128xi32>
    %eq3A_542 = arith.cmpi eq, %convert_element_type3A_14, %eq3A_541 : vector<1024x128xi32>
    %get3A_543 = arith.constant 1 : index
    %get3A_544 = arith.constant 4 : index
    %get3A_545 = memref.load %arg2[%get3A_543, %get3A_544] : memref<5x8xf32, #tpu.memory_space<smem>>
    %broadcast_in_dim3A_546 = vector.broadcast %get3A_545 : f32 to vector<1024x128xf32>
    %select_n3A_547 = arith.select %eq3A_542, %broadcast_in_dim3A_546, %select_n3A_539 : vector<1024x128xi1>, vector<1024x128xf32>
    %eq3A_548 = arith.constant 5 : i32
    %eq3A_549 = vector.broadcast %eq3A_548 : i32 to vector<1024x128xi32>
    %eq3A_550 = arith.cmpi eq, %convert_element_type3A_14, %eq3A_549 : vector<1024x128xi32>
    %get3A_551 = arith.constant 1 : index
    %get3A_552 = arith.constant 5 : index
    %get3A_553 = memref.load %arg2[%get3A_551, %get3A_552] : memref<5x8xf32, #tpu.memory_space<smem>>
    %broadcast_in_dim3A_554 = vector.broadcast %get3A_553 : f32 to vector<1024x128xf32>
    %select_n3A_555 = arith.select %eq3A_550, %broadcast_in_dim3A_554, %select_n3A_547 : vector<1024x128xi1>, vector<1024x128xf32>
    %eq3A_556 = arith.constant 6 : i32
    %eq3A_557 = vector.broadcast %eq3A_556 : i32 to vector<1024x128xi32>
    %eq3A_558 = arith.cmpi eq, %convert_element_type3A_14, %eq3A_557 : vector<1024x128xi32>
    %get3A_559 = arith.constant 1 : index
    %get3A_560 = arith.constant 6 : index
    %get3A_561 = memref.load %arg2[%get3A_559, %get3A_560] : memref<5x8xf32, #tpu.memory_space<smem>>
    %broadcast_in_dim3A_562 = vector.broadcast %get3A_561 : f32 to vector<1024x128xf32>
    %select_n3A_563 = arith.select %eq3A_558, %broadcast_in_dim3A_562, %select_n3A_555 : vector<1024x128xi1>, vector<1024x128xf32>
    %get3A_564 = arith.constant 3 : index
    %get3A_565 = arith.constant 2 : index
    %get3A_566 = memref.load %arg2[%get3A_564, %get3A_565] : memref<5x8xf32, #tpu.memory_space<smem>>
    %broadcast_in_dim3A_567 = vector.broadcast %get3A_566 : f32 to vector<1024x128xf32>
    %eq3A_568 = arith.constant 3 : i32
    %eq3A_569 = vector.broadcast %eq3A_568 : i32 to vector<1024x128xi32>
    %eq3A_570 = arith.cmpi eq, %convert_element_type3A_14, %eq3A_569 : vector<1024x128xi32>
    %get3A_571 = arith.constant 3 : index
    %get3A_572 = arith.constant 3 : index
    %get3A_573 = memref.load %arg2[%get3A_571, %get3A_572] : memref<5x8xf32, #tpu.memory_space<smem>>
    %broadcast_in_dim3A_574 = vector.broadcast %get3A_573 : f32 to vector<1024x128xf32>
    %select_n3A_575 = arith.select %eq3A_570, %broadcast_in_dim3A_574, %broadcast_in_dim3A_567 : vector<1024x128xi1>, vector<1024x128xf32>
    %eq3A_576 = arith.constant 4 : i32
    %eq3A_577 = vector.broadcast %eq3A_576 : i32 to vector<1024x128xi32>
    %eq3A_578 = arith.cmpi eq, %convert_element_type3A_14, %eq3A_577 : vector<1024x128xi32>
    %get3A_579 = arith.constant 3 : index
    %get3A_580 = arith.constant 4 : index
    %get3A_581 = memref.load %arg2[%get3A_579, %get3A_580] : memref<5x8xf32, #tpu.memory_space<smem>>
    %broadcast_in_dim3A_582 = vector.broadcast %get3A_581 : f32 to vector<1024x128xf32>
    %select_n3A_583 = arith.select %eq3A_578, %broadcast_in_dim3A_582, %select_n3A_575 : vector<1024x128xi1>, vector<1024x128xf32>
    %eq3A_584 = arith.constant 5 : i32
    %eq3A_585 = vector.broadcast %eq3A_584 : i32 to vector<1024x128xi32>
    %eq3A_586 = arith.cmpi eq, %convert_element_type3A_14, %eq3A_585 : vector<1024x128xi32>
    %get3A_587 = arith.constant 3 : index
    %get3A_588 = arith.constant 5 : index
    %get3A_589 = memref.load %arg2[%get3A_587, %get3A_588] : memref<5x8xf32, #tpu.memory_space<smem>>
    %broadcast_in_dim3A_590 = vector.broadcast %get3A_589 : f32 to vector<1024x128xf32>
    %select_n3A_591 = arith.select %eq3A_586, %broadcast_in_dim3A_590, %select_n3A_583 : vector<1024x128xi1>, vector<1024x128xf32>
    %eq3A_592 = arith.constant 6 : i32
    %eq3A_593 = vector.broadcast %eq3A_592 : i32 to vector<1024x128xi32>
    %eq3A_594 = arith.cmpi eq, %convert_element_type3A_14, %eq3A_593 : vector<1024x128xi32>
    %get3A_595 = arith.constant 3 : index
    %get3A_596 = arith.constant 6 : index
    %get3A_597 = memref.load %arg2[%get3A_595, %get3A_596] : memref<5x8xf32, #tpu.memory_space<smem>>
    %broadcast_in_dim3A_598 = vector.broadcast %get3A_597 : f32 to vector<1024x128xf32>
    %select_n3A_599 = arith.select %eq3A_594, %broadcast_in_dim3A_598, %select_n3A_591 : vector<1024x128xi1>, vector<1024x128xf32>
    %select_n3A_600 = arith.select %lt3A_21, %select_n3A_563, %select_n3A_599 : vector<1024x128xi1>, vector<1024x128xf32>
    %mul3A_601 = arith.mulf %select_n3A_600, %mul3A_454 : vector<1024x128xf32>
    %add3A_602 = arith.addf %select_n3A_527, %mul3A_601 : vector<1024x128xf32>
    %exp3A = math.exp %add3A_602 : vector<1024x128xf32>
    %swap3A = arith.constant 0 : index
    %swap3A_603 = arith.constant 0 : index
    %swap3A_604 = vector.load %arg8[%swap3A, %swap3A_603] : memref<1024x128xf32, #tpu.memory_space<vmem>>, vector<1024x128xf32>
    tpu.vector_store %arg8[%swap3A, %swap3A_603], %select_n3A {strides = array<i32>} : memref<1024x128xf32, #tpu.memory_space<vmem>>, vector<1024x128xf32>,
    %and3A_605 = arith.andi %and3A_28, %lt3A_21 : vector<1024x128xi1>
    %add3A_606 = arith.constant 1.000000e+00 : f32
    %add3A_607 = vector.broadcast %add3A_606 : f32 to vector<1024x128xf32>
    %add3A_608 = arith.addf %convert_element_type3A_7, %add3A_607 : vector<1024x128xf32>
    %jit3A_609 = arith.constant 0.000000e+00 : f32
    %broadcast_in_dim3A_610 = vector.broadcast %jit3A_609 : f32 to vector<1024x128xf32>
    %select_n3A_611 = arith.select %and3A_28, %broadcast_in_dim3A_610, %convert_element_type3A_7 : vector<1024x128xi1>, vector<1024x128xf32>
    %select_n3A_612 = arith.select %and3A_605, %add3A_608, %select_n3A_611 : vector<1024x128xi1>, vector<1024x128xf32>
    %swap3A_613 = arith.constant 0 : index
    %swap3A_614 = arith.constant 0 : index
    %swap3A_615 = vector.load %arg9[%swap3A_613, %swap3A_614] : memref<1024x128xf32, #tpu.memory_space<vmem>>, vector<1024x128xf32>
    tpu.vector_store %arg9[%swap3A_613, %swap3A_614], %select_n3A_612 {strides = array<i32>} : memref<1024x128xf32, #tpu.memory_space<vmem>>, vector<1024x128xf32>,
    %add3A_616 = arith.addf %get3A_10, %exp3A : vector<1024x128xf32>
    %select_n3A_617 = arith.select %and3A_28, %add3A_616, %get3A_10 : vector<1024x128xi1>, vector<1024x128xf32>
    %swap3A_618 = arith.constant 0 : index
    %swap3A_619 = arith.constant 0 : index
    %swap3A_620 = vector.load %arg10[%swap3A_618, %swap3A_619] : memref<1024x128xf32, #tpu.memory_space<vmem>>, vector<1024x128xf32>
    tpu.vector_store %arg10[%swap3A_618, %swap3A_619], %select_n3A_617 {strides = array<i32>} : memref<1024x128xf32, #tpu.memory_space<vmem>>, vector<1024x128xf32>,
    return
  }
  func.func @transform_0(%arg0: i32) -> i32 {
    %c0_i32 = arith.constant 0 : i32
    %c0_i32_0 = arith.constant 0 : i32
    return %c0_i32 : i32
  }
  func.func @transform_1(%arg0: i32) -> (i32, i32) {
    %c0_i32 = arith.constant 0 : i32
    %c0_i32_0 = arith.constant 0 : i32
    %c0_i32_1 = arith.constant 0 : i32
    return %c0_i32, %c0_i32_0 : i32, i32
  }
  func.func @transform_2(%arg0: i32) -> (i32, i32) {
    %add3A = arith.constant 0 : i32
    %add3A_0 = arith.addi %arg0, %add3A : i32
    %c0_i32 = arith.constant 0 : i32
    %c0_i32_1 = arith.constant 0 : i32
    return %add3A_0, %c0_i32 : i32, i32
  }
  func.func @transform_3(%arg0: i32) -> (i32, i32) {
    %add3A = arith.constant 0 : i32
    %add3A_0 = arith.addi %arg0, %add3A : i32
    %c0_i32 = arith.constant 0 : i32
    %c0_i32_1 = arith.constant 0 : i32
    return %add3A_0, %c0_i32 : i32, i32
  }
  func.func @transform_4(%arg0: i32) -> (i32, i32) {
    %add3A = arith.constant 0 : i32
    %add3A_0 = arith.addi %arg0, %add3A : i32
    %c0_i32 = arith.constant 0 : i32
    %c0_i32_1 = arith.constant 0 : i32
    return %add3A_0, %c0_i32 : i32, i32
  }
  func.func @transform_5(%arg0: i32) -> (i32, i32) {
    %add3A = arith.constant 0 : i32
    %add3A_0 = arith.addi %arg0, %add3A : i32
    %c0_i32 = arith.constant 0 : i32
    %c0_i32_1 = arith.constant 0 : i32
    return %add3A_0, %c0_i32 : i32, i32
  }
  func.func @transform_6(%arg0: i32) -> (i32, i32) {
    %add3A = arith.constant 0 : i32
    %add3A_0 = arith.addi %arg0, %add3A : i32
    %c0_i32 = arith.constant 0 : i32
    %c0_i32_1 = arith.constant 0 : i32
    return %add3A_0, %c0_i32 : i32, i32
  }
  func.func @transform_7(%arg0: i32) -> (i32, i32) {
    %add3A = arith.constant 0 : i32
    %add3A_0 = arith.addi %arg0, %add3A : i32
    %c0_i32 = arith.constant 0 : i32
    %c0_i32_1 = arith.constant 0 : i32
    return %add3A_0, %c0_i32 : i32, i32
  }
  func.func @transform_8(%arg0: i32) -> (i32, i32) {
    %add3A = arith.constant 0 : i32
    %add3A_0 = arith.addi %arg0, %add3A : i32
    %c0_i32 = arith.constant 0 : i32
    %c0_i32_1 = arith.constant 0 : i32
    return %add3A_0, %c0_i32 : i32, i32
  }
  func.func @transform_9(%arg0: i32) -> (i32, i32) {
    %add3A = arith.constant 0 : i32
    %add3A_0 = arith.addi %arg0, %add3A : i32
    %c0_i32 = arith.constant 0 : i32
    %c0_i32_1 = arith.constant 0 : i32
    return %add3A_0, %c0_i32 : i32, i32
  }
}

module attributes {stable_mosaic.version = 14 : i64} {
  func.func @_tcb_body(%arg0: i32, %arg1: memref<1xf32, #tpu.memory_space<smem>>, %arg2: memref<5x8xf32, #tpu.memory_space<smem>>, %arg3: memref<1024x128xi32, #tpu.memory_space<vmem>>, %arg4: memref<1024x128xi32, #tpu.memory_space<vmem>>, %arg5: memref<1024x128xf32, #tpu.memory_space<vmem>>, %arg6: memref<1024x128xf32, #tpu.memory_space<vmem>>, %arg7: memref<1024x128xf32, #tpu.memory_space<vmem>>, %arg8: memref<8192x128xf32, #tpu.memory_space<any>>, %arg9: memref<8192x128xf32, #tpu.memory_space<any>>, %arg10: memref<8192x128xf32, #tpu.memory_space<any>>, %arg11: memref<1024x128xf32, #tpu.memory_space<vmem>>, %arg12: memref<1024x128xf32, #tpu.memory_space<vmem>>, %arg13: memref<1024x128xf32, #tpu.memory_space<vmem>>) attributes {dimension_semantics = [#tpu.dimension_semantics<arbitrary>], iteration_bounds = array<i64: 4>, scalar_prefetch = 0 : i64, scratch_operands = 0 : i64, tpu.core_type = #tpu.core_type<tc>, window_params = [{transform_indices = @transform_0, window_bounds = array<i64: 1>}, {transform_indices = @transform_1, window_bounds = array<i64: 5, 8>}, {transform_indices = @transform_2, window_bounds = array<i64: 1024, 128>}, {transform_indices = @transform_3, window_bounds = array<i64: 1024, 128>}, {transform_indices = @transform_4, window_bounds = array<i64: 1024, 128>}, {transform_indices = @transform_5, window_bounds = array<i64: 1024, 128>}, {transform_indices = @transform_6, window_bounds = array<i64: 1024, 128>}, {}, {}, {}, {transform_indices = @transform_10, window_bounds = array<i64: 1024, 128>}, {transform_indices = @transform_11, window_bounds = array<i64: 1024, 128>}, {transform_indices = @transform_12, window_bounds = array<i64: 1024, 128>}]} {
    %get3A = arith.constant 0 : index
    %get3A_0 = memref.load %arg1[%get3A] : memref<1xf32, #tpu.memory_space<smem>>
    %get3A_1 = arith.constant 0 : index
    %get3A_2 = arith.constant 0 : index
    %get3A_3 = vector.load %arg3[%get3A_1, %get3A_2] : memref<1024x128xi32, #tpu.memory_space<vmem>>, vector<1024x128xi32>
    %convert_element_type3A = arith.sitofp %get3A_3 : vector<1024x128xi32> to vector<1024x128xf32>
    %get3A_4 = arith.constant 0 : index
    %get3A_5 = arith.constant 0 : index
    %get3A_6 = vector.load %arg4[%get3A_4, %get3A_5] : memref<1024x128xi32, #tpu.memory_space<vmem>>, vector<1024x128xi32>
    %convert_element_type3A_7 = arith.sitofp %get3A_6 : vector<1024x128xi32> to vector<1024x128xf32>
    %get3A_8 = arith.constant 0 : index
    %get3A_9 = arith.constant 0 : index
    %get3A_10 = vector.load %arg5[%get3A_8, %get3A_9] : memref<1024x128xf32, #tpu.memory_space<vmem>>, vector<1024x128xf32>
    %ge3A = vector.broadcast %get3A_0 : f32 to vector<1024x128xf32>
    %ge3A_11 = arith.cmpf oge, %ge3A, %get3A_10 : vector<1024x128xf32>
    %lt3A = arith.constant 7.000000e+00 : f32
    %lt3A_12 = vector.broadcast %lt3A : f32 to vector<1024x128xf32>
    %lt3A_13 = arith.cmpf olt, %convert_element_type3A, %lt3A_12 : vector<1024x128xf32>
    %and3A = arith.andi %ge3A_11, %lt3A_13 : vector<1024x128xi1>
    %select_n3A = arith.select %and3A, %convert_element_type3A_7, %convert_element_type3A : vector<1024x128xi1>, vector<1024x128xf32>
    %convert_element_type3A_14 = arith.fptosi %select_n3A : vector<1024x128xf32> to vector<1024x128xi32>
    %get3A_15 = arith.constant 0 : index
    %get3A_16 = arith.constant 0 : index
    %get3A_17 = vector.load %arg6[%get3A_15, %get3A_16] : memref<1024x128xf32, #tpu.memory_space<vmem>>, vector<1024x128xf32>
    %get3A_18 = arith.constant 0 : index
    %get3A_19 = arith.constant 0 : index
    %get3A_20 = vector.load %arg7[%get3A_18, %get3A_19] : memref<1024x128xf32, #tpu.memory_space<vmem>>, vector<1024x128xf32>
    %lt3A_21 = arith.cmpf olt, %get3A_17, %get3A_20 : vector<1024x128xf32>
    %ge3A_22 = arith.constant 2.000000e+00 : f32
    %ge3A_23 = vector.broadcast %ge3A_22 : f32 to vector<1024x128xf32>
    %ge3A_24 = arith.cmpf oge, %select_n3A, %ge3A_23 : vector<1024x128xf32>
    %and3A_25 = arith.andi %and3A, %ge3A_24 : vector<1024x128xi1>
    %le3A = arith.constant 6.000000e+00 : f32
    %le3A_26 = vector.broadcast %le3A : f32 to vector<1024x128xf32>
    %le3A_27 = arith.cmpf ole, %select_n3A, %le3A_26 : vector<1024x128xf32>
    %and3A_28 = arith.andi %and3A_25, %le3A_27 : vector<1024x128xi1>
    %broadcast_in_dim3A = arith.constant 2113592192 : i32
    %broadcast_in_dim3A_29 = vector.broadcast %broadcast_in_dim3A : i32 to vector<1024x128xi32>
    %eq3A = arith.constant 3 : i32
    %eq3A_30 = vector.broadcast %eq3A : i32 to vector<1024x128xi32>
    %eq3A_31 = arith.cmpi eq, %convert_element_type3A_14, %eq3A_30 : vector<1024x128xi32>
    %jit3A = arith.constant -782949785 : i32
    %broadcast_in_dim3A_32 = vector.broadcast %jit3A : i32 to vector<1024x128xi32>
    %select_n3A_33 = arith.select %eq3A_31, %broadcast_in_dim3A_32, %broadcast_in_dim3A_29 : vector<1024x128xi1>, vector<1024x128xi32>
    %eq3A_34 = arith.constant 4 : i32
    %eq3A_35 = vector.broadcast %eq3A_34 : i32 to vector<1024x128xi32>
    %eq3A_36 = arith.cmpi eq, %convert_element_type3A_14, %eq3A_35 : vector<1024x128xi32>
    %jit3A_37 = arith.constant 781066781 : i32
    %broadcast_in_dim3A_38 = vector.broadcast %jit3A_37 : i32 to vector<1024x128xi32>
    %select_n3A_39 = arith.select %eq3A_36, %broadcast_in_dim3A_38, %select_n3A_33 : vector<1024x128xi1>, vector<1024x128xi32>
    %eq3A_40 = arith.constant 5 : i32
    %eq3A_41 = vector.broadcast %eq3A_40 : i32 to vector<1024x128xi32>
    %eq3A_42 = arith.cmpi eq, %convert_element_type3A_14, %eq3A_41 : vector<1024x128xi32>
    %jit3A_43 = arith.constant -395188729 : i32
    %broadcast_in_dim3A_44 = vector.broadcast %jit3A_43 : i32 to vector<1024x128xi32>
    %select_n3A_45 = arith.select %eq3A_42, %broadcast_in_dim3A_44, %select_n3A_39 : vector<1024x128xi1>, vector<1024x128xi32>
    %eq3A_46 = arith.constant 6 : i32
    %eq3A_47 = vector.broadcast %eq3A_46 : i32 to vector<1024x128xi32>
    %eq3A_48 = arith.cmpi eq, %convert_element_type3A_14, %eq3A_47 : vector<1024x128xi32>
    %jit3A_49 = arith.constant -1800213266 : i32
    %broadcast_in_dim3A_50 = vector.broadcast %jit3A_49 : i32 to vector<1024x128xi32>
    %select_n3A_51 = arith.select %eq3A_48, %broadcast_in_dim3A_50, %select_n3A_45 : vector<1024x128xi1>, vector<1024x128xi32>
    %broadcast_in_dim3A_52 = arith.constant 603280156 : i32
    %broadcast_in_dim3A_53 = vector.broadcast %broadcast_in_dim3A_52 : i32 to vector<1024x128xi32>
    %eq3A_54 = arith.constant 3 : i32
    %eq3A_55 = vector.broadcast %eq3A_54 : i32 to vector<1024x128xi32>
    %eq3A_56 = arith.cmpi eq, %convert_element_type3A_14, %eq3A_55 : vector<1024x128xi32>
    %jit3A_57 = arith.constant 140093922 : i32
    %broadcast_in_dim3A_58 = vector.broadcast %jit3A_57 : i32 to vector<1024x128xi32>
    %select_n3A_59 = arith.select %eq3A_56, %broadcast_in_dim3A_58, %broadcast_in_dim3A_53 : vector<1024x128xi1>, vector<1024x128xi32>
    %eq3A_60 = arith.constant 4 : i32
    %eq3A_61 = vector.broadcast %eq3A_60 : i32 to vector<1024x128xi32>
    %eq3A_62 = arith.cmpi eq, %convert_element_type3A_14, %eq3A_61 : vector<1024x128xi32>
    %jit3A_63 = arith.constant 179802120 : i32
    %broadcast_in_dim3A_64 = vector.broadcast %jit3A_63 : i32 to vector<1024x128xi32>
    %select_n3A_65 = arith.select %eq3A_62, %broadcast_in_dim3A_64, %select_n3A_59 : vector<1024x128xi1>, vector<1024x128xi32>
    %eq3A_66 = arith.constant 5 : i32
    %eq3A_67 = vector.broadcast %eq3A_66 : i32 to vector<1024x128xi32>
    %eq3A_68 = arith.cmpi eq, %convert_element_type3A_14, %eq3A_67 : vector<1024x128xi32>
    %jit3A_69 = arith.constant 1232842604 : i32
    %broadcast_in_dim3A_70 = vector.broadcast %jit3A_69 : i32 to vector<1024x128xi32>
    %select_n3A_71 = arith.select %eq3A_68, %broadcast_in_dim3A_70, %select_n3A_65 : vector<1024x128xi1>, vector<1024x128xi32>
    %eq3A_72 = arith.constant 6 : i32
    %eq3A_73 = vector.broadcast %eq3A_72 : i32 to vector<1024x128xi32>
    %eq3A_74 = arith.cmpi eq, %convert_element_type3A_14, %eq3A_73 : vector<1024x128xi32>
    %jit3A_75 = arith.constant 1378856810 : i32
    %broadcast_in_dim3A_76 = vector.broadcast %jit3A_75 : i32 to vector<1024x128xi32>
    %select_n3A_77 = arith.select %eq3A_74, %broadcast_in_dim3A_76, %select_n3A_71 : vector<1024x128xi1>, vector<1024x128xi32>
    %broadcast_in_dim3A_78 = arith.constant -2080865739 : i32
    %broadcast_in_dim3A_79 = vector.broadcast %broadcast_in_dim3A_78 : i32 to vector<1024x128xi32>
    %eq3A_80 = arith.constant 3 : i32
    %eq3A_81 = vector.broadcast %eq3A_80 : i32 to vector<1024x128xi32>
    %eq3A_82 = arith.cmpi eq, %convert_element_type3A_14, %eq3A_81 : vector<1024x128xi32>
    %jit3A_83 = arith.constant -1220381076 : i32
    %broadcast_in_dim3A_84 = vector.broadcast %jit3A_83 : i32 to vector<1024x128xi32>
    %select_n3A_85 = arith.select %eq3A_82, %broadcast_in_dim3A_84, %broadcast_in_dim3A_79 : vector<1024x128xi1>, vector<1024x128xi32>
    %eq3A_86 = arith.constant 4 : i32
    %eq3A_87 = vector.broadcast %eq3A_86 : i32 to vector<1024x128xi32>
    %eq3A_88 = arith.cmpi eq, %convert_element_type3A_14, %eq3A_87 : vector<1024x128xi32>
    %jit3A_89 = arith.constant -1771320252 : i32
    %broadcast_in_dim3A_90 = vector.broadcast %jit3A_89 : i32 to vector<1024x128xi32>
    %select_n3A_91 = arith.select %eq3A_88, %broadcast_in_dim3A_90, %select_n3A_85 : vector<1024x128xi1>, vector<1024x128xi32>
    %eq3A_92 = arith.constant 5 : i32
    %eq3A_93 = vector.broadcast %eq3A_92 : i32 to vector<1024x128xi32>
    %eq3A_94 = arith.cmpi eq, %convert_element_type3A_14, %eq3A_93 : vector<1024x128xi32>
    %jit3A_95 = arith.constant -192512173 : i32
    %broadcast_in_dim3A_96 = vector.broadcast %jit3A_95 : i32 to vector<1024x128xi32>
    %select_n3A_97 = arith.select %eq3A_94, %broadcast_in_dim3A_96, %select_n3A_91 : vector<1024x128xi1>, vector<1024x128xi32>
    %eq3A_98 = arith.constant 6 : i32
    %eq3A_99 = vector.broadcast %eq3A_98 : i32 to vector<1024x128xi32>
    %eq3A_100 = arith.cmpi eq, %convert_element_type3A_14, %eq3A_99 : vector<1024x128xi32>
    %jit3A_101 = arith.constant 488061749 : i32
    %broadcast_in_dim3A_102 = vector.broadcast %jit3A_101 : i32 to vector<1024x128xi32>
    %select_n3A_103 = arith.select %eq3A_100, %broadcast_in_dim3A_102, %select_n3A_97 : vector<1024x128xi1>, vector<1024x128xi32>
    %broadcast_in_dim3A_104 = arith.constant -1349606942 : i32
    %broadcast_in_dim3A_105 = vector.broadcast %broadcast_in_dim3A_104 : i32 to vector<1024x128xi32>
    %eq3A_106 = arith.constant 3 : i32
    %eq3A_107 = vector.broadcast %eq3A_106 : i32 to vector<1024x128xi32>
    %eq3A_108 = arith.cmpi eq, %convert_element_type3A_14, %eq3A_107 : vector<1024x128xi32>
    %jit3A_109 = arith.constant 978807310 : i32
    %broadcast_in_dim3A_110 = vector.broadcast %jit3A_109 : i32 to vector<1024x128xi32>
    %select_n3A_111 = arith.select %eq3A_108, %broadcast_in_dim3A_110, %broadcast_in_dim3A_105 : vector<1024x128xi1>, vector<1024x128xi32>
    %eq3A_112 = arith.constant 4 : i32
    %eq3A_113 = vector.broadcast %eq3A_112 : i32 to vector<1024x128xi32>
    %eq3A_114 = arith.cmpi eq, %convert_element_type3A_14, %eq3A_113 : vector<1024x128xi32>
    %jit3A_115 = arith.constant -297176697 : i32
    %broadcast_in_dim3A_116 = vector.broadcast %jit3A_115 : i32 to vector<1024x128xi32>
    %select_n3A_117 = arith.select %eq3A_114, %broadcast_in_dim3A_116, %select_n3A_111 : vector<1024x128xi1>, vector<1024x128xi32>
    %eq3A_118 = arith.constant 5 : i32
    %eq3A_119 = vector.broadcast %eq3A_118 : i32 to vector<1024x128xi32>
    %eq3A_120 = arith.cmpi eq, %convert_element_type3A_14, %eq3A_119 : vector<1024x128xi32>
    %jit3A_121 = arith.constant 2124228911 : i32
    %broadcast_in_dim3A_122 = vector.broadcast %jit3A_121 : i32 to vector<1024x128xi32>
    %select_n3A_123 = arith.select %eq3A_120, %broadcast_in_dim3A_122, %select_n3A_117 : vector<1024x128xi1>, vector<1024x128xi32>
    %eq3A_124 = arith.constant 6 : i32
    %eq3A_125 = vector.broadcast %eq3A_124 : i32 to vector<1024x128xi32>
    %eq3A_126 = arith.cmpi eq, %convert_element_type3A_14, %eq3A_125 : vector<1024x128xi32>
    %jit3A_127 = arith.constant -232084919 : i32
    %broadcast_in_dim3A_128 = vector.broadcast %jit3A_127 : i32 to vector<1024x128xi32>
    %select_n3A_129 = arith.select %eq3A_126, %broadcast_in_dim3A_128, %select_n3A_123 : vector<1024x128xi1>, vector<1024x128xi32>
    %select_n3A_130 = arith.select %lt3A_21, %select_n3A_51, %select_n3A_103 : vector<1024x128xi1>, vector<1024x128xi32>
    %select_n3A_131 = arith.select %lt3A_21, %select_n3A_77, %select_n3A_129 : vector<1024x128xi1>, vector<1024x128xi32>
    %add3A = arith.constant 4 : i32
    %add3A_132 = arith.addi %arg0, %add3A : i32
    %iota3A = tpu.iota {dimensions = array<i32: 0>} : vector<1024x128xi32>
    %iota3A_133 = tpu.iota {dimensions = array<i32: 1>} : vector<1024x128xi32>
    %mul3A = arith.constant 131072 : i32
    %mul3A_134 = arith.muli %add3A_132, %mul3A : i32
    %mul3A_135 = arith.constant 128 : i32
    %mul3A_136 = vector.broadcast %mul3A_135 : i32 to vector<1024x128xi32>
    %mul3A_137 = arith.muli %iota3A, %mul3A_136 : vector<1024x128xi32>
    %add3A_138 = vector.broadcast %mul3A_134 : i32 to vector<1024x128xi32>
    %add3A_139 = arith.addi %add3A_138, %mul3A_137 : vector<1024x128xi32>
    %add3A_140 = arith.addi %add3A_139, %iota3A_133 : vector<1024x128xi32>
    %xor3A = arith.xori %select_n3A_130, %select_n3A_131 : vector<1024x128xi32>
    %xor3A_141 = arith.constant 466688986 : i32
    %xor3A_142 = vector.broadcast %xor3A_141 : i32 to vector<1024x128xi32>
    %xor3A_143 = arith.xori %xor3A, %xor3A_142 : vector<1024x128xi32>
    %add3A_144 = arith.addi %add3A_140, %select_n3A_131 : vector<1024x128xi32>
    %add3A_145 = arith.addi %select_n3A_130, %add3A_144 : vector<1024x128xi32>
    %shift_left3A = arith.constant 13 : i32
    %shift_left3A_146 = vector.broadcast %shift_left3A : i32 to vector<1024x128xi32>
    %shift_left3A_147 = arith.shli %add3A_144, %shift_left3A_146 : vector<1024x128xi32>
    %shift_right_logical3A = arith.constant 19 : i32
    %shift_right_logical3A_148 = vector.broadcast %shift_right_logical3A : i32 to vector<1024x128xi32>
    %shift_right_logical3A_149 = arith.shrui %add3A_144, %shift_right_logical3A_148 : vector<1024x128xi32>
    %or3A = arith.ori %shift_left3A_147, %shift_right_logical3A_149 : vector<1024x128xi32>
    %xor3A_150 = arith.xori %or3A, %add3A_145 : vector<1024x128xi32>
    %add3A_151 = arith.addi %add3A_145, %xor3A_150 : vector<1024x128xi32>
    %shift_left3A_152 = arith.constant 15 : i32
    %shift_left3A_153 = vector.broadcast %shift_left3A_152 : i32 to vector<1024x128xi32>
    %shift_left3A_154 = arith.shli %xor3A_150, %shift_left3A_153 : vector<1024x128xi32>
    %shift_right_logical3A_155 = arith.constant 17 : i32
    %shift_right_logical3A_156 = vector.broadcast %shift_right_logical3A_155 : i32 to vector<1024x128xi32>
    %shift_right_logical3A_157 = arith.shrui %xor3A_150, %shift_right_logical3A_156 : vector<1024x128xi32>
    %or3A_158 = arith.ori %shift_left3A_154, %shift_right_logical3A_157 : vector<1024x128xi32>
    %xor3A_159 = arith.xori %or3A_158, %add3A_151 : vector<1024x128xi32>
    %add3A_160 = arith.addi %add3A_151, %xor3A_159 : vector<1024x128xi32>
    %shift_left3A_161 = arith.constant 26 : i32
    %shift_left3A_162 = vector.broadcast %shift_left3A_161 : i32 to vector<1024x128xi32>
    %shift_left3A_163 = arith.shli %xor3A_159, %shift_left3A_162 : vector<1024x128xi32>
    %shift_right_logical3A_164 = arith.constant 6 : i32
    %shift_right_logical3A_165 = vector.broadcast %shift_right_logical3A_164 : i32 to vector<1024x128xi32>
    %shift_right_logical3A_166 = arith.shrui %xor3A_159, %shift_right_logical3A_165 : vector<1024x128xi32>
    %or3A_167 = arith.ori %shift_left3A_163, %shift_right_logical3A_166 : vector<1024x128xi32>
    %xor3A_168 = arith.xori %or3A_167, %add3A_160 : vector<1024x128xi32>
    %add3A_169 = arith.addi %add3A_160, %xor3A_168 : vector<1024x128xi32>
    %shift_left3A_170 = arith.constant 6 : i32
    %shift_left3A_171 = vector.broadcast %shift_left3A_170 : i32 to vector<1024x128xi32>
    %shift_left3A_172 = arith.shli %xor3A_168, %shift_left3A_171 : vector<1024x128xi32>
    %shift_right_logical3A_173 = arith.constant 26 : i32
    %shift_right_logical3A_174 = vector.broadcast %shift_right_logical3A_173 : i32 to vector<1024x128xi32>
    %shift_right_logical3A_175 = arith.shrui %xor3A_168, %shift_right_logical3A_174 : vector<1024x128xi32>
    %or3A_176 = arith.ori %shift_left3A_172, %shift_right_logical3A_175 : vector<1024x128xi32>
    %xor3A_177 = arith.xori %or3A_176, %add3A_169 : vector<1024x128xi32>
    %add3A_178 = arith.addi %add3A_169, %select_n3A_131 : vector<1024x128xi32>
    %add3A_179 = arith.addi %xor3A_177, %xor3A_143 : vector<1024x128xi32>
    %add3A_180 = arith.constant 1 : i32
    %add3A_181 = vector.broadcast %add3A_180 : i32 to vector<1024x128xi32>
    %add3A_182 = arith.addi %add3A_179, %add3A_181 : vector<1024x128xi32>
    %add3A_183 = arith.addi %add3A_178, %add3A_182 : vector<1024x128xi32>
    %shift_left3A_184 = arith.constant 17 : i32
    %shift_left3A_185 = vector.broadcast %shift_left3A_184 : i32 to vector<1024x128xi32>
    %shift_left3A_186 = arith.shli %add3A_182, %shift_left3A_185 : vector<1024x128xi32>
    %shift_right_logical3A_187 = arith.constant 15 : i32
    %shift_right_logical3A_188 = vector.broadcast %shift_right_logical3A_187 : i32 to vector<1024x128xi32>
    %shift_right_logical3A_189 = arith.shrui %add3A_182, %shift_right_logical3A_188 : vector<1024x128xi32>
    %or3A_190 = arith.ori %shift_left3A_186, %shift_right_logical3A_189 : vector<1024x128xi32>
    %xor3A_191 = arith.xori %or3A_190, %add3A_183 : vector<1024x128xi32>
    %add3A_192 = arith.addi %add3A_183, %xor3A_191 : vector<1024x128xi32>
    %shift_left3A_193 = arith.constant 29 : i32
    %shift_left3A_194 = vector.broadcast %shift_left3A_193 : i32 to vector<1024x128xi32>
    %shift_left3A_195 = arith.shli %xor3A_191, %shift_left3A_194 : vector<1024x128xi32>
    %shift_right_logical3A_196 = arith.constant 3 : i32
    %shift_right_logical3A_197 = vector.broadcast %shift_right_logical3A_196 : i32 to vector<1024x128xi32>
    %shift_right_logical3A_198 = arith.shrui %xor3A_191, %shift_right_logical3A_197 : vector<1024x128xi32>
    %or3A_199 = arith.ori %shift_left3A_195, %shift_right_logical3A_198 : vector<1024x128xi32>
    %xor3A_200 = arith.xori %or3A_199, %add3A_192 : vector<1024x128xi32>
    %add3A_201 = arith.addi %add3A_192, %xor3A_200 : vector<1024x128xi32>
    %shift_left3A_202 = arith.constant 16 : i32
    %shift_left3A_203 = vector.broadcast %shift_left3A_202 : i32 to vector<1024x128xi32>
    %shift_left3A_204 = arith.shli %xor3A_200, %shift_left3A_203 : vector<1024x128xi32>
    %shift_right_logical3A_205 = arith.constant 16 : i32
    %shift_right_logical3A_206 = vector.broadcast %shift_right_logical3A_205 : i32 to vector<1024x128xi32>
    %shift_right_logical3A_207 = arith.shrui %xor3A_200, %shift_right_logical3A_206 : vector<1024x128xi32>
    %or3A_208 = arith.ori %shift_left3A_204, %shift_right_logical3A_207 : vector<1024x128xi32>
    %xor3A_209 = arith.xori %or3A_208, %add3A_201 : vector<1024x128xi32>
    %add3A_210 = arith.addi %add3A_201, %xor3A_209 : vector<1024x128xi32>
    %shift_left3A_211 = arith.constant 24 : i32
    %shift_left3A_212 = vector.broadcast %shift_left3A_211 : i32 to vector<1024x128xi32>
    %shift_left3A_213 = arith.shli %xor3A_209, %shift_left3A_212 : vector<1024x128xi32>
    %shift_right_logical3A_214 = arith.constant 8 : i32
    %shift_right_logical3A_215 = vector.broadcast %shift_right_logical3A_214 : i32 to vector<1024x128xi32>
    %shift_right_logical3A_216 = arith.shrui %xor3A_209, %shift_right_logical3A_215 : vector<1024x128xi32>
    %or3A_217 = arith.ori %shift_left3A_213, %shift_right_logical3A_216 : vector<1024x128xi32>
    %xor3A_218 = arith.xori %or3A_217, %add3A_210 : vector<1024x128xi32>
    %add3A_219 = arith.addi %add3A_210, %xor3A_143 : vector<1024x128xi32>
    %add3A_220 = arith.addi %xor3A_218, %select_n3A_130 : vector<1024x128xi32>
    %add3A_221 = arith.constant 2 : i32
    %add3A_222 = vector.broadcast %add3A_221 : i32 to vector<1024x128xi32>
    %add3A_223 = arith.addi %add3A_220, %add3A_222 : vector<1024x128xi32>
    %add3A_224 = arith.addi %add3A_219, %add3A_223 : vector<1024x128xi32>
    %shift_left3A_225 = arith.constant 13 : i32
    %shift_left3A_226 = vector.broadcast %shift_left3A_225 : i32 to vector<1024x128xi32>
    %shift_left3A_227 = arith.shli %add3A_223, %shift_left3A_226 : vector<1024x128xi32>
    %shift_right_logical3A_228 = arith.constant 19 : i32
    %shift_right_logical3A_229 = vector.broadcast %shift_right_logical3A_228 : i32 to vector<1024x128xi32>
    %shift_right_logical3A_230 = arith.shrui %add3A_223, %shift_right_logical3A_229 : vector<1024x128xi32>
    %or3A_231 = arith.ori %shift_left3A_227, %shift_right_logical3A_230 : vector<1024x128xi32>
    %xor3A_232 = arith.xori %or3A_231, %add3A_224 : vector<1024x128xi32>
    %add3A_233 = arith.addi %add3A_224, %xor3A_232 : vector<1024x128xi32>
    %shift_left3A_234 = arith.constant 15 : i32
    %shift_left3A_235 = vector.broadcast %shift_left3A_234 : i32 to vector<1024x128xi32>
    %shift_left3A_236 = arith.shli %xor3A_232, %shift_left3A_235 : vector<1024x128xi32>
    %shift_right_logical3A_237 = arith.constant 17 : i32
    %shift_right_logical3A_238 = vector.broadcast %shift_right_logical3A_237 : i32 to vector<1024x128xi32>
    %shift_right_logical3A_239 = arith.shrui %xor3A_232, %shift_right_logical3A_238 : vector<1024x128xi32>
    %or3A_240 = arith.ori %shift_left3A_236, %shift_right_logical3A_239 : vector<1024x128xi32>
    %xor3A_241 = arith.xori %or3A_240, %add3A_233 : vector<1024x128xi32>
    %add3A_242 = arith.addi %add3A_233, %xor3A_241 : vector<1024x128xi32>
    %shift_left3A_243 = arith.constant 26 : i32
    %shift_left3A_244 = vector.broadcast %shift_left3A_243 : i32 to vector<1024x128xi32>
    %shift_left3A_245 = arith.shli %xor3A_241, %shift_left3A_244 : vector<1024x128xi32>
    %shift_right_logical3A_246 = arith.constant 6 : i32
    %shift_right_logical3A_247 = vector.broadcast %shift_right_logical3A_246 : i32 to vector<1024x128xi32>
    %shift_right_logical3A_248 = arith.shrui %xor3A_241, %shift_right_logical3A_247 : vector<1024x128xi32>
    %or3A_249 = arith.ori %shift_left3A_245, %shift_right_logical3A_248 : vector<1024x128xi32>
    %xor3A_250 = arith.xori %or3A_249, %add3A_242 : vector<1024x128xi32>
    %add3A_251 = arith.addi %add3A_242, %xor3A_250 : vector<1024x128xi32>
    %shift_left3A_252 = arith.constant 6 : i32
    %shift_left3A_253 = vector.broadcast %shift_left3A_252 : i32 to vector<1024x128xi32>
    %shift_left3A_254 = arith.shli %xor3A_250, %shift_left3A_253 : vector<1024x128xi32>
    %shift_right_logical3A_255 = arith.constant 26 : i32
    %shift_right_logical3A_256 = vector.broadcast %shift_right_logical3A_255 : i32 to vector<1024x128xi32>
    %shift_right_logical3A_257 = arith.shrui %xor3A_250, %shift_right_logical3A_256 : vector<1024x128xi32>
    %or3A_258 = arith.ori %shift_left3A_254, %shift_right_logical3A_257 : vector<1024x128xi32>
    %xor3A_259 = arith.xori %or3A_258, %add3A_251 : vector<1024x128xi32>
    %add3A_260 = arith.addi %add3A_251, %select_n3A_130 : vector<1024x128xi32>
    %add3A_261 = arith.addi %xor3A_259, %select_n3A_131 : vector<1024x128xi32>
    %add3A_262 = arith.constant 3 : i32
    %add3A_263 = vector.broadcast %add3A_262 : i32 to vector<1024x128xi32>
    %add3A_264 = arith.addi %add3A_261, %add3A_263 : vector<1024x128xi32>
    %add3A_265 = arith.addi %add3A_260, %add3A_264 : vector<1024x128xi32>
    %shift_left3A_266 = arith.constant 17 : i32
    %shift_left3A_267 = vector.broadcast %shift_left3A_266 : i32 to vector<1024x128xi32>
    %shift_left3A_268 = arith.shli %add3A_264, %shift_left3A_267 : vector<1024x128xi32>
    %shift_right_logical3A_269 = arith.constant 15 : i32
    %shift_right_logical3A_270 = vector.broadcast %shift_right_logical3A_269 : i32 to vector<1024x128xi32>
    %shift_right_logical3A_271 = arith.shrui %add3A_264, %shift_right_logical3A_270 : vector<1024x128xi32>
    %or3A_272 = arith.ori %shift_left3A_268, %shift_right_logical3A_271 : vector<1024x128xi32>
    %xor3A_273 = arith.xori %or3A_272, %add3A_265 : vector<1024x128xi32>
    %add3A_274 = arith.addi %add3A_265, %xor3A_273 : vector<1024x128xi32>
    %shift_left3A_275 = arith.constant 29 : i32
    %shift_left3A_276 = vector.broadcast %shift_left3A_275 : i32 to vector<1024x128xi32>
    %shift_left3A_277 = arith.shli %xor3A_273, %shift_left3A_276 : vector<1024x128xi32>
    %shift_right_logical3A_278 = arith.constant 3 : i32
    %shift_right_logical3A_279 = vector.broadcast %shift_right_logical3A_278 : i32 to vector<1024x128xi32>
    %shift_right_logical3A_280 = arith.shrui %xor3A_273, %shift_right_logical3A_279 : vector<1024x128xi32>
    %or3A_281 = arith.ori %shift_left3A_277, %shift_right_logical3A_280 : vector<1024x128xi32>
    %xor3A_282 = arith.xori %or3A_281, %add3A_274 : vector<1024x128xi32>
    %add3A_283 = arith.addi %add3A_274, %xor3A_282 : vector<1024x128xi32>
    %shift_left3A_284 = arith.constant 16 : i32
    %shift_left3A_285 = vector.broadcast %shift_left3A_284 : i32 to vector<1024x128xi32>
    %shift_left3A_286 = arith.shli %xor3A_282, %shift_left3A_285 : vector<1024x128xi32>
    %shift_right_logical3A_287 = arith.constant 16 : i32
    %shift_right_logical3A_288 = vector.broadcast %shift_right_logical3A_287 : i32 to vector<1024x128xi32>
    %shift_right_logical3A_289 = arith.shrui %xor3A_282, %shift_right_logical3A_288 : vector<1024x128xi32>
    %or3A_290 = arith.ori %shift_left3A_286, %shift_right_logical3A_289 : vector<1024x128xi32>
    %xor3A_291 = arith.xori %or3A_290, %add3A_283 : vector<1024x128xi32>
    %add3A_292 = arith.addi %add3A_283, %xor3A_291 : vector<1024x128xi32>
    %shift_left3A_293 = arith.constant 24 : i32
    %shift_left3A_294 = vector.broadcast %shift_left3A_293 : i32 to vector<1024x128xi32>
    %shift_left3A_295 = arith.shli %xor3A_291, %shift_left3A_294 : vector<1024x128xi32>
    %shift_right_logical3A_296 = arith.constant 8 : i32
    %shift_right_logical3A_297 = vector.broadcast %shift_right_logical3A_296 : i32 to vector<1024x128xi32>
    %shift_right_logical3A_298 = arith.shrui %xor3A_291, %shift_right_logical3A_297 : vector<1024x128xi32>
    %or3A_299 = arith.ori %shift_left3A_295, %shift_right_logical3A_298 : vector<1024x128xi32>
    %xor3A_300 = arith.xori %or3A_299, %add3A_292 : vector<1024x128xi32>
    %add3A_301 = arith.addi %add3A_292, %select_n3A_131 : vector<1024x128xi32>
    %add3A_302 = arith.addi %xor3A_300, %xor3A_143 : vector<1024x128xi32>
    %add3A_303 = arith.constant 4 : i32
    %add3A_304 = vector.broadcast %add3A_303 : i32 to vector<1024x128xi32>
    %add3A_305 = arith.addi %add3A_302, %add3A_304 : vector<1024x128xi32>
    %add3A_306 = arith.addi %add3A_301, %add3A_305 : vector<1024x128xi32>
    %shift_left3A_307 = arith.constant 13 : i32
    %shift_left3A_308 = vector.broadcast %shift_left3A_307 : i32 to vector<1024x128xi32>
    %shift_left3A_309 = arith.shli %add3A_305, %shift_left3A_308 : vector<1024x128xi32>
    %shift_right_logical3A_310 = arith.constant 19 : i32
    %shift_right_logical3A_311 = vector.broadcast %shift_right_logical3A_310 : i32 to vector<1024x128xi32>
    %shift_right_logical3A_312 = arith.shrui %add3A_305, %shift_right_logical3A_311 : vector<1024x128xi32>
    %or3A_313 = arith.ori %shift_left3A_309, %shift_right_logical3A_312 : vector<1024x128xi32>
    %xor3A_314 = arith.xori %or3A_313, %add3A_306 : vector<1024x128xi32>
    %add3A_315 = arith.addi %add3A_306, %xor3A_314 : vector<1024x128xi32>
    %shift_left3A_316 = arith.constant 15 : i32
    %shift_left3A_317 = vector.broadcast %shift_left3A_316 : i32 to vector<1024x128xi32>
    %shift_left3A_318 = arith.shli %xor3A_314, %shift_left3A_317 : vector<1024x128xi32>
    %shift_right_logical3A_319 = arith.constant 17 : i32
    %shift_right_logical3A_320 = vector.broadcast %shift_right_logical3A_319 : i32 to vector<1024x128xi32>
    %shift_right_logical3A_321 = arith.shrui %xor3A_314, %shift_right_logical3A_320 : vector<1024x128xi32>
    %or3A_322 = arith.ori %shift_left3A_318, %shift_right_logical3A_321 : vector<1024x128xi32>
    %xor3A_323 = arith.xori %or3A_322, %add3A_315 : vector<1024x128xi32>
    %add3A_324 = arith.addi %add3A_315, %xor3A_323 : vector<1024x128xi32>
    %shift_left3A_325 = arith.constant 26 : i32
    %shift_left3A_326 = vector.broadcast %shift_left3A_325 : i32 to vector<1024x128xi32>
    %shift_left3A_327 = arith.shli %xor3A_323, %shift_left3A_326 : vector<1024x128xi32>
    %shift_right_logical3A_328 = arith.constant 6 : i32
    %shift_right_logical3A_329 = vector.broadcast %shift_right_logical3A_328 : i32 to vector<1024x128xi32>
    %shift_right_logical3A_330 = arith.shrui %xor3A_323, %shift_right_logical3A_329 : vector<1024x128xi32>
    %or3A_331 = arith.ori %shift_left3A_327, %shift_right_logical3A_330 : vector<1024x128xi32>
    %xor3A_332 = arith.xori %or3A_331, %add3A_324 : vector<1024x128xi32>
    %add3A_333 = arith.addi %add3A_324, %xor3A_332 : vector<1024x128xi32>
    %shift_left3A_334 = arith.constant 6 : i32
    %shift_left3A_335 = vector.broadcast %shift_left3A_334 : i32 to vector<1024x128xi32>
    %shift_left3A_336 = arith.shli %xor3A_332, %shift_left3A_335 : vector<1024x128xi32>
    %shift_right_logical3A_337 = arith.constant 26 : i32
    %shift_right_logical3A_338 = vector.broadcast %shift_right_logical3A_337 : i32 to vector<1024x128xi32>
    %shift_right_logical3A_339 = arith.shrui %xor3A_332, %shift_right_logical3A_338 : vector<1024x128xi32>
    %or3A_340 = arith.ori %shift_left3A_336, %shift_right_logical3A_339 : vector<1024x128xi32>
    %xor3A_341 = arith.xori %or3A_340, %add3A_333 : vector<1024x128xi32>
    %add3A_342 = arith.addi %add3A_333, %xor3A_143 : vector<1024x128xi32>
    %add3A_343 = arith.addi %xor3A_341, %select_n3A_130 : vector<1024x128xi32>
    %add3A_344 = arith.constant 5 : i32
    %add3A_345 = vector.broadcast %add3A_344 : i32 to vector<1024x128xi32>
    %add3A_346 = arith.addi %add3A_343, %add3A_345 : vector<1024x128xi32>
    %xor3A_347 = arith.xori %add3A_342, %add3A_346 : vector<1024x128xi32>
    %shift_right_logical3A_348 = arith.constant 9 : i32
    %shift_right_logical3A_349 = vector.broadcast %shift_right_logical3A_348 : i32 to vector<1024x128xi32>
    %shift_right_logical3A_350 = arith.shrui %xor3A_347, %shift_right_logical3A_349 : vector<1024x128xi32>
    %or3A_351 = arith.constant 1065353216 : i32
    %or3A_352 = vector.broadcast %or3A_351 : i32 to vector<1024x128xi32>
    %or3A_353 = arith.ori %shift_right_logical3A_350, %or3A_352 : vector<1024x128xi32>
    %bitcast_convert_type3A = tpu.bitcast %or3A_353 : vector<1024x128xi32> -> vector<1024x128xf32>
    %sub3A = arith.constant 1.000000e+00 : f32
    %sub3A_354 = vector.broadcast %sub3A : f32 to vector<1024x128xf32>
    %sub3A_355 = arith.subf %bitcast_convert_type3A, %sub3A_354 : vector<1024x128xf32>
    %mul3A_356 = arith.constant 2.000000e+00 : f32
    %mul3A_357 = vector.broadcast %mul3A_356 : f32 to vector<1024x128xf32>
    %mul3A_358 = arith.mulf %sub3A_355, %mul3A_357 : vector<1024x128xf32>
    %add3A_359 = arith.constant -0.99999994 : f32
    %add3A_360 = vector.broadcast %add3A_359 : f32 to vector<1024x128xf32>
    %add3A_361 = arith.addf %mul3A_358, %add3A_360 : vector<1024x128xf32>
    %max3A = arith.constant -0.99999994 : f32
    %max3A_362 = vector.broadcast %max3A : f32 to vector<1024x128xf32>
    %max3A_363 = arith.maximumf %max3A_362, %add3A_361 : vector<1024x128xf32>
    %sub3A_364 = arith.constant 1.000000e+00 : f32
    %sub3A_365 = vector.broadcast %sub3A_364 : f32 to vector<1024x128xf32>
    %sub3A_366 = arith.subf %sub3A_365, %max3A_363 : vector<1024x128xf32>
    %add3A_367 = arith.constant 1.000000e+00 : f32
    %add3A_368 = vector.broadcast %add3A_367 : f32 to vector<1024x128xf32>
    %add3A_369 = arith.addf %add3A_368, %max3A_363 : vector<1024x128xf32>
    %mul3A_370 = arith.mulf %sub3A_366, %add3A_369 : vector<1024x128xf32>
    %log3A = math.log %mul3A_370 : vector<1024x128xf32>
    %neg3A = arith.constant 0.000000e+00 : f32
    %neg3A_371 = vector.broadcast %neg3A : f32 to vector<1024x128xf32>
    %neg3A_372 = arith.subf %neg3A_371, %log3A : vector<1024x128xf32>
    %sub3A_373 = arith.constant 2.500000e+00 : f32
    %sub3A_374 = vector.broadcast %sub3A_373 : f32 to vector<1024x128xf32>
    %sub3A_375 = arith.subf %neg3A_372, %sub3A_374 : vector<1024x128xf32>
    %mul3A_376 = arith.constant 2.81022636E-8 : f32
    %mul3A_377 = vector.broadcast %mul3A_376 : f32 to vector<1024x128xf32>
    %mul3A_378 = arith.mulf %mul3A_377, %sub3A_375 : vector<1024x128xf32>
    %add3A_379 = arith.constant 3.43273939E-7 : f32
    %add3A_380 = vector.broadcast %add3A_379 : f32 to vector<1024x128xf32>
    %add3A_381 = arith.addf %add3A_380, %mul3A_378 : vector<1024x128xf32>
    %mul3A_382 = arith.mulf %add3A_381, %sub3A_375 : vector<1024x128xf32>
    %add3A_383 = arith.constant -3.5233877E-6 : f32
    %add3A_384 = vector.broadcast %add3A_383 : f32 to vector<1024x128xf32>
    %add3A_385 = arith.addf %add3A_384, %mul3A_382 : vector<1024x128xf32>
    %mul3A_386 = arith.mulf %add3A_385, %sub3A_375 : vector<1024x128xf32>
    %add3A_387 = arith.constant -4.39150654E-6 : f32
    %add3A_388 = vector.broadcast %add3A_387 : f32 to vector<1024x128xf32>
    %add3A_389 = arith.addf %add3A_388, %mul3A_386 : vector<1024x128xf32>
    %mul3A_390 = arith.mulf %add3A_389, %sub3A_375 : vector<1024x128xf32>
    %add3A_391 = arith.constant 2.1858087E-4 : f32
    %add3A_392 = vector.broadcast %add3A_391 : f32 to vector<1024x128xf32>
    %add3A_393 = arith.addf %add3A_392, %mul3A_390 : vector<1024x128xf32>
    %mul3A_394 = arith.mulf %add3A_393, %sub3A_375 : vector<1024x128xf32>
    %add3A_395 = arith.constant -0.00125372503 : f32
    %add3A_396 = vector.broadcast %add3A_395 : f32 to vector<1024x128xf32>
    %add3A_397 = arith.addf %add3A_396, %mul3A_394 : vector<1024x128xf32>
    %mul3A_398 = arith.mulf %add3A_397, %sub3A_375 : vector<1024x128xf32>
    %add3A_399 = arith.constant -0.00417768164 : f32
    %add3A_400 = vector.broadcast %add3A_399 : f32 to vector<1024x128xf32>
    %add3A_401 = arith.addf %add3A_400, %mul3A_398 : vector<1024x128xf32>
    %mul3A_402 = arith.mulf %add3A_401, %sub3A_375 : vector<1024x128xf32>
    %add3A_403 = arith.constant 0.246640727 : f32
    %add3A_404 = vector.broadcast %add3A_403 : f32 to vector<1024x128xf32>
    %add3A_405 = arith.addf %add3A_404, %mul3A_402 : vector<1024x128xf32>
    %mul3A_406 = arith.mulf %add3A_405, %sub3A_375 : vector<1024x128xf32>
    %add3A_407 = arith.constant 1.50140941 : f32
    %add3A_408 = vector.broadcast %add3A_407 : f32 to vector<1024x128xf32>
    %add3A_409 = arith.addf %add3A_408, %mul3A_406 : vector<1024x128xf32>
    %sqrt3A = math.sqrt %neg3A_372 : vector<1024x128xf32>
    %sub3A_410 = arith.constant 3.000000e+00 : f32
    %sub3A_411 = vector.broadcast %sub3A_410 : f32 to vector<1024x128xf32>
    %sub3A_412 = arith.subf %sqrt3A, %sub3A_411 : vector<1024x128xf32>
    %mul3A_413 = arith.constant -2.00214257E-4 : f32
    %mul3A_414 = vector.broadcast %mul3A_413 : f32 to vector<1024x128xf32>
    %mul3A_415 = arith.mulf %mul3A_414, %sub3A_412 : vector<1024x128xf32>
    %add3A_416 = arith.constant 1.00950558E-4 : f32
    %add3A_417 = vector.broadcast %add3A_416 : f32 to vector<1024x128xf32>
    %add3A_418 = arith.addf %add3A_417, %mul3A_415 : vector<1024x128xf32>
    %mul3A_419 = arith.mulf %add3A_418, %sub3A_412 : vector<1024x128xf32>
    %add3A_420 = arith.constant 0.00134934322 : f32
    %add3A_421 = vector.broadcast %add3A_420 : f32 to vector<1024x128xf32>
    %add3A_422 = arith.addf %add3A_421, %mul3A_419 : vector<1024x128xf32>
    %mul3A_423 = arith.mulf %add3A_422, %sub3A_412 : vector<1024x128xf32>
    %add3A_424 = arith.constant -0.00367342844 : f32
    %add3A_425 = vector.broadcast %add3A_424 : f32 to vector<1024x128xf32>
    %add3A_426 = arith.addf %add3A_425, %mul3A_423 : vector<1024x128xf32>
    %mul3A_427 = arith.mulf %add3A_426, %sub3A_412 : vector<1024x128xf32>
    %add3A_428 = arith.constant 0.00573950773 : f32
    %add3A_429 = vector.broadcast %add3A_428 : f32 to vector<1024x128xf32>
    %add3A_430 = arith.addf %add3A_429, %mul3A_427 : vector<1024x128xf32>
    %mul3A_431 = arith.mulf %add3A_430, %sub3A_412 : vector<1024x128xf32>
    %add3A_432 = arith.constant -0.0076224613 : f32
    %add3A_433 = vector.broadcast %add3A_432 : f32 to vector<1024x128xf32>
    %add3A_434 = arith.addf %add3A_433, %mul3A_431 : vector<1024x128xf32>
    %mul3A_435 = arith.mulf %add3A_434, %sub3A_412 : vector<1024x128xf32>
    %add3A_436 = arith.constant 0.00943887047 : f32
    %add3A_437 = vector.broadcast %add3A_436 : f32 to vector<1024x128xf32>
    %add3A_438 = arith.addf %add3A_437, %mul3A_435 : vector<1024x128xf32>
    %mul3A_439 = arith.mulf %add3A_438, %sub3A_412 : vector<1024x128xf32>
    %add3A_440 = arith.constant 1.00167406 : f32
    %add3A_441 = vector.broadcast %add3A_440 : f32 to vector<1024x128xf32>
    %add3A_442 = arith.addf %add3A_441, %mul3A_439 : vector<1024x128xf32>
    %mul3A_443 = arith.mulf %add3A_442, %sub3A_412 : vector<1024x128xf32>
    %add3A_444 = arith.constant 2.83297682 : f32
    %add3A_445 = vector.broadcast %add3A_444 : f32 to vector<1024x128xf32>
    %add3A_446 = arith.addf %add3A_445, %mul3A_443 : vector<1024x128xf32>
    %lt3A_447 = arith.constant 5.000000e+00 : f32
    %lt3A_448 = vector.broadcast %lt3A_447 : f32 to vector<1024x128xf32>
    %lt3A_449 = arith.cmpf olt, %neg3A_372, %lt3A_448 : vector<1024x128xf32>
    %select_n3A_450 = arith.select %lt3A_449, %add3A_409, %add3A_446 : vector<1024x128xi1>, vector<1024x128xf32>
    %mul3A_451 = arith.mulf %select_n3A_450, %max3A_363 : vector<1024x128xf32>
    %mul3A_452 = arith.constant 1.41421354 : f32
    %mul3A_453 = vector.broadcast %mul3A_452 : f32 to vector<1024x128xf32>
    %mul3A_454 = arith.mulf %mul3A_453, %mul3A_451 : vector<1024x128xf32>
    %get3A_455 = arith.constant 0 : index
    %get3A_456 = arith.constant 2 : index
    %get3A_457 = memref.load %arg2[%get3A_455, %get3A_456] : memref<5x8xf32, #tpu.memory_space<smem>>
    %broadcast_in_dim3A_458 = vector.broadcast %get3A_457 : f32 to vector<1024x128xf32>
    %eq3A_459 = arith.constant 3 : i32
    %eq3A_460 = vector.broadcast %eq3A_459 : i32 to vector<1024x128xi32>
    %eq3A_461 = arith.cmpi eq, %convert_element_type3A_14, %eq3A_460 : vector<1024x128xi32>
    %get3A_462 = arith.constant 0 : index
    %get3A_463 = arith.constant 3 : index
    %get3A_464 = memref.load %arg2[%get3A_462, %get3A_463] : memref<5x8xf32, #tpu.memory_space<smem>>
    %broadcast_in_dim3A_465 = vector.broadcast %get3A_464 : f32 to vector<1024x128xf32>
    %select_n3A_466 = arith.select %eq3A_461, %broadcast_in_dim3A_465, %broadcast_in_dim3A_458 : vector<1024x128xi1>, vector<1024x128xf32>
    %eq3A_467 = arith.constant 4 : i32
    %eq3A_468 = vector.broadcast %eq3A_467 : i32 to vector<1024x128xi32>
    %eq3A_469 = arith.cmpi eq, %convert_element_type3A_14, %eq3A_468 : vector<1024x128xi32>
    %get3A_470 = arith.constant 0 : index
    %get3A_471 = arith.constant 4 : index
    %get3A_472 = memref.load %arg2[%get3A_470, %get3A_471] : memref<5x8xf32, #tpu.memory_space<smem>>
    %broadcast_in_dim3A_473 = vector.broadcast %get3A_472 : f32 to vector<1024x128xf32>
    %select_n3A_474 = arith.select %eq3A_469, %broadcast_in_dim3A_473, %select_n3A_466 : vector<1024x128xi1>, vector<1024x128xf32>
    %eq3A_475 = arith.constant 5 : i32
    %eq3A_476 = vector.broadcast %eq3A_475 : i32 to vector<1024x128xi32>
    %eq3A_477 = arith.cmpi eq, %convert_element_type3A_14, %eq3A_476 : vector<1024x128xi32>
    %get3A_478 = arith.constant 0 : index
    %get3A_479 = arith.constant 5 : index
    %get3A_480 = memref.load %arg2[%get3A_478, %get3A_479] : memref<5x8xf32, #tpu.memory_space<smem>>
    %broadcast_in_dim3A_481 = vector.broadcast %get3A_480 : f32 to vector<1024x128xf32>
    %select_n3A_482 = arith.select %eq3A_477, %broadcast_in_dim3A_481, %select_n3A_474 : vector<1024x128xi1>, vector<1024x128xf32>
    %eq3A_483 = arith.constant 6 : i32
    %eq3A_484 = vector.broadcast %eq3A_483 : i32 to vector<1024x128xi32>
    %eq3A_485 = arith.cmpi eq, %convert_element_type3A_14, %eq3A_484 : vector<1024x128xi32>
    %get3A_486 = arith.constant 0 : index
    %get3A_487 = arith.constant 6 : index
    %get3A_488 = memref.load %arg2[%get3A_486, %get3A_487] : memref<5x8xf32, #tpu.memory_space<smem>>
    %broadcast_in_dim3A_489 = vector.broadcast %get3A_488 : f32 to vector<1024x128xf32>
    %select_n3A_490 = arith.select %eq3A_485, %broadcast_in_dim3A_489, %select_n3A_482 : vector<1024x128xi1>, vector<1024x128xf32>
    %get3A_491 = arith.constant 2 : index
    %get3A_492 = arith.constant 2 : index
    %get3A_493 = memref.load %arg2[%get3A_491, %get3A_492] : memref<5x8xf32, #tpu.memory_space<smem>>
    %broadcast_in_dim3A_494 = vector.broadcast %get3A_493 : f32 to vector<1024x128xf32>
    %eq3A_495 = arith.constant 3 : i32
    %eq3A_496 = vector.broadcast %eq3A_495 : i32 to vector<1024x128xi32>
    %eq3A_497 = arith.cmpi eq, %convert_element_type3A_14, %eq3A_496 : vector<1024x128xi32>
    %get3A_498 = arith.constant 2 : index
    %get3A_499 = arith.constant 3 : index
    %get3A_500 = memref.load %arg2[%get3A_498, %get3A_499] : memref<5x8xf32, #tpu.memory_space<smem>>
    %broadcast_in_dim3A_501 = vector.broadcast %get3A_500 : f32 to vector<1024x128xf32>
    %select_n3A_502 = arith.select %eq3A_497, %broadcast_in_dim3A_501, %broadcast_in_dim3A_494 : vector<1024x128xi1>, vector<1024x128xf32>
    %eq3A_503 = arith.constant 4 : i32
    %eq3A_504 = vector.broadcast %eq3A_503 : i32 to vector<1024x128xi32>
    %eq3A_505 = arith.cmpi eq, %convert_element_type3A_14, %eq3A_504 : vector<1024x128xi32>
    %get3A_506 = arith.constant 2 : index
    %get3A_507 = arith.constant 4 : index
    %get3A_508 = memref.load %arg2[%get3A_506, %get3A_507] : memref<5x8xf32, #tpu.memory_space<smem>>
    %broadcast_in_dim3A_509 = vector.broadcast %get3A_508 : f32 to vector<1024x128xf32>
    %select_n3A_510 = arith.select %eq3A_505, %broadcast_in_dim3A_509, %select_n3A_502 : vector<1024x128xi1>, vector<1024x128xf32>
    %eq3A_511 = arith.constant 5 : i32
    %eq3A_512 = vector.broadcast %eq3A_511 : i32 to vector<1024x128xi32>
    %eq3A_513 = arith.cmpi eq, %convert_element_type3A_14, %eq3A_512 : vector<1024x128xi32>
    %get3A_514 = arith.constant 2 : index
    %get3A_515 = arith.constant 5 : index
    %get3A_516 = memref.load %arg2[%get3A_514, %get3A_515] : memref<5x8xf32, #tpu.memory_space<smem>>
    %broadcast_in_dim3A_517 = vector.broadcast %get3A_516 : f32 to vector<1024x128xf32>
    %select_n3A_518 = arith.select %eq3A_513, %broadcast_in_dim3A_517, %select_n3A_510 : vector<1024x128xi1>, vector<1024x128xf32>
    %eq3A_519 = arith.constant 6 : i32
    %eq3A_520 = vector.broadcast %eq3A_519 : i32 to vector<1024x128xi32>
    %eq3A_521 = arith.cmpi eq, %convert_element_type3A_14, %eq3A_520 : vector<1024x128xi32>
    %get3A_522 = arith.constant 2 : index
    %get3A_523 = arith.constant 6 : index
    %get3A_524 = memref.load %arg2[%get3A_522, %get3A_523] : memref<5x8xf32, #tpu.memory_space<smem>>
    %broadcast_in_dim3A_525 = vector.broadcast %get3A_524 : f32 to vector<1024x128xf32>
    %select_n3A_526 = arith.select %eq3A_521, %broadcast_in_dim3A_525, %select_n3A_518 : vector<1024x128xi1>, vector<1024x128xf32>
    %select_n3A_527 = arith.select %lt3A_21, %select_n3A_490, %select_n3A_526 : vector<1024x128xi1>, vector<1024x128xf32>
    %get3A_528 = arith.constant 1 : index
    %get3A_529 = arith.constant 2 : index
    %get3A_530 = memref.load %arg2[%get3A_528, %get3A_529] : memref<5x8xf32, #tpu.memory_space<smem>>
    %broadcast_in_dim3A_531 = vector.broadcast %get3A_530 : f32 to vector<1024x128xf32>
    %eq3A_532 = arith.constant 3 : i32
    %eq3A_533 = vector.broadcast %eq3A_532 : i32 to vector<1024x128xi32>
    %eq3A_534 = arith.cmpi eq, %convert_element_type3A_14, %eq3A_533 : vector<1024x128xi32>
    %get3A_535 = arith.constant 1 : index
    %get3A_536 = arith.constant 3 : index
    %get3A_537 = memref.load %arg2[%get3A_535, %get3A_536] : memref<5x8xf32, #tpu.memory_space<smem>>
    %broadcast_in_dim3A_538 = vector.broadcast %get3A_537 : f32 to vector<1024x128xf32>
    %select_n3A_539 = arith.select %eq3A_534, %broadcast_in_dim3A_538, %broadcast_in_dim3A_531 : vector<1024x128xi1>, vector<1024x128xf32>
    %eq3A_540 = arith.constant 4 : i32
    %eq3A_541 = vector.broadcast %eq3A_540 : i32 to vector<1024x128xi32>
    %eq3A_542 = arith.cmpi eq, %convert_element_type3A_14, %eq3A_541 : vector<1024x128xi32>
    %get3A_543 = arith.constant 1 : index
    %get3A_544 = arith.constant 4 : index
    %get3A_545 = memref.load %arg2[%get3A_543, %get3A_544] : memref<5x8xf32, #tpu.memory_space<smem>>
    %broadcast_in_dim3A_546 = vector.broadcast %get3A_545 : f32 to vector<1024x128xf32>
    %select_n3A_547 = arith.select %eq3A_542, %broadcast_in_dim3A_546, %select_n3A_539 : vector<1024x128xi1>, vector<1024x128xf32>
    %eq3A_548 = arith.constant 5 : i32
    %eq3A_549 = vector.broadcast %eq3A_548 : i32 to vector<1024x128xi32>
    %eq3A_550 = arith.cmpi eq, %convert_element_type3A_14, %eq3A_549 : vector<1024x128xi32>
    %get3A_551 = arith.constant 1 : index
    %get3A_552 = arith.constant 5 : index
    %get3A_553 = memref.load %arg2[%get3A_551, %get3A_552] : memref<5x8xf32, #tpu.memory_space<smem>>
    %broadcast_in_dim3A_554 = vector.broadcast %get3A_553 : f32 to vector<1024x128xf32>
    %select_n3A_555 = arith.select %eq3A_550, %broadcast_in_dim3A_554, %select_n3A_547 : vector<1024x128xi1>, vector<1024x128xf32>
    %eq3A_556 = arith.constant 6 : i32
    %eq3A_557 = vector.broadcast %eq3A_556 : i32 to vector<1024x128xi32>
    %eq3A_558 = arith.cmpi eq, %convert_element_type3A_14, %eq3A_557 : vector<1024x128xi32>
    %get3A_559 = arith.constant 1 : index
    %get3A_560 = arith.constant 6 : index
    %get3A_561 = memref.load %arg2[%get3A_559, %get3A_560] : memref<5x8xf32, #tpu.memory_space<smem>>
    %broadcast_in_dim3A_562 = vector.broadcast %get3A_561 : f32 to vector<1024x128xf32>
    %select_n3A_563 = arith.select %eq3A_558, %broadcast_in_dim3A_562, %select_n3A_555 : vector<1024x128xi1>, vector<1024x128xf32>
    %get3A_564 = arith.constant 3 : index
    %get3A_565 = arith.constant 2 : index
    %get3A_566 = memref.load %arg2[%get3A_564, %get3A_565] : memref<5x8xf32, #tpu.memory_space<smem>>
    %broadcast_in_dim3A_567 = vector.broadcast %get3A_566 : f32 to vector<1024x128xf32>
    %eq3A_568 = arith.constant 3 : i32
    %eq3A_569 = vector.broadcast %eq3A_568 : i32 to vector<1024x128xi32>
    %eq3A_570 = arith.cmpi eq, %convert_element_type3A_14, %eq3A_569 : vector<1024x128xi32>
    %get3A_571 = arith.constant 3 : index
    %get3A_572 = arith.constant 3 : index
    %get3A_573 = memref.load %arg2[%get3A_571, %get3A_572] : memref<5x8xf32, #tpu.memory_space<smem>>
    %broadcast_in_dim3A_574 = vector.broadcast %get3A_573 : f32 to vector<1024x128xf32>
    %select_n3A_575 = arith.select %eq3A_570, %broadcast_in_dim3A_574, %broadcast_in_dim3A_567 : vector<1024x128xi1>, vector<1024x128xf32>
    %eq3A_576 = arith.constant 4 : i32
    %eq3A_577 = vector.broadcast %eq3A_576 : i32 to vector<1024x128xi32>
    %eq3A_578 = arith.cmpi eq, %convert_element_type3A_14, %eq3A_577 : vector<1024x128xi32>
    %get3A_579 = arith.constant 3 : index
    %get3A_580 = arith.constant 4 : index
    %get3A_581 = memref.load %arg2[%get3A_579, %get3A_580] : memref<5x8xf32, #tpu.memory_space<smem>>
    %broadcast_in_dim3A_582 = vector.broadcast %get3A_581 : f32 to vector<1024x128xf32>
    %select_n3A_583 = arith.select %eq3A_578, %broadcast_in_dim3A_582, %select_n3A_575 : vector<1024x128xi1>, vector<1024x128xf32>
    %eq3A_584 = arith.constant 5 : i32
    %eq3A_585 = vector.broadcast %eq3A_584 : i32 to vector<1024x128xi32>
    %eq3A_586 = arith.cmpi eq, %convert_element_type3A_14, %eq3A_585 : vector<1024x128xi32>
    %get3A_587 = arith.constant 3 : index
    %get3A_588 = arith.constant 5 : index
    %get3A_589 = memref.load %arg2[%get3A_587, %get3A_588] : memref<5x8xf32, #tpu.memory_space<smem>>
    %broadcast_in_dim3A_590 = vector.broadcast %get3A_589 : f32 to vector<1024x128xf32>
    %select_n3A_591 = arith.select %eq3A_586, %broadcast_in_dim3A_590, %select_n3A_583 : vector<1024x128xi1>, vector<1024x128xf32>
    %eq3A_592 = arith.constant 6 : i32
    %eq3A_593 = vector.broadcast %eq3A_592 : i32 to vector<1024x128xi32>
    %eq3A_594 = arith.cmpi eq, %convert_element_type3A_14, %eq3A_593 : vector<1024x128xi32>
    %get3A_595 = arith.constant 3 : index
    %get3A_596 = arith.constant 6 : index
    %get3A_597 = memref.load %arg2[%get3A_595, %get3A_596] : memref<5x8xf32, #tpu.memory_space<smem>>
    %broadcast_in_dim3A_598 = vector.broadcast %get3A_597 : f32 to vector<1024x128xf32>
    %select_n3A_599 = arith.select %eq3A_594, %broadcast_in_dim3A_598, %select_n3A_591 : vector<1024x128xi1>, vector<1024x128xf32>
    %select_n3A_600 = arith.select %lt3A_21, %select_n3A_563, %select_n3A_599 : vector<1024x128xi1>, vector<1024x128xf32>
    %mul3A_601 = arith.mulf %select_n3A_600, %mul3A_454 : vector<1024x128xf32>
    %add3A_602 = arith.addf %select_n3A_527, %mul3A_601 : vector<1024x128xf32>
    %exp3A = math.exp %add3A_602 : vector<1024x128xf32>
    %swap3A = arith.constant 0 : index
    %swap3A_603 = arith.constant 0 : index
    %swap3A_604 = vector.load %arg11[%swap3A, %swap3A_603] : memref<1024x128xf32, #tpu.memory_space<vmem>>, vector<1024x128xf32>
    tpu.vector_store %arg11[%swap3A, %swap3A_603], %select_n3A {strides = array<i32>} : memref<1024x128xf32, #tpu.memory_space<vmem>>, vector<1024x128xf32>,
    %and3A_605 = arith.andi %and3A_28, %lt3A_21 : vector<1024x128xi1>
    %add3A_606 = arith.constant 1.000000e+00 : f32
    %add3A_607 = vector.broadcast %add3A_606 : f32 to vector<1024x128xf32>
    %add3A_608 = arith.addf %convert_element_type3A_7, %add3A_607 : vector<1024x128xf32>
    %jit3A_609 = arith.constant 0.000000e+00 : f32
    %broadcast_in_dim3A_610 = vector.broadcast %jit3A_609 : f32 to vector<1024x128xf32>
    %select_n3A_611 = arith.select %and3A_28, %broadcast_in_dim3A_610, %convert_element_type3A_7 : vector<1024x128xi1>, vector<1024x128xf32>
    %select_n3A_612 = arith.select %and3A_605, %add3A_608, %select_n3A_611 : vector<1024x128xi1>, vector<1024x128xf32>
    %swap3A_613 = arith.constant 0 : index
    %swap3A_614 = arith.constant 0 : index
    %swap3A_615 = vector.load %arg12[%swap3A_613, %swap3A_614] : memref<1024x128xf32, #tpu.memory_space<vmem>>, vector<1024x128xf32>
    tpu.vector_store %arg12[%swap3A_613, %swap3A_614], %select_n3A_612 {strides = array<i32>} : memref<1024x128xf32, #tpu.memory_space<vmem>>, vector<1024x128xf32>,
    %add3A_616 = arith.addf %get3A_10, %exp3A : vector<1024x128xf32>
    %select_n3A_617 = arith.select %and3A_28, %add3A_616, %get3A_10 : vector<1024x128xi1>, vector<1024x128xf32>
    %swap3A_618 = arith.constant 0 : index
    %swap3A_619 = arith.constant 0 : index
    %swap3A_620 = vector.load %arg13[%swap3A_618, %swap3A_619] : memref<1024x128xf32, #tpu.memory_space<vmem>>, vector<1024x128xf32>
    tpu.vector_store %arg13[%swap3A_618, %swap3A_619], %select_n3A_617 {strides = array<i32>} : memref<1024x128xf32, #tpu.memory_space<vmem>>, vector<1024x128xf32>,
    return
  }
  func.func @transform_0(%arg0: i32) -> i32 {
    %c0_i32 = arith.constant 0 : i32
    %c0_i32_0 = arith.constant 0 : i32
    return %c0_i32 : i32
  }
  func.func @transform_1(%arg0: i32) -> (i32, i32) {
    %c0_i32 = arith.constant 0 : i32
    %c0_i32_0 = arith.constant 0 : i32
    %c0_i32_1 = arith.constant 0 : i32
    return %c0_i32, %c0_i32_0 : i32, i32
  }
  func.func @transform_2(%arg0: i32) -> (i32, i32) {
    %add3A = arith.constant 4 : i32
    %add3A_0 = arith.addi %arg0, %add3A : i32
    %c0_i32 = arith.constant 0 : i32
    %c0_i32_1 = arith.constant 0 : i32
    return %add3A_0, %c0_i32 : i32, i32
  }
  func.func @transform_3(%arg0: i32) -> (i32, i32) {
    %add3A = arith.constant 4 : i32
    %add3A_0 = arith.addi %arg0, %add3A : i32
    %c0_i32 = arith.constant 0 : i32
    %c0_i32_1 = arith.constant 0 : i32
    return %add3A_0, %c0_i32 : i32, i32
  }
  func.func @transform_4(%arg0: i32) -> (i32, i32) {
    %add3A = arith.constant 4 : i32
    %add3A_0 = arith.addi %arg0, %add3A : i32
    %c0_i32 = arith.constant 0 : i32
    %c0_i32_1 = arith.constant 0 : i32
    return %add3A_0, %c0_i32 : i32, i32
  }
  func.func @transform_5(%arg0: i32) -> (i32, i32) {
    %add3A = arith.constant 4 : i32
    %add3A_0 = arith.addi %arg0, %add3A : i32
    %c0_i32 = arith.constant 0 : i32
    %c0_i32_1 = arith.constant 0 : i32
    return %add3A_0, %c0_i32 : i32, i32
  }
  func.func @transform_6(%arg0: i32) -> (i32, i32) {
    %add3A = arith.constant 4 : i32
    %add3A_0 = arith.addi %arg0, %add3A : i32
    %c0_i32 = arith.constant 0 : i32
    %c0_i32_1 = arith.constant 0 : i32
    return %add3A_0, %c0_i32 : i32, i32
  }
  func.func @transform_10(%arg0: i32) -> (i32, i32) {
    %add3A = arith.constant 4 : i32
    %add3A_0 = arith.addi %arg0, %add3A : i32
    %c0_i32 = arith.constant 0 : i32
    %c0_i32_1 = arith.constant 0 : i32
    return %add3A_0, %c0_i32 : i32, i32
  }
  func.func @transform_11(%arg0: i32) -> (i32, i32) {
    %add3A = arith.constant 4 : i32
    %add3A_0 = arith.addi %arg0, %add3A : i32
    %c0_i32 = arith.constant 0 : i32
    %c0_i32_1 = arith.constant 0 : i32
    return %add3A_0, %c0_i32 : i32, i32
  }
  func.func @transform_12(%arg0: i32) -> (i32, i32) {
    %add3A = arith.constant 4 : i32
    %add3A_0 = arith.addi %arg0, %add3A : i32
    %c0_i32 = arith.constant 0 : i32
    %c0_i32_1 = arith.constant 0 : i32
    return %add3A_0, %c0_i32 : i32, i32
  }
}

</mosaic_0001>

<sc_bundles>
// kernel: kernel.10.cloned.1.call-start
scs
__scs_entry_jumppad:
0x0: {  	(pc) =	sbr.rel $0x88, $3  }
0x1: {  	(tag) =	ssettag $0x0;
	lr =	simm.s32 $0x1  }
0x2: {  	[smem:$0x3F96] =	sst lr;
	_ =	strace $0xD0000000  }
0x3: {  	_ = 	snop  }
0x4: {  	_ = 	snop  }
0x5: {  	_ = 	snop  }
0x6: {  	_ = 	snop  }
0x7: {  	_ = 	snop  }
__scs_overlays_trampoline_lowered:
0x8: {  	[smem:$0x3FA5] =	sst s0  }
0x9: {  	[smem:$0x3FA6] =	sst s1  }
0xa: {  	[smem:$0x3FA7] =	sst s2  }
0xb: {  	[smem:$0x3FA8] =	sst s3  }
0xc: {  	[smem:$0x3FA9] =	sst s4  }
0xd: {  	[smem:$0x3FAA] =	sst s5  }
0xe: {  	[smem:$0x3FAB] =	sst s6  }
0xf: {  	[smem:$0x3FAC] =	sst s7  }
0x10: {  	[smem:$0x3FAD] =	sst s8  }
0x11: {  	[smem:$0x3FAE] =	sst s9;
	s0 =	simm.s32 @!p0 $0x0  }
0x12: {  	s1 =	sld [smem:$0x3F94];
	s0 =	simm.s32 @p0 $0x1  }
0x13: {  	[smem:$0x3FAF] =	sst s0;
	s0 =	simm.s32 @!p1 $0x0  }
0x14: {  	s2 =	sld [smem:$0x3F93];
	s0 =	simm.s32 @p1 $0x1  }
0x15: {  	[smem:$0x3FB0] =	sst s0;
	s0 =	simm.s32 @!p2 $0x0  }
0x16: {  	s3 =	sld [smem:$0x3FDB];
	s0 =	simm.s32 @p2 $0x1  }
0x17: {  	s4 =	simm.s32 $0x1BF5;
	[smem:$0x3FB2] =	sst s0  }
0x18: {  	s0 =	sld [smem:$0x3F95];
	_ =	swait.ge [sflag:s4], $0x0  }
0x19: {  	s7 =	sld [smem:$0x3F96]  }
0x1a: {  	s8 =	sadd.s32 $0xFFFFE003, lr  }
0x1b: {  	s9 =	sadd.s32 $0xFFFFFEF7, lr;
	s5 =	simm.s32 $0xFFFFFFFF;
	p2 =	slt.u32 s8, $0xFFFFF086  }
0x1c: {  	p1 =	slt.u32 s9, $0xF7A;
	s5 =	simm.s32 @!p2 $0x0  }
0x1d: {  	s5 =	simm.s32 @p1 $0x1;
	p0 =	seq.s32 s7, s2  }
0x1e: {  	s7 =	smul.u32 @!p0 $0xF7A, s2;
	p2 =	seq.s32 @!p0 s5, $0x0  }
0x1f: {  	s9 =	smul.u32 $0xF7A, s1;
	s8 =	simm.s32 @!p0 $0x1BF5;
	p2 =	por !p2, p0  }
0x20: {  	[sflag:s8] =	ssyncset.s32 @!p0 $0xFFFFF086;
	s6 =	sadd.s32 @!p0 s3, s7;
	s7 =	simm.s32 @!p0 $0x108  }
0x21: {  	s3 =	sadd.s32 s3, s9;
	s6 =	sadd.s32 @!p0 $0x88, s6;
	s7 =	simm.s32 @p2 $0x1082  }
0x22: {  	[simem:s7], [sflag:s8] =	dma.local @!p0 [hbm:s6], $0xF7A  }
0x23: {  	s9 =	sor.u32 $0xD0000000, s2;
	s6 =	simm.s32 $0x108;
	_ =	swait.ge @!p0 [sflag:s8], $0x0  }
0x24: {  	s3 =	sadd.s32 $0x88, s3;
	s6 =	simm.s32 @!p1 $0x1082;
	[sflag:s4] =	ssyncset.s32 $0xFFFFF086  }
0x25: {  	[simem:s6], [sflag:s4] =	dma.local [hbm:s3], $0xF7A  }
0x26: {  	[smem:$0x3F96] =	sst s1;
	(tag) =	ssettag s2;
	_ =	strace s9  }
0x27: {  	s1 =	sld [smem:$0x3FA6]  }
0x28: {  	s2 =	sld [smem:$0x3FA7]  }
0x29: {  	s4 =	sld [smem:$0x3FA9]  }
0x2a: {  	p0 =	seq.s32 s5, $0x0;
	s5 =	sld [smem:$0x3FAA]  }
0x2b: {  	s6 =	sld [smem:$0x3FAB]  }
0x2c: {  	s7 =	sld [smem:$0x3FAC]  }
0x2d: {  	s3 =	simm.s32 $0x108;
	s8 =	sld [smem:$0x3FAD]  }
0x2e: {  	s3 =	simm.s32 @!p0 $0x1082;
	s9 =	sld [smem:$0x3FAE]  }
0x2f: {  	lr =	sadd.s32 s0, s3;
	s0 =	sld [smem:$0x3FA5]  }
0x30: {  	s3 =	sld [smem:$0x3FA8]  }
0x31: {  	[smem:$0x3FB1] =	sst s10  }
0x32: {  	s10 =	sld [smem:$0x3FAF];
	_ =	sdelay $0x3  }
0x33: {  	p0 =	seq.s32 s10, $0x1;
	s10 =	sld [smem:$0x3FB1];
	_ =	sdelay $0x3  }
0x34: {  	[smem:$0x3FB1] =	sst s10  }
0x35: {  	s10 =	sld [smem:$0x3FB0];
	_ =	sdelay $0x3  }
0x36: {  	p1 =	seq.s32 s10, $0x1;
	s10 =	sld [smem:$0x3FB1];
	_ =	sdelay $0x3  }
0x37: {  	[smem:$0x3FB1] =	sst s10  }
0x38: {  	s10 =	sld [smem:$0x3FB2]  }
0x39: {  	_ = 	snop;
	(pc) =	sbr.ind lr, $3  }
0x3a: {  	_ = 	snop  }
0x3b: {  	_ = 	snop  }
0x3c: {  	p2 =	seq.s32 s10, $0x1;
	s10 =	sld [smem:$0x3FB1]  }
0x3d: {  	_ =	shalt  }
0x3e: {  	_ =	shalt  }
0x3f: {  	_ =	shalt  }
0x40: {  	_ =	shalt  }
0x41: {  	_ =	shalt  }
0x42: {  	_ =	shalt  }
0x43: {  	_ =	shalt  }
0x44: {  	_ =	shalt  }
0x45: {  	_ =	shalt  }
0x46: {  	_ =	shalt  }
0x47: {  	_ =	shalt  }
0x48: {  	_ =	shalt  }
0x49: {  	_ =	shalt  }
0x4a: {  	_ =	shalt  }
0x4b: {  	_ =	shalt  }
0x4c: {  	_ =	shalt  }
0x4d: {  	_ =	shalt  }
0x4e: {  	_ =	shalt  }
0x4f: {  	_ =	shalt  }
0x50: {  	_ =	shalt  }
0x51: {  	_ =	shalt  }
0x52: {  	_ =	shalt  }
0x53: {  	_ =	shalt  }
0x54: {  	_ =	shalt  }
0x55: {  	_ =	shalt  }
0x56: {  	_ =	shalt  }
0x57: {  	_ =	shalt  }
0x58: {  	_ =	shalt  }
0x59: {  	_ =	shalt  }
0x5a: {  	_ =	shalt  }
0x5b: {  	_ =	shalt  }
0x5c: {  	_ =	shalt  }
0x5d: {  	_ =	shalt  }
0x5e: {  	_ =	shalt  }
0x5f: {  	_ =	shalt  }
0x60: {  	_ =	shalt  }
0x61: {  	_ =	shalt  }
0x62: {  	_ =	shalt  }
0x63: {  	_ =	shalt  }
0x64: {  	_ =	shalt  }
0x65: {  	_ =	shalt  }
0x66: {  	_ =	shalt  }
0x67: {  	_ =	shalt  }
0x68: {  	_ =	shalt  }
0x69: {  	_ =	shalt  }
0x6a: {  	_ =	shalt  }
0x6b: {  	_ =	shalt  }
0x6c: {  	_ =	shalt  }
0x6d: {  	_ =	shalt  }
0x6e: {  	_ =	shalt  }
0x6f: {  	_ =	shalt  }
0x70: {  	_ =	shalt  }
0x71: {  	_ =	shalt  }
0x72: {  	_ =	shalt  }
0x73: {  	_ =	shalt  }
0x74: {  	_ =	shalt  }
0x75: {  	_ =	shalt  }
0x76: {  	_ =	shalt  }
0x77: {  	_ =	shalt  }
0x78: {  	_ =	shalt  }
0x79: {  	_ =	shalt  }
0x7a: {  	_ =	shalt  }
0x7b: {  	_ =	shalt  }
0x7c: {  	_ =	shalt  }
0x7d: {  	_ =	shalt  }
0x7e: {  	_ =	shalt  }
0x7f: {  	_ =	shalt  }
0x80: {  	_ =	shalt  }
0x81: {  	_ =	shalt  }
0x82: {  	_ =	shalt  }
0x83: {  	_ =	shalt  }
0x84: {  	_ =	shalt  }
0x85: {  	_ =	shalt  }
0x86: {  	_ =	shalt  }
0x87: {  	_ =	shalt  }
.Lfunc_end0:
.L_simem_size_0:
called_computation.1_lowered:
.L_overlay_start_0:
0x88: {  	s2 =	sld [smem:$0x3FD9]  }
0x89: {  	s3 =	sld [smem:$0x3FFE];
	_ =	sdelay $0x1  }
0x8a: {  	s1 =	srdreg.scid  }
0x8b: {  	s0 =	sand.u32 $0x1, s1  }
0x8c: {  	s15 =	sshll.u32 s0, $0xA;
	s2 =	sadd.s32 s3, s2  }
0x8d: {  	s2 =	sadd.s32 s2, s15  }
0x8e: {  	[smem:$0x3FBD] =	sst s2  }
0x8f: {  	_ = 	snop  }
0x90: {  	s16 =	sld [smem:$0x3FD0];
	_ =	sdelay $0x1  }
0x91: {  	s2 =	sld [smem:$0x3FC9]  }
0x92: {  	s7 =	simm.s32 $0xB;
	s5 =	simm.s32 $0x10;
	s4 =	sld [smem:$0x3FC8]  }
0x93: {  	[smem:s5], [sflag:s7] =	dma.local [hbm:s16], $0x1  }
0x94: {  	_ =	swait.eq [sflag:s7], $0x1  }
0x95: {  	s17 =	sld [smem:$0x10];
	[sflag:s7] =	ssyncset.done $0x0  }
0x96: {  	s6 =	sld [smem:$0x11];
	[sflag:s7] =	ssyncadd.s32 $0xFFFFFFFF  }
0x97: {  	s18 =	sld [smem:$0x12];
	(tm) =	ssettm $0x1  }
0x98: {  	s19 =	sld [smem:$0x3FFB];
	_ =	sdelay $0x3  }
0x99: {  	_ =	strace s19  }
0x9a: {  	s3 =	sld [smem:$0x3FFC];
	_ =	sdelay $0x3  }
0x9b: {  	_ =	strace s3  }
0x9c: {  	s3 =	sld [smem:$0x3FFD];
	_ =	sdelay $0x3  }
0x9d: {  	_ =	strace s3  }
0x9e: {  	_ =	strace $0x8FFFFFFF  }
0x9f: {  	s20 =	sld [smem:$0x3FDB];
	_ =	sdelay $0x1  }
0xa0: {  	s8 =	simm.s32 $_scs_section_size  }
0xa1: {  	s9 =	simm.s32 $_size__tile_overlayer_lowered;
	s10 =	simm.s32 $_tile_overlayer_lowered  }
0xa2: {  	s11 =	simm.s32 $0x1BFF;
	s21 =	sshll.u32 s10, $0x1;
	s8 =	sadd.s32 s8, s20  }
0xa3: {  	s22 =	simm.s32 $0x0;
	s9 =	sshll.u32 s9, $0x1;
	s10 =	sadd.s32 s21, s8  }
0xa4: {  	[timem:s22], [sflag:s11] =	dma.local [hbm:s10], s9  }
0xa5: {  	_ =	swait.ge [sflag:s11], s9  }
0xa6: {  	s9 =	ssub.s32 $0x0, s9;
	[sflag:s11] =	ssyncset.done $0x0  }
0xa7: {  	[sflag:s11] =	ssyncadd.s32 s9;
	_ =	sdelay $0x1  }
0xa8: {  	s23 =	simm.s32 $0x1B8B  }
0xa9: {  	_ =	swait.ge [sflag:s23], $0x1  }
0xaa: {  	[sflag:s23] =	ssyncset.done $0x0  }
0xab: {  	[sflag:s23] =	ssyncadd.s32 $0xFFFFFFFF  }
0xac: {  	s9 =	sld [smem:$0x0]  }
0xad: {  	s10 =	sand.u32 $0xFFFFFFFE, s1  }
0xae: {  	p0 =	sne.s32 s1, s10  }
0xaf: {  	s10 =	sshll.u32 @p0 s10, $0xE  }
0xb0: {  	s10 =	sadd.s32 @p0 $0x11B8D, s10;
	s11 =	sshll.u32 @p0 s9, $0x11  }
0xb1: {  	s10 =	sor.u32 @p0 s11, s10  }
0xb2: {  	[sflag:s10] =	ssyncadd.remote.s32 @p0 $0x1;
	_ =	sdelay $0x1  }
0xb3: {  	s10 =	simm.s32 @p0 $0x1B8D  }
0xb4: {  	_ =	swait.eq @p0 [sflag:s10], $0x1  }
0xb5: {  	[sflag:s10] =	ssyncadd.s32 @p0 $0xFFFFFFFF  }
0xb6: {  	s11 =	sshll.u32 @!p0 s1, $0xE  }
0xb7: {  	s11 =	sor.u32 @!p0 $0x4000, s11;
	s10 =	simm.s32 @!p0 $0x1B8D  }
0xb8: {  	s9 =	sshll.u32 @!p0 s9, $0x11;
	s11 =	sadd.s32 @!p0 $0x11B8D, s11;
	_ =	swait.eq @!p0 [sflag:s10], $0x1  }
0xb9: {  	s9 =	sor.u32 @!p0 s9, s11;
	[sflag:s10] =	ssyncadd.s32 @!p0 $0xFFFFFFFF  }
0xba: {  	s25 =	simm.s32 $0x1B8E;
	s24 =	sld [smem:$0x3FFE];
	[sflag:s9] =	ssyncadd.remote.s32 @!p0 $0x1  }
0xbb: {  	s26 =	simm.s32 $execute0_lowered;
	[smem:$0x3FD2] =	sst s25  }
0xbc: {  	s10 =	sshll.u32 s26, $0x1;
	_ =	strace $0x80000049;
	[dreg:$0x1] =	wrdreg $0xFFFFFFFF  }
0xbd: {  	s28 =	simm.s32 $_size_execute0_lowered;
	s8 =	sadd.s32 s8, s10;
	[dreg:$0x0] =	wrdreg $0x0  }
0xbe: {  	s10 =	sshll.u32 s28, $0x1;
	[dreg:$0x2] =	wrdreg s8  }
0xbf: {  	[dreg:$0x3] =	wrdreg s10  }
0xc0: {  	[dreg:$0x4] =	wrdreg $0xC0  }
0xc1: {  	_ =	task [dreg:s22], $0x5FFFF  }
0xc2: {  	[dreg:$0x1] =	wrdreg $0xFFFFFFFF  }
0xc3: {  	[dreg:$0x0] =	wrdreg $0x60  }
0xc4: {  	[dreg:$0x2] =	wrdreg s4  }
0xc5: {  	[dreg:$0x3] =	wrdreg s18  }
0xc6: {  	[dreg:$0x4] =	wrdreg s6  }
0xc7: {  	[dreg:$0x5] =	wrdreg s2  }
0xc8: {  	[dreg:$0x6] =	wrdreg s17  }
0xc9: {  	[dreg:$0x7] =	wrdreg s24  }
0xca: {  	[dreg:$0x8] =	wrdreg $0xA  }
0xcb: {  	_ =	task.clear_ibuf [dreg:s22], $0x9FFFF;
	_ =	strace $0x90000049  }
0xcc: {  	s29 =	simm.s32 $0xA;
	_ =	strace $0x8000004B  }
0xcd: {  	_ =	swait.ge [sflag:s29], $0x1  }
0xce: {  	[sflag:s29] =	ssyncadd.s32 $0xFFFFFFFF  }
0xcf: {  	_ =	strace $0x9000004B  }
0xd0: {  	_ =	sfence  }
0xd1: {  	s30 =	sld [smem:$0x0];
	_ =	sdelay $0x2  }
0xd2: {  	s31 =	sshll.u32 s1, $0xD;
	s1 =	sshrl.u32 s1, $0x2  }
0xd3: {  	s4 =	sand.u32 $0x4000, s31;
	s1 =	sadd.s32 s1, s30  }
0xd4: {  	s0 =	sor.u32 s4, s0;
	s1 =	sshll.u32 s1, $0x11  }
0xd5: {  	s0 =	sor.u32 s1, s0  }
0xd6: {  	s0 =	sadd.s32 $0x8F2B, s0  }
0xd7: {  	[sflag:s0] =	ssyncadd.remote.s32 $0x1  }
0xd8: {  	_ =	sfence.sel $0xFFFF  }
0xd9: {  	[dreg:$0x0] =	wrdreg $0xFFFFFFFF;
	(pc) =	sbr.abs _section_cstart, $3  }
0xda: {  	[dreg:$0x1] =	wrdreg $0xFFFFFFFF  }
0xdb: {  	_ =	task.clear_ibuf [dreg:s22], $0x2FFFF;
	_ =	strace $0x9FFFFFFF  }
0xdc: {  	(tm) =	ssettm $0x7FFFFFFF  }
0xdd: {  	_ =	shalt  }
tec
execute0_lowered:
.L_overlay_start_1:
0x0: {  	(tag) =	ssettag $0x1  }
0x1: {  	s0 =	rddreg [dreg:$0x0]  }
0x2: {  	s1 =	rddreg [dreg:$0x1]  }
0x3: {  	s2 =	rddreg [dreg:$0x2]  }
0x4: {  	s6 =	rddreg [dreg:$0x3]  }
0x5: {  	s7 =	rddreg [dreg:$0x5]  }
0x6: {  	s3 =	simm.s32 $0x0;
	s4 =	srdreg.scid;
	s8 =	stileid.u32  }
0x7: {  	s28 =	simm.s32 $0xC400;
	s29 =	simm.s32 $0x10400;
	s30 =	simm.s32 $0x1  }
0x8: {  	s31 =	simm.s32 $0x4;
	[smem:$0x7FF] =	sst s3;
	s5 =	sand.u32 $0x1, s4  }
0x9: {  	s21 =	sshll.u32 s8, $0x1;
	s4 =	sadd.s32 $0x2400, s7;
	s22 =	sadd.s32 $0x1E800, s0  }
0xa: {  	s23 =	sadd.s32 $0x1E800, s1;
	_ =	strace $0x8000004A;
	[dreg:$0x7] =	wrdreg s22  }
0xb: {  	s24 =	sadd.s32 $0x1E800, s2;
	s25 =	sadd.s32 $0x1E800, s6;
	[dreg:$0x8] =	wrdreg s23  }
0xc: {  	s8 =	sor.u32 s5, s21;
	s5 =	ssub.s32 $0x2, s5;
	[dreg:$0x9] =	wrdreg s24  }
0xd: {  	[dreg:$0xa] =	wrdreg s25;
	s22 =	simm.s32 $0x3;
	s25 =	simm.s32 $0x4400  }
0xe: {  	s9 =	sshll.u32 s8, $0xA;
	s11 =	sshrl.u32 s5, $0x1;
	s12 =	ssub.s32 $0x59, s8  }
0xf: {  	p0 =	sne.s32 s8, $0x1F;
	s10 =	sadd.s32 s9, s7;
	s21 =	ssub.s32 s5, s11  }
0x10: {  	s5 =	sshrl.u32 s12, $0x5;
	s14 =	sor.u32 $0x10000, s9;
	s7 =	sadd.s32 $0x40E00, s7  }
0x11: {  	s26 =	sor.u32 $0x18000, s9;
	[dreg:$0xb] =	wrdreg s7;
	s11 =	sadd.s32 s0, s14  }
.Ltmp0:
0x12: {  	s12 =	sadd.s32 s1, s14;
	s13 =	sadd.s32 s2, s14;
	(pc) =	sbr.rel .LBB2_1-.Ltmp0, $4  }
0x13: {  	s14 =	sadd.s32 s6, s14;
	s15 =	sadd.s32 s0, s26;
	s16 =	sadd.s32 s1, s26  }
0x14: {  	s17 =	sadd.s32 s2, s26;
	s18 =	sadd.s32 s6, s26;
	s19 =	sadd.s32 $0x32600, s10  }
0x15: {  	s20 =	sadd.s32 $0x3A600, s10;
	s21 =	smax.u32 s21, $0x1;
	s26 =	simm.s32 $0x8400  }
0x16: {  	s0 =	simm.s32 $0x2;
	s2 =	simm.s32 $0x12400;
	s1 =	simm.s32 $0x0  }
.LBB2_15:
0x17: {  	s1 =	sadd.s32 $0x1, s1  }
0x18: {  	p1 =	sne.s32 s1, s21  }
.Ltmp1:
0x19: {  	_ = 	snop;
	(pc) =	sbr.rel @!p1 .LBB2_16-.Ltmp1, $1  }
0x1a: {  	_ =	sdelay $0x3  }
.LBB2_1:
0x1b: {  	s6 =	rddreg [dreg:$0x4]  }
0x1c: {  	[tilespmem:s3], [sflag:$0x3] =	stream.linear.gather [hbm4b:s6+s3], $0x380, $0x38;
	[tilespmem:$0x14400] =	vst v63  }
0x1d: {  	_ =	swait.ge [sflag:s22], $0x380  }
0x1e: {  	[sflag:s22] =	ssyncset.done $0x0  }
0x1f: {  	s24 =	simm.s32 $0x380;
	[sflag:s22] =	ssyncadd.s32 $0xFFFFFC80  }
0x20: {  	[tilespmem:s24], [sflag:$0x3] =	stream.linear.gather [hbm4b:s4+s3], $0x80, $0x38;
	[tilespmem:$0x14400] =	vst v63  }
.Ltmp2:
0x21: {  	_ = 	snop;
	(pc) =	sbr.rel @p0 .LBB2_5-.Ltmp2, $4  }
0x22: {  	_ =	swait.ge [sflag:s22], $0x80  }
0x23: {  	[sflag:s22] =	ssyncset.done $0x0  }
0x24: {  	[sflag:s22] =	ssyncadd.s32 $0xFFFFFF80  }
0x25: {  	v0 =	vld [tilespmem:$0x380]  }
0x26: {  	s6 =	rddreg [dreg:$0x7];
	s7 =	simm.s32 $0x400  }
0x27: {  	[tilespmem:s7], [sflag:$0x3] =	stream.linear.gather [hbm4b:s6+s3], $0x240, $0x38;
	[tilespmem:$0x14400] =	vst v63  }
0x28: {  	_ =	swait.ge [sflag:s22], $0x240  }
0x29: {  	[sflag:s22] =	ssyncset.done $0x0  }
0x2a: {  	s10 =	rddreg [dreg:$0x8];
	[sflag:s22] =	ssyncadd.s32 $0xFFFFFDC0  }
0x2b: {  	[tilespmem:s25], [sflag:$0x3] =	stream.linear.gather [hbm4b:s10+s3], $0x240, $0x38;
	[tilespmem:$0x14400] =	vst v63  }
0x2c: {  	_ =	swait.ge [sflag:s22], $0x240  }
0x2d: {  	[sflag:s22] =	ssyncset.done $0x0  }
0x2e: {  	s23 =	rddreg [dreg:$0x9];
	[sflag:s22] =	ssyncadd.s32 $0xFFFFFDC0  }
0x2f: {  	[tilespmem:s26], [sflag:$0x3] =	stream.linear.gather [hbm4b:s23+s3], $0x240, $0x38;
	[tilespmem:$0x14400] =	vst v63  }
0x30: {  	_ =	swait.ge [sflag:s22], $0x240  }
0x31: {  	[sflag:s22] =	ssyncset.done $0x0  }
0x32: {  	s24 =	rddreg [dreg:$0xa];
	[sflag:s22] =	ssyncadd.s32 $0xFFFFFDC0  }
0x33: {  	[tilespmem:s28], [sflag:$0x3] =	stream.linear.gather [hbm4b:s24+s3], $0x240, $0x38;
	[tilespmem:$0x14400] =	vst v63  }
0x34: {  	s8 =	simm.s32 $0xC420;
	s9 =	simm.s32 $0x420;
	_ =	swait.ge [sflag:s22], $0x240  }
0x35: {  	s6 =	simm.s32 $0xFFFFFFFC;
	s7 =	simm.s32 $0x10420;
	[sflag:s22] =	ssyncset.done $0x0  }
0x36: {  	s10 =	simm.s32 $0x4420;
	s23 =	simm.s32 $0x8420;
	[sflag:s22] =	ssyncadd.s32 $0xFFFFFDC0  }
.LBB2_3:
0x37: {  	v1 =	vld [tilespmem:s23+$0xFFFFFFE0]  }
0x38: {  	v2 =	vld [tilespmem:s10+$0xFFFFFFE0]  }
0x39: {  	v3 =	vld [tilespmem:s9+$0xFFFFFFE0];
	_ =	sdelay $0x2  }
0x3a: {  	v4 =	vld [tilespmem:s8+$0xFFFFFFE0]  }
0x3b: {  	vm0 =	vge.f32 v0, v1  }
0x3c: {  	v1 =	vsel vm0, v2, v3  }
0x3d: {  	v1 =	vmul.u32 $0x64, v1;
	_ =	sdelay $0x1  }
0x3e: {  	v1 =	vadd.s32 v4, v1;
	_ =	sdelay $0x4  }
0x3f: {  	v1 =	vld.idx.msk [tilespmem:v1+s3+$0x0], $0xffff;
	_ =	sdelay $0x4  }
0x40: {  	[tilespmem:s7+$0xFFFFFFE0] =	vst v1  }
0x41: {  	v1 =	vld [tilespmem:s23+$0xFFFFFFF0]  }
0x42: {  	v2 =	vld [tilespmem:s10+$0xFFFFFFF0]  }
0x43: {  	v3 =	vld [tilespmem:s9+$0xFFFFFFF0];
	_ =	sdelay $0x2  }
0x44: {  	v61 =	vld [tilespmem:s8+$0xFFFFFFF0]  }
0x45: {  	vm13 =	vge.f32 v0, v1  }
0x46: {  	v1 =	vsel vm13, v2, v3  }
0x47: {  	v1 =	vmul.u32 $0x64, v1;
	_ =	sdelay $0x1  }
0x48: {  	v1 =	vadd.s32 v61, v1;
	_ =	sdelay $0x4  }
0x49: {  	v1 =	vld.idx.msk [tilespmem:v1+s3+$0x0], $0xffff;
	_ =	sdelay $0x4  }
0x4a: {  	[tilespmem:s7+$0xFFFFFFF0] =	vst v1  }
0x4b: {  	v1 =	vld [tilespmem:s23+$0x0]  }
0x4c: {  	v2 =	vld [tilespmem:s10+$0x0]  }
0x4d: {  	v3 =	vld [tilespmem:s9+$0x0];
	_ =	sdelay $0x2  }
0x4e: {  	v62 =	vld [tilespmem:s8+$0x0]  }
0x4f: {  	vm14 =	vge.f32 v0, v1  }
0x50: {  	v1 =	vsel vm14, v2, v3  }
0x51: {  	v1 =	vmul.u32 $0x64, v1;
	_ =	sdelay $0x1  }
0x52: {  	v1 =	vadd.s32 v62, v1;
	_ =	sdelay $0x4  }
0x53: {  	v1 =	vld.idx.msk [tilespmem:v1+s3+$0x0], $0xffff;
	_ =	sdelay $0x4  }
0x54: {  	[tilespmem:s7+$0x0] =	vst v1  }
0x55: {  	v1 =	vld [tilespmem:s23+$0x10]  }
0x56: {  	v2 =	vld [tilespmem:s10+$0x10]  }
0x57: {  	v3 =	vld [tilespmem:s9+$0x10];
	_ =	sdelay $0x2  }
0x58: {  	v63 =	vld [tilespmem:s8+$0x10]  }
0x59: {  	vm15 =	vge.f32 v0, v1  }
0x5a: {  	v1 =	vsel vm15, v2, v3  }
0x5b: {  	v1 =	vmul.u32 $0x64, v1;
	_ =	sdelay $0x1  }
0x5c: {  	v1 =	vadd.s32 v63, v1;
	_ =	sdelay $0x3  }
0x5d: {  	s6 =	sadd.s32 $0x4, s6  }
0x5e: {  	p1 =	slt.u32 s6, $0x20;
	v1 =	vld.idx.msk [tilespmem:v1+s3+$0x0], $0xffff  }
.Ltmp3:
0x5f: {  	_ = 	snop;
	(pc) =	sbr.rel @p1 .LBB2_3-.Ltmp3, $3  }
0x60: {  	_ =	sdelay $0x1  }
0x61: {  	s8 =	sadd.s32 $0x40, s8;
	s9 =	sadd.s32 $0x40, s9  }
0x62: {  	s10 =	sadd.s32 $0x40, s10;
	s23 =	sadd.s32 $0x40, s23;
	[tilespmem:s7+$0x10] =	vst v1;
	s7 =	sadd.s32 $0x40, s7  }
0x63: {  	s6 =	rddreg [dreg:$0xb]  }
0x64: {  	[hbm4b:s6+s3] =	stream.linear.scatter [tilespmem:s29], [sflag:$0x3], $0x240, $0x38;
	[tilespmem:$0x14400] =	vst v63  }
0x65: {  	_ =	swait.ge [sflag:s22], $0x240  }
0x66: {  	[sflag:s22] =	ssyncset.done $0x0  }
0x67: {  	[sflag:s22] =	ssyncadd.s32 $0xFFFFFDC0  }
.LBB2_5:
0x68: {  	s6 =	simm.s32 $0x0;
	s7 =	simm.s32 $0x400  }
0x69: {  	[tilespmem:s7], [sflag:$0x1] =	stream.linear.gather [hbm4b:s11+s6], $0x2000, $0x38;
	[tilespmem:$0x14400] =	vst v63  }
0x6a: {  	_ = 	snop  }
0x6b: {  	[tilespmem:s25], [sflag:$0x1] =	stream.linear.gather [hbm4b:s12+s6], $0x2000, $0x38;
	[tilespmem:$0x14400] =	vst v63  }
.Ltmp4:
0x6c: {  	_ = 	snop;
	(pc) =	sbr.rel .LBB2_6-.Ltmp4, $4  }
0x6d: {  	_ = 	snop  }
0x6e: {  	[tilespmem:s26], [sflag:$0x1] =	stream.linear.gather [hbm4b:s13+s6], $0x2000, $0x38;
	[tilespmem:$0x14400] =	vst v63  }
0x6f: {  	p3 =	por $0x1, $0x1  }
0x70: {  	[tilespmem:s28], [sflag:$0x1] =	stream.linear.gather [hbm4b:s14+s6], $0x2000, $0x38;
	[tilespmem:$0x14400] =	vst v63  }
.LBB2_14:
.Ltmp5:
0x71: {  	(pc) =	sbr.rel @!p1 .LBB2_15-.Ltmp5, $2  }
0x72: {  	_ =	sdelay $0x2  }
0x73: {  	s6 =	simm.s32 $0x1;
	p3 =	por $0x0, $0x0  }
.LBB2_6:
0x74: {  	s7 =	sshllo.u32 s6, $0x1  }
0x75: {  	p2 =	sge.u32 s7, s5  }
0x76: {  	s24 =	sshll.u32 s6, $0x1;
	s7 =	simm.s32 @!p2 $0x0;
	s8 =	simm.s32 @!p2 $0x2400  }
0x77: {  	[tilespmem:s8], [sflag:$0x2] =	stream.linear.gather @!p2 [hbm4b:s15+s7], $0x2000, $0x38;
	[tilespmem:$0x14400] =	vst v63  }
0x78: {  	p4 =	sge.u32 s24, s5;
	s8 =	simm.s32 @!p2 $0x6400  }
0x79: {  	[tilespmem:s8], [sflag:$0x2] =	stream.linear.gather @!p2 [hbm4b:s16+s7], $0x2000, $0x38;
	[tilespmem:$0x14400] =	vst v63  }
.Ltmp6:
0x7a: {  	_ = 	snop;
	(pc) =	sbr.rel @p4 .LBB2_10-.Ltmp6, $4  }
0x7b: {  	s8 =	simm.s32 @!p2 $0xA400  }
0x7c: {  	[tilespmem:s8], [sflag:$0x2] =	stream.linear.gather @!p2 [hbm4b:s17+s7], $0x2000, $0x38;
	[tilespmem:$0x14400] =	vst v63  }
0x7d: {  	p1 =	por p3, p3;
	s9 =	simm.s32 @!p2 $0xE400  }
0x7e: {  	[tilespmem:s9], [sflag:$0x2] =	stream.linear.gather @!p2 [hbm4b:s18+s7], $0x2000, $0x38;
	[tilespmem:$0x14400] =	vst v63  }
0x7f: {  	_ =	swait.ge [sflag:s30], $0x2000  }
0x80: {  	[sflag:s30] =	ssyncset.done $0x0  }
0x81: {  	[sflag:s30] =	ssyncadd.s32 $0xFFFFE000  }
0x82: {  	_ =	swait.ge [sflag:s30], $0x2000  }
0x83: {  	[sflag:s30] =	ssyncset.done $0x0  }
0x84: {  	[sflag:s30] =	ssyncadd.s32 $0xFFFFE000  }
0x85: {  	_ =	swait.ge [sflag:s30], $0x2000  }
0x86: {  	[sflag:s30] =	ssyncset.done $0x0  }
0x87: {  	[sflag:s30] =	ssyncadd.s32 $0xFFFFE000  }
0x88: {  	s7 =	simm.s32 $0xFFFFFFF8;
	s8 =	simm.s32 $0x8440;
	_ =	swait.ge [sflag:s30], $0x2000  }
0x89: {  	s9 =	simm.s32 $0x4440;
	s10 =	simm.s32 $0x440;
	[sflag:s30] =	ssyncset.done $0x0  }
0x8a: {  	s23 =	simm.s32 $0xC440;
	s24 =	simm.s32 $0x10440;
	[sflag:s30] =	ssyncadd.s32 $0xFFFFE000  }
.LBB2_8:
0x8b: {  	v1 =	vld [tilespmem:s8+$0xFFFFFFC0]  }
0x8c: {  	v2 =	vld [tilespmem:s9+$0xFFFFFFC0]  }
0x8d: {  	v3 =	vld [tilespmem:s10+$0xFFFFFFC0];
	_ =	sdelay $0x2  }
0x8e: {  	v4 =	vld [tilespmem:s23+$0xFFFFFFC0]  }
0x8f: {  	vm0 =	vge.f32 v0, v1  }
0x90: {  	v1 =	vsel vm0, v2, v3  }
0x91: {  	v1 =	vmul.u32 $0x64, v1;
	_ =	sdelay $0x1  }
0x92: {  	v1 =	vadd.s32 v4, v1;
	_ =	sdelay $0x4  }
0x93: {  	v1 =	vld.idx.msk [tilespmem:v1+s3+$0x0], $0xffff;
	_ =	sdelay $0x4  }
0x94: {  	[tilespmem:s24+$0xFFFFFFC0] =	vst v1  }
0x95: {  	v1 =	vld [tilespmem:s8+$0xFFFFFFD0]  }
0x96: {  	v2 =	vld [tilespmem:s9+$0xFFFFFFD0]  }
0x97: {  	v3 =	vld [tilespmem:s10+$0xFFFFFFD0];
	_ =	sdelay $0x2  }
0x98: {  	v57 =	vld [tilespmem:s23+$0xFFFFFFD0]  }
0x99: {  	vm9 =	vge.f32 v0, v1  }
0x9a: {  	v1 =	vsel vm9, v2, v3  }
0x9b: {  	v1 =	vmul.u32 $0x64, v1;
	_ =	sdelay $0x1  }
0x9c: {  	v1 =	vadd.s32 v57, v1;
	_ =	sdelay $0x4  }
0x9d: {  	v1 =	vld.idx.msk [tilespmem:v1+s3+$0x0], $0xffff;
	_ =	sdelay $0x4  }
0x9e: {  	[tilespmem:s24+$0xFFFFFFD0] =	vst v1  }
0x9f: {  	v1 =	vld [tilespmem:s8+$0xFFFFFFE0]  }
0xa0: {  	v2 =	vld [tilespmem:s9+$0xFFFFFFE0]  }
0xa1: {  	v3 =	vld [tilespmem:s10+$0xFFFFFFE0];
	_ =	sdelay $0x2  }
0xa2: {  	v58 =	vld [tilespmem:s23+$0xFFFFFFE0]  }
0xa3: {  	vm10 =	vge.f32 v0, v1  }
0xa4: {  	v1 =	vsel vm10, v2, v3  }
0xa5: {  	v1 =	vmul.u32 $0x64, v1;
	_ =	sdelay $0x1  }
0xa6: {  	v1 =	vadd.s32 v58, v1;
	_ =	sdelay $0x4  }
0xa7: {  	v1 =	vld.idx.msk [tilespmem:v1+s3+$0x0], $0xffff;
	_ =	sdelay $0x4  }
0xa8: {  	[tilespmem:s24+$0xFFFFFFE0] =	vst v1  }
0xa9: {  	v1 =	vld [tilespmem:s8+$0xFFFFFFF0]  }
0xaa: {  	v2 =	vld [tilespmem:s9+$0xFFFFFFF0]  }
0xab: {  	v3 =	vld [tilespmem:s10+$0xFFFFFFF0];
	_ =	sdelay $0x2  }
0xac: {  	v59 =	vld [tilespmem:s23+$0xFFFFFFF0]  }
0xad: {  	vm11 =	vge.f32 v0, v1  }
0xae: {  	v1 =	vsel vm11, v2, v3  }
0xaf: {  	v1 =	vmul.u32 $0x64, v1;
	_ =	sdelay $0x1  }
0xb0: {  	v1 =	vadd.s32 v59, v1;
	_ =	sdelay $0x4  }
0xb1: {  	v1 =	vld.idx.msk [tilespmem:v1+s3+$0x0], $0xffff;
	_ =	sdelay $0x4  }
0xb2: {  	[tilespmem:s24+$0xFFFFFFF0] =	vst v1  }
0xb3: {  	v1 =	vld [tilespmem:s8+$0x0]  }
0xb4: {  	v2 =	vld [tilespmem:s9+$0x0]  }
0xb5: {  	v3 =	vld [tilespmem:s10+$0x0];
	_ =	sdelay $0x2  }
0xb6: {  	v60 =	vld [tilespmem:s23+$0x0]  }
0xb7: {  	vm12 =	vge.f32 v0, v1  }
0xb8: {  	v1 =	vsel vm12, v2, v3  }
0xb9: {  	v1 =	vmul.u32 $0x64, v1;
	_ =	sdelay $0x1  }
0xba: {  	v1 =	vadd.s32 v60, v1;
	_ =	sdelay $0x4  }
0xbb: {  	v1 =	vld.idx.msk [tilespmem:v1+s3+$0x0], $0xffff;
	_ =	sdelay $0x4  }
0xbc: {  	[tilespmem:s24+$0x0] =	vst v1  }
0xbd: {  	v1 =	vld [tilespmem:s8+$0x10]  }
0xbe: {  	v2 =	vld [tilespmem:s9+$0x10]  }
0xbf: {  	v3 =	vld [tilespmem:s10+$0x10];
	_ =	sdelay $0x2  }
0xc0: {  	v61 =	vld [tilespmem:s23+$0x10]  }
0xc1: {  	vm13 =	vge.f32 v0, v1  }
0xc2: {  	v1 =	vsel vm13, v2, v3  }
0xc3: {  	v1 =	vmul.u32 $0x64, v1;
	_ =	sdelay $0x1  }
0xc4: {  	v1 =	vadd.s32 v61, v1;
	_ =	sdelay $0x4  }
0xc5: {  	v1 =	vld.idx.msk [tilespmem:v1+s3+$0x0], $0xffff;
	_ =	sdelay $0x4  }
0xc6: {  	[tilespmem:s24+$0x10] =	vst v1  }
0xc7: {  	v1 =	vld [tilespmem:s8+$0x20]  }
0xc8: {  	v2 =	vld [tilespmem:s9+$0x20]  }
0xc9: {  	v3 =	vld [tilespmem:s10+$0x20];
	_ =	sdelay $0x2  }
0xca: {  	v62 =	vld [tilespmem:s23+$0x20]  }
0xcb: {  	vm14 =	vge.f32 v0, v1  }
0xcc: {  	v1 =	vsel vm14, v2, v3  }
0xcd: {  	v1 =	vmul.u32 $0x64, v1;
	_ =	sdelay $0x1  }
0xce: {  	v1 =	vadd.s32 v62, v1;
	_ =	sdelay $0x4  }
0xcf: {  	v1 =	vld.idx.msk [tilespmem:v1+s3+$0x0], $0xffff;
	_ =	sdelay $0x4  }
0xd0: {  	[tilespmem:s24+$0x20] =	vst v1  }
0xd1: {  	v1 =	vld [tilespmem:s8+$0x30]  }
0xd2: {  	v2 =	vld [tilespmem:s9+$0x30]  }
0xd3: {  	v3 =	vld [tilespmem:s10+$0x30];
	_ =	sdelay $0x2  }
0xd4: {  	v63 =	vld [tilespmem:s23+$0x30]  }
0xd5: {  	vm15 =	vge.f32 v0, v1  }
0xd6: {  	v1 =	vsel vm15, v2, v3  }
0xd7: {  	v1 =	vmul.u32 $0x64, v1;
	_ =	sdelay $0x1  }
0xd8: {  	v1 =	vadd.s32 v63, v1;
	_ =	sdelay $0x3  }
0xd9: {  	s7 =	sadd.s32 $0x8, s7  }
0xda: {  	p3 =	slt.u32 s7, $0x1F8;
	v1 =	vld.idx.msk [tilespmem:v1+s3+$0x0], $0xffff  }
.Ltmp7:
0xdb: {  	_ = 	snop;
	(pc) =	sbr.rel @p3 .LBB2_8-.Ltmp7, $3  }
0xdc: {  	_ =	sdelay $0x1  }
0xdd: {  	s8 =	sadd.s32 $0x80, s8;
	s9 =	sadd.s32 $0x80, s9  }
0xde: {  	s10 =	sadd.s32 $0x80, s10;
	s23 =	sadd.s32 $0x80, s23;
	[tilespmem:s24+$0x30] =	vst v1;
	s24 =	sadd.s32 $0x80, s24  }
0xdf: {  	s6 =	sshll.u32 s6, $0x10  }
0xe0: {  	s6 =	sadd.s32 s6, s19  }
0xe1: {  	[hbm4b:s6+s3] =	stream.linear.scatter [tilespmem:s29], [sflag:$0x4], $0x2000, $0x38;
	[tilespmem:$0x14400] =	vst v63  }
0xe2: {  	_ =	swait.ge [sflag:s31], $0x2000  }
0xe3: {  	[sflag:s31] =	ssyncset.done $0x0  }
0xe4: {  	[sflag:s31] =	ssyncadd.s32 $0xFFFFE000  }
.LBB2_10:
.Ltmp8:
0xe5: {  	(pc) =	sbr.rel @p2 .LBB2_14-.Ltmp8, $1  }
0xe6: {  	_ =	sdelay $0x3  }
0xe7: {  	_ =	swait.ge [sflag:s0], $0x2000  }
0xe8: {  	[sflag:s0] =	ssyncset.done $0x0  }
0xe9: {  	[sflag:s0] =	ssyncadd.s32 $0xFFFFE000  }
0xea: {  	_ =	swait.ge [sflag:s0], $0x2000  }
0xeb: {  	[sflag:s0] =	ssyncset.done $0x0  }
0xec: {  	[sflag:s0] =	ssyncadd.s32 $0xFFFFE000  }
0xed: {  	_ =	swait.ge [sflag:s0], $0x2000  }
0xee: {  	[sflag:s0] =	ssyncset.done $0x0  }
0xef: {  	[sflag:s0] =	ssyncadd.s32 $0xFFFFE000  }
0xf0: {  	s6 =	simm.s32 $0xFFFFFFF8;
	s7 =	simm.s32 $0xA440;
	_ =	swait.ge [sflag:s0], $0x2000  }
0xf1: {  	s8 =	simm.s32 $0x6440;
	s9 =	simm.s32 $0x2440;
	[sflag:s0] =	ssyncset.done $0x0  }
0xf2: {  	s10 =	simm.s32 $0xE440;
	s23 =	simm.s32 $0x12440;
	[sflag:s0] =	ssyncadd.s32 $0xFFFFE000  }
.LBB2_12:
0xf3: {  	v1 =	vld [tilespmem:s7+$0xFFFFFFC0]  }
0xf4: {  	v2 =	vld [tilespmem:s8+$0xFFFFFFC0]  }
0xf5: {  	v3 =	vld [tilespmem:s9+$0xFFFFFFC0];
	_ =	sdelay $0x2  }
0xf6: {  	v4 =	vld [tilespmem:s10+$0xFFFFFFC0]  }
0xf7: {  	vm0 =	vge.f32 v0, v1  }
0xf8: {  	v1 =	vsel vm0, v2, v3  }
0xf9: {  	v1 =	vmul.u32 $0x64, v1;
	_ =	sdelay $0x1  }
0xfa: {  	v1 =	vadd.s32 v4, v1;
	_ =	sdelay $0x4  }
0xfb: {  	v1 =	vld.idx.msk [tilespmem:v1+s3+$0x0], $0xffff;
	_ =	sdelay $0x4  }
0xfc: {  	[tilespmem:s23+$0xFFFFFFC0] =	vst v1  }
0xfd: {  	v1 =	vld [tilespmem:s7+$0xFFFFFFD0]  }
0xfe: {  	v2 =	vld [tilespmem:s8+$0xFFFFFFD0]  }
0xff: {  	v3 =	vld [tilespmem:s9+$0xFFFFFFD0];
	_ =	sdelay $0x2  }
0x100: {  	v57 =	vld [tilespmem:s10+$0xFFFFFFD0]  }
0x101: {  	vm9 =	vge.f32 v0, v1  }
0x102: {  	v1 =	vsel vm9, v2, v3  }
0x103: {  	v1 =	vmul.u32 $0x64, v1;
	_ =	sdelay $0x1  }
0x104: {  	v1 =	vadd.s32 v57, v1;
	_ =	sdelay $0x4  }
0x105: {  	v1 =	vld.idx.msk [tilespmem:v1+s3+$0x0], $0xffff;
	_ =	sdelay $0x4  }
0x106: {  	[tilespmem:s23+$0xFFFFFFD0] =	vst v1  }
0x107: {  	v1 =	vld [tilespmem:s7+$0xFFFFFFE0]  }
0x108: {  	v2 =	vld [tilespmem:s8+$0xFFFFFFE0]  }
0x109: {  	v3 =	vld [tilespmem:s9+$0xFFFFFFE0];
	_ =	sdelay $0x2  }
0x10a: {  	v58 =	vld [tilespmem:s10+$0xFFFFFFE0]  }
0x10b: {  	vm10 =	vge.f32 v0, v1  }
0x10c: {  	v1 =	vsel vm10, v2, v3  }
0x10d: {  	v1 =	vmul.u32 $0x64, v1;
	_ =	sdelay $0x1  }
0x10e: {  	v1 =	vadd.s32 v58, v1;
	_ =	sdelay $0x4  }
0x10f: {  	v1 =	vld.idx.msk [tilespmem:v1+s3+$0x0], $0xffff;
	_ =	sdelay $0x4  }
0x110: {  	[tilespmem:s23+$0xFFFFFFE0] =	vst v1  }
0x111: {  	v1 =	vld [tilespmem:s7+$0xFFFFFFF0]  }
0x112: {  	v2 =	vld [tilespmem:s8+$0xFFFFFFF0]  }
0x113: {  	v3 =	vld [tilespmem:s9+$0xFFFFFFF0];
	_ =	sdelay $0x2  }
0x114: {  	v59 =	vld [tilespmem:s10+$0xFFFFFFF0]  }
0x115: {  	vm11 =	vge.f32 v0, v1  }
0x116: {  	v1 =	vsel vm11, v2, v3  }
0x117: {  	v1 =	vmul.u32 $0x64, v1;
	_ =	sdelay $0x1  }
0x118: {  	v1 =	vadd.s32 v59, v1;
	_ =	sdelay $0x4  }
0x119: {  	v1 =	vld.idx.msk [tilespmem:v1+s3+$0x0], $0xffff;
	_ =	sdelay $0x4  }
0x11a: {  	[tilespmem:s23+$0xFFFFFFF0] =	vst v1  }
0x11b: {  	v1 =	vld [tilespmem:s7+$0x0]  }
0x11c: {  	v2 =	vld [tilespmem:s8+$0x0]  }
0x11d: {  	v3 =	vld [tilespmem:s9+$0x0];
	_ =	sdelay $0x2  }
0x11e: {  	v60 =	vld [tilespmem:s10+$0x0]  }
0x11f: {  	vm12 =	vge.f32 v0, v1  }
0x120: {  	v1 =	vsel vm12, v2, v3  }
0x121: {  	v1 =	vmul.u32 $0x64, v1;
	_ =	sdelay $0x1  }
0x122: {  	v1 =	vadd.s32 v60, v1;
	_ =	sdelay $0x4  }
0x123: {  	v1 =	vld.idx.msk [tilespmem:v1+s3+$0x0], $0xffff;
	_ =	sdelay $0x4  }
0x124: {  	[tilespmem:s23+$0x0] =	vst v1  }
0x125: {  	v1 =	vld [tilespmem:s7+$0x10]  }
0x126: {  	v2 =	vld [tilespmem:s8+$0x10]  }
0x127: {  	v3 =	vld [tilespmem:s9+$0x10];
	_ =	sdelay $0x2  }
0x128: {  	v61 =	vld [tilespmem:s10+$0x10]  }
0x129: {  	vm13 =	vge.f32 v0, v1  }
0x12a: {  	v1 =	vsel vm13, v2, v3  }
0x12b: {  	v1 =	vmul.u32 $0x64, v1;
	_ =	sdelay $0x1  }
0x12c: {  	v1 =	vadd.s32 v61, v1;
	_ =	sdelay $0x4  }
0x12d: {  	v1 =	vld.idx.msk [tilespmem:v1+s3+$0x0], $0xffff;
	_ =	sdelay $0x4  }
0x12e: {  	[tilespmem:s23+$0x10] =	vst v1  }
0x12f: {  	v1 =	vld [tilespmem:s7+$0x20]  }
0x130: {  	v2 =	vld [tilespmem:s8+$0x20]  }
0x131: {  	v3 =	vld [tilespmem:s9+$0x20];
	_ =	sdelay $0x2  }
0x132: {  	v62 =	vld [tilespmem:s10+$0x20]  }
0x133: {  	vm14 =	vge.f32 v0, v1  }
0x134: {  	v1 =	vsel vm14, v2, v3  }
0x135: {  	v1 =	vmul.u32 $0x64, v1;
	_ =	sdelay $0x1  }
0x136: {  	v1 =	vadd.s32 v62, v1;
	_ =	sdelay $0x4  }
0x137: {  	v1 =	vld.idx.msk [tilespmem:v1+s3+$0x0], $0xffff;
	_ =	sdelay $0x4  }
0x138: {  	[tilespmem:s23+$0x20] =	vst v1  }
0x139: {  	v1 =	vld [tilespmem:s7+$0x30]  }
0x13a: {  	v2 =	vld [tilespmem:s8+$0x30]  }
0x13b: {  	v3 =	vld [tilespmem:s9+$0x30];
	_ =	sdelay $0x2  }
0x13c: {  	v63 =	vld [tilespmem:s10+$0x30]  }
0x13d: {  	vm15 =	vge.f32 v0, v1  }
0x13e: {  	v1 =	vsel vm15, v2, v3  }
0x13f: {  	v1 =	vmul.u32 $0x64, v1;
	_ =	sdelay $0x1  }
0x140: {  	v1 =	vadd.s32 v63, v1;
	_ =	sdelay $0x3  }
0x141: {  	s6 =	sadd.s32 $0x8, s6  }
0x142: {  	p2 =	slt.u32 s6, $0x1F8;
	v1 =	vld.idx.msk [tilespmem:v1+s3+$0x0], $0xffff  }
.Ltmp9:
0x143: {  	_ = 	snop;
	(pc) =	sbr.rel @p2 .LBB2_12-.Ltmp9, $3  }
0x144: {  	_ =	sdelay $0x1  }
0x145: {  	s7 =	sadd.s32 $0x80, s7;
	s8 =	sadd.s32 $0x80, s8  }
0x146: {  	s9 =	sadd.s32 $0x80, s9;
	s10 =	sadd.s32 $0x80, s10;
	[tilespmem:s23+$0x30] =	vst v1;
	s23 =	sadd.s32 $0x80, s23  }
.Ltmp10:
0x147: {  	(pc) =	sbr.rel .LBB2_14-.Ltmp10, $4  }
0x148: {  	[hbm4b:s20+s3] =	stream.linear.scatter [tilespmem:s2], [sflag:$0x3], $0x2000, $0x38;
	[tilespmem:$0x14400] =	vst v63  }
0x149: {  	_ =	swait.ge [sflag:s22], $0x2000  }
0x14a: {  	[sflag:s22] =	ssyncset.done $0x0  }
0x14b: {  	[sflag:s22] =	ssyncadd.s32 $0xFFFFE000  }
.LBB2_16:
0x14c: {  	_ =	sfence.sel $0x180000  }
0x14d: {  	[bflag:$0x0] =	sbarrier.arrive $0xFFFF  }
0x14e: {  	_ =	strace $0x9000004A  }
0x14f: {  	s0 =	stileid.u32;
	[bflag:$0x2] =	sbarrier.arrive $0xFFFF  }
0x150: {  	p0 =	sne.s32 s0, $0x0;
	s0 =	rddreg [dreg:$0x6]  }
0x151: {  	s0 =	sadd.s32 @!p0 $0x100000, s0  }
0x152: {  	[sflag:s0] =	ssyncadd.tile.s32 @!p0 $0x1;
	_ =	shalt  }
.Lfunc_end2:
_tile_overlayer_lowered:
.L_overlay_start_2:
0x153: {  	(tag) =	ssettag $0x2  }
0x154: {  	s0 =	rddreg [dreg:$0x0];
	s2 =	stileid.u32  }
0x155: {  	s1 =	rddreg [dreg:$0x1];
	p0 =	sne.s32 s2, $0x0  }
0x156: {  	s3 =	rddreg [dreg:$0x2];
	[bflag:$0x3] =	sbarrier.arrive $0xFFFF;
	s2 =	simm.s32 @!p0 $0x1C03  }
0x157: {  	[timem:s3], [sflag:s2] =	dma.local @!p0 [hbm:s0], s1  }
0x158: {  	s0 =	simm.s32 @!p0 $0x3  }
0x159: {  	_ =	swait.ge @!p0 [sflag:s0], s1  }
0x15a: {  	s1 =	ssub.s32 @!p0 $0x0, s1;
	[sflag:s0] =	ssyncset.done @!p0 $0x0  }
0x15b: {  	[sflag:s0] =	ssyncadd.s32 @!p0 s1  }
0x15c: {  	[bflag:$0x3] =	sbarrier.arrive $0xFFFF  }
0x15d: {  	_ =	shalt  }

// kernel: kernel.7.cloned.1.call-start
scs
__scs_entry_jumppad:
0x0: {  	(pc) =	sbr.rel $0x88, $3  }
0x1: {  	(tag) =	ssettag $0x0;
	lr =	simm.s32 $0x1  }
0x2: {  	[smem:$0x3F96] =	sst lr;
	_ =	strace $0xD0000000  }
0x3: {  	_ = 	snop  }
0x4: {  	_ = 	snop  }
0x5: {  	_ = 	snop  }
0x6: {  	_ = 	snop  }
0x7: {  	_ = 	snop  }
__scs_overlays_trampoline_lowered:
0x8: {  	[smem:$0x3FA5] =	sst s0  }
0x9: {  	[smem:$0x3FA6] =	sst s1  }
0xa: {  	[smem:$0x3FA7] =	sst s2  }
0xb: {  	[smem:$0x3FA8] =	sst s3  }
0xc: {  	[smem:$0x3FA9] =	sst s4  }
0xd: {  	[smem:$0x3FAA] =	sst s5  }
0xe: {  	[smem:$0x3FAB] =	sst s6  }
0xf: {  	[smem:$0x3FAC] =	sst s7  }
0x10: {  	[smem:$0x3FAD] =	sst s8  }
0x11: {  	[smem:$0x3FAE] =	sst s9;
	s0 =	simm.s32 @!p0 $0x0  }
0x12: {  	s1 =	sld [smem:$0x3F94];
	s0 =	simm.s32 @p0 $0x1  }
0x13: {  	[smem:$0x3FAF] =	sst s0;
	s0 =	simm.s32 @!p1 $0x0  }
0x14: {  	s2 =	sld [smem:$0x3F93];
	s0 =	simm.s32 @p1 $0x1  }
0x15: {  	[smem:$0x3FB0] =	sst s0;
	s0 =	simm.s32 @!p2 $0x0  }
0x16: {  	s3 =	sld [smem:$0x3FDB];
	s0 =	simm.s32 @p2 $0x1  }
0x17: {  	s4 =	simm.s32 $0x1BF5;
	[smem:$0x3FB2] =	sst s0  }
0x18: {  	s0 =	sld [smem:$0x3F95];
	_ =	swait.ge [sflag:s4], $0x0  }
0x19: {  	s7 =	sld [smem:$0x3F96]  }
0x1a: {  	s8 =	sadd.s32 $0xFFFFE003, lr  }
0x1b: {  	s9 =	sadd.s32 $0xFFFFFEF7, lr;
	s5 =	simm.s32 $0xFFFFFFFF;
	p2 =	slt.u32 s8, $0xFFFFF086  }
0x1c: {  	p1 =	slt.u32 s9, $0xF7A;
	s5 =	simm.s32 @!p2 $0x0  }
0x1d: {  	s5 =	simm.s32 @p1 $0x1;
	p0 =	seq.s32 s7, s2  }
0x1e: {  	s7 =	smul.u32 @!p0 $0xF7A, s2;
	p2 =	seq.s32 @!p0 s5, $0x0  }
0x1f: {  	s9 =	smul.u32 $0xF7A, s1;
	s8 =	simm.s32 @!p0 $0x1BF5;
	p2 =	por !p2, p0  }
0x20: {  	[sflag:s8] =	ssyncset.s32 @!p0 $0xFFFFF086;
	s6 =	sadd.s32 @!p0 s3, s7;
	s7 =	simm.s32 @!p0 $0x108  }
0x21: {  	s3 =	sadd.s32 s3, s9;
	s6 =	sadd.s32 @!p0 $0x88, s6;
	s7 =	simm.s32 @p2 $0x1082  }
0x22: {  	[simem:s7], [sflag:s8] =	dma.local @!p0 [hbm:s6], $0xF7A  }
0x23: {  	s9 =	sor.u32 $0xD0000000, s2;
	s6 =	simm.s32 $0x108;
	_ =	swait.ge @!p0 [sflag:s8], $0x0  }
0x24: {  	s3 =	sadd.s32 $0x88, s3;
	s6 =	simm.s32 @!p1 $0x1082;
	[sflag:s4] =	ssyncset.s32 $0xFFFFF086  }
0x25: {  	[simem:s6], [sflag:s4] =	dma.local [hbm:s3], $0xF7A  }
0x26: {  	[smem:$0x3F96] =	sst s1;
	(tag) =	ssettag s2;
	_ =	strace s9  }
0x27: {  	s1 =	sld [smem:$0x3FA6]  }
0x28: {  	s2 =	sld [smem:$0x3FA7]  }
0x29: {  	s4 =	sld [smem:$0x3FA9]  }
0x2a: {  	p0 =	seq.s32 s5, $0x0;
	s5 =	sld [smem:$0x3FAA]  }
0x2b: {  	s6 =	sld [smem:$0x3FAB]  }
0x2c: {  	s7 =	sld [smem:$0x3FAC]  }
0x2d: {  	s3 =	simm.s32 $0x108;
	s8 =	sld [smem:$0x3FAD]  }
0x2e: {  	s3 =	simm.s32 @!p0 $0x1082;
	s9 =	sld [smem:$0x3FAE]  }
0x2f: {  	lr =	sadd.s32 s0, s3;
	s0 =	sld [smem:$0x3FA5]  }
0x30: {  	s3 =	sld [smem:$0x3FA8]  }
0x31: {  	[smem:$0x3FB1] =	sst s10  }
0x32: {  	s10 =	sld [smem:$0x3FAF];
	_ =	sdelay $0x3  }
0x33: {  	p0 =	seq.s32 s10, $0x1;
	s10 =	sld [smem:$0x3FB1];
	_ =	sdelay $0x3  }
0x34: {  	[smem:$0x3FB1] =	sst s10  }
0x35: {  	s10 =	sld [smem:$0x3FB0];
	_ =	sdelay $0x3  }
0x36: {  	p1 =	seq.s32 s10, $0x1;
	s10 =	sld [smem:$0x3FB1];
	_ =	sdelay $0x3  }
0x37: {  	[smem:$0x3FB1] =	sst s10  }
0x38: {  	s10 =	sld [smem:$0x3FB2]  }
0x39: {  	_ = 	snop;
	(pc) =	sbr.ind lr, $3  }
0x3a: {  	_ = 	snop  }
0x3b: {  	_ = 	snop  }
0x3c: {  	p2 =	seq.s32 s10, $0x1;
	s10 =	sld [smem:$0x3FB1]  }
0x3d: {  	_ =	shalt  }
0x3e: {  	_ =	shalt  }
0x3f: {  	_ =	shalt  }
0x40: {  	_ =	shalt  }
0x41: {  	_ =	shalt  }
0x42: {  	_ =	shalt  }
0x43: {  	_ =	shalt  }
0x44: {  	_ =	shalt  }
0x45: {  	_ =	shalt  }
0x46: {  	_ =	shalt  }
0x47: {  	_ =	shalt  }
0x48: {  	_ =	shalt  }
0x49: {  	_ =	shalt  }
0x4a: {  	_ =	shalt  }
0x4b: {  	_ =	shalt  }
0x4c: {  	_ =	shalt  }
0x4d: {  	_ =	shalt  }
0x4e: {  	_ =	shalt  }
0x4f: {  	_ =	shalt  }
0x50: {  	_ =	shalt  }
0x51: {  	_ =	shalt  }
0x52: {  	_ =	shalt  }
0x53: {  	_ =	shalt  }
0x54: {  	_ =	shalt  }
0x55: {  	_ =	shalt  }
0x56: {  	_ =	shalt  }
0x57: {  	_ =	shalt  }
0x58: {  	_ =	shalt  }
0x59: {  	_ =	shalt  }
0x5a: {  	_ =	shalt  }
0x5b: {  	_ =	shalt  }
0x5c: {  	_ =	shalt  }
0x5d: {  	_ =	shalt  }
0x5e: {  	_ =	shalt  }
0x5f: {  	_ =	shalt  }
0x60: {  	_ =	shalt  }
0x61: {  	_ =	shalt  }
0x62: {  	_ =	shalt  }
0x63: {  	_ =	shalt  }
0x64: {  	_ =	shalt  }
0x65: {  	_ =	shalt  }
0x66: {  	_ =	shalt  }
0x67: {  	_ =	shalt  }
0x68: {  	_ =	shalt  }
0x69: {  	_ =	shalt  }
0x6a: {  	_ =	shalt  }
0x6b: {  	_ =	shalt  }
0x6c: {  	_ =	shalt  }
0x6d: {  	_ =	shalt  }
0x6e: {  	_ =	shalt  }
0x6f: {  	_ =	shalt  }
0x70: {  	_ =	shalt  }
0x71: {  	_ =	shalt  }
0x72: {  	_ =	shalt  }
0x73: {  	_ =	shalt  }
0x74: {  	_ =	shalt  }
0x75: {  	_ =	shalt  }
0x76: {  	_ =	shalt  }
0x77: {  	_ =	shalt  }
0x78: {  	_ =	shalt  }
0x79: {  	_ =	shalt  }
0x7a: {  	_ =	shalt  }
0x7b: {  	_ =	shalt  }
0x7c: {  	_ =	shalt  }
0x7d: {  	_ =	shalt  }
0x7e: {  	_ =	shalt  }
0x7f: {  	_ =	shalt  }
0x80: {  	_ =	shalt  }
0x81: {  	_ =	shalt  }
0x82: {  	_ =	shalt  }
0x83: {  	_ =	shalt  }
0x84: {  	_ =	shalt  }
0x85: {  	_ =	shalt  }
0x86: {  	_ =	shalt  }
0x87: {  	_ =	shalt  }
.Lfunc_end0:
.L_simem_size_0:
called_computation_lowered:
.L_overlay_start_0:
0x88: {  	s2 =	sld [smem:$0x3FD9]  }
0x89: {  	s3 =	sld [smem:$0x3FFE];
	_ =	sdelay $0x1  }
0x8a: {  	s1 =	srdreg.scid  }
0x8b: {  	s0 =	sand.u32 $0x1, s1  }
0x8c: {  	s14 =	sshll.u32 s0, $0xA;
	s2 =	sadd.s32 s3, s2  }
0x8d: {  	s2 =	sadd.s32 s2, s14  }
0x8e: {  	[smem:$0x3FBD] =	sst s2  }
0x8f: {  	_ = 	snop  }
0x90: {  	s2 =	sld [smem:$0x3FD0];
	_ =	sdelay $0x1  }
0x91: {  	s15 =	sld [smem:$0x3FC9]  }
0x92: {  	s5 =	simm.s32 $0xB;
	s6 =	simm.s32 $0x10;
	s4 =	sld [smem:$0x3FC8]  }
0x93: {  	[smem:s6], [sflag:s5] =	dma.local [hbm:s2], $0x1  }
0x94: {  	_ =	swait.eq [sflag:s5], $0x1  }
0x95: {  	s16 =	sld [smem:$0x10];
	[sflag:s5] =	ssyncset.done $0x0  }
0x96: {  	s17 =	sld [smem:$0x11];
	[sflag:s5] =	ssyncadd.s32 $0xFFFFFFFF  }
0x97: {  	s18 =	sld [smem:$0x12];
	(tm) =	ssettm $0x1  }
0x98: {  	s7 =	sld [smem:$0x3FFB];
	_ =	sdelay $0x3  }
0x99: {  	_ =	strace s7  }
0x9a: {  	s7 =	sld [smem:$0x3FFC];
	_ =	sdelay $0x3  }
0x9b: {  	_ =	strace s7  }
0x9c: {  	s7 =	sld [smem:$0x3FFD];
	_ =	sdelay $0x3  }
0x9d: {  	_ =	strace s7  }
0x9e: {  	_ =	strace $0x8FFFFFFF  }
0x9f: {  	s19 =	sld [smem:$0x3FDB];
	_ =	sdelay $0x1  }
0xa0: {  	s8 =	simm.s32 $_scs_section_size  }
0xa1: {  	s9 =	simm.s32 $_size__tile_overlayer_lowered;
	s10 =	simm.s32 $_tile_overlayer_lowered  }
0xa2: {  	s22 =	simm.s32 $0x1BFF;
	s21 =	sshll.u32 s10, $0x1;
	s7 =	sadd.s32 s8, s19  }
0xa3: {  	s11 =	simm.s32 $0x0;
	s20 =	sshll.u32 s9, $0x1;
	s9 =	sadd.s32 s21, s7  }
0xa4: {  	[timem:s11], [sflag:s22] =	dma.local [hbm:s9], s20  }
0xa5: {  	_ =	swait.ge [sflag:s22], s20  }
0xa6: {  	s8 =	ssub.s32 $0x0, s20;
	[sflag:s22] =	ssyncset.done $0x0  }
0xa7: {  	[sflag:s22] =	ssyncadd.s32 s8;
	_ =	sdelay $0x1  }
0xa8: {  	s23 =	simm.s32 $0x1B8B  }
0xa9: {  	_ =	swait.ge [sflag:s23], $0x1  }
0xaa: {  	[sflag:s23] =	ssyncset.done $0x0  }
0xab: {  	s25 =	simm.s32 $0x1B8E;
	s24 =	sld [smem:$0x3FFE];
	[sflag:s23] =	ssyncadd.s32 $0xFFFFFFFF  }
0xac: {  	s26 =	simm.s32 $execute0_lowered;
	[smem:$0x3FD2] =	sst s25  }
0xad: {  	s9 =	sshll.u32 s26, $0x1;
	_ =	strace $0x80000046;
	[dreg:$0x1] =	wrdreg $0xFFFFFFFF  }
0xae: {  	s28 =	simm.s32 $_size_execute0_lowered;
	s7 =	sadd.s32 s7, s9;
	[dreg:$0x0] =	wrdreg $0x0  }
0xaf: {  	s9 =	sshll.u32 s28, $0x1;
	[dreg:$0x2] =	wrdreg s7  }
0xb0: {  	[dreg:$0x3] =	wrdreg s9  }
0xb1: {  	[dreg:$0x4] =	wrdreg $0xC0  }
0xb2: {  	_ =	task [dreg:s11], $0x5FFFF  }
0xb3: {  	[dreg:$0x1] =	wrdreg $0xFFFFFFFF  }
0xb4: {  	[dreg:$0x0] =	wrdreg $0x60  }
0xb5: {  	[dreg:$0x2] =	wrdreg s4  }
0xb6: {  	[dreg:$0x3] =	wrdreg s18  }
0xb7: {  	[dreg:$0x4] =	wrdreg s17  }
0xb8: {  	[dreg:$0x5] =	wrdreg s15  }
0xb9: {  	[dreg:$0x6] =	wrdreg s16  }
0xba: {  	[dreg:$0x7] =	wrdreg s24  }
0xbb: {  	[dreg:$0x8] =	wrdreg $0x9  }
0xbc: {  	_ =	task.clear_ibuf [dreg:s11], $0x9FFFF;
	_ =	strace $0x90000046  }
0xbd: {  	s29 =	simm.s32 $0x9;
	_ =	strace $0x80000048  }
0xbe: {  	_ =	swait.ge [sflag:s29], $0x1  }
0xbf: {  	[sflag:s29] =	ssyncadd.s32 $0xFFFFFFFF  }
0xc0: {  	_ =	strace $0x90000048  }
0xc1: {  	_ =	sfence  }
0xc2: {  	s30 =	sld [smem:$0x0];
	_ =	sdelay $0x2  }
0xc3: {  	s31 =	sshll.u32 s1, $0xD;
	s1 =	sshrl.u32 s1, $0x2  }
0xc4: {  	s3 =	sand.u32 $0x4000, s31;
	s1 =	sadd.s32 s1, s30  }
0xc5: {  	s0 =	sor.u32 s3, s0;
	s1 =	sshll.u32 s1, $0x11  }
0xc6: {  	s0 =	sor.u32 s1, s0  }
0xc7: {  	s0 =	sadd.s32 $0x8F2B, s0  }
0xc8: {  	[sflag:s0] =	ssyncadd.remote.s32 $0x1  }
0xc9: {  	_ =	sfence.sel $0xFFFF  }
0xca: {  	[dreg:$0x0] =	wrdreg $0xFFFFFFFF;
	(pc) =	sbr.abs _section_cstart, $3  }
0xcb: {  	[dreg:$0x1] =	wrdreg $0xFFFFFFFF  }
0xcc: {  	_ =	task.clear_ibuf [dreg:s11], $0x2FFFF;
	_ =	strace $0x9FFFFFFF  }
0xcd: {  	(tm) =	ssettm $0x7FFFFFFF  }
tec
execute0_lowered:
.L_overlay_start_1:
0x0: {  	(tag) =	ssettag $0x1  }
0x1: {  	s0 =	rddreg [dreg:$0x0]  }
0x2: {  	s1 =	rddreg [dreg:$0x1]  }
0x3: {  	s2 =	rddreg [dreg:$0x2]  }
0x4: {  	s12 =	rddreg [dreg:$0x3]  }
0x5: {  	s5 =	rddreg [dreg:$0x5];
	s3 =	simm.s32 $0x0;
	s4 =	srdreg.scid  }
0x6: {  	s6 =	stileid.u32;
	s16 =	simm.s32 $0x3;
	s21 =	simm.s32 $0xC400  }
0x7: {  	s22 =	simm.s32 $0x2400;
	s23 =	simm.s32 $0x6400;
	s24 =	simm.s32 $0xA400  }
0x8: {  	s25 =	simm.s32 $0xE400;
	s28 =	simm.s32 $0x10400;
	s29 =	simm.s32 $0x4  }
0x9: {  	s30 =	simm.s32 $0x2;
	s31 =	simm.s32 $0x12400;
	s4 =	sand.u32 $0x1, s4  }
0xa: {  	[smem:$0x7FF] =	sst s3;
	s6 =	sshll.u32 s6, $0xB;
	s7 =	sshll.u32 s4, $0xA  }
0xb: {  	_ =	strace $0x80000047;
	s8 =	ssub.s32 $0x2, s4;
	s9 =	sor.u32 s7, s6  }
0xc: {  	s4 =	sadd.s32 $0x2400, s5;
	s26 =	sshrl.u32 s8, $0x1;
	s14 =	sadd.s32 s9, s5  }
0xd: {  	s15 =	ssub.s32 s8, s26;
	s5 =	sadd.s32 s0, s9;
	s6 =	sadd.s32 s1, s9  }
0xe: {  	s7 =	sadd.s32 s2, s9;
	s13 =	sor.u32 $0x8000, s9;
	s8 =	sadd.s32 s12, s9  }
0xf: {  	s26 =	simm.s32 $0x1;
	s9 =	sadd.s32 s0, s13;
	s10 =	sadd.s32 s1, s13  }
0x10: {  	s11 =	sadd.s32 s2, s13;
	s12 =	sadd.s32 s12, s13;
	s13 =	sadd.s32 $0x2600, s14  }
0x11: {  	s14 =	sadd.s32 $0xA600, s14;
	s15 =	smax.u32 s15, $0x1;
	s0 =	simm.s32 $0x0  }
.LBB2_1:
0x12: {  	s1 =	rddreg [dreg:$0x4]  }
0x13: {  	[tilespmem:s3], [sflag:$0x3] =	stream.linear.gather [hbm4b:s1+s3], $0x380, $0x38;
	[tilespmem:$0x14400] =	vst v63  }
0x14: {  	_ =	swait.ge [sflag:s16], $0x380  }
0x15: {  	[sflag:s16] =	ssyncset.done $0x0  }
0x16: {  	s17 =	simm.s32 $0x380;
	[sflag:s16] =	ssyncadd.s32 $0xFFFFFC80  }
0x17: {  	[tilespmem:s17], [sflag:$0x3] =	stream.linear.gather [hbm4b:s4+s3], $0x80, $0x38;
	[tilespmem:$0x14400] =	vst v63  }
0x18: {  	_ =	swait.ge [sflag:s16], $0x80  }
0x19: {  	[sflag:s16] =	ssyncset.done $0x0  }
0x1a: {  	s18 =	simm.s32 $0x400;
	[sflag:s16] =	ssyncadd.s32 $0xFFFFFF80  }
0x1b: {  	v0 =	vld [tilespmem:$0x380];
	[tilespmem:s18], [sflag:$0x1] =	stream.linear.gather [hbm4b:s5+s3], $0x2000, $0x38  }
0x1c: {  	s19 =	simm.s32 $0x4400  }
0x1d: {  	[tilespmem:s19], [sflag:$0x1] =	stream.linear.gather [hbm4b:s6+s3], $0x2000, $0x38;
	[tilespmem:$0x14400] =	vst v63  }
0x1e: {  	s20 =	simm.s32 $0x8400  }
0x1f: {  	[tilespmem:s20], [sflag:$0x1] =	stream.linear.gather [hbm4b:s7+s3], $0x2000, $0x38;
	[tilespmem:$0x14400] =	vst v63  }
0x20: {  	_ = 	snop  }
0x21: {  	[tilespmem:s21], [sflag:$0x1] =	stream.linear.gather [hbm4b:s8+s3], $0x2000, $0x38;
	[tilespmem:$0x14400] =	vst v63  }
0x22: {  	_ = 	snop  }
0x23: {  	[tilespmem:s22], [sflag:$0x2] =	stream.linear.gather [hbm4b:s9+s3], $0x2000, $0x38;
	[tilespmem:$0x14400] =	vst v63  }
0x24: {  	_ = 	snop  }
0x25: {  	[tilespmem:s23], [sflag:$0x2] =	stream.linear.gather [hbm4b:s10+s3], $0x2000, $0x38;
	[tilespmem:$0x14400] =	vst v63  }
0x26: {  	_ = 	snop  }
0x27: {  	[tilespmem:s24], [sflag:$0x2] =	stream.linear.gather [hbm4b:s11+s3], $0x2000, $0x38;
	[tilespmem:$0x14400] =	vst v63  }
0x28: {  	_ = 	snop  }
0x29: {  	[tilespmem:s25], [sflag:$0x2] =	stream.linear.gather [hbm4b:s12+s3], $0x2000, $0x38;
	[tilespmem:$0x14400] =	vst v63  }
0x2a: {  	_ =	swait.ge [sflag:s26], $0x2000  }
0x2b: {  	[sflag:s26] =	ssyncset.done $0x0  }
0x2c: {  	[sflag:s26] =	ssyncadd.s32 $0xFFFFE000  }
0x2d: {  	_ =	swait.ge [sflag:s26], $0x2000  }
0x2e: {  	[sflag:s26] =	ssyncset.done $0x0  }
0x2f: {  	[sflag:s26] =	ssyncadd.s32 $0xFFFFE000  }
0x30: {  	_ =	swait.ge [sflag:s26], $0x2000  }
0x31: {  	[sflag:s26] =	ssyncset.done $0x0  }
0x32: {  	[sflag:s26] =	ssyncadd.s32 $0xFFFFE000  }
0x33: {  	s2 =	simm.s32 $0xFFFFFFF8;
	s1 =	simm.s32 $0x8440;
	_ =	swait.ge [sflag:s26], $0x2000  }
0x34: {  	s17 =	simm.s32 $0x4440;
	s18 =	simm.s32 $0x440;
	[sflag:s26] =	ssyncset.done $0x0  }
0x35: {  	s19 =	simm.s32 $0xC440;
	s20 =	simm.s32 $0x10440;
	[sflag:s26] =	ssyncadd.s32 $0xFFFFE000  }
.LBB2_2:
0x36: {  	v1 =	vld [tilespmem:s1+$0xFFFFFFC0]  }
0x37: {  	v2 =	vld [tilespmem:s17+$0xFFFFFFC0]  }
0x38: {  	v3 =	vld [tilespmem:s18+$0xFFFFFFC0];
	_ =	sdelay $0x2  }
0x39: {  	v4 =	vld [tilespmem:s19+$0xFFFFFFC0]  }
0x3a: {  	vm0 =	vge.f32 v0, v1  }
0x3b: {  	v1 =	vsel vm0, v2, v3  }
0x3c: {  	v1 =	vmul.u32 $0x64, v1;
	_ =	sdelay $0x1  }
0x3d: {  	v1 =	vadd.s32 v4, v1;
	_ =	sdelay $0x4  }
0x3e: {  	v1 =	vld.idx.msk [tilespmem:v1+s3+$0x0], $0xffff;
	_ =	sdelay $0x4  }
0x3f: {  	[tilespmem:s20+$0xFFFFFFC0] =	vst v1  }
0x40: {  	v1 =	vld [tilespmem:s1+$0xFFFFFFD0]  }
0x41: {  	v2 =	vld [tilespmem:s17+$0xFFFFFFD0]  }
0x42: {  	v3 =	vld [tilespmem:s18+$0xFFFFFFD0];
	_ =	sdelay $0x2  }
0x43: {  	v57 =	vld [tilespmem:s19+$0xFFFFFFD0]  }
0x44: {  	vm9 =	vge.f32 v0, v1  }
0x45: {  	v1 =	vsel vm9, v2, v3  }
0x46: {  	v1 =	vmul.u32 $0x64, v1;
	_ =	sdelay $0x1  }
0x47: {  	v1 =	vadd.s32 v57, v1;
	_ =	sdelay $0x4  }
0x48: {  	v1 =	vld.idx.msk [tilespmem:v1+s3+$0x0], $0xffff;
	_ =	sdelay $0x4  }
0x49: {  	[tilespmem:s20+$0xFFFFFFD0] =	vst v1  }
0x4a: {  	v1 =	vld [tilespmem:s1+$0xFFFFFFE0]  }
0x4b: {  	v2 =	vld [tilespmem:s17+$0xFFFFFFE0]  }
0x4c: {  	v3 =	vld [tilespmem:s18+$0xFFFFFFE0];
	_ =	sdelay $0x2  }
0x4d: {  	v58 =	vld [tilespmem:s19+$0xFFFFFFE0]  }
0x4e: {  	vm10 =	vge.f32 v0, v1  }
0x4f: {  	v1 =	vsel vm10, v2, v3  }
0x50: {  	v1 =	vmul.u32 $0x64, v1;
	_ =	sdelay $0x1  }
0x51: {  	v1 =	vadd.s32 v58, v1;
	_ =	sdelay $0x4  }
0x52: {  	v1 =	vld.idx.msk [tilespmem:v1+s3+$0x0], $0xffff;
	_ =	sdelay $0x4  }
0x53: {  	[tilespmem:s20+$0xFFFFFFE0] =	vst v1  }
0x54: {  	v1 =	vld [tilespmem:s1+$0xFFFFFFF0]  }
0x55: {  	v2 =	vld [tilespmem:s17+$0xFFFFFFF0]  }
0x56: {  	v3 =	vld [tilespmem:s18+$0xFFFFFFF0];
	_ =	sdelay $0x2  }
0x57: {  	v59 =	vld [tilespmem:s19+$0xFFFFFFF0]  }
0x58: {  	vm11 =	vge.f32 v0, v1  }
0x59: {  	v1 =	vsel vm11, v2, v3  }
0x5a: {  	v1 =	vmul.u32 $0x64, v1;
	_ =	sdelay $0x1  }
0x5b: {  	v1 =	vadd.s32 v59, v1;
	_ =	sdelay $0x4  }
0x5c: {  	v1 =	vld.idx.msk [tilespmem:v1+s3+$0x0], $0xffff;
	_ =	sdelay $0x4  }
0x5d: {  	[tilespmem:s20+$0xFFFFFFF0] =	vst v1  }
0x5e: {  	v1 =	vld [tilespmem:s1+$0x0]  }
0x5f: {  	v2 =	vld [tilespmem:s17+$0x0]  }
0x60: {  	v3 =	vld [tilespmem:s18+$0x0];
	_ =	sdelay $0x2  }
0x61: {  	v60 =	vld [tilespmem:s19+$0x0]  }
0x62: {  	vm12 =	vge.f32 v0, v1  }
0x63: {  	v1 =	vsel vm12, v2, v3  }
0x64: {  	v1 =	vmul.u32 $0x64, v1;
	_ =	sdelay $0x1  }
0x65: {  	v1 =	vadd.s32 v60, v1;
	_ =	sdelay $0x4  }
0x66: {  	v1 =	vld.idx.msk [tilespmem:v1+s3+$0x0], $0xffff;
	_ =	sdelay $0x4  }
0x67: {  	[tilespmem:s20+$0x0] =	vst v1  }
0x68: {  	v1 =	vld [tilespmem:s1+$0x10]  }
0x69: {  	v2 =	vld [tilespmem:s17+$0x10]  }
0x6a: {  	v3 =	vld [tilespmem:s18+$0x10];
	_ =	sdelay $0x2  }
0x6b: {  	v61 =	vld [tilespmem:s19+$0x10]  }
0x6c: {  	vm13 =	vge.f32 v0, v1  }
0x6d: {  	v1 =	vsel vm13, v2, v3  }
0x6e: {  	v1 =	vmul.u32 $0x64, v1;
	_ =	sdelay $0x1  }
0x6f: {  	v1 =	vadd.s32 v61, v1;
	_ =	sdelay $0x4  }
0x70: {  	v1 =	vld.idx.msk [tilespmem:v1+s3+$0x0], $0xffff;
	_ =	sdelay $0x4  }
0x71: {  	[tilespmem:s20+$0x10] =	vst v1  }
0x72: {  	v1 =	vld [tilespmem:s1+$0x20]  }
0x73: {  	v2 =	vld [tilespmem:s17+$0x20]  }
0x74: {  	v3 =	vld [tilespmem:s18+$0x20];
	_ =	sdelay $0x2  }
0x75: {  	v62 =	vld [tilespmem:s19+$0x20]  }
0x76: {  	vm14 =	vge.f32 v0, v1  }
0x77: {  	v1 =	vsel vm14, v2, v3  }
0x78: {  	v1 =	vmul.u32 $0x64, v1;
	_ =	sdelay $0x1  }
0x79: {  	v1 =	vadd.s32 v62, v1;
	_ =	sdelay $0x4  }
0x7a: {  	v1 =	vld.idx.msk [tilespmem:v1+s3+$0x0], $0xffff;
	_ =	sdelay $0x4  }
0x7b: {  	[tilespmem:s20+$0x20] =	vst v1  }
0x7c: {  	v1 =	vld [tilespmem:s1+$0x30]  }
0x7d: {  	v2 =	vld [tilespmem:s17+$0x30]  }
0x7e: {  	v3 =	vld [tilespmem:s18+$0x30];
	_ =	sdelay $0x2  }
0x7f: {  	v63 =	vld [tilespmem:s19+$0x30]  }
0x80: {  	vm15 =	vge.f32 v0, v1  }
0x81: {  	v1 =	vsel vm15, v2, v3  }
0x82: {  	v1 =	vmul.u32 $0x64, v1;
	_ =	sdelay $0x1  }
0x83: {  	v1 =	vadd.s32 v63, v1;
	_ =	sdelay $0x3  }
0x84: {  	s2 =	sadd.s32 $0x8, s2  }
0x85: {  	p0 =	slt.u32 s2, $0x1F8;
	v1 =	vld.idx.msk [tilespmem:v1+s3+$0x0], $0xffff  }
.Ltmp0:
0x86: {  	_ = 	snop;
	(pc) =	sbr.rel @p0 .LBB2_2-.Ltmp0, $3  }
0x87: {  	_ =	sdelay $0x1  }
0x88: {  	s1 =	sadd.s32 $0x80, s1;
	s17 =	sadd.s32 $0x80, s17  }
0x89: {  	s18 =	sadd.s32 $0x80, s18;
	s19 =	sadd.s32 $0x80, s19;
	[tilespmem:s20+$0x30] =	vst v1;
	s20 =	sadd.s32 $0x80, s20  }
0x8a: {  	[hbm4b:s13+s3] =	stream.linear.scatter [tilespmem:s28], [sflag:$0x4], $0x2000, $0x38;
	[tilespmem:$0x14400] =	vst v63  }
0x8b: {  	_ =	swait.ge [sflag:s29], $0x2000  }
0x8c: {  	[sflag:s29] =	ssyncset.done $0x0  }
0x8d: {  	[sflag:s29] =	ssyncadd.s32 $0xFFFFE000  }
0x8e: {  	_ =	swait.ge [sflag:s30], $0x2000  }
0x8f: {  	[sflag:s30] =	ssyncset.done $0x0  }
0x90: {  	[sflag:s30] =	ssyncadd.s32 $0xFFFFE000  }
0x91: {  	_ =	swait.ge [sflag:s30], $0x2000  }
0x92: {  	[sflag:s30] =	ssyncset.done $0x0  }
0x93: {  	[sflag:s30] =	ssyncadd.s32 $0xFFFFE000  }
0x94: {  	_ =	swait.ge [sflag:s30], $0x2000  }
0x95: {  	[sflag:s30] =	ssyncset.done $0x0  }
0x96: {  	[sflag:s30] =	ssyncadd.s32 $0xFFFFE000  }
0x97: {  	s2 =	simm.s32 $0xFFFFFFF8;
	s1 =	simm.s32 $0xA440;
	_ =	swait.ge [sflag:s30], $0x2000  }
0x98: {  	s17 =	simm.s32 $0x6440;
	s18 =	simm.s32 $0x2440;
	[sflag:s30] =	ssyncset.done $0x0  }
0x99: {  	s19 =	simm.s32 $0xE440;
	s20 =	simm.s32 $0x12440;
	[sflag:s30] =	ssyncadd.s32 $0xFFFFE000  }
.LBB2_4:
0x9a: {  	v1 =	vld [tilespmem:s1+$0xFFFFFFC0]  }
0x9b: {  	v2 =	vld [tilespmem:s17+$0xFFFFFFC0]  }
0x9c: {  	v3 =	vld [tilespmem:s18+$0xFFFFFFC0];
	_ =	sdelay $0x2  }
0x9d: {  	v4 =	vld [tilespmem:s19+$0xFFFFFFC0]  }
0x9e: {  	vm0 =	vge.f32 v0, v1  }
0x9f: {  	v1 =	vsel vm0, v2, v3  }
0xa0: {  	v1 =	vmul.u32 $0x64, v1;
	_ =	sdelay $0x1  }
0xa1: {  	v1 =	vadd.s32 v4, v1;
	_ =	sdelay $0x4  }
0xa2: {  	v1 =	vld.idx.msk [tilespmem:v1+s3+$0x0], $0xffff;
	_ =	sdelay $0x4  }
0xa3: {  	[tilespmem:s20+$0xFFFFFFC0] =	vst v1  }
0xa4: {  	v1 =	vld [tilespmem:s1+$0xFFFFFFD0]  }
0xa5: {  	v2 =	vld [tilespmem:s17+$0xFFFFFFD0]  }
0xa6: {  	v3 =	vld [tilespmem:s18+$0xFFFFFFD0];
	_ =	sdelay $0x2  }
0xa7: {  	v57 =	vld [tilespmem:s19+$0xFFFFFFD0]  }
0xa8: {  	vm9 =	vge.f32 v0, v1  }
0xa9: {  	v1 =	vsel vm9, v2, v3  }
0xaa: {  	v1 =	vmul.u32 $0x64, v1;
	_ =	sdelay $0x1  }
0xab: {  	v1 =	vadd.s32 v57, v1;
	_ =	sdelay $0x4  }
0xac: {  	v1 =	vld.idx.msk [tilespmem:v1+s3+$0x0], $0xffff;
	_ =	sdelay $0x4  }
0xad: {  	[tilespmem:s20+$0xFFFFFFD0] =	vst v1  }
0xae: {  	v1 =	vld [tilespmem:s1+$0xFFFFFFE0]  }
0xaf: {  	v2 =	vld [tilespmem:s17+$0xFFFFFFE0]  }
0xb0: {  	v3 =	vld [tilespmem:s18+$0xFFFFFFE0];
	_ =	sdelay $0x2  }
0xb1: {  	v58 =	vld [tilespmem:s19+$0xFFFFFFE0]  }
0xb2: {  	vm10 =	vge.f32 v0, v1  }
0xb3: {  	v1 =	vsel vm10, v2, v3  }
0xb4: {  	v1 =	vmul.u32 $0x64, v1;
	_ =	sdelay $0x1  }
0xb5: {  	v1 =	vadd.s32 v58, v1;
	_ =	sdelay $0x4  }
0xb6: {  	v1 =	vld.idx.msk [tilespmem:v1+s3+$0x0], $0xffff;
	_ =	sdelay $0x4  }
0xb7: {  	[tilespmem:s20+$0xFFFFFFE0] =	vst v1  }
0xb8: {  	v1 =	vld [tilespmem:s1+$0xFFFFFFF0]  }
0xb9: {  	v2 =	vld [tilespmem:s17+$0xFFFFFFF0]  }
0xba: {  	v3 =	vld [tilespmem:s18+$0xFFFFFFF0];
	_ =	sdelay $0x2  }
0xbb: {  	v59 =	vld [tilespmem:s19+$0xFFFFFFF0]  }
0xbc: {  	vm11 =	vge.f32 v0, v1  }
0xbd: {  	v1 =	vsel vm11, v2, v3  }
0xbe: {  	v1 =	vmul.u32 $0x64, v1;
	_ =	sdelay $0x1  }
0xbf: {  	v1 =	vadd.s32 v59, v1;
	_ =	sdelay $0x4  }
0xc0: {  	v1 =	vld.idx.msk [tilespmem:v1+s3+$0x0], $0xffff;
	_ =	sdelay $0x4  }
0xc1: {  	[tilespmem:s20+$0xFFFFFFF0] =	vst v1  }
0xc2: {  	v1 =	vld [tilespmem:s1+$0x0]  }
0xc3: {  	v2 =	vld [tilespmem:s17+$0x0]  }
0xc4: {  	v3 =	vld [tilespmem:s18+$0x0];
	_ =	sdelay $0x2  }
0xc5: {  	v60 =	vld [tilespmem:s19+$0x0]  }
0xc6: {  	vm12 =	vge.f32 v0, v1  }
0xc7: {  	v1 =	vsel vm12, v2, v3  }
0xc8: {  	v1 =	vmul.u32 $0x64, v1;
	_ =	sdelay $0x1  }
0xc9: {  	v1 =	vadd.s32 v60, v1;
	_ =	sdelay $0x4  }
0xca: {  	v1 =	vld.idx.msk [tilespmem:v1+s3+$0x0], $0xffff;
	_ =	sdelay $0x4  }
0xcb: {  	[tilespmem:s20+$0x0] =	vst v1  }
0xcc: {  	v1 =	vld [tilespmem:s1+$0x10]  }
0xcd: {  	v2 =	vld [tilespmem:s17+$0x10]  }
0xce: {  	v3 =	vld [tilespmem:s18+$0x10];
	_ =	sdelay $0x2  }
0xcf: {  	v61 =	vld [tilespmem:s19+$0x10]  }
0xd0: {  	vm13 =	vge.f32 v0, v1  }
0xd1: {  	v1 =	vsel vm13, v2, v3  }
0xd2: {  	v1 =	vmul.u32 $0x64, v1;
	_ =	sdelay $0x1  }
0xd3: {  	v1 =	vadd.s32 v61, v1;
	_ =	sdelay $0x4  }
0xd4: {  	v1 =	vld.idx.msk [tilespmem:v1+s3+$0x0], $0xffff;
	_ =	sdelay $0x4  }
0xd5: {  	[tilespmem:s20+$0x10] =	vst v1  }
0xd6: {  	v1 =	vld [tilespmem:s1+$0x20]  }
0xd7: {  	v2 =	vld [tilespmem:s17+$0x20]  }
0xd8: {  	v3 =	vld [tilespmem:s18+$0x20];
	_ =	sdelay $0x2  }
0xd9: {  	v62 =	vld [tilespmem:s19+$0x20]  }
0xda: {  	vm14 =	vge.f32 v0, v1  }
0xdb: {  	v1 =	vsel vm14, v2, v3  }
0xdc: {  	v1 =	vmul.u32 $0x64, v1;
	_ =	sdelay $0x1  }
0xdd: {  	v1 =	vadd.s32 v62, v1;
	_ =	sdelay $0x4  }
0xde: {  	v1 =	vld.idx.msk [tilespmem:v1+s3+$0x0], $0xffff;
	_ =	sdelay $0x4  }
0xdf: {  	[tilespmem:s20+$0x20] =	vst v1  }
0xe0: {  	v1 =	vld [tilespmem:s1+$0x30]  }
0xe1: {  	v2 =	vld [tilespmem:s17+$0x30]  }
0xe2: {  	v3 =	vld [tilespmem:s18+$0x30];
	_ =	sdelay $0x2  }
0xe3: {  	v63 =	vld [tilespmem:s19+$0x30]  }
0xe4: {  	vm15 =	vge.f32 v0, v1  }
0xe5: {  	v1 =	vsel vm15, v2, v3  }
0xe6: {  	v1 =	vmul.u32 $0x64, v1;
	_ =	sdelay $0x1  }
0xe7: {  	v1 =	vadd.s32 v63, v1;
	_ =	sdelay $0x3  }
0xe8: {  	s2 =	sadd.s32 $0x8, s2  }
0xe9: {  	p0 =	slt.u32 s2, $0x1F8;
	v1 =	vld.idx.msk [tilespmem:v1+s3+$0x0], $0xffff  }
.Ltmp1:
0xea: {  	_ = 	snop;
	(pc) =	sbr.rel @p0 .LBB2_4-.Ltmp1, $3  }
0xeb: {  	_ =	sdelay $0x1  }
0xec: {  	s1 =	sadd.s32 $0x80, s1;
	s17 =	sadd.s32 $0x80, s17  }
0xed: {  	s18 =	sadd.s32 $0x80, s18;
	s19 =	sadd.s32 $0x80, s19;
	[tilespmem:s20+$0x30] =	vst v1;
	s20 =	sadd.s32 $0x80, s20  }
0xee: {  	s0 =	sadd.s32 $0x1, s0  }
0xef: {  	p0 =	sne.s32 s0, s15  }
.Ltmp2:
0xf0: {  	_ = 	snop;
	(pc) =	sbr.rel @p0 .LBB2_1-.Ltmp2, $4  }
0xf1: {  	[hbm4b:s14+s3] =	stream.linear.scatter [tilespmem:s31], [sflag:$0x3], $0x2000, $0x38;
	[tilespmem:$0x14400] =	vst v63  }
0xf2: {  	_ =	swait.ge [sflag:s16], $0x2000  }
0xf3: {  	[sflag:s16] =	ssyncset.done $0x0  }
0xf4: {  	[sflag:s16] =	ssyncadd.s32 $0xFFFFE000  }
0xf5: {  	_ =	sfence.sel $0x180000  }
0xf6: {  	[bflag:$0x0] =	sbarrier.arrive $0xFFFF  }
0xf7: {  	_ =	strace $0x90000047  }
0xf8: {  	s0 =	stileid.u32;
	[bflag:$0x2] =	sbarrier.arrive $0xFFFF  }
0xf9: {  	p0 =	sne.s32 s0, $0x0;
	s0 =	rddreg [dreg:$0x6]  }
0xfa: {  	s0 =	sadd.s32 @!p0 $0x100000, s0  }
0xfb: {  	[sflag:s0] =	ssyncadd.tile.s32 @!p0 $0x1;
	_ =	shalt  }
.Lfunc_end2:
_tile_overlayer_lowered:
.L_overlay_start_2:
0xfc: {  	(tag) =	ssettag $0x2  }
0xfd: {  	s0 =	rddreg [dreg:$0x0];
	s2 =	stileid.u32  }
0xfe: {  	s1 =	rddreg [dreg:$0x1];
	p0 =	sne.s32 s2, $0x0  }
0xff: {  	s3 =	rddreg [dreg:$0x2];
	[bflag:$0x3] =	sbarrier.arrive $0xFFFF;
	s2 =	simm.s32 @!p0 $0x1C03  }
0x100: {  	[timem:s3], [sflag:s2] =	dma.local @!p0 [hbm:s0], s1  }
0x101: {  	s0 =	simm.s32 @!p0 $0x3  }
0x102: {  	_ =	swait.ge @!p0 [sflag:s0], s1  }
0x103: {  	s1 =	ssub.s32 @!p0 $0x0, s1;
	[sflag:s0] =	ssyncset.done @!p0 $0x0  }
0x104: {  	[sflag:s0] =	ssyncadd.s32 @!p0 s1  }
0x105: {  	[bflag:$0x3] =	sbarrier.arrive $0xFFFF  }
0x106: {  	_ =	shalt  }

</sc_bundles>
